<compile_context>
chip_gen: v7x
topology: tpu7x:2x2x1
jax: 0.10.2.dev20260603
libtpu: 0.0.44.dev20260713+nightly
codegen_flags: <defaults>
</compile_context>

<pallas_src>
import functools

import jax
import jax.numpy as jnp
from jax import lax
from jax.experimental import pallas as pl
from jax.experimental.pallas import tpu as pltpu
from jax.experimental.pallas import tpu_sc as plsc

N = 10000
E = 320000
D = 128
DH = D // 2
NC = 2
NS = 16
NW = NC * NS

NPAD = 10240
RPW = NPAD // NS
CH = 128
TCH = 160
EPAD = NS * TCH * CH
NBUF = 4

_mesh = plsc.VectorSubcoreMesh(
    core_axis_name="c", subcore_axis_name="s", num_cores=NC, num_subcores=NS)
_sc_params = pltpu.CompilerParams(needs_layout_passes=False,
                                  use_tc_tiling_on_sc=False,
                                  internal_scratch_in_bytes=128 * 1024)


def _deg_body(dst_hbm, deg_out, idxbuf, hist, vbuf, tot, shared):
    c = lax.axis_index("c")
    s = lax.axis_index("s")
    wid = s * NC + c
    npc = EPAD // NW // CH

    zero16 = jnp.zeros((16,), jnp.float32)

    def _zero(i, _):
        for u in range(8):
            hist[pl.ds(i * 128 + u * 16, 16)] = zero16
        return _
    lax.fori_loop(0, NPAD // 128, _zero, None)

    pltpu.sync_copy(dst_hbm.at[pl.ds(wid * npc, npc)], idxbuf)

    ones = jnp.ones((16,), jnp.float32)

    def _hist(t, _):
        for u in range(CH // 16):
            idx = idxbuf[t, pl.ds(u * 16, 16)]
            plsc.addupdate_scatter(hist, [idx], ones)
        return _
    lax.fori_loop(0, npc, _hist, None)

    pltpu.sync_copy(hist, shared.at[s])
    plsc.subcore_barrier()

    for r in range(NS):
        pltpu.sync_copy(shared.at[r, pl.ds(s * RPW, RPW)], vbuf.at[r])

    def _comb(v, _):
        a = vbuf[0, pl.ds(v * 16, 16)]
        for r in range(1, NS):
            a = a + vbuf[r, pl.ds(v * 16, 16)]
        tot[pl.ds(v * 16, 16)] = a
        return _
    lax.fori_loop(0, RPW // 16, _comb, None)

    pltpu.sync_copy(tot, deg_out.at[c, pl.ds(s * RPW, RPW)])


_deg_call = functools.partial(
    pl.kernel,
    out_type=jax.ShapeDtypeStruct((NC, NPAD), jnp.float32),
    mesh=_mesh,
    scratch_types=[
        pltpu.VMEM((EPAD // NW // CH, CH), jnp.int32),
        pltpu.VMEM((NPAD,), jnp.float32),
        pltpu.VMEM((NS, RPW), jnp.float32),
        pltpu.VMEM((RPW,), jnp.float32),
        pltpu.VMEM_SHARED((NS, NPAD), jnp.float32),
    ],
    compiler_params=_sc_params,
)(_deg_body)


def _dense_body(emb, feat, wc, wm, d0, d1, g0_o, g1_o, mlp_o, dinv_o):
    i = pl.program_id(0)
    dv = lax.rsqrt(d0[...] + d1[...] + 1.0)
    h = lax.dot_general(emb[...], wc[...], (((1,), (1,)), ((), ())),
                        preferred_element_type=jnp.float32)
    rid = i * _RB + lax.broadcasted_iota(jnp.int32, (_RB, 1), 0)
    g = jnp.where(rid < N, h * dv, 0.0).astype(jnp.bfloat16)
    g0_o[...] = g[:, :DH]
    g1_o[...] = g[:, DH:]
    mlp_o[...] = lax.dot_general(feat[...], wm[...], (((1,), (1,)), ((), ())),
                                 preferred_element_type=jnp.float32)
    dinv_o[...] = dv


_RB = 1024


def _dense_call(emb, feat, conv_W, mlp_W, d0, d1):
    grid = (NPAD // _RB,)
    return pl.pallas_call(
        _dense_body,
        grid=grid,
        in_specs=[
            pl.BlockSpec((_RB, D), lambda i: (i, 0)),
            pl.BlockSpec((_RB, D), lambda i: (i, 0)),
            pl.BlockSpec((D, D), lambda i: (0, 0)),
            pl.BlockSpec((D, D), lambda i: (0, 0)),
            pl.BlockSpec((_RB, 1), lambda i: (i, 0)),
            pl.BlockSpec((_RB, 1), lambda i: (i, 0)),
        ],
        out_specs=[
            pl.BlockSpec((_RB, DH), lambda i: (i, 0)),
            pl.BlockSpec((_RB, DH), lambda i: (i, 0)),
            pl.BlockSpec((_RB, D), lambda i: (i, 0)),
            pl.BlockSpec((_RB, 1), lambda i: (i, 0)),
        ],
        out_shape=[
            jax.ShapeDtypeStruct((NPAD, DH), jnp.bfloat16),
            jax.ShapeDtypeStruct((NPAD, DH), jnp.bfloat16),
            jax.ShapeDtypeStruct((NPAD, D), jnp.float32),
            jax.ShapeDtypeStruct((NPAD, 1), jnp.float32),
        ],
    )(emb, feat, conv_W, mlp_W, d0, d1)


IBLK = 20
NPAIR = TCH // (2 * IBLK)


def _mp_body(src_hbm, dst_hbm, g0_hbm, g1_hbm, out_hbm, idxs0, idxd0, idxs1,
             idxd1, rows, ls0, ld0, ls1, ld1, gsems, acc, gtab):
    c = lax.axis_index("c")
    s = lax.axis_index("s")

    def _load_blk(k, idxs_b, idxd_b, sem_s, sem_d):
        base = s * TCH + k * IBLK
        pltpu.async_copy(src_hbm.at[pl.ds(base, IBLK)], idxs_b, sem_s)
        pltpu.async_copy(dst_hbm.at[pl.ds(base, IBLK)], idxd_b, sem_d)

    def _wait_blk(k, idxs_b, idxd_b, sem_s, sem_d):
        base = s * TCH + k * IBLK
        pltpu.make_async_copy(src_hbm.at[pl.ds(base, IBLK)], idxs_b,
                              sem_s).wait()
        pltpu.make_async_copy(dst_hbm.at[pl.ds(base, IBLK)], idxd_b,
                              sem_d).wait()

    _load_blk(0, idxs0, idxd0, ls0, ld0)

    @pl.when(c == 0)
    def _():
        pltpu.sync_copy(g0_hbm.at[pl.ds(s * RPW, RPW)],
                        gtab.at[pl.ds(s * RPW, RPW)])

    @pl.when(c == 1)
    def _():
        pltpu.sync_copy(g1_hbm.at[pl.ds(s * RPW, RPW)],
                        gtab.at[pl.ds(s * RPW, RPW)])

    def _zrow(r, _):
        for k in range(DH // 32):
            rows[0, r, pl.ds(k * 32, 32)] = jnp.zeros((32,), jnp.bfloat16)
        return _
    lax.fori_loop(0, CH, _zrow, None)
    for j in range(RPW // CH):
        pltpu.sync_copy(rows.at[0], acc.at[pl.ds(s * RPW + j * CH, CH)])
    plsc.subcore_barrier()

    def _block(idxs_b, idxd_b):
        for b in range(NBUF):
            pltpu.async_copy(gtab.at[idxs_b.at[b]], rows.at[b], gsems.at[b])

        def _chunk(i, _):
            for b in range(NBUF):
                j = i * NBUF + b
                pltpu.make_async_copy(gtab.at[idxs_b.at[j]], rows.at[b],
                                      gsems.at[b]).wait()
                pltpu.sync_copy(rows.at[b], acc.at[idxd_b.at[j]], add=True)
                pltpu.async_copy(gtab.at[idxs_b.at[j + NBUF]], rows.at[b],
                                 gsems.at[b])
            return _
        lax.fori_loop(0, (IBLK - NBUF) // NBUF, _chunk, None)

        for b in range(NBUF):
            j = IBLK - NBUF + b
            pltpu.make_async_copy(gtab.at[idxs_b.at[j]], rows.at[b],
                                  gsems.at[b]).wait()
            pltpu.sync_copy(rows.at[b], acc.at[idxd_b.at[j]], add=True)

    def _pair(i, _):
        k0 = 2 * i
        _wait_blk(k0, idxs0, idxd0, ls0, ld0)
        _load_blk(k0 + 1, idxs1, idxd1, ls1, ld1)
        _block(idxs0, idxd0)
        _wait_blk(k0 + 1, idxs1, idxd1, ls1, ld1)

        @pl.when(i < NPAIR - 1)
        def _():
            _load_blk(k0 + 2, idxs0, idxd0, ls0, ld0)

        _block(idxs1, idxd1)
        return _
    lax.fori_loop(0, NPAIR, _pair, None)

    plsc.subcore_barrier()

    for q in range(RPW // CH):
        r0 = s * RPW + q * CH
        pltpu.sync_copy(acc.at[pl.ds(r0, CH)], rows.at[0])
        pltpu.sync_copy(gtab.at[pl.ds(r0, CH)], rows.at[1])

        def _addrow(r, _):
            for k in range(DH // 32):
                sl = pl.ds(k * 32, 32)
                rows[0, r, sl] = rows[0, r, sl] + rows[1, r, sl]
            return _
        lax.fori_loop(0, CH, _addrow, None)
        pltpu.sync_copy(rows.at[0], out_hbm.at[c, pl.ds(r0, CH)])


_mp_call = functools.partial(
    pl.kernel,
    out_type=jax.ShapeDtypeStruct((NC, NPAD, DH), jnp.bfloat16),
    mesh=_mesh,
    scratch_types=[
        pltpu.VMEM((IBLK, CH), jnp.int32),
        pltpu.VMEM((IBLK, CH), jnp.int32),
        pltpu.VMEM((IBLK, CH), jnp.int32),
        pltpu.VMEM((IBLK, CH), jnp.int32),
        pltpu.VMEM((NBUF, CH, DH), jnp.bfloat16),
        pltpu.SemaphoreType.DMA,
        pltpu.SemaphoreType.DMA,
        pltpu.SemaphoreType.DMA,
        pltpu.SemaphoreType.DMA,
        pltpu.SemaphoreType.DMA((NBUF,)),
        pltpu.VMEM_SHARED((NPAD, DH), jnp.bfloat16),
        pltpu.VMEM_SHARED((NPAD, DH), jnp.bfloat16),
    ],
    compiler_params=_sc_params,
)(_mp_body)


def _comb_body(a0, a1, mlp, dinv, o):
    dv = dinv[...]
    m = mlp[...]
    f32 = jnp.float32
    left = a0[0].astype(f32) * dv + m[:, :DH]
    right = a1[0].astype(f32) * dv + m[:, DH:]
    o[...] = jnp.maximum(jnp.concatenate([left, right], axis=1), 0.0)


def _comb_call(accs, mlp, dinv):
    grid = (NPAD // _RB,)
    return pl.pallas_call(
        _comb_body,
        grid=grid,
        in_specs=[
            pl.BlockSpec((1, _RB, DH), lambda i: (0, i, 0)),
            pl.BlockSpec((1, _RB, DH), lambda i: (1, i, 0)),
            pl.BlockSpec((_RB, D), lambda i: (i, 0)),
            pl.BlockSpec((_RB, 1), lambda i: (i, 0)),
        ],
        out_specs=pl.BlockSpec((_RB, D), lambda i: (i, 0)),
        out_shape=jax.ShapeDtypeStruct((N, D), jnp.float32),
    )(accs, accs, mlp, dinv)


def kernel(feature, edge_index, embedding, conv_W, mlp_W):
    src = edge_index[0].astype(jnp.int32)
    dst = edge_index[1].astype(jnp.int32)
    pad = jnp.full((EPAD - E,), N, jnp.int32)
    src_p = jnp.concatenate([src, pad]).reshape(NS * TCH, CH)
    dst_p = jnp.concatenate([dst, pad]).reshape(NS * TCH, CH)

    deg2 = _deg_call(dst_p)
    d0 = deg2[0][:, None]
    d1 = deg2[1][:, None]
    g0, g1, mlp, dinv = _dense_call(embedding, feature, conv_W, mlp_W, d0, d1)
    accs = _mp_call(src_p, dst_p, g0, g1)
    return _comb_call(accs, mlp, dinv)

# --- scband reference (transcript-rebuilt; emitter-appended) ---
"""Pipeline reference for scband-base-ignn-30064771072230 (READ-ONLY COPY).

The authoritative reference and input builder live on the scoring server;
editing this copy changes nothing except your own understanding.
"""

import jax, jax.numpy as jnp
import numpy as np

N, E, D_IN, D_OUT = 10000, 320000, 128, 128


def setup_inputs(seed: int = 0) -> dict:
    key = jax.random.key(seed)
    ks = jax.random.split(key, 5)
    feature = jax.random.normal(ks[0], (N, D_IN), dtype=jnp.float32)
    embedding = jax.random.normal(ks[1], (N, D_OUT), dtype=jnp.float32)
    edge_index = jax.random.randint(ks[2], (2, E), 0, N)
    # GCNConv lin weight [out, out] (xavier-like scale), bias=False
    conv_W = jax.random.normal(ks[3], (D_OUT, D_OUT), dtype=jnp.float32) * (1.0 / np.sqrt(D_OUT))
    # mlp Linear weight [out, in], bias=False
    mlp_W = jax.random.normal(ks[4], (D_OUT, D_IN), dtype=jnp.float32) * (1.0 / np.sqrt(D_IN))
    return {"feature": feature, "edge_index": edge_index, "embedding": embedding, "conv_W": conv_W, "mlp_W": mlp_W}


def gcn_conv(x, src, dst, W):
    # PyG GCNConv, normalize=True, add_self_loops=True, bias=False
    n = x.shape[0]
    h = x @ W.T
    loop = jnp.arange(n, dtype=src.dtype)
    s = jnp.concatenate([src, loop])
    t = jnp.concatenate([dst, loop])
    deg = jnp.zeros((n,), dtype=h.dtype).at[t].add(1.0)
    dinv = jnp.where(deg > 0, deg ** -0.5, 0.0)
    norm = dinv[s] * dinv[t]
    msg = h[s] * norm[:, None]
    out = jnp.zeros((n, h.shape[1]), dtype=h.dtype).at[t].add(msg)
    return out


def reference(feature, edge_index, embedding, conv_W, mlp_W):
    src, dst = edge_index[0], edge_index[1]
    # num_layers = 1; pat2sub is None
    x = gcn_conv(embedding, src, dst, conv_W)
    x = x + feature @ mlp_W.T
    x = jax.nn.relu(x)
    return x

if __name__ == "__main__":
    import jax
    _d = setup_inputs()
    print(jax.jit(kernel)(*tuple(_d.values())))

</pallas_src>

<mosaic_0001>
#map = affine_map<(d0, d1) -> (0, 0)>
#map1 = affine_map<(d0, d1) -> (0, 0, 0)>
module attributes {stable_mosaic.version = 14 : i64} {
  func.func @_mp_body(%arg0: i32, %arg1: i32, %arg2: memref<2560x128xi32, #tpu.memory_space<hbm>>, %arg3: memref<2560x128xi32, #tpu.memory_space<hbm>>, %arg4: memref<10240x64xbf16, #tpu.memory_space<hbm>>, %arg5: memref<10240x64xbf16, #tpu.memory_space<hbm>>, %arg6: memref<2x10240x64xbf16, #tpu.memory_space<hbm>>, %arg7: memref<20x128xi32, #tpu.memory_space<vmem>>, %arg8: memref<20x128xi32, #tpu.memory_space<vmem>>, %arg9: memref<20x128xi32, #tpu.memory_space<vmem>>, %arg10: memref<20x128xi32, #tpu.memory_space<vmem>>, %arg11: memref<4x128x64xbf16, #tpu.memory_space<vmem>>, %arg12: memref<!tpu.dma_semaphore, #tpu.memory_space<semaphore_mem>>, %arg13: memref<!tpu.dma_semaphore, #tpu.memory_space<semaphore_mem>>, %arg14: memref<!tpu.dma_semaphore, #tpu.memory_space<semaphore_mem>>, %arg15: memref<!tpu.dma_semaphore, #tpu.memory_space<semaphore_mem>>, %arg16: memref<4x!tpu.dma_semaphore, #tpu.memory_space<semaphore_mem>>, %arg17: memref<10240x64xbf16, #tpu.memory_space<vmem_shared>>, %arg18: memref<10240x64xbf16, #tpu.memory_space<vmem_shared>>) attributes {dimension_semantics = [#tpu.dimension_semantics<core_parallel>, #tpu.dimension_semantics<subcore_parallel>], iteration_bounds = array<i64: 2, 16>, scalar_prefetch = 0 : i64, scratch_operands = 12 : i64, tpu.core_type = #tpu.core_type<sc_vector_subcore>, window_params = [{transform_indices = #map}, {transform_indices = #map}, {transform_indices = #map}, {transform_indices = #map}, {transform_indices = #map1}]} {
    %mul3A = arith.constant 160 : i32
    %mul3A_0 = arith.muli %arg1, %mul3A : i32
    %add3A = arith.constant 0 : i32
    %add3A_1 = arith.addi %mul3A_0, %add3A : i32
    %dma_start3A = arith.constant 0 : i32
    %dma_start3A_2 = tpu.memref_slice %arg2[%add3A_1, %dma_start3A] : memref<2560x128xi32, #tpu.memory_space<hbm>> -> memref<20x128xi32, #tpu.memory_space<hbm>>
    %dma_start3A_3 = arith.constant 0 : i32
    %dma_start3A_4 = tpu.memref_slice %arg2[%add3A_1, %dma_start3A_3] : memref<2560x128xi32, #tpu.memory_space<hbm>> -> memref<20x128xi32, #tpu.memory_space<hbm>>
    tpu.enqueue_dma source(%dma_start3A_4 : memref<20x128xi32, #tpu.memory_space<hbm>>) target(%arg7 : memref<20x128xi32, #tpu.memory_space<vmem>>) target_semaphore(%arg12 : memref<!tpu.dma_semaphore, #tpu.memory_space<semaphore_mem>>)
    %dma_start3A_5 = arith.constant 0 : i32
    %dma_start3A_6 = tpu.memref_slice %arg3[%add3A_1, %dma_start3A_5] : memref<2560x128xi32, #tpu.memory_space<hbm>> -> memref<20x128xi32, #tpu.memory_space<hbm>>
    %dma_start3A_7 = arith.constant 0 : i32
    %dma_start3A_8 = tpu.memref_slice %arg3[%add3A_1, %dma_start3A_7] : memref<2560x128xi32, #tpu.memory_space<hbm>> -> memref<20x128xi32, #tpu.memory_space<hbm>>
    tpu.enqueue_dma source(%dma_start3A_8 : memref<20x128xi32, #tpu.memory_space<hbm>>) target(%arg8 : memref<20x128xi32, #tpu.memory_space<vmem>>) target_semaphore(%arg13 : memref<!tpu.dma_semaphore, #tpu.memory_space<semaphore_mem>>)
    %eq3A = arith.constant 0 : i32
    %eq3A_9 = arith.cmpi eq, %arg0, %eq3A : i32
    %convert_element_type3A = arith.extui %eq3A_9 : i1 to i32
    %cond3A = arith.constant 0 : i32
    %cond3A_10 = arith.cmpi ne, %convert_element_type3A, %cond3A : i32
    scf.if %cond3A_10 {
      %mul3A_110 = arith.constant 640 : i32
      %mul3A_111 = arith.muli %arg1, %mul3A_110 : i32
      %mul3A_112 = arith.constant 640 : i32
      %mul3A_113 = arith.muli %arg1, %mul3A_112 : i32
      "tpu.region"() ({
        %run_scoped3A_114 = tpu.sem_alloc : memref<!tpu.dma_semaphore, #tpu.memory_space<semaphore_mem>>
        %dma_start3A_115 = arith.constant 0 : i32
        %dma_start3A_116 = tpu.memref_slice %arg18[%mul3A_113, %dma_start3A_115] : memref<10240x64xbf16, #tpu.memory_space<vmem_shared>> -> memref<640x64xbf16, #tpu.memory_space<vmem_shared>>
        %dma_start3A_117 = arith.constant 0 : i32
        %dma_start3A_118 = tpu.memref_slice %arg4[%mul3A_111, %dma_start3A_117] : memref<10240x64xbf16, #tpu.memory_space<hbm>> -> memref<640x64xbf16, #tpu.memory_space<hbm>>
        tpu.enqueue_dma source(%dma_start3A_118 : memref<640x64xbf16, #tpu.memory_space<hbm>>) target(%dma_start3A_116 : memref<640x64xbf16, #tpu.memory_space<vmem_shared>>) target_semaphore(%run_scoped3A_114 : memref<!tpu.dma_semaphore, #tpu.memory_space<semaphore_mem>>)
        %dma_wait3A = arith.constant 0 : i32
        %dma_wait3A_119 = tpu.memref_slice %arg18[%mul3A_113, %dma_wait3A] : memref<10240x64xbf16, #tpu.memory_space<vmem_shared>> -> memref<640x64xbf16, #tpu.memory_space<vmem_shared>>
        %dma_wait3A_120 = arith.constant 0 : i32
        %dma_wait3A_121 = tpu.memref_slice %arg4[%mul3A_111, %dma_wait3A_120] : memref<10240x64xbf16, #tpu.memory_space<hbm>> -> memref<640x64xbf16, #tpu.memory_space<hbm>>
        tpu.wait_dma2 semaphore(%run_scoped3A_114 : memref<!tpu.dma_semaphore, #tpu.memory_space<semaphore_mem>>) src(%dma_wait3A_121 : memref<640x64xbf16, #tpu.memory_space<hbm>>) dst(%dma_wait3A_119 : memref<640x64xbf16, #tpu.memory_space<vmem_shared>>)
        tpu.yield
      }) : () -> ()
    } else {
    }
    %eq3A_11 = arith.constant 1 : i32
    %eq3A_12 = arith.cmpi eq, %arg0, %eq3A_11 : i32
    %convert_element_type3A_13 = arith.extui %eq3A_12 : i1 to i32
    %cond3A_14 = arith.constant 0 : i32
    %cond3A_15 = arith.cmpi ne, %convert_element_type3A_13, %cond3A_14 : i32
    scf.if %cond3A_15 {
      %mul3A_110 = arith.constant 640 : i32
      %mul3A_111 = arith.muli %arg1, %mul3A_110 : i32
      %mul3A_112 = arith.constant 640 : i32
      %mul3A_113 = arith.muli %arg1, %mul3A_112 : i32
      "tpu.region"() ({
        %run_scoped3A_114 = tpu.sem_alloc : memref<!tpu.dma_semaphore, #tpu.memory_space<semaphore_mem>>
        %dma_start3A_115 = arith.constant 0 : i32
        %dma_start3A_116 = tpu.memref_slice %arg18[%mul3A_113, %dma_start3A_115] : memref<10240x64xbf16, #tpu.memory_space<vmem_shared>> -> memref<640x64xbf16, #tpu.memory_space<vmem_shared>>
        %dma_start3A_117 = arith.constant 0 : i32
        %dma_start3A_118 = tpu.memref_slice %arg5[%mul3A_111, %dma_start3A_117] : memref<10240x64xbf16, #tpu.memory_space<hbm>> -> memref<640x64xbf16, #tpu.memory_space<hbm>>
        tpu.enqueue_dma source(%dma_start3A_118 : memref<640x64xbf16, #tpu.memory_space<hbm>>) target(%dma_start3A_116 : memref<640x64xbf16, #tpu.memory_space<vmem_shared>>) target_semaphore(%run_scoped3A_114 : memref<!tpu.dma_semaphore, #tpu.memory_space<semaphore_mem>>)
        %dma_wait3A = arith.constant 0 : i32
        %dma_wait3A_119 = tpu.memref_slice %arg18[%mul3A_113, %dma_wait3A] : memref<10240x64xbf16, #tpu.memory_space<vmem_shared>> -> memref<640x64xbf16, #tpu.memory_space<vmem_shared>>
        %dma_wait3A_120 = arith.constant 0 : i32
        %dma_wait3A_121 = tpu.memref_slice %arg5[%mul3A_111, %dma_wait3A_120] : memref<10240x64xbf16, #tpu.memory_space<hbm>> -> memref<640x64xbf16, #tpu.memory_space<hbm>>
        tpu.wait_dma2 semaphore(%run_scoped3A_114 : memref<!tpu.dma_semaphore, #tpu.memory_space<semaphore_mem>>) src(%dma_wait3A_121 : memref<640x64xbf16, #tpu.memory_space<hbm>>) dst(%dma_wait3A_119 : memref<640x64xbf16, #tpu.memory_space<vmem_shared>>)
        tpu.yield
      }) : () -> ()
    } else {
    }
    %scan3A = arith.constant 0 : i32
    %scan3A_16 = arith.constant 128 : i32
    %scan3A_17 = arith.addi %scan3A, %scan3A_16 : i32
    %scan3A_18 = arith.constant 1 : i32
    scf.for %scan3A_110 = %scan3A to %scan3A_17 step %scan3A_18  : i32 {
      %broadcast_in_dim3A = arith.constant 0.000000e+00 : bf16
      %broadcast_in_dim3A_111 = vector.broadcast %broadcast_in_dim3A : bf16 to vector<32xbf16>
      %swap3A = arith.constant 0 : i32
      %swap3A_112 = arith.index_cast %swap3A : i32 to index
      %swap3A_113 = arith.index_cast %scan3A_110 : i32 to index
      %swap3A_114 = arith.constant 0 : index
      %swap3A_115 = tpu.vector_load %arg11[%swap3A_112, %swap3A_113, %swap3A_114] {strides = array<i32>} : memref<4x128x64xbf16, #tpu.memory_space<vmem>>, vector<32xbf16>,
      tpu.vector_store %arg11[%swap3A_112, %swap3A_113, %swap3A_114], %broadcast_in_dim3A_111 {strides = array<i32>} : memref<4x128x64xbf16, #tpu.memory_space<vmem>>, vector<32xbf16>,
      %broadcast_in_dim3A_116 = arith.constant 0.000000e+00 : bf16
      %broadcast_in_dim3A_117 = vector.broadcast %broadcast_in_dim3A_116 : bf16 to vector<32xbf16>
      %swap3A_118 = arith.constant 0 : i32
      %swap3A_119 = arith.index_cast %swap3A_118 : i32 to index
      %swap3A_120 = arith.index_cast %scan3A_110 : i32 to index
      %swap3A_121 = arith.constant 32 : index
      %swap3A_122 = tpu.vector_load %arg11[%swap3A_119, %swap3A_120, %swap3A_121] {strides = array<i32>} : memref<4x128x64xbf16, #tpu.memory_space<vmem>>, vector<32xbf16>,
      tpu.vector_store %arg11[%swap3A_119, %swap3A_120, %swap3A_121], %broadcast_in_dim3A_117 {strides = array<i32>} : memref<4x128x64xbf16, #tpu.memory_space<vmem>>, vector<32xbf16>,
    }
    %scan3A_19 = arith.constant 128 : i32
    %mul3A_20 = arith.constant 640 : i32
    %mul3A_21 = arith.muli %arg1, %mul3A_20 : i32
    %add3A_22 = arith.constant 0 : i32
    %add3A_23 = arith.addi %mul3A_21, %add3A_22 : i32
    %run_scoped3A = arith.constant 0 : i32
    "tpu.region"() ({
      %run_scoped3A_110 = tpu.sem_alloc : memref<!tpu.dma_semaphore, #tpu.memory_space<semaphore_mem>>
      %dma_start3A_111 = arith.constant 0 : i32
      %dma_start3A_112 = arith.constant 0 : i32
      %dma_start3A_113 = tpu.memref_slice %arg11[%run_scoped3A, %dma_start3A_111, %dma_start3A_112] : memref<4x128x64xbf16, #tpu.memory_space<vmem>> -> memref<1x128x64xbf16, #tpu.memory_space<vmem>>
      %dma_start3A_114 = tpu.memref_squeeze %dma_start3A_113 : memref<1x128x64xbf16, #tpu.memory_space<vmem>> -> memref<128x64xbf16, #tpu.memory_space<vmem>>
      %dma_start3A_115 = arith.constant 0 : i32
      %dma_start3A_116 = tpu.memref_slice %arg17[%add3A_23, %dma_start3A_115] : memref<10240x64xbf16, #tpu.memory_space<vmem_shared>> -> memref<128x64xbf16, #tpu.memory_space<vmem_shared>>
      %dma_start3A_117 = arith.constant 0 : i32
      %dma_start3A_118 = tpu.memref_slice %arg17[%add3A_23, %dma_start3A_117] : memref<10240x64xbf16, #tpu.memory_space<vmem_shared>> -> memref<128x64xbf16, #tpu.memory_space<vmem_shared>>
      %dma_start3A_119 = arith.constant 0 : i32
      %dma_start3A_120 = arith.constant 0 : i32
      %dma_start3A_121 = tpu.memref_slice %arg11[%run_scoped3A, %dma_start3A_119, %dma_start3A_120] : memref<4x128x64xbf16, #tpu.memory_space<vmem>> -> memref<1x128x64xbf16, #tpu.memory_space<vmem>>
      %dma_start3A_122 = tpu.memref_squeeze %dma_start3A_121 : memref<1x128x64xbf16, #tpu.memory_space<vmem>> -> memref<128x64xbf16, #tpu.memory_space<vmem>>
      tpu.enqueue_dma source(%dma_start3A_122 : memref<128x64xbf16, #tpu.memory_space<vmem>>) target(%dma_start3A_118 : memref<128x64xbf16, #tpu.memory_space<vmem_shared>>) target_semaphore(%run_scoped3A_110 : memref<!tpu.dma_semaphore, #tpu.memory_space<semaphore_mem>>)
      %dma_wait3A = arith.constant 0 : i32
      %dma_wait3A_123 = arith.constant 0 : i32
      %dma_wait3A_124 = tpu.memref_slice %arg11[%run_scoped3A, %dma_wait3A, %dma_wait3A_123] : memref<4x128x64xbf16, #tpu.memory_space<vmem>> -> memref<1x128x64xbf16, #tpu.memory_space<vmem>>
      %dma_wait3A_125 = tpu.memref_squeeze %dma_wait3A_124 : memref<1x128x64xbf16, #tpu.memory_space<vmem>> -> memref<128x64xbf16, #tpu.memory_space<vmem>>
      %dma_wait3A_126 = arith.constant 0 : i32
      %dma_wait3A_127 = tpu.memref_slice %arg17[%add3A_23, %dma_wait3A_126] : memref<10240x64xbf16, #tpu.memory_space<vmem_shared>> -> memref<128x64xbf16, #tpu.memory_space<vmem_shared>>
      %dma_wait3A_128 = arith.constant 0 : i32
      %dma_wait3A_129 = tpu.memref_slice %arg17[%add3A_23, %dma_wait3A_128] : memref<10240x64xbf16, #tpu.memory_space<vmem_shared>> -> memref<128x64xbf16, #tpu.memory_space<vmem_shared>>
      %dma_wait3A_130 = arith.constant 0 : i32
      %dma_wait3A_131 = arith.constant 0 : i32
      %dma_wait3A_132 = tpu.memref_slice %arg11[%run_scoped3A, %dma_wait3A_130, %dma_wait3A_131] : memref<4x128x64xbf16, #tpu.memory_space<vmem>> -> memref<1x128x64xbf16, #tpu.memory_space<vmem>>
      %dma_wait3A_133 = tpu.memref_squeeze %dma_wait3A_132 : memref<1x128x64xbf16, #tpu.memory_space<vmem>> -> memref<128x64xbf16, #tpu.memory_space<vmem>>
      tpu.wait_dma2 semaphore(%run_scoped3A_110 : memref<!tpu.dma_semaphore, #tpu.memory_space<semaphore_mem>>) src(%dma_wait3A_133 : memref<128x64xbf16, #tpu.memory_space<vmem>>) dst(%dma_wait3A_129 : memref<128x64xbf16, #tpu.memory_space<vmem_shared>>)
      tpu.yield
    }) : () -> ()
    %mul3A_24 = arith.constant 640 : i32
    %mul3A_25 = arith.muli %arg1, %mul3A_24 : i32
    %add3A_26 = arith.constant 128 : i32
    %add3A_27 = arith.addi %mul3A_25, %add3A_26 : i32
    %run_scoped3A_28 = arith.constant 0 : i32
    "tpu.region"() ({
      %run_scoped3A_110 = tpu.sem_alloc : memref<!tpu.dma_semaphore, #tpu.memory_space<semaphore_mem>>
      %dma_start3A_111 = arith.constant 0 : i32
      %dma_start3A_112 = arith.constant 0 : i32
      %dma_start3A_113 = tpu.memref_slice %arg11[%run_scoped3A_28, %dma_start3A_111, %dma_start3A_112] : memref<4x128x64xbf16, #tpu.memory_space<vmem>> -> memref<1x128x64xbf16, #tpu.memory_space<vmem>>
      %dma_start3A_114 = tpu.memref_squeeze %dma_start3A_113 : memref<1x128x64xbf16, #tpu.memory_space<vmem>> -> memref<128x64xbf16, #tpu.memory_space<vmem>>
      %dma_start3A_115 = arith.constant 0 : i32
      %dma_start3A_116 = tpu.memref_slice %arg17[%add3A_27, %dma_start3A_115] : memref<10240x64xbf16, #tpu.memory_space<vmem_shared>> -> memref<128x64xbf16, #tpu.memory_space<vmem_shared>>
      %dma_start3A_117 = arith.constant 0 : i32
      %dma_start3A_118 = tpu.memref_slice %arg17[%add3A_27, %dma_start3A_117] : memref<10240x64xbf16, #tpu.memory_space<vmem_shared>> -> memref<128x64xbf16, #tpu.memory_space<vmem_shared>>
      %dma_start3A_119 = arith.constant 0 : i32
      %dma_start3A_120 = arith.constant 0 : i32
      %dma_start3A_121 = tpu.memref_slice %arg11[%run_scoped3A_28, %dma_start3A_119, %dma_start3A_120] : memref<4x128x64xbf16, #tpu.memory_space<vmem>> -> memref<1x128x64xbf16, #tpu.memory_space<vmem>>
      %dma_start3A_122 = tpu.memref_squeeze %dma_start3A_121 : memref<1x128x64xbf16, #tpu.memory_space<vmem>> -> memref<128x64xbf16, #tpu.memory_space<vmem>>
      tpu.enqueue_dma source(%dma_start3A_122 : memref<128x64xbf16, #tpu.memory_space<vmem>>) target(%dma_start3A_118 : memref<128x64xbf16, #tpu.memory_space<vmem_shared>>) target_semaphore(%run_scoped3A_110 : memref<!tpu.dma_semaphore, #tpu.memory_space<semaphore_mem>>)
      %dma_wait3A = arith.constant 0 : i32
      %dma_wait3A_123 = arith.constant 0 : i32
      %dma_wait3A_124 = tpu.memref_slice %arg11[%run_scoped3A_28, %dma_wait3A, %dma_wait3A_123] : memref<4x128x64xbf16, #tpu.memory_space<vmem>> -> memref<1x128x64xbf16, #tpu.memory_space<vmem>>
      %dma_wait3A_125 = tpu.memref_squeeze %dma_wait3A_124 : memref<1x128x64xbf16, #tpu.memory_space<vmem>> -> memref<128x64xbf16, #tpu.memory_space<vmem>>
      %dma_wait3A_126 = arith.constant 0 : i32
      %dma_wait3A_127 = tpu.memref_slice %arg17[%add3A_27, %dma_wait3A_126] : memref<10240x64xbf16, #tpu.memory_space<vmem_shared>> -> memref<128x64xbf16, #tpu.memory_space<vmem_shared>>
      %dma_wait3A_128 = arith.constant 0 : i32
      %dma_wait3A_129 = tpu.memref_slice %arg17[%add3A_27, %dma_wait3A_128] : memref<10240x64xbf16, #tpu.memory_space<vmem_shared>> -> memref<128x64xbf16, #tpu.memory_space<vmem_shared>>
      %dma_wait3A_130 = arith.constant 0 : i32
      %dma_wait3A_131 = arith.constant 0 : i32
      %dma_wait3A_132 = tpu.memref_slice %arg11[%run_scoped3A_28, %dma_wait3A_130, %dma_wait3A_131] : memref<4x128x64xbf16, #tpu.memory_space<vmem>> -> memref<1x128x64xbf16, #tpu.memory_space<vmem>>
      %dma_wait3A_133 = tpu.memref_squeeze %dma_wait3A_132 : memref<1x128x64xbf16, #tpu.memory_space<vmem>> -> memref<128x64xbf16, #tpu.memory_space<vmem>>
      tpu.wait_dma2 semaphore(%run_scoped3A_110 : memref<!tpu.dma_semaphore, #tpu.memory_space<semaphore_mem>>) src(%dma_wait3A_133 : memref<128x64xbf16, #tpu.memory_space<vmem>>) dst(%dma_wait3A_129 : memref<128x64xbf16, #tpu.memory_space<vmem_shared>>)
      tpu.yield
    }) : () -> ()
    %mul3A_29 = arith.constant 640 : i32
    %mul3A_30 = arith.muli %arg1, %mul3A_29 : i32
    %add3A_31 = arith.constant 256 : i32
    %add3A_32 = arith.addi %mul3A_30, %add3A_31 : i32
    %run_scoped3A_33 = arith.constant 0 : i32
    "tpu.region"() ({
      %run_scoped3A_110 = tpu.sem_alloc : memref<!tpu.dma_semaphore, #tpu.memory_space<semaphore_mem>>
      %dma_start3A_111 = arith.constant 0 : i32
      %dma_start3A_112 = arith.constant 0 : i32
      %dma_start3A_113 = tpu.memref_slice %arg11[%run_scoped3A_33, %dma_start3A_111, %dma_start3A_112] : memref<4x128x64xbf16, #tpu.memory_space<vmem>> -> memref<1x128x64xbf16, #tpu.memory_space<vmem>>
      %dma_start3A_114 = tpu.memref_squeeze %dma_start3A_113 : memref<1x128x64xbf16, #tpu.memory_space<vmem>> -> memref<128x64xbf16, #tpu.memory_space<vmem>>
      %dma_start3A_115 = arith.constant 0 : i32
      %dma_start3A_116 = tpu.memref_slice %arg17[%add3A_32, %dma_start3A_115] : memref<10240x64xbf16, #tpu.memory_space<vmem_shared>> -> memref<128x64xbf16, #tpu.memory_space<vmem_shared>>
      %dma_start3A_117 = arith.constant 0 : i32
      %dma_start3A_118 = tpu.memref_slice %arg17[%add3A_32, %dma_start3A_117] : memref<10240x64xbf16, #tpu.memory_space<vmem_shared>> -> memref<128x64xbf16, #tpu.memory_space<vmem_shared>>
      %dma_start3A_119 = arith.constant 0 : i32
      %dma_start3A_120 = arith.constant 0 : i32
      %dma_start3A_121 = tpu.memref_slice %arg11[%run_scoped3A_33, %dma_start3A_119, %dma_start3A_120] : memref<4x128x64xbf16, #tpu.memory_space<vmem>> -> memref<1x128x64xbf16, #tpu.memory_space<vmem>>
      %dma_start3A_122 = tpu.memref_squeeze %dma_start3A_121 : memref<1x128x64xbf16, #tpu.memory_space<vmem>> -> memref<128x64xbf16, #tpu.memory_space<vmem>>
      tpu.enqueue_dma source(%dma_start3A_122 : memref<128x64xbf16, #tpu.memory_space<vmem>>) target(%dma_start3A_118 : memref<128x64xbf16, #tpu.memory_space<vmem_shared>>) target_semaphore(%run_scoped3A_110 : memref<!tpu.dma_semaphore, #tpu.memory_space<semaphore_mem>>)
      %dma_wait3A = arith.constant 0 : i32
      %dma_wait3A_123 = arith.constant 0 : i32
      %dma_wait3A_124 = tpu.memref_slice %arg11[%run_scoped3A_33, %dma_wait3A, %dma_wait3A_123] : memref<4x128x64xbf16, #tpu.memory_space<vmem>> -> memref<1x128x64xbf16, #tpu.memory_space<vmem>>
      %dma_wait3A_125 = tpu.memref_squeeze %dma_wait3A_124 : memref<1x128x64xbf16, #tpu.memory_space<vmem>> -> memref<128x64xbf16, #tpu.memory_space<vmem>>
      %dma_wait3A_126 = arith.constant 0 : i32
      %dma_wait3A_127 = tpu.memref_slice %arg17[%add3A_32, %dma_wait3A_126] : memref<10240x64xbf16, #tpu.memory_space<vmem_shared>> -> memref<128x64xbf16, #tpu.memory_space<vmem_shared>>
      %dma_wait3A_128 = arith.constant 0 : i32
      %dma_wait3A_129 = tpu.memref_slice %arg17[%add3A_32, %dma_wait3A_128] : memref<10240x64xbf16, #tpu.memory_space<vmem_shared>> -> memref<128x64xbf16, #tpu.memory_space<vmem_shared>>
      %dma_wait3A_130 = arith.constant 0 : i32
      %dma_wait3A_131 = arith.constant 0 : i32
      %dma_wait3A_132 = tpu.memref_slice %arg11[%run_scoped3A_33, %dma_wait3A_130, %dma_wait3A_131] : memref<4x128x64xbf16, #tpu.memory_space<vmem>> -> memref<1x128x64xbf16, #tpu.memory_space<vmem>>
      %dma_wait3A_133 = tpu.memref_squeeze %dma_wait3A_132 : memref<1x128x64xbf16, #tpu.memory_space<vmem>> -> memref<128x64xbf16, #tpu.memory_space<vmem>>
      tpu.wait_dma2 semaphore(%run_scoped3A_110 : memref<!tpu.dma_semaphore, #tpu.memory_space<semaphore_mem>>) src(%dma_wait3A_133 : memref<128x64xbf16, #tpu.memory_space<vmem>>) dst(%dma_wait3A_129 : memref<128x64xbf16, #tpu.memory_space<vmem_shared>>)
      tpu.yield
    }) : () -> ()
    %mul3A_34 = arith.constant 640 : i32
    %mul3A_35 = arith.muli %arg1, %mul3A_34 : i32
    %add3A_36 = arith.constant 384 : i32
    %add3A_37 = arith.addi %mul3A_35, %add3A_36 : i32
    %run_scoped3A_38 = arith.constant 0 : i32
    "tpu.region"() ({
      %run_scoped3A_110 = tpu.sem_alloc : memref<!tpu.dma_semaphore, #tpu.memory_space<semaphore_mem>>
      %dma_start3A_111 = arith.constant 0 : i32
      %dma_start3A_112 = arith.constant 0 : i32
      %dma_start3A_113 = tpu.memref_slice %arg11[%run_scoped3A_38, %dma_start3A_111, %dma_start3A_112] : memref<4x128x64xbf16, #tpu.memory_space<vmem>> -> memref<1x128x64xbf16, #tpu.memory_space<vmem>>
      %dma_start3A_114 = tpu.memref_squeeze %dma_start3A_113 : memref<1x128x64xbf16, #tpu.memory_space<vmem>> -> memref<128x64xbf16, #tpu.memory_space<vmem>>
      %dma_start3A_115 = arith.constant 0 : i32
      %dma_start3A_116 = tpu.memref_slice %arg17[%add3A_37, %dma_start3A_115] : memref<10240x64xbf16, #tpu.memory_space<vmem_shared>> -> memref<128x64xbf16, #tpu.memory_space<vmem_shared>>
      %dma_start3A_117 = arith.constant 0 : i32
      %dma_start3A_118 = tpu.memref_slice %arg17[%add3A_37, %dma_start3A_117] : memref<10240x64xbf16, #tpu.memory_space<vmem_shared>> -> memref<128x64xbf16, #tpu.memory_space<vmem_shared>>
      %dma_start3A_119 = arith.constant 0 : i32
      %dma_start3A_120 = arith.constant 0 : i32
      %dma_start3A_121 = tpu.memref_slice %arg11[%run_scoped3A_38, %dma_start3A_119, %dma_start3A_120] : memref<4x128x64xbf16, #tpu.memory_space<vmem>> -> memref<1x128x64xbf16, #tpu.memory_space<vmem>>
      %dma_start3A_122 = tpu.memref_squeeze %dma_start3A_121 : memref<1x128x64xbf16, #tpu.memory_space<vmem>> -> memref<128x64xbf16, #tpu.memory_space<vmem>>
      tpu.enqueue_dma source(%dma_start3A_122 : memref<128x64xbf16, #tpu.memory_space<vmem>>) target(%dma_start3A_118 : memref<128x64xbf16, #tpu.memory_space<vmem_shared>>) target_semaphore(%run_scoped3A_110 : memref<!tpu.dma_semaphore, #tpu.memory_space<semaphore_mem>>)
      %dma_wait3A = arith.constant 0 : i32
      %dma_wait3A_123 = arith.constant 0 : i32
      %dma_wait3A_124 = tpu.memref_slice %arg11[%run_scoped3A_38, %dma_wait3A, %dma_wait3A_123] : memref<4x128x64xbf16, #tpu.memory_space<vmem>> -> memref<1x128x64xbf16, #tpu.memory_space<vmem>>
      %dma_wait3A_125 = tpu.memref_squeeze %dma_wait3A_124 : memref<1x128x64xbf16, #tpu.memory_space<vmem>> -> memref<128x64xbf16, #tpu.memory_space<vmem>>
      %dma_wait3A_126 = arith.constant 0 : i32
      %dma_wait3A_127 = tpu.memref_slice %arg17[%add3A_37, %dma_wait3A_126] : memref<10240x64xbf16, #tpu.memory_space<vmem_shared>> -> memref<128x64xbf16, #tpu.memory_space<vmem_shared>>
      %dma_wait3A_128 = arith.constant 0 : i32
      %dma_wait3A_129 = tpu.memref_slice %arg17[%add3A_37, %dma_wait3A_128] : memref<10240x64xbf16, #tpu.memory_space<vmem_shared>> -> memref<128x64xbf16, #tpu.memory_space<vmem_shared>>
      %dma_wait3A_130 = arith.constant 0 : i32
      %dma_wait3A_131 = arith.constant 0 : i32
      %dma_wait3A_132 = tpu.memref_slice %arg11[%run_scoped3A_38, %dma_wait3A_130, %dma_wait3A_131] : memref<4x128x64xbf16, #tpu.memory_space<vmem>> -> memref<1x128x64xbf16, #tpu.memory_space<vmem>>
      %dma_wait3A_133 = tpu.memref_squeeze %dma_wait3A_132 : memref<1x128x64xbf16, #tpu.memory_space<vmem>> -> memref<128x64xbf16, #tpu.memory_space<vmem>>
      tpu.wait_dma2 semaphore(%run_scoped3A_110 : memref<!tpu.dma_semaphore, #tpu.memory_space<semaphore_mem>>) src(%dma_wait3A_133 : memref<128x64xbf16, #tpu.memory_space<vmem>>) dst(%dma_wait3A_129 : memref<128x64xbf16, #tpu.memory_space<vmem_shared>>)
      tpu.yield
    }) : () -> ()
    %mul3A_39 = arith.constant 640 : i32
    %mul3A_40 = arith.muli %arg1, %mul3A_39 : i32
    %add3A_41 = arith.constant 512 : i32
    %add3A_42 = arith.addi %mul3A_40, %add3A_41 : i32
    %run_scoped3A_43 = arith.constant 0 : i32
    "tpu.region"() ({
      %run_scoped3A_110 = tpu.sem_alloc : memref<!tpu.dma_semaphore, #tpu.memory_space<semaphore_mem>>
      %dma_start3A_111 = arith.constant 0 : i32
      %dma_start3A_112 = arith.constant 0 : i32
      %dma_start3A_113 = tpu.memref_slice %arg11[%run_scoped3A_43, %dma_start3A_111, %dma_start3A_112] : memref<4x128x64xbf16, #tpu.memory_space<vmem>> -> memref<1x128x64xbf16, #tpu.memory_space<vmem>>
      %dma_start3A_114 = tpu.memref_squeeze %dma_start3A_113 : memref<1x128x64xbf16, #tpu.memory_space<vmem>> -> memref<128x64xbf16, #tpu.memory_space<vmem>>
      %dma_start3A_115 = arith.constant 0 : i32
      %dma_start3A_116 = tpu.memref_slice %arg17[%add3A_42, %dma_start3A_115] : memref<10240x64xbf16, #tpu.memory_space<vmem_shared>> -> memref<128x64xbf16, #tpu.memory_space<vmem_shared>>
      %dma_start3A_117 = arith.constant 0 : i32
      %dma_start3A_118 = tpu.memref_slice %arg17[%add3A_42, %dma_start3A_117] : memref<10240x64xbf16, #tpu.memory_space<vmem_shared>> -> memref<128x64xbf16, #tpu.memory_space<vmem_shared>>
      %dma_start3A_119 = arith.constant 0 : i32
      %dma_start3A_120 = arith.constant 0 : i32
      %dma_start3A_121 = tpu.memref_slice %arg11[%run_scoped3A_43, %dma_start3A_119, %dma_start3A_120] : memref<4x128x64xbf16, #tpu.memory_space<vmem>> -> memref<1x128x64xbf16, #tpu.memory_space<vmem>>
      %dma_start3A_122 = tpu.memref_squeeze %dma_start3A_121 : memref<1x128x64xbf16, #tpu.memory_space<vmem>> -> memref<128x64xbf16, #tpu.memory_space<vmem>>
      tpu.enqueue_dma source(%dma_start3A_122 : memref<128x64xbf16, #tpu.memory_space<vmem>>) target(%dma_start3A_118 : memref<128x64xbf16, #tpu.memory_space<vmem_shared>>) target_semaphore(%run_scoped3A_110 : memref<!tpu.dma_semaphore, #tpu.memory_space<semaphore_mem>>)
      %dma_wait3A = arith.constant 0 : i32
      %dma_wait3A_123 = arith.constant 0 : i32
      %dma_wait3A_124 = tpu.memref_slice %arg11[%run_scoped3A_43, %dma_wait3A, %dma_wait3A_123] : memref<4x128x64xbf16, #tpu.memory_space<vmem>> -> memref<1x128x64xbf16, #tpu.memory_space<vmem>>
      %dma_wait3A_125 = tpu.memref_squeeze %dma_wait3A_124 : memref<1x128x64xbf16, #tpu.memory_space<vmem>> -> memref<128x64xbf16, #tpu.memory_space<vmem>>
      %dma_wait3A_126 = arith.constant 0 : i32
      %dma_wait3A_127 = tpu.memref_slice %arg17[%add3A_42, %dma_wait3A_126] : memref<10240x64xbf16, #tpu.memory_space<vmem_shared>> -> memref<128x64xbf16, #tpu.memory_space<vmem_shared>>
      %dma_wait3A_128 = arith.constant 0 : i32
      %dma_wait3A_129 = tpu.memref_slice %arg17[%add3A_42, %dma_wait3A_128] : memref<10240x64xbf16, #tpu.memory_space<vmem_shared>> -> memref<128x64xbf16, #tpu.memory_space<vmem_shared>>
      %dma_wait3A_130 = arith.constant 0 : i32
      %dma_wait3A_131 = arith.constant 0 : i32
      %dma_wait3A_132 = tpu.memref_slice %arg11[%run_scoped3A_43, %dma_wait3A_130, %dma_wait3A_131] : memref<4x128x64xbf16, #tpu.memory_space<vmem>> -> memref<1x128x64xbf16, #tpu.memory_space<vmem>>
      %dma_wait3A_133 = tpu.memref_squeeze %dma_wait3A_132 : memref<1x128x64xbf16, #tpu.memory_space<vmem>> -> memref<128x64xbf16, #tpu.memory_space<vmem>>
      tpu.wait_dma2 semaphore(%run_scoped3A_110 : memref<!tpu.dma_semaphore, #tpu.memory_space<semaphore_mem>>) src(%dma_wait3A_133 : memref<128x64xbf16, #tpu.memory_space<vmem>>) dst(%dma_wait3A_129 : memref<128x64xbf16, #tpu.memory_space<vmem_shared>>)
      tpu.yield
    }) : () -> ()
    %barrier3A = arith.constant 0 : index
    tpu.barrier barrier_id(%barrier3A)
    %scan3A_44 = arith.constant 0 : i32
    %scan3A_45 = arith.constant 4 : i32
    %scan3A_46 = arith.addi %scan3A_44, %scan3A_45 : i32
    %scan3A_47 = arith.constant 1 : i32
    scf.for %scan3A_110 = %scan3A_44 to %scan3A_46 step %scan3A_47  : i32 {
      %mul3A_111 = arith.constant 2 : i32
      %mul3A_112 = arith.muli %mul3A_111, %scan3A_110 : i32
      %mul3A_113 = arith.constant 160 : i32
      %mul3A_114 = arith.muli %arg1, %mul3A_113 : i32
      %mul3A_115 = arith.constant 20 : i32
      %mul3A_116 = arith.muli %mul3A_112, %mul3A_115 : i32
      %add3A_117 = arith.addi %mul3A_114, %mul3A_116 : i32
      %dma_wait3A = arith.constant 0 : i32
      %dma_wait3A_118 = tpu.memref_slice %arg2[%add3A_117, %dma_wait3A] : memref<2560x128xi32, #tpu.memory_space<hbm>> -> memref<20x128xi32, #tpu.memory_space<hbm>>
      %dma_wait3A_119 = arith.constant 0 : i32
      %dma_wait3A_120 = tpu.memref_slice %arg2[%add3A_117, %dma_wait3A_119] : memref<2560x128xi32, #tpu.memory_space<hbm>> -> memref<20x128xi32, #tpu.memory_space<hbm>>
      tpu.wait_dma2 semaphore(%arg12 : memref<!tpu.dma_semaphore, #tpu.memory_space<semaphore_mem>>) src(%dma_wait3A_120 : memref<20x128xi32, #tpu.memory_space<hbm>>) dst(%arg7 : memref<20x128xi32, #tpu.memory_space<vmem>>)
      %dma_wait3A_121 = arith.constant 0 : i32
      %dma_wait3A_122 = tpu.memref_slice %arg3[%add3A_117, %dma_wait3A_121] : memref<2560x128xi32, #tpu.memory_space<hbm>> -> memref<20x128xi32, #tpu.memory_space<hbm>>
      %dma_wait3A_123 = arith.constant 0 : i32
      %dma_wait3A_124 = tpu.memref_slice %arg3[%add3A_117, %dma_wait3A_123] : memref<2560x128xi32, #tpu.memory_space<hbm>> -> memref<20x128xi32, #tpu.memory_space<hbm>>
      tpu.wait_dma2 semaphore(%arg13 : memref<!tpu.dma_semaphore, #tpu.memory_space<semaphore_mem>>) src(%dma_wait3A_124 : memref<20x128xi32, #tpu.memory_space<hbm>>) dst(%arg8 : memref<20x128xi32, #tpu.memory_space<vmem>>)
      %add3A_125 = arith.constant 1 : i32
      %add3A_126 = arith.addi %mul3A_112, %add3A_125 : i32
      %mul3A_127 = arith.constant 160 : i32
      %mul3A_128 = arith.muli %arg1, %mul3A_127 : i32
      %mul3A_129 = arith.constant 20 : i32
      %mul3A_130 = arith.muli %add3A_126, %mul3A_129 : i32
      %add3A_131 = arith.addi %mul3A_128, %mul3A_130 : i32
      %dma_start3A_132 = arith.constant 0 : i32
      %dma_start3A_133 = tpu.memref_slice %arg2[%add3A_131, %dma_start3A_132] : memref<2560x128xi32, #tpu.memory_space<hbm>> -> memref<20x128xi32, #tpu.memory_space<hbm>>
      %dma_start3A_134 = arith.constant 0 : i32
      %dma_start3A_135 = tpu.memref_slice %arg2[%add3A_131, %dma_start3A_134] : memref<2560x128xi32, #tpu.memory_space<hbm>> -> memref<20x128xi32, #tpu.memory_space<hbm>>
      tpu.enqueue_dma source(%dma_start3A_135 : memref<20x128xi32, #tpu.memory_space<hbm>>) target(%arg9 : memref<20x128xi32, #tpu.memory_space<vmem>>) target_semaphore(%arg14 : memref<!tpu.dma_semaphore, #tpu.memory_space<semaphore_mem>>)
      %dma_start3A_136 = arith.constant 0 : i32
      %dma_start3A_137 = tpu.memref_slice %arg3[%add3A_131, %dma_start3A_136] : memref<2560x128xi32, #tpu.memory_space<hbm>> -> memref<20x128xi32, #tpu.memory_space<hbm>>
      %dma_start3A_138 = arith.constant 0 : i32
      %dma_start3A_139 = tpu.memref_slice %arg3[%add3A_131, %dma_start3A_138] : memref<2560x128xi32, #tpu.memory_space<hbm>> -> memref<20x128xi32, #tpu.memory_space<hbm>>
      tpu.enqueue_dma source(%dma_start3A_139 : memref<20x128xi32, #tpu.memory_space<hbm>>) target(%arg10 : memref<20x128xi32, #tpu.memory_space<vmem>>) target_semaphore(%arg15 : memref<!tpu.dma_semaphore, #tpu.memory_space<semaphore_mem>>)
      %dma_start3A_140 = arith.constant 0 : i32
      %dma_start3A_141 = arith.constant 0 : i32
      %dma_start3A_142 = arith.constant 0 : i32
      %dma_start3A_143 = arith.constant 0 : i32
      %dma_start3A_144 = arith.constant 0 : i32
      %dma_start3A_145 = tpu.memref_slice %arg11[%dma_start3A_141, %dma_start3A_143, %dma_start3A_144] : memref<4x128x64xbf16, #tpu.memory_space<vmem>> -> memref<1x128x64xbf16, #tpu.memory_space<vmem>>
      %dma_start3A_146 = tpu.memref_squeeze %dma_start3A_145 : memref<1x128x64xbf16, #tpu.memory_space<vmem>> -> memref<128x64xbf16, #tpu.memory_space<vmem>>
      %dma_start3A_147 = arith.constant 0 : i32
      %dma_start3A_148 = tpu.memref_slice %arg7[%dma_start3A_140, %dma_start3A_147] : memref<20x128xi32, #tpu.memory_space<vmem>> -> memref<1x128xi32, #tpu.memory_space<vmem>>
      %dma_start3A_149 = tpu.memref_squeeze %dma_start3A_148 : memref<1x128xi32, #tpu.memory_space<vmem>> -> memref<128xi32, #tpu.memory_space<vmem>>
      %dma_start3A_150 = arith.constant 0 : i32
      %dma_start3A_151 = arith.constant 0 : i32
      %dma_start3A_152 = tpu.memref_slice %arg18[%dma_start3A_150, %dma_start3A_151] : memref<10240x64xbf16, #tpu.memory_space<vmem_shared>> -> memref<10240x64xbf16, #tpu.memory_space<vmem_shared>>
      %dma_start3A_153 = tpu.memref_slice %arg16[%dma_start3A_142] : memref<4x!tpu.dma_semaphore, #tpu.memory_space<semaphore_mem>> -> memref<1x!tpu.dma_semaphore, #tpu.memory_space<semaphore_mem>>
      %dma_start3A_154 = tpu.memref_squeeze %dma_start3A_153 : memref<1x!tpu.dma_semaphore, #tpu.memory_space<semaphore_mem>> -> memref<!tpu.dma_semaphore, #tpu.memory_space<semaphore_mem>>
      tpu.enqueue_indirect_dma source(%dma_start3A_152 : memref<10240x64xbf16, #tpu.memory_space<vmem_shared>>) target(%dma_start3A_146 : memref<128x64xbf16, #tpu.memory_space<vmem>>) offsets(%dma_start3A_149 : memref<128xi32, #tpu.memory_space<vmem>>) semaphore(%dma_start3A_154 : memref<!tpu.dma_semaphore, #tpu.memory_space<semaphore_mem>>)
      %dma_start3A_155 = arith.constant 1 : i32
      %dma_start3A_156 = arith.constant 1 : i32
      %dma_start3A_157 = arith.constant 1 : i32
      %dma_start3A_158 = arith.constant 0 : i32
      %dma_start3A_159 = arith.constant 0 : i32
      %dma_start3A_160 = tpu.memref_slice %arg11[%dma_start3A_156, %dma_start3A_158, %dma_start3A_159] : memref<4x128x64xbf16, #tpu.memory_space<vmem>> -> memref<1x128x64xbf16, #tpu.memory_space<vmem>>
      %dma_start3A_161 = tpu.memref_squeeze %dma_start3A_160 : memref<1x128x64xbf16, #tpu.memory_space<vmem>> -> memref<128x64xbf16, #tpu.memory_space<vmem>>
      %dma_start3A_162 = arith.constant 0 : i32
      %dma_start3A_163 = tpu.memref_slice %arg7[%dma_start3A_155, %dma_start3A_162] : memref<20x128xi32, #tpu.memory_space<vmem>> -> memref<1x128xi32, #tpu.memory_space<vmem>>
      %dma_start3A_164 = tpu.memref_squeeze %dma_start3A_163 : memref<1x128xi32, #tpu.memory_space<vmem>> -> memref<128xi32, #tpu.memory_space<vmem>>
      %dma_start3A_165 = arith.constant 0 : i32
      %dma_start3A_166 = arith.constant 0 : i32
      %dma_start3A_167 = tpu.memref_slice %arg18[%dma_start3A_165, %dma_start3A_166] : memref<10240x64xbf16, #tpu.memory_space<vmem_shared>> -> memref<10240x64xbf16, #tpu.memory_space<vmem_shared>>
      %dma_start3A_168 = tpu.memref_slice %arg16[%dma_start3A_157] : memref<4x!tpu.dma_semaphore, #tpu.memory_space<semaphore_mem>> -> memref<1x!tpu.dma_semaphore, #tpu.memory_space<semaphore_mem>>
      %dma_start3A_169 = tpu.memref_squeeze %dma_start3A_168 : memref<1x!tpu.dma_semaphore, #tpu.memory_space<semaphore_mem>> -> memref<!tpu.dma_semaphore, #tpu.memory_space<semaphore_mem>>
      tpu.enqueue_indirect_dma source(%dma_start3A_167 : memref<10240x64xbf16, #tpu.memory_space<vmem_shared>>) target(%dma_start3A_161 : memref<128x64xbf16, #tpu.memory_space<vmem>>) offsets(%dma_start3A_164 : memref<128xi32, #tpu.memory_space<vmem>>) semaphore(%dma_start3A_169 : memref<!tpu.dma_semaphore, #tpu.memory_space<semaphore_mem>>)
      %dma_start3A_170 = arith.constant 2 : i32
      %dma_start3A_171 = arith.constant 2 : i32
      %dma_start3A_172 = arith.constant 2 : i32
      %dma_start3A_173 = arith.constant 0 : i32
      %dma_start3A_174 = arith.constant 0 : i32
      %dma_start3A_175 = tpu.memref_slice %arg11[%dma_start3A_171, %dma_start3A_173, %dma_start3A_174] : memref<4x128x64xbf16, #tpu.memory_space<vmem>> -> memref<1x128x64xbf16, #tpu.memory_space<vmem>>
      %dma_start3A_176 = tpu.memref_squeeze %dma_start3A_175 : memref<1x128x64xbf16, #tpu.memory_space<vmem>> -> memref<128x64xbf16, #tpu.memory_space<vmem>>
      %dma_start3A_177 = arith.constant 0 : i32
      %dma_start3A_178 = tpu.memref_slice %arg7[%dma_start3A_170, %dma_start3A_177] : memref<20x128xi32, #tpu.memory_space<vmem>> -> memref<1x128xi32, #tpu.memory_space<vmem>>
      %dma_start3A_179 = tpu.memref_squeeze %dma_start3A_178 : memref<1x128xi32, #tpu.memory_space<vmem>> -> memref<128xi32, #tpu.memory_space<vmem>>
      %dma_start3A_180 = arith.constant 0 : i32
      %dma_start3A_181 = arith.constant 0 : i32
      %dma_start3A_182 = tpu.memref_slice %arg18[%dma_start3A_180, %dma_start3A_181] : memref<10240x64xbf16, #tpu.memory_space<vmem_shared>> -> memref<10240x64xbf16, #tpu.memory_space<vmem_shared>>
      %dma_start3A_183 = tpu.memref_slice %arg16[%dma_start3A_172] : memref<4x!tpu.dma_semaphore, #tpu.memory_space<semaphore_mem>> -> memref<1x!tpu.dma_semaphore, #tpu.memory_space<semaphore_mem>>
      %dma_start3A_184 = tpu.memref_squeeze %dma_start3A_183 : memref<1x!tpu.dma_semaphore, #tpu.memory_space<semaphore_mem>> -> memref<!tpu.dma_semaphore, #tpu.memory_space<semaphore_mem>>
      tpu.enqueue_indirect_dma source(%dma_start3A_182 : memref<10240x64xbf16, #tpu.memory_space<vmem_shared>>) target(%dma_start3A_176 : memref<128x64xbf16, #tpu.memory_space<vmem>>) offsets(%dma_start3A_179 : memref<128xi32, #tpu.memory_space<vmem>>) semaphore(%dma_start3A_184 : memref<!tpu.dma_semaphore, #tpu.memory_space<semaphore_mem>>)
      %dma_start3A_185 = arith.constant 3 : i32
      %dma_start3A_186 = arith.constant 3 : i32
      %dma_start3A_187 = arith.constant 3 : i32
      %dma_start3A_188 = arith.constant 0 : i32
      %dma_start3A_189 = arith.constant 0 : i32
      %dma_start3A_190 = tpu.memref_slice %arg11[%dma_start3A_186, %dma_start3A_188, %dma_start3A_189] : memref<4x128x64xbf16, #tpu.memory_space<vmem>> -> memref<1x128x64xbf16, #tpu.memory_space<vmem>>
      %dma_start3A_191 = tpu.memref_squeeze %dma_start3A_190 : memref<1x128x64xbf16, #tpu.memory_space<vmem>> -> memref<128x64xbf16, #tpu.memory_space<vmem>>
      %dma_start3A_192 = arith.constant 0 : i32
      %dma_start3A_193 = tpu.memref_slice %arg7[%dma_start3A_185, %dma_start3A_192] : memref<20x128xi32, #tpu.memory_space<vmem>> -> memref<1x128xi32, #tpu.memory_space<vmem>>
      %dma_start3A_194 = tpu.memref_squeeze %dma_start3A_193 : memref<1x128xi32, #tpu.memory_space<vmem>> -> memref<128xi32, #tpu.memory_space<vmem>>
      %dma_start3A_195 = arith.constant 0 : i32
      %dma_start3A_196 = arith.constant 0 : i32
      %dma_start3A_197 = tpu.memref_slice %arg18[%dma_start3A_195, %dma_start3A_196] : memref<10240x64xbf16, #tpu.memory_space<vmem_shared>> -> memref<10240x64xbf16, #tpu.memory_space<vmem_shared>>
      %dma_start3A_198 = tpu.memref_slice %arg16[%dma_start3A_187] : memref<4x!tpu.dma_semaphore, #tpu.memory_space<semaphore_mem>> -> memref<1x!tpu.dma_semaphore, #tpu.memory_space<semaphore_mem>>
      %dma_start3A_199 = tpu.memref_squeeze %dma_start3A_198 : memref<1x!tpu.dma_semaphore, #tpu.memory_space<semaphore_mem>> -> memref<!tpu.dma_semaphore, #tpu.memory_space<semaphore_mem>>
      tpu.enqueue_indirect_dma source(%dma_start3A_197 : memref<10240x64xbf16, #tpu.memory_space<vmem_shared>>) target(%dma_start3A_191 : memref<128x64xbf16, #tpu.memory_space<vmem>>) offsets(%dma_start3A_194 : memref<128xi32, #tpu.memory_space<vmem>>) semaphore(%dma_start3A_199 : memref<!tpu.dma_semaphore, #tpu.memory_space<semaphore_mem>>)
      %scan3A_200 = arith.constant 0 : i32
      %scan3A_201 = arith.constant 4 : i32
      %scan3A_202 = arith.addi %scan3A_200, %scan3A_201 : i32
      %scan3A_203 = arith.constant 1 : i32
      scf.for %scan3A_425 = %scan3A_200 to %scan3A_202 step %scan3A_203  : i32 {
        %mul3A_426 = arith.constant 4 : i32
        %mul3A_427 = arith.muli %scan3A_425, %mul3A_426 : i32
        %add3A_428 = arith.constant 0 : i32
        %add3A_429 = arith.addi %mul3A_427, %add3A_428 : i32
        %dma_wait3A_430 = arith.constant 0 : i32
        %dma_wait3A_431 = arith.constant 0 : i32
        %dma_wait3A_432 = arith.constant 0 : i32
        %dma_wait3A_433 = arith.constant 0 : i32
        %dma_wait3A_434 = tpu.memref_slice %arg11[%dma_wait3A_430, %dma_wait3A_432, %dma_wait3A_433] : memref<4x128x64xbf16, #tpu.memory_space<vmem>> -> memref<1x128x64xbf16, #tpu.memory_space<vmem>>
        %dma_wait3A_435 = tpu.memref_squeeze %dma_wait3A_434 : memref<1x128x64xbf16, #tpu.memory_space<vmem>> -> memref<128x64xbf16, #tpu.memory_space<vmem>>
        %dma_wait3A_436 = arith.constant 0 : i32
        %dma_wait3A_437 = tpu.memref_slice %arg7[%add3A_429, %dma_wait3A_436] : memref<20x128xi32, #tpu.memory_space<vmem>> -> memref<1x128xi32, #tpu.memory_space<vmem>>
        %dma_wait3A_438 = tpu.memref_squeeze %dma_wait3A_437 : memref<1x128xi32, #tpu.memory_space<vmem>> -> memref<128xi32, #tpu.memory_space<vmem>>
        %dma_wait3A_439 = arith.constant 0 : i32
        %dma_wait3A_440 = arith.constant 0 : i32
        %dma_wait3A_441 = tpu.memref_slice %arg18[%dma_wait3A_439, %dma_wait3A_440] : memref<10240x64xbf16, #tpu.memory_space<vmem_shared>> -> memref<10240x64xbf16, #tpu.memory_space<vmem_shared>>
        %dma_wait3A_442 = tpu.memref_slice %arg16[%dma_wait3A_431] : memref<4x!tpu.dma_semaphore, #tpu.memory_space<semaphore_mem>> -> memref<1x!tpu.dma_semaphore, #tpu.memory_space<semaphore_mem>>
        %dma_wait3A_443 = tpu.memref_squeeze %dma_wait3A_442 : memref<1x!tpu.dma_semaphore, #tpu.memory_space<semaphore_mem>> -> memref<!tpu.dma_semaphore, #tpu.memory_space<semaphore_mem>>
        tpu.wait_indirect_dma semaphore(%dma_wait3A_443 : memref<!tpu.dma_semaphore, #tpu.memory_space<semaphore_mem>>) src(%dma_wait3A_441 : memref<10240x64xbf16, #tpu.memory_space<vmem_shared>>) dst(%dma_wait3A_435 : memref<128x64xbf16, #tpu.memory_space<vmem>>)
        %run_scoped3A_444 = arith.constant 0 : i32
        "tpu.region"() ({
          %run_scoped3A_566 = tpu.sem_alloc : memref<!tpu.dma_semaphore, #tpu.memory_space<semaphore_mem>>
          %dma_start3A_567 = arith.constant 0 : i32
          %dma_start3A_568 = arith.constant 0 : i32
          %dma_start3A_569 = tpu.memref_slice %arg11[%run_scoped3A_444, %dma_start3A_567, %dma_start3A_568] : memref<4x128x64xbf16, #tpu.memory_space<vmem>> -> memref<1x128x64xbf16, #tpu.memory_space<vmem>>
          %dma_start3A_570 = tpu.memref_squeeze %dma_start3A_569 : memref<1x128x64xbf16, #tpu.memory_space<vmem>> -> memref<128x64xbf16, #tpu.memory_space<vmem>>
          %dma_start3A_571 = arith.constant 0 : i32
          %dma_start3A_572 = tpu.memref_slice %arg8[%add3A_429, %dma_start3A_571] : memref<20x128xi32, #tpu.memory_space<vmem>> -> memref<1x128xi32, #tpu.memory_space<vmem>>
          %dma_start3A_573 = tpu.memref_squeeze %dma_start3A_572 : memref<1x128xi32, #tpu.memory_space<vmem>> -> memref<128xi32, #tpu.memory_space<vmem>>
          %dma_start3A_574 = arith.constant 0 : i32
          %dma_start3A_575 = arith.constant 0 : i32
          %dma_start3A_576 = tpu.memref_slice %arg17[%dma_start3A_574, %dma_start3A_575] : memref<10240x64xbf16, #tpu.memory_space<vmem_shared>> -> memref<10240x64xbf16, #tpu.memory_space<vmem_shared>>
          tpu.enqueue_indirect_dma source(%dma_start3A_570 : memref<128x64xbf16, #tpu.memory_space<vmem>>) target(%dma_start3A_576 : memref<10240x64xbf16, #tpu.memory_space<vmem_shared>>) offsets(%dma_start3A_573 : memref<128xi32, #tpu.memory_space<vmem>>) semaphore(%run_scoped3A_566 : memref<!tpu.dma_semaphore, #tpu.memory_space<semaphore_mem>>) {add = true}
          %dma_wait3A_577 = arith.constant 0 : i32
          %dma_wait3A_578 = arith.constant 0 : i32
          %dma_wait3A_579 = tpu.memref_slice %arg11[%run_scoped3A_444, %dma_wait3A_577, %dma_wait3A_578] : memref<4x128x64xbf16, #tpu.memory_space<vmem>> -> memref<1x128x64xbf16, #tpu.memory_space<vmem>>
          %dma_wait3A_580 = tpu.memref_squeeze %dma_wait3A_579 : memref<1x128x64xbf16, #tpu.memory_space<vmem>> -> memref<128x64xbf16, #tpu.memory_space<vmem>>
          %dma_wait3A_581 = arith.constant 0 : i32
          %dma_wait3A_582 = tpu.memref_slice %arg8[%add3A_429, %dma_wait3A_581] : memref<20x128xi32, #tpu.memory_space<vmem>> -> memref<1x128xi32, #tpu.memory_space<vmem>>
          %dma_wait3A_583 = tpu.memref_squeeze %dma_wait3A_582 : memref<1x128xi32, #tpu.memory_space<vmem>> -> memref<128xi32, #tpu.memory_space<vmem>>
          %dma_wait3A_584 = arith.constant 0 : i32
          %dma_wait3A_585 = arith.constant 0 : i32
          %dma_wait3A_586 = tpu.memref_slice %arg17[%dma_wait3A_584, %dma_wait3A_585] : memref<10240x64xbf16, #tpu.memory_space<vmem_shared>> -> memref<10240x64xbf16, #tpu.memory_space<vmem_shared>>
          tpu.wait_indirect_dma semaphore(%run_scoped3A_566 : memref<!tpu.dma_semaphore, #tpu.memory_space<semaphore_mem>>) src(%dma_wait3A_580 : memref<128x64xbf16, #tpu.memory_space<vmem>>) dst(%dma_wait3A_586 : memref<10240x64xbf16, #tpu.memory_space<vmem_shared>>)
          tpu.yield
        }) : () -> ()
        %add3A_445 = arith.constant 4 : i32
        %add3A_446 = arith.addi %add3A_429, %add3A_445 : i32
        %dma_start3A_447 = arith.constant 0 : i32
        %dma_start3A_448 = arith.constant 0 : i32
        %dma_start3A_449 = arith.constant 0 : i32
        %dma_start3A_450 = arith.constant 0 : i32
        %dma_start3A_451 = tpu.memref_slice %arg11[%dma_start3A_447, %dma_start3A_449, %dma_start3A_450] : memref<4x128x64xbf16, #tpu.memory_space<vmem>> -> memref<1x128x64xbf16, #tpu.memory_space<vmem>>
        %dma_start3A_452 = tpu.memref_squeeze %dma_start3A_451 : memref<1x128x64xbf16, #tpu.memory_space<vmem>> -> memref<128x64xbf16, #tpu.memory_space<vmem>>
        %dma_start3A_453 = arith.constant 0 : i32
        %dma_start3A_454 = tpu.memref_slice %arg7[%add3A_446, %dma_start3A_453] : memref<20x128xi32, #tpu.memory_space<vmem>> -> memref<1x128xi32, #tpu.memory_space<vmem>>
        %dma_start3A_455 = tpu.memref_squeeze %dma_start3A_454 : memref<1x128xi32, #tpu.memory_space<vmem>> -> memref<128xi32, #tpu.memory_space<vmem>>
        %dma_start3A_456 = arith.constant 0 : i32
        %dma_start3A_457 = arith.constant 0 : i32
        %dma_start3A_458 = tpu.memref_slice %arg18[%dma_start3A_456, %dma_start3A_457] : memref<10240x64xbf16, #tpu.memory_space<vmem_shared>> -> memref<10240x64xbf16, #tpu.memory_space<vmem_shared>>
        %dma_start3A_459 = tpu.memref_slice %arg16[%dma_start3A_448] : memref<4x!tpu.dma_semaphore, #tpu.memory_space<semaphore_mem>> -> memref<1x!tpu.dma_semaphore, #tpu.memory_space<semaphore_mem>>
        %dma_start3A_460 = tpu.memref_squeeze %dma_start3A_459 : memref<1x!tpu.dma_semaphore, #tpu.memory_space<semaphore_mem>> -> memref<!tpu.dma_semaphore, #tpu.memory_space<semaphore_mem>>
        tpu.enqueue_indirect_dma source(%dma_start3A_458 : memref<10240x64xbf16, #tpu.memory_space<vmem_shared>>) target(%dma_start3A_452 : memref<128x64xbf16, #tpu.memory_space<vmem>>) offsets(%dma_start3A_455 : memref<128xi32, #tpu.memory_space<vmem>>) semaphore(%dma_start3A_460 : memref<!tpu.dma_semaphore, #tpu.memory_space<semaphore_mem>>)
        %mul3A_461 = arith.constant 4 : i32
        %mul3A_462 = arith.muli %scan3A_425, %mul3A_461 : i32
        %add3A_463 = arith.constant 1 : i32
        %add3A_464 = arith.addi %mul3A_462, %add3A_463 : i32
        %dma_wait3A_465 = arith.constant 1 : i32
        %dma_wait3A_466 = arith.constant 1 : i32
        %dma_wait3A_467 = arith.constant 0 : i32
        %dma_wait3A_468 = arith.constant 0 : i32
        %dma_wait3A_469 = tpu.memref_slice %arg11[%dma_wait3A_465, %dma_wait3A_467, %dma_wait3A_468] : memref<4x128x64xbf16, #tpu.memory_space<vmem>> -> memref<1x128x64xbf16, #tpu.memory_space<vmem>>
        %dma_wait3A_470 = tpu.memref_squeeze %dma_wait3A_469 : memref<1x128x64xbf16, #tpu.memory_space<vmem>> -> memref<128x64xbf16, #tpu.memory_space<vmem>>
        %dma_wait3A_471 = arith.constant 0 : i32
        %dma_wait3A_472 = tpu.memref_slice %arg7[%add3A_464, %dma_wait3A_471] : memref<20x128xi32, #tpu.memory_space<vmem>> -> memref<1x128xi32, #tpu.memory_space<vmem>>
        %dma_wait3A_473 = tpu.memref_squeeze %dma_wait3A_472 : memref<1x128xi32, #tpu.memory_space<vmem>> -> memref<128xi32, #tpu.memory_space<vmem>>
        %dma_wait3A_474 = arith.constant 0 : i32
        %dma_wait3A_475 = arith.constant 0 : i32
        %dma_wait3A_476 = tpu.memref_slice %arg18[%dma_wait3A_474, %dma_wait3A_475] : memref<10240x64xbf16, #tpu.memory_space<vmem_shared>> -> memref<10240x64xbf16, #tpu.memory_space<vmem_shared>>
        %dma_wait3A_477 = tpu.memref_slice %arg16[%dma_wait3A_466] : memref<4x!tpu.dma_semaphore, #tpu.memory_space<semaphore_mem>> -> memref<1x!tpu.dma_semaphore, #tpu.memory_space<semaphore_mem>>
        %dma_wait3A_478 = tpu.memref_squeeze %dma_wait3A_477 : memref<1x!tpu.dma_semaphore, #tpu.memory_space<semaphore_mem>> -> memref<!tpu.dma_semaphore, #tpu.memory_space<semaphore_mem>>
        tpu.wait_indirect_dma semaphore(%dma_wait3A_478 : memref<!tpu.dma_semaphore, #tpu.memory_space<semaphore_mem>>) src(%dma_wait3A_476 : memref<10240x64xbf16, #tpu.memory_space<vmem_shared>>) dst(%dma_wait3A_470 : memref<128x64xbf16, #tpu.memory_space<vmem>>)
        %run_scoped3A_479 = arith.constant 1 : i32
        "tpu.region"() ({
          %run_scoped3A_566 = tpu.sem_alloc : memref<!tpu.dma_semaphore, #tpu.memory_space<semaphore_mem>>
          %dma_start3A_567 = arith.constant 0 : i32
          %dma_start3A_568 = arith.constant 0 : i32
          %dma_start3A_569 = tpu.memref_slice %arg11[%run_scoped3A_479, %dma_start3A_567, %dma_start3A_568] : memref<4x128x64xbf16, #tpu.memory_space<vmem>> -> memref<1x128x64xbf16, #tpu.memory_space<vmem>>
          %dma_start3A_570 = tpu.memref_squeeze %dma_start3A_569 : memref<1x128x64xbf16, #tpu.memory_space<vmem>> -> memref<128x64xbf16, #tpu.memory_space<vmem>>
          %dma_start3A_571 = arith.constant 0 : i32
          %dma_start3A_572 = tpu.memref_slice %arg8[%add3A_464, %dma_start3A_571] : memref<20x128xi32, #tpu.memory_space<vmem>> -> memref<1x128xi32, #tpu.memory_space<vmem>>
          %dma_start3A_573 = tpu.memref_squeeze %dma_start3A_572 : memref<1x128xi32, #tpu.memory_space<vmem>> -> memref<128xi32, #tpu.memory_space<vmem>>
          %dma_start3A_574 = arith.constant 0 : i32
          %dma_start3A_575 = arith.constant 0 : i32
          %dma_start3A_576 = tpu.memref_slice %arg17[%dma_start3A_574, %dma_start3A_575] : memref<10240x64xbf16, #tpu.memory_space<vmem_shared>> -> memref<10240x64xbf16, #tpu.memory_space<vmem_shared>>
          tpu.enqueue_indirect_dma source(%dma_start3A_570 : memref<128x64xbf16, #tpu.memory_space<vmem>>) target(%dma_start3A_576 : memref<10240x64xbf16, #tpu.memory_space<vmem_shared>>) offsets(%dma_start3A_573 : memref<128xi32, #tpu.memory_space<vmem>>) semaphore(%run_scoped3A_566 : memref<!tpu.dma_semaphore, #tpu.memory_space<semaphore_mem>>) {add = true}
          %dma_wait3A_577 = arith.constant 0 : i32
          %dma_wait3A_578 = arith.constant 0 : i32
          %dma_wait3A_579 = tpu.memref_slice %arg11[%run_scoped3A_479, %dma_wait3A_577, %dma_wait3A_578] : memref<4x128x64xbf16, #tpu.memory_space<vmem>> -> memref<1x128x64xbf16, #tpu.memory_space<vmem>>
          %dma_wait3A_580 = tpu.memref_squeeze %dma_wait3A_579 : memref<1x128x64xbf16, #tpu.memory_space<vmem>> -> memref<128x64xbf16, #tpu.memory_space<vmem>>
          %dma_wait3A_581 = arith.constant 0 : i32
          %dma_wait3A_582 = tpu.memref_slice %arg8[%add3A_464, %dma_wait3A_581] : memref<20x128xi32, #tpu.memory_space<vmem>> -> memref<1x128xi32, #tpu.memory_space<vmem>>
          %dma_wait3A_583 = tpu.memref_squeeze %dma_wait3A_582 : memref<1x128xi32, #tpu.memory_space<vmem>> -> memref<128xi32, #tpu.memory_space<vmem>>
          %dma_wait3A_584 = arith.constant 0 : i32
          %dma_wait3A_585 = arith.constant 0 : i32
          %dma_wait3A_586 = tpu.memref_slice %arg17[%dma_wait3A_584, %dma_wait3A_585] : memref<10240x64xbf16, #tpu.memory_space<vmem_shared>> -> memref<10240x64xbf16, #tpu.memory_space<vmem_shared>>
          tpu.wait_indirect_dma semaphore(%run_scoped3A_566 : memref<!tpu.dma_semaphore, #tpu.memory_space<semaphore_mem>>) src(%dma_wait3A_580 : memref<128x64xbf16, #tpu.memory_space<vmem>>) dst(%dma_wait3A_586 : memref<10240x64xbf16, #tpu.memory_space<vmem_shared>>)
          tpu.yield
        }) : () -> ()
        %add3A_480 = arith.constant 4 : i32
        %add3A_481 = arith.addi %add3A_464, %add3A_480 : i32
        %dma_start3A_482 = arith.constant 1 : i32
        %dma_start3A_483 = arith.constant 1 : i32
        %dma_start3A_484 = arith.constant 0 : i32
        %dma_start3A_485 = arith.constant 0 : i32
        %dma_start3A_486 = tpu.memref_slice %arg11[%dma_start3A_482, %dma_start3A_484, %dma_start3A_485] : memref<4x128x64xbf16, #tpu.memory_space<vmem>> -> memref<1x128x64xbf16, #tpu.memory_space<vmem>>
        %dma_start3A_487 = tpu.memref_squeeze %dma_start3A_486 : memref<1x128x64xbf16, #tpu.memory_space<vmem>> -> memref<128x64xbf16, #tpu.memory_space<vmem>>
        %dma_start3A_488 = arith.constant 0 : i32
        %dma_start3A_489 = tpu.memref_slice %arg7[%add3A_481, %dma_start3A_488] : memref<20x128xi32, #tpu.memory_space<vmem>> -> memref<1x128xi32, #tpu.memory_space<vmem>>
        %dma_start3A_490 = tpu.memref_squeeze %dma_start3A_489 : memref<1x128xi32, #tpu.memory_space<vmem>> -> memref<128xi32, #tpu.memory_space<vmem>>
        %dma_start3A_491 = arith.constant 0 : i32
        %dma_start3A_492 = arith.constant 0 : i32
        %dma_start3A_493 = tpu.memref_slice %arg18[%dma_start3A_491, %dma_start3A_492] : memref<10240x64xbf16, #tpu.memory_space<vmem_shared>> -> memref<10240x64xbf16, #tpu.memory_space<vmem_shared>>
        %dma_start3A_494 = tpu.memref_slice %arg16[%dma_start3A_483] : memref<4x!tpu.dma_semaphore, #tpu.memory_space<semaphore_mem>> -> memref<1x!tpu.dma_semaphore, #tpu.memory_space<semaphore_mem>>
        %dma_start3A_495 = tpu.memref_squeeze %dma_start3A_494 : memref<1x!tpu.dma_semaphore, #tpu.memory_space<semaphore_mem>> -> memref<!tpu.dma_semaphore, #tpu.memory_space<semaphore_mem>>
        tpu.enqueue_indirect_dma source(%dma_start3A_493 : memref<10240x64xbf16, #tpu.memory_space<vmem_shared>>) target(%dma_start3A_487 : memref<128x64xbf16, #tpu.memory_space<vmem>>) offsets(%dma_start3A_490 : memref<128xi32, #tpu.memory_space<vmem>>) semaphore(%dma_start3A_495 : memref<!tpu.dma_semaphore, #tpu.memory_space<semaphore_mem>>)
        %mul3A_496 = arith.constant 4 : i32
        %mul3A_497 = arith.muli %scan3A_425, %mul3A_496 : i32
        %add3A_498 = arith.constant 2 : i32
        %add3A_499 = arith.addi %mul3A_497, %add3A_498 : i32
        %dma_wait3A_500 = arith.constant 2 : i32
        %dma_wait3A_501 = arith.constant 2 : i32
        %dma_wait3A_502 = arith.constant 0 : i32
        %dma_wait3A_503 = arith.constant 0 : i32
        %dma_wait3A_504 = tpu.memref_slice %arg11[%dma_wait3A_500, %dma_wait3A_502, %dma_wait3A_503] : memref<4x128x64xbf16, #tpu.memory_space<vmem>> -> memref<1x128x64xbf16, #tpu.memory_space<vmem>>
        %dma_wait3A_505 = tpu.memref_squeeze %dma_wait3A_504 : memref<1x128x64xbf16, #tpu.memory_space<vmem>> -> memref<128x64xbf16, #tpu.memory_space<vmem>>
        %dma_wait3A_506 = arith.constant 0 : i32
        %dma_wait3A_507 = tpu.memref_slice %arg7[%add3A_499, %dma_wait3A_506] : memref<20x128xi32, #tpu.memory_space<vmem>> -> memref<1x128xi32, #tpu.memory_space<vmem>>
        %dma_wait3A_508 = tpu.memref_squeeze %dma_wait3A_507 : memref<1x128xi32, #tpu.memory_space<vmem>> -> memref<128xi32, #tpu.memory_space<vmem>>
        %dma_wait3A_509 = arith.constant 0 : i32
        %dma_wait3A_510 = arith.constant 0 : i32
        %dma_wait3A_511 = tpu.memref_slice %arg18[%dma_wait3A_509, %dma_wait3A_510] : memref<10240x64xbf16, #tpu.memory_space<vmem_shared>> -> memref<10240x64xbf16, #tpu.memory_space<vmem_shared>>
        %dma_wait3A_512 = tpu.memref_slice %arg16[%dma_wait3A_501] : memref<4x!tpu.dma_semaphore, #tpu.memory_space<semaphore_mem>> -> memref<1x!tpu.dma_semaphore, #tpu.memory_space<semaphore_mem>>
        %dma_wait3A_513 = tpu.memref_squeeze %dma_wait3A_512 : memref<1x!tpu.dma_semaphore, #tpu.memory_space<semaphore_mem>> -> memref<!tpu.dma_semaphore, #tpu.memory_space<semaphore_mem>>
        tpu.wait_indirect_dma semaphore(%dma_wait3A_513 : memref<!tpu.dma_semaphore, #tpu.memory_space<semaphore_mem>>) src(%dma_wait3A_511 : memref<10240x64xbf16, #tpu.memory_space<vmem_shared>>) dst(%dma_wait3A_505 : memref<128x64xbf16, #tpu.memory_space<vmem>>)
        %run_scoped3A_514 = arith.constant 2 : i32
        "tpu.region"() ({
          %run_scoped3A_566 = tpu.sem_alloc : memref<!tpu.dma_semaphore, #tpu.memory_space<semaphore_mem>>
          %dma_start3A_567 = arith.constant 0 : i32
          %dma_start3A_568 = arith.constant 0 : i32
          %dma_start3A_569 = tpu.memref_slice %arg11[%run_scoped3A_514, %dma_start3A_567, %dma_start3A_568] : memref<4x128x64xbf16, #tpu.memory_space<vmem>> -> memref<1x128x64xbf16, #tpu.memory_space<vmem>>
          %dma_start3A_570 = tpu.memref_squeeze %dma_start3A_569 : memref<1x128x64xbf16, #tpu.memory_space<vmem>> -> memref<128x64xbf16, #tpu.memory_space<vmem>>
          %dma_start3A_571 = arith.constant 0 : i32
          %dma_start3A_572 = tpu.memref_slice %arg8[%add3A_499, %dma_start3A_571] : memref<20x128xi32, #tpu.memory_space<vmem>> -> memref<1x128xi32, #tpu.memory_space<vmem>>
          %dma_start3A_573 = tpu.memref_squeeze %dma_start3A_572 : memref<1x128xi32, #tpu.memory_space<vmem>> -> memref<128xi32, #tpu.memory_space<vmem>>
          %dma_start3A_574 = arith.constant 0 : i32
          %dma_start3A_575 = arith.constant 0 : i32
          %dma_start3A_576 = tpu.memref_slice %arg17[%dma_start3A_574, %dma_start3A_575] : memref<10240x64xbf16, #tpu.memory_space<vmem_shared>> -> memref<10240x64xbf16, #tpu.memory_space<vmem_shared>>
          tpu.enqueue_indirect_dma source(%dma_start3A_570 : memref<128x64xbf16, #tpu.memory_space<vmem>>) target(%dma_start3A_576 : memref<10240x64xbf16, #tpu.memory_space<vmem_shared>>) offsets(%dma_start3A_573 : memref<128xi32, #tpu.memory_space<vmem>>) semaphore(%run_scoped3A_566 : memref<!tpu.dma_semaphore, #tpu.memory_space<semaphore_mem>>) {add = true}
          %dma_wait3A_577 = arith.constant 0 : i32
          %dma_wait3A_578 = arith.constant 0 : i32
          %dma_wait3A_579 = tpu.memref_slice %arg11[%run_scoped3A_514, %dma_wait3A_577, %dma_wait3A_578] : memref<4x128x64xbf16, #tpu.memory_space<vmem>> -> memref<1x128x64xbf16, #tpu.memory_space<vmem>>
          %dma_wait3A_580 = tpu.memref_squeeze %dma_wait3A_579 : memref<1x128x64xbf16, #tpu.memory_space<vmem>> -> memref<128x64xbf16, #tpu.memory_space<vmem>>
          %dma_wait3A_581 = arith.constant 0 : i32
          %dma_wait3A_582 = tpu.memref_slice %arg8[%add3A_499, %dma_wait3A_581] : memref<20x128xi32, #tpu.memory_space<vmem>> -> memref<1x128xi32, #tpu.memory_space<vmem>>
          %dma_wait3A_583 = tpu.memref_squeeze %dma_wait3A_582 : memref<1x128xi32, #tpu.memory_space<vmem>> -> memref<128xi32, #tpu.memory_space<vmem>>
          %dma_wait3A_584 = arith.constant 0 : i32
          %dma_wait3A_585 = arith.constant 0 : i32
          %dma_wait3A_586 = tpu.memref_slice %arg17[%dma_wait3A_584, %dma_wait3A_585] : memref<10240x64xbf16, #tpu.memory_space<vmem_shared>> -> memref<10240x64xbf16, #tpu.memory_space<vmem_shared>>
          tpu.wait_indirect_dma semaphore(%run_scoped3A_566 : memref<!tpu.dma_semaphore, #tpu.memory_space<semaphore_mem>>) src(%dma_wait3A_580 : memref<128x64xbf16, #tpu.memory_space<vmem>>) dst(%dma_wait3A_586 : memref<10240x64xbf16, #tpu.memory_space<vmem_shared>>)
          tpu.yield
        }) : () -> ()
        %add3A_515 = arith.constant 4 : i32
        %add3A_516 = arith.addi %add3A_499, %add3A_515 : i32
        %dma_start3A_517 = arith.constant 2 : i32
        %dma_start3A_518 = arith.constant 2 : i32
        %dma_start3A_519 = arith.constant 0 : i32
        %dma_start3A_520 = arith.constant 0 : i32
        %dma_start3A_521 = tpu.memref_slice %arg11[%dma_start3A_517, %dma_start3A_519, %dma_start3A_520] : memref<4x128x64xbf16, #tpu.memory_space<vmem>> -> memref<1x128x64xbf16, #tpu.memory_space<vmem>>
        %dma_start3A_522 = tpu.memref_squeeze %dma_start3A_521 : memref<1x128x64xbf16, #tpu.memory_space<vmem>> -> memref<128x64xbf16, #tpu.memory_space<vmem>>
        %dma_start3A_523 = arith.constant 0 : i32
        %dma_start3A_524 = tpu.memref_slice %arg7[%add3A_516, %dma_start3A_523] : memref<20x128xi32, #tpu.memory_space<vmem>> -> memref<1x128xi32, #tpu.memory_space<vmem>>
        %dma_start3A_525 = tpu.memref_squeeze %dma_start3A_524 : memref<1x128xi32, #tpu.memory_space<vmem>> -> memref<128xi32, #tpu.memory_space<vmem>>
        %dma_start3A_526 = arith.constant 0 : i32
        %dma_start3A_527 = arith.constant 0 : i32
        %dma_start3A_528 = tpu.memref_slice %arg18[%dma_start3A_526, %dma_start3A_527] : memref<10240x64xbf16, #tpu.memory_space<vmem_shared>> -> memref<10240x64xbf16, #tpu.memory_space<vmem_shared>>
        %dma_start3A_529 = tpu.memref_slice %arg16[%dma_start3A_518] : memref<4x!tpu.dma_semaphore, #tpu.memory_space<semaphore_mem>> -> memref<1x!tpu.dma_semaphore, #tpu.memory_space<semaphore_mem>>
        %dma_start3A_530 = tpu.memref_squeeze %dma_start3A_529 : memref<1x!tpu.dma_semaphore, #tpu.memory_space<semaphore_mem>> -> memref<!tpu.dma_semaphore, #tpu.memory_space<semaphore_mem>>
        tpu.enqueue_indirect_dma source(%dma_start3A_528 : memref<10240x64xbf16, #tpu.memory_space<vmem_shared>>) target(%dma_start3A_522 : memref<128x64xbf16, #tpu.memory_space<vmem>>) offsets(%dma_start3A_525 : memref<128xi32, #tpu.memory_space<vmem>>) semaphore(%dma_start3A_530 : memref<!tpu.dma_semaphore, #tpu.memory_space<semaphore_mem>>)
        %mul3A_531 = arith.constant 4 : i32
        %mul3A_532 = arith.muli %scan3A_425, %mul3A_531 : i32
        %add3A_533 = arith.constant 3 : i32
        %add3A_534 = arith.addi %mul3A_532, %add3A_533 : i32
        %dma_wait3A_535 = arith.constant 3 : i32
        %dma_wait3A_536 = arith.constant 3 : i32
        %dma_wait3A_537 = arith.constant 0 : i32
        %dma_wait3A_538 = arith.constant 0 : i32
        %dma_wait3A_539 = tpu.memref_slice %arg11[%dma_wait3A_535, %dma_wait3A_537, %dma_wait3A_538] : memref<4x128x64xbf16, #tpu.memory_space<vmem>> -> memref<1x128x64xbf16, #tpu.memory_space<vmem>>
        %dma_wait3A_540 = tpu.memref_squeeze %dma_wait3A_539 : memref<1x128x64xbf16, #tpu.memory_space<vmem>> -> memref<128x64xbf16, #tpu.memory_space<vmem>>
        %dma_wait3A_541 = arith.constant 0 : i32
        %dma_wait3A_542 = tpu.memref_slice %arg7[%add3A_534, %dma_wait3A_541] : memref<20x128xi32, #tpu.memory_space<vmem>> -> memref<1x128xi32, #tpu.memory_space<vmem>>
        %dma_wait3A_543 = tpu.memref_squeeze %dma_wait3A_542 : memref<1x128xi32, #tpu.memory_space<vmem>> -> memref<128xi32, #tpu.memory_space<vmem>>
        %dma_wait3A_544 = arith.constant 0 : i32
        %dma_wait3A_545 = arith.constant 0 : i32
        %dma_wait3A_546 = tpu.memref_slice %arg18[%dma_wait3A_544, %dma_wait3A_545] : memref<10240x64xbf16, #tpu.memory_space<vmem_shared>> -> memref<10240x64xbf16, #tpu.memory_space<vmem_shared>>
        %dma_wait3A_547 = tpu.memref_slice %arg16[%dma_wait3A_536] : memref<4x!tpu.dma_semaphore, #tpu.memory_space<semaphore_mem>> -> memref<1x!tpu.dma_semaphore, #tpu.memory_space<semaphore_mem>>
        %dma_wait3A_548 = tpu.memref_squeeze %dma_wait3A_547 : memref<1x!tpu.dma_semaphore, #tpu.memory_space<semaphore_mem>> -> memref<!tpu.dma_semaphore, #tpu.memory_space<semaphore_mem>>
        tpu.wait_indirect_dma semaphore(%dma_wait3A_548 : memref<!tpu.dma_semaphore, #tpu.memory_space<semaphore_mem>>) src(%dma_wait3A_546 : memref<10240x64xbf16, #tpu.memory_space<vmem_shared>>) dst(%dma_wait3A_540 : memref<128x64xbf16, #tpu.memory_space<vmem>>)
        %run_scoped3A_549 = arith.constant 3 : i32
        "tpu.region"() ({
          %run_scoped3A_566 = tpu.sem_alloc : memref<!tpu.dma_semaphore, #tpu.memory_space<semaphore_mem>>
          %dma_start3A_567 = arith.constant 0 : i32
          %dma_start3A_568 = arith.constant 0 : i32
          %dma_start3A_569 = tpu.memref_slice %arg11[%run_scoped3A_549, %dma_start3A_567, %dma_start3A_568] : memref<4x128x64xbf16, #tpu.memory_space<vmem>> -> memref<1x128x64xbf16, #tpu.memory_space<vmem>>
          %dma_start3A_570 = tpu.memref_squeeze %dma_start3A_569 : memref<1x128x64xbf16, #tpu.memory_space<vmem>> -> memref<128x64xbf16, #tpu.memory_space<vmem>>
          %dma_start3A_571 = arith.constant 0 : i32
          %dma_start3A_572 = tpu.memref_slice %arg8[%add3A_534, %dma_start3A_571] : memref<20x128xi32, #tpu.memory_space<vmem>> -> memref<1x128xi32, #tpu.memory_space<vmem>>
          %dma_start3A_573 = tpu.memref_squeeze %dma_start3A_572 : memref<1x128xi32, #tpu.memory_space<vmem>> -> memref<128xi32, #tpu.memory_space<vmem>>
          %dma_start3A_574 = arith.constant 0 : i32
          %dma_start3A_575 = arith.constant 0 : i32
          %dma_start3A_576 = tpu.memref_slice %arg17[%dma_start3A_574, %dma_start3A_575] : memref<10240x64xbf16, #tpu.memory_space<vmem_shared>> -> memref<10240x64xbf16, #tpu.memory_space<vmem_shared>>
          tpu.enqueue_indirect_dma source(%dma_start3A_570 : memref<128x64xbf16, #tpu.memory_space<vmem>>) target(%dma_start3A_576 : memref<10240x64xbf16, #tpu.memory_space<vmem_shared>>) offsets(%dma_start3A_573 : memref<128xi32, #tpu.memory_space<vmem>>) semaphore(%run_scoped3A_566 : memref<!tpu.dma_semaphore, #tpu.memory_space<semaphore_mem>>) {add = true}
          %dma_wait3A_577 = arith.constant 0 : i32
          %dma_wait3A_578 = arith.constant 0 : i32
          %dma_wait3A_579 = tpu.memref_slice %arg11[%run_scoped3A_549, %dma_wait3A_577, %dma_wait3A_578] : memref<4x128x64xbf16, #tpu.memory_space<vmem>> -> memref<1x128x64xbf16, #tpu.memory_space<vmem>>
          %dma_wait3A_580 = tpu.memref_squeeze %dma_wait3A_579 : memref<1x128x64xbf16, #tpu.memory_space<vmem>> -> memref<128x64xbf16, #tpu.memory_space<vmem>>
          %dma_wait3A_581 = arith.constant 0 : i32
          %dma_wait3A_582 = tpu.memref_slice %arg8[%add3A_534, %dma_wait3A_581] : memref<20x128xi32, #tpu.memory_space<vmem>> -> memref<1x128xi32, #tpu.memory_space<vmem>>
          %dma_wait3A_583 = tpu.memref_squeeze %dma_wait3A_582 : memref<1x128xi32, #tpu.memory_space<vmem>> -> memref<128xi32, #tpu.memory_space<vmem>>
          %dma_wait3A_584 = arith.constant 0 : i32
          %dma_wait3A_585 = arith.constant 0 : i32
          %dma_wait3A_586 = tpu.memref_slice %arg17[%dma_wait3A_584, %dma_wait3A_585] : memref<10240x64xbf16, #tpu.memory_space<vmem_shared>> -> memref<10240x64xbf16, #tpu.memory_space<vmem_shared>>
          tpu.wait_indirect_dma semaphore(%run_scoped3A_566 : memref<!tpu.dma_semaphore, #tpu.memory_space<semaphore_mem>>) src(%dma_wait3A_580 : memref<128x64xbf16, #tpu.memory_space<vmem>>) dst(%dma_wait3A_586 : memref<10240x64xbf16, #tpu.memory_space<vmem_shared>>)
          tpu.yield
        }) : () -> ()
        %add3A_550 = arith.constant 4 : i32
        %add3A_551 = arith.addi %add3A_534, %add3A_550 : i32
        %dma_start3A_552 = arith.constant 3 : i32
        %dma_start3A_553 = arith.constant 3 : i32
        %dma_start3A_554 = arith.constant 0 : i32
        %dma_start3A_555 = arith.constant 0 : i32
        %dma_start3A_556 = tpu.memref_slice %arg11[%dma_start3A_552, %dma_start3A_554, %dma_start3A_555] : memref<4x128x64xbf16, #tpu.memory_space<vmem>> -> memref<1x128x64xbf16, #tpu.memory_space<vmem>>
        %dma_start3A_557 = tpu.memref_squeeze %dma_start3A_556 : memref<1x128x64xbf16, #tpu.memory_space<vmem>> -> memref<128x64xbf16, #tpu.memory_space<vmem>>
        %dma_start3A_558 = arith.constant 0 : i32
        %dma_start3A_559 = tpu.memref_slice %arg7[%add3A_551, %dma_start3A_558] : memref<20x128xi32, #tpu.memory_space<vmem>> -> memref<1x128xi32, #tpu.memory_space<vmem>>
        %dma_start3A_560 = tpu.memref_squeeze %dma_start3A_559 : memref<1x128xi32, #tpu.memory_space<vmem>> -> memref<128xi32, #tpu.memory_space<vmem>>
        %dma_start3A_561 = arith.constant 0 : i32
        %dma_start3A_562 = arith.constant 0 : i32
        %dma_start3A_563 = tpu.memref_slice %arg18[%dma_start3A_561, %dma_start3A_562] : memref<10240x64xbf16, #tpu.memory_space<vmem_shared>> -> memref<10240x64xbf16, #tpu.memory_space<vmem_shared>>
        %dma_start3A_564 = tpu.memref_slice %arg16[%dma_start3A_553] : memref<4x!tpu.dma_semaphore, #tpu.memory_space<semaphore_mem>> -> memref<1x!tpu.dma_semaphore, #tpu.memory_space<semaphore_mem>>
        %dma_start3A_565 = tpu.memref_squeeze %dma_start3A_564 : memref<1x!tpu.dma_semaphore, #tpu.memory_space<semaphore_mem>> -> memref<!tpu.dma_semaphore, #tpu.memory_space<semaphore_mem>>
        tpu.enqueue_indirect_dma source(%dma_start3A_563 : memref<10240x64xbf16, #tpu.memory_space<vmem_shared>>) target(%dma_start3A_557 : memref<128x64xbf16, #tpu.memory_space<vmem>>) offsets(%dma_start3A_560 : memref<128xi32, #tpu.memory_space<vmem>>) semaphore(%dma_start3A_565 : memref<!tpu.dma_semaphore, #tpu.memory_space<semaphore_mem>>)
      }
      %scan3A_204 = arith.constant 4 : i32
      %dma_wait3A_205 = arith.constant 16 : i32
      %dma_wait3A_206 = arith.constant 0 : i32
      %dma_wait3A_207 = arith.constant 0 : i32
      %dma_wait3A_208 = arith.constant 0 : i32
      %dma_wait3A_209 = arith.constant 0 : i32
      %dma_wait3A_210 = tpu.memref_slice %arg11[%dma_wait3A_206, %dma_wait3A_208, %dma_wait3A_209] : memref<4x128x64xbf16, #tpu.memory_space<vmem>> -> memref<1x128x64xbf16, #tpu.memory_space<vmem>>
      %dma_wait3A_211 = tpu.memref_squeeze %dma_wait3A_210 : memref<1x128x64xbf16, #tpu.memory_space<vmem>> -> memref<128x64xbf16, #tpu.memory_space<vmem>>
      %dma_wait3A_212 = arith.constant 0 : i32
      %dma_wait3A_213 = tpu.memref_slice %arg7[%dma_wait3A_205, %dma_wait3A_212] : memref<20x128xi32, #tpu.memory_space<vmem>> -> memref<1x128xi32, #tpu.memory_space<vmem>>
      %dma_wait3A_214 = tpu.memref_squeeze %dma_wait3A_213 : memref<1x128xi32, #tpu.memory_space<vmem>> -> memref<128xi32, #tpu.memory_space<vmem>>
      %dma_wait3A_215 = arith.constant 0 : i32
      %dma_wait3A_216 = arith.constant 0 : i32
      %dma_wait3A_217 = tpu.memref_slice %arg18[%dma_wait3A_215, %dma_wait3A_216] : memref<10240x64xbf16, #tpu.memory_space<vmem_shared>> -> memref<10240x64xbf16, #tpu.memory_space<vmem_shared>>
      %dma_wait3A_218 = tpu.memref_slice %arg16[%dma_wait3A_207] : memref<4x!tpu.dma_semaphore, #tpu.memory_space<semaphore_mem>> -> memref<1x!tpu.dma_semaphore, #tpu.memory_space<semaphore_mem>>
      %dma_wait3A_219 = tpu.memref_squeeze %dma_wait3A_218 : memref<1x!tpu.dma_semaphore, #tpu.memory_space<semaphore_mem>> -> memref<!tpu.dma_semaphore, #tpu.memory_space<semaphore_mem>>
      tpu.wait_indirect_dma semaphore(%dma_wait3A_219 : memref<!tpu.dma_semaphore, #tpu.memory_space<semaphore_mem>>) src(%dma_wait3A_217 : memref<10240x64xbf16, #tpu.memory_space<vmem_shared>>) dst(%dma_wait3A_211 : memref<128x64xbf16, #tpu.memory_space<vmem>>)
      %run_scoped3A_220 = arith.constant 0 : i32
      %run_scoped3A_221 = arith.constant 16 : i32
      "tpu.region"() ({
        %run_scoped3A_425 = tpu.sem_alloc : memref<!tpu.dma_semaphore, #tpu.memory_space<semaphore_mem>>
        %dma_start3A_426 = arith.constant 0 : i32
        %dma_start3A_427 = arith.constant 0 : i32
        %dma_start3A_428 = tpu.memref_slice %arg11[%run_scoped3A_220, %dma_start3A_426, %dma_start3A_427] : memref<4x128x64xbf16, #tpu.memory_space<vmem>> -> memref<1x128x64xbf16, #tpu.memory_space<vmem>>
        %dma_start3A_429 = tpu.memref_squeeze %dma_start3A_428 : memref<1x128x64xbf16, #tpu.memory_space<vmem>> -> memref<128x64xbf16, #tpu.memory_space<vmem>>
        %dma_start3A_430 = arith.constant 0 : i32
        %dma_start3A_431 = tpu.memref_slice %arg8[%run_scoped3A_221, %dma_start3A_430] : memref<20x128xi32, #tpu.memory_space<vmem>> -> memref<1x128xi32, #tpu.memory_space<vmem>>
        %dma_start3A_432 = tpu.memref_squeeze %dma_start3A_431 : memref<1x128xi32, #tpu.memory_space<vmem>> -> memref<128xi32, #tpu.memory_space<vmem>>
        %dma_start3A_433 = arith.constant 0 : i32
        %dma_start3A_434 = arith.constant 0 : i32
        %dma_start3A_435 = tpu.memref_slice %arg17[%dma_start3A_433, %dma_start3A_434] : memref<10240x64xbf16, #tpu.memory_space<vmem_shared>> -> memref<10240x64xbf16, #tpu.memory_space<vmem_shared>>
        tpu.enqueue_indirect_dma source(%dma_start3A_429 : memref<128x64xbf16, #tpu.memory_space<vmem>>) target(%dma_start3A_435 : memref<10240x64xbf16, #tpu.memory_space<vmem_shared>>) offsets(%dma_start3A_432 : memref<128xi32, #tpu.memory_space<vmem>>) semaphore(%run_scoped3A_425 : memref<!tpu.dma_semaphore, #tpu.memory_space<semaphore_mem>>) {add = true}
        %dma_wait3A_436 = arith.constant 0 : i32
        %dma_wait3A_437 = arith.constant 0 : i32
        %dma_wait3A_438 = tpu.memref_slice %arg11[%run_scoped3A_220, %dma_wait3A_436, %dma_wait3A_437] : memref<4x128x64xbf16, #tpu.memory_space<vmem>> -> memref<1x128x64xbf16, #tpu.memory_space<vmem>>
        %dma_wait3A_439 = tpu.memref_squeeze %dma_wait3A_438 : memref<1x128x64xbf16, #tpu.memory_space<vmem>> -> memref<128x64xbf16, #tpu.memory_space<vmem>>
        %dma_wait3A_440 = arith.constant 0 : i32
        %dma_wait3A_441 = tpu.memref_slice %arg8[%run_scoped3A_221, %dma_wait3A_440] : memref<20x128xi32, #tpu.memory_space<vmem>> -> memref<1x128xi32, #tpu.memory_space<vmem>>
        %dma_wait3A_442 = tpu.memref_squeeze %dma_wait3A_441 : memref<1x128xi32, #tpu.memory_space<vmem>> -> memref<128xi32, #tpu.memory_space<vmem>>
        %dma_wait3A_443 = arith.constant 0 : i32
        %dma_wait3A_444 = arith.constant 0 : i32
        %dma_wait3A_445 = tpu.memref_slice %arg17[%dma_wait3A_443, %dma_wait3A_444] : memref<10240x64xbf16, #tpu.memory_space<vmem_shared>> -> memref<10240x64xbf16, #tpu.memory_space<vmem_shared>>
        tpu.wait_indirect_dma semaphore(%run_scoped3A_425 : memref<!tpu.dma_semaphore, #tpu.memory_space<semaphore_mem>>) src(%dma_wait3A_439 : memref<128x64xbf16, #tpu.memory_space<vmem>>) dst(%dma_wait3A_445 : memref<10240x64xbf16, #tpu.memory_space<vmem_shared>>)
        tpu.yield
      }) : () -> ()
      %dma_wait3A_222 = arith.constant 17 : i32
      %dma_wait3A_223 = arith.constant 1 : i32
      %dma_wait3A_224 = arith.constant 1 : i32
      %dma_wait3A_225 = arith.constant 0 : i32
      %dma_wait3A_226 = arith.constant 0 : i32
      %dma_wait3A_227 = tpu.memref_slice %arg11[%dma_wait3A_223, %dma_wait3A_225, %dma_wait3A_226] : memref<4x128x64xbf16, #tpu.memory_space<vmem>> -> memref<1x128x64xbf16, #tpu.memory_space<vmem>>
      %dma_wait3A_228 = tpu.memref_squeeze %dma_wait3A_227 : memref<1x128x64xbf16, #tpu.memory_space<vmem>> -> memref<128x64xbf16, #tpu.memory_space<vmem>>
      %dma_wait3A_229 = arith.constant 0 : i32
      %dma_wait3A_230 = tpu.memref_slice %arg7[%dma_wait3A_222, %dma_wait3A_229] : memref<20x128xi32, #tpu.memory_space<vmem>> -> memref<1x128xi32, #tpu.memory_space<vmem>>
      %dma_wait3A_231 = tpu.memref_squeeze %dma_wait3A_230 : memref<1x128xi32, #tpu.memory_space<vmem>> -> memref<128xi32, #tpu.memory_space<vmem>>
      %dma_wait3A_232 = arith.constant 0 : i32
      %dma_wait3A_233 = arith.constant 0 : i32
      %dma_wait3A_234 = tpu.memref_slice %arg18[%dma_wait3A_232, %dma_wait3A_233] : memref<10240x64xbf16, #tpu.memory_space<vmem_shared>> -> memref<10240x64xbf16, #tpu.memory_space<vmem_shared>>
      %dma_wait3A_235 = tpu.memref_slice %arg16[%dma_wait3A_224] : memref<4x!tpu.dma_semaphore, #tpu.memory_space<semaphore_mem>> -> memref<1x!tpu.dma_semaphore, #tpu.memory_space<semaphore_mem>>
      %dma_wait3A_236 = tpu.memref_squeeze %dma_wait3A_235 : memref<1x!tpu.dma_semaphore, #tpu.memory_space<semaphore_mem>> -> memref<!tpu.dma_semaphore, #tpu.memory_space<semaphore_mem>>
      tpu.wait_indirect_dma semaphore(%dma_wait3A_236 : memref<!tpu.dma_semaphore, #tpu.memory_space<semaphore_mem>>) src(%dma_wait3A_234 : memref<10240x64xbf16, #tpu.memory_space<vmem_shared>>) dst(%dma_wait3A_228 : memref<128x64xbf16, #tpu.memory_space<vmem>>)
      %run_scoped3A_237 = arith.constant 1 : i32
      %run_scoped3A_238 = arith.constant 17 : i32
      "tpu.region"() ({
        %run_scoped3A_425 = tpu.sem_alloc : memref<!tpu.dma_semaphore, #tpu.memory_space<semaphore_mem>>
        %dma_start3A_426 = arith.constant 0 : i32
        %dma_start3A_427 = arith.constant 0 : i32
        %dma_start3A_428 = tpu.memref_slice %arg11[%run_scoped3A_237, %dma_start3A_426, %dma_start3A_427] : memref<4x128x64xbf16, #tpu.memory_space<vmem>> -> memref<1x128x64xbf16, #tpu.memory_space<vmem>>
        %dma_start3A_429 = tpu.memref_squeeze %dma_start3A_428 : memref<1x128x64xbf16, #tpu.memory_space<vmem>> -> memref<128x64xbf16, #tpu.memory_space<vmem>>
        %dma_start3A_430 = arith.constant 0 : i32
        %dma_start3A_431 = tpu.memref_slice %arg8[%run_scoped3A_238, %dma_start3A_430] : memref<20x128xi32, #tpu.memory_space<vmem>> -> memref<1x128xi32, #tpu.memory_space<vmem>>
        %dma_start3A_432 = tpu.memref_squeeze %dma_start3A_431 : memref<1x128xi32, #tpu.memory_space<vmem>> -> memref<128xi32, #tpu.memory_space<vmem>>
        %dma_start3A_433 = arith.constant 0 : i32
        %dma_start3A_434 = arith.constant 0 : i32
        %dma_start3A_435 = tpu.memref_slice %arg17[%dma_start3A_433, %dma_start3A_434] : memref<10240x64xbf16, #tpu.memory_space<vmem_shared>> -> memref<10240x64xbf16, #tpu.memory_space<vmem_shared>>
        tpu.enqueue_indirect_dma source(%dma_start3A_429 : memref<128x64xbf16, #tpu.memory_space<vmem>>) target(%dma_start3A_435 : memref<10240x64xbf16, #tpu.memory_space<vmem_shared>>) offsets(%dma_start3A_432 : memref<128xi32, #tpu.memory_space<vmem>>) semaphore(%run_scoped3A_425 : memref<!tpu.dma_semaphore, #tpu.memory_space<semaphore_mem>>) {add = true}
        %dma_wait3A_436 = arith.constant 0 : i32
        %dma_wait3A_437 = arith.constant 0 : i32
        %dma_wait3A_438 = tpu.memref_slice %arg11[%run_scoped3A_237, %dma_wait3A_436, %dma_wait3A_437] : memref<4x128x64xbf16, #tpu.memory_space<vmem>> -> memref<1x128x64xbf16, #tpu.memory_space<vmem>>
        %dma_wait3A_439 = tpu.memref_squeeze %dma_wait3A_438 : memref<1x128x64xbf16, #tpu.memory_space<vmem>> -> memref<128x64xbf16, #tpu.memory_space<vmem>>
        %dma_wait3A_440 = arith.constant 0 : i32
        %dma_wait3A_441 = tpu.memref_slice %arg8[%run_scoped3A_238, %dma_wait3A_440] : memref<20x128xi32, #tpu.memory_space<vmem>> -> memref<1x128xi32, #tpu.memory_space<vmem>>
        %dma_wait3A_442 = tpu.memref_squeeze %dma_wait3A_441 : memref<1x128xi32, #tpu.memory_space<vmem>> -> memref<128xi32, #tpu.memory_space<vmem>>
        %dma_wait3A_443 = arith.constant 0 : i32
        %dma_wait3A_444 = arith.constant 0 : i32
        %dma_wait3A_445 = tpu.memref_slice %arg17[%dma_wait3A_443, %dma_wait3A_444] : memref<10240x64xbf16, #tpu.memory_space<vmem_shared>> -> memref<10240x64xbf16, #tpu.memory_space<vmem_shared>>
        tpu.wait_indirect_dma semaphore(%run_scoped3A_425 : memref<!tpu.dma_semaphore, #tpu.memory_space<semaphore_mem>>) src(%dma_wait3A_439 : memref<128x64xbf16, #tpu.memory_space<vmem>>) dst(%dma_wait3A_445 : memref<10240x64xbf16, #tpu.memory_space<vmem_shared>>)
        tpu.yield
      }) : () -> ()
      %dma_wait3A_239 = arith.constant 18 : i32
      %dma_wait3A_240 = arith.constant 2 : i32
      %dma_wait3A_241 = arith.constant 2 : i32
      %dma_wait3A_242 = arith.constant 0 : i32
      %dma_wait3A_243 = arith.constant 0 : i32
      %dma_wait3A_244 = tpu.memref_slice %arg11[%dma_wait3A_240, %dma_wait3A_242, %dma_wait3A_243] : memref<4x128x64xbf16, #tpu.memory_space<vmem>> -> memref<1x128x64xbf16, #tpu.memory_space<vmem>>
      %dma_wait3A_245 = tpu.memref_squeeze %dma_wait3A_244 : memref<1x128x64xbf16, #tpu.memory_space<vmem>> -> memref<128x64xbf16, #tpu.memory_space<vmem>>
      %dma_wait3A_246 = arith.constant 0 : i32
      %dma_wait3A_247 = tpu.memref_slice %arg7[%dma_wait3A_239, %dma_wait3A_246] : memref<20x128xi32, #tpu.memory_space<vmem>> -> memref<1x128xi32, #tpu.memory_space<vmem>>
      %dma_wait3A_248 = tpu.memref_squeeze %dma_wait3A_247 : memref<1x128xi32, #tpu.memory_space<vmem>> -> memref<128xi32, #tpu.memory_space<vmem>>
      %dma_wait3A_249 = arith.constant 0 : i32
      %dma_wait3A_250 = arith.constant 0 : i32
      %dma_wait3A_251 = tpu.memref_slice %arg18[%dma_wait3A_249, %dma_wait3A_250] : memref<10240x64xbf16, #tpu.memory_space<vmem_shared>> -> memref<10240x64xbf16, #tpu.memory_space<vmem_shared>>
      %dma_wait3A_252 = tpu.memref_slice %arg16[%dma_wait3A_241] : memref<4x!tpu.dma_semaphore, #tpu.memory_space<semaphore_mem>> -> memref<1x!tpu.dma_semaphore, #tpu.memory_space<semaphore_mem>>
      %dma_wait3A_253 = tpu.memref_squeeze %dma_wait3A_252 : memref<1x!tpu.dma_semaphore, #tpu.memory_space<semaphore_mem>> -> memref<!tpu.dma_semaphore, #tpu.memory_space<semaphore_mem>>
      tpu.wait_indirect_dma semaphore(%dma_wait3A_253 : memref<!tpu.dma_semaphore, #tpu.memory_space<semaphore_mem>>) src(%dma_wait3A_251 : memref<10240x64xbf16, #tpu.memory_space<vmem_shared>>) dst(%dma_wait3A_245 : memref<128x64xbf16, #tpu.memory_space<vmem>>)
      %run_scoped3A_254 = arith.constant 2 : i32
      %run_scoped3A_255 = arith.constant 18 : i32
      "tpu.region"() ({
        %run_scoped3A_425 = tpu.sem_alloc : memref<!tpu.dma_semaphore, #tpu.memory_space<semaphore_mem>>
        %dma_start3A_426 = arith.constant 0 : i32
        %dma_start3A_427 = arith.constant 0 : i32
        %dma_start3A_428 = tpu.memref_slice %arg11[%run_scoped3A_254, %dma_start3A_426, %dma_start3A_427] : memref<4x128x64xbf16, #tpu.memory_space<vmem>> -> memref<1x128x64xbf16, #tpu.memory_space<vmem>>
        %dma_start3A_429 = tpu.memref_squeeze %dma_start3A_428 : memref<1x128x64xbf16, #tpu.memory_space<vmem>> -> memref<128x64xbf16, #tpu.memory_space<vmem>>
        %dma_start3A_430 = arith.constant 0 : i32
        %dma_start3A_431 = tpu.memref_slice %arg8[%run_scoped3A_255, %dma_start3A_430] : memref<20x128xi32, #tpu.memory_space<vmem>> -> memref<1x128xi32, #tpu.memory_space<vmem>>
        %dma_start3A_432 = tpu.memref_squeeze %dma_start3A_431 : memref<1x128xi32, #tpu.memory_space<vmem>> -> memref<128xi32, #tpu.memory_space<vmem>>
        %dma_start3A_433 = arith.constant 0 : i32
        %dma_start3A_434 = arith.constant 0 : i32
        %dma_start3A_435 = tpu.memref_slice %arg17[%dma_start3A_433, %dma_start3A_434] : memref<10240x64xbf16, #tpu.memory_space<vmem_shared>> -> memref<10240x64xbf16, #tpu.memory_space<vmem_shared>>
        tpu.enqueue_indirect_dma source(%dma_start3A_429 : memref<128x64xbf16, #tpu.memory_space<vmem>>) target(%dma_start3A_435 : memref<10240x64xbf16, #tpu.memory_space<vmem_shared>>) offsets(%dma_start3A_432 : memref<128xi32, #tpu.memory_space<vmem>>) semaphore(%run_scoped3A_425 : memref<!tpu.dma_semaphore, #tpu.memory_space<semaphore_mem>>) {add = true}
        %dma_wait3A_436 = arith.constant 0 : i32
        %dma_wait3A_437 = arith.constant 0 : i32
        %dma_wait3A_438 = tpu.memref_slice %arg11[%run_scoped3A_254, %dma_wait3A_436, %dma_wait3A_437] : memref<4x128x64xbf16, #tpu.memory_space<vmem>> -> memref<1x128x64xbf16, #tpu.memory_space<vmem>>
        %dma_wait3A_439 = tpu.memref_squeeze %dma_wait3A_438 : memref<1x128x64xbf16, #tpu.memory_space<vmem>> -> memref<128x64xbf16, #tpu.memory_space<vmem>>
        %dma_wait3A_440 = arith.constant 0 : i32
        %dma_wait3A_441 = tpu.memref_slice %arg8[%run_scoped3A_255, %dma_wait3A_440] : memref<20x128xi32, #tpu.memory_space<vmem>> -> memref<1x128xi32, #tpu.memory_space<vmem>>
        %dma_wait3A_442 = tpu.memref_squeeze %dma_wait3A_441 : memref<1x128xi32, #tpu.memory_space<vmem>> -> memref<128xi32, #tpu.memory_space<vmem>>
        %dma_wait3A_443 = arith.constant 0 : i32
        %dma_wait3A_444 = arith.constant 0 : i32
        %dma_wait3A_445 = tpu.memref_slice %arg17[%dma_wait3A_443, %dma_wait3A_444] : memref<10240x64xbf16, #tpu.memory_space<vmem_shared>> -> memref<10240x64xbf16, #tpu.memory_space<vmem_shared>>
        tpu.wait_indirect_dma semaphore(%run_scoped3A_425 : memref<!tpu.dma_semaphore, #tpu.memory_space<semaphore_mem>>) src(%dma_wait3A_439 : memref<128x64xbf16, #tpu.memory_space<vmem>>) dst(%dma_wait3A_445 : memref<10240x64xbf16, #tpu.memory_space<vmem_shared>>)
        tpu.yield
      }) : () -> ()
      %dma_wait3A_256 = arith.constant 19 : i32
      %dma_wait3A_257 = arith.constant 3 : i32
      %dma_wait3A_258 = arith.constant 3 : i32
      %dma_wait3A_259 = arith.constant 0 : i32
      %dma_wait3A_260 = arith.constant 0 : i32
      %dma_wait3A_261 = tpu.memref_slice %arg11[%dma_wait3A_257, %dma_wait3A_259, %dma_wait3A_260] : memref<4x128x64xbf16, #tpu.memory_space<vmem>> -> memref<1x128x64xbf16, #tpu.memory_space<vmem>>
      %dma_wait3A_262 = tpu.memref_squeeze %dma_wait3A_261 : memref<1x128x64xbf16, #tpu.memory_space<vmem>> -> memref<128x64xbf16, #tpu.memory_space<vmem>>
      %dma_wait3A_263 = arith.constant 0 : i32
      %dma_wait3A_264 = tpu.memref_slice %arg7[%dma_wait3A_256, %dma_wait3A_263] : memref<20x128xi32, #tpu.memory_space<vmem>> -> memref<1x128xi32, #tpu.memory_space<vmem>>
      %dma_wait3A_265 = tpu.memref_squeeze %dma_wait3A_264 : memref<1x128xi32, #tpu.memory_space<vmem>> -> memref<128xi32, #tpu.memory_space<vmem>>
      %dma_wait3A_266 = arith.constant 0 : i32
      %dma_wait3A_267 = arith.constant 0 : i32
      %dma_wait3A_268 = tpu.memref_slice %arg18[%dma_wait3A_266, %dma_wait3A_267] : memref<10240x64xbf16, #tpu.memory_space<vmem_shared>> -> memref<10240x64xbf16, #tpu.memory_space<vmem_shared>>
      %dma_wait3A_269 = tpu.memref_slice %arg16[%dma_wait3A_258] : memref<4x!tpu.dma_semaphore, #tpu.memory_space<semaphore_mem>> -> memref<1x!tpu.dma_semaphore, #tpu.memory_space<semaphore_mem>>
      %dma_wait3A_270 = tpu.memref_squeeze %dma_wait3A_269 : memref<1x!tpu.dma_semaphore, #tpu.memory_space<semaphore_mem>> -> memref<!tpu.dma_semaphore, #tpu.memory_space<semaphore_mem>>
      tpu.wait_indirect_dma semaphore(%dma_wait3A_270 : memref<!tpu.dma_semaphore, #tpu.memory_space<semaphore_mem>>) src(%dma_wait3A_268 : memref<10240x64xbf16, #tpu.memory_space<vmem_shared>>) dst(%dma_wait3A_262 : memref<128x64xbf16, #tpu.memory_space<vmem>>)
      %run_scoped3A_271 = arith.constant 3 : i32
      %run_scoped3A_272 = arith.constant 19 : i32
      "tpu.region"() ({
        %run_scoped3A_425 = tpu.sem_alloc : memref<!tpu.dma_semaphore, #tpu.memory_space<semaphore_mem>>
        %dma_start3A_426 = arith.constant 0 : i32
        %dma_start3A_427 = arith.constant 0 : i32
        %dma_start3A_428 = tpu.memref_slice %arg11[%run_scoped3A_271, %dma_start3A_426, %dma_start3A_427] : memref<4x128x64xbf16, #tpu.memory_space<vmem>> -> memref<1x128x64xbf16, #tpu.memory_space<vmem>>
        %dma_start3A_429 = tpu.memref_squeeze %dma_start3A_428 : memref<1x128x64xbf16, #tpu.memory_space<vmem>> -> memref<128x64xbf16, #tpu.memory_space<vmem>>
        %dma_start3A_430 = arith.constant 0 : i32
        %dma_start3A_431 = tpu.memref_slice %arg8[%run_scoped3A_272, %dma_start3A_430] : memref<20x128xi32, #tpu.memory_space<vmem>> -> memref<1x128xi32, #tpu.memory_space<vmem>>
        %dma_start3A_432 = tpu.memref_squeeze %dma_start3A_431 : memref<1x128xi32, #tpu.memory_space<vmem>> -> memref<128xi32, #tpu.memory_space<vmem>>
        %dma_start3A_433 = arith.constant 0 : i32
        %dma_start3A_434 = arith.constant 0 : i32
        %dma_start3A_435 = tpu.memref_slice %arg17[%dma_start3A_433, %dma_start3A_434] : memref<10240x64xbf16, #tpu.memory_space<vmem_shared>> -> memref<10240x64xbf16, #tpu.memory_space<vmem_shared>>
        tpu.enqueue_indirect_dma source(%dma_start3A_429 : memref<128x64xbf16, #tpu.memory_space<vmem>>) target(%dma_start3A_435 : memref<10240x64xbf16, #tpu.memory_space<vmem_shared>>) offsets(%dma_start3A_432 : memref<128xi32, #tpu.memory_space<vmem>>) semaphore(%run_scoped3A_425 : memref<!tpu.dma_semaphore, #tpu.memory_space<semaphore_mem>>) {add = true}
        %dma_wait3A_436 = arith.constant 0 : i32
        %dma_wait3A_437 = arith.constant 0 : i32
        %dma_wait3A_438 = tpu.memref_slice %arg11[%run_scoped3A_271, %dma_wait3A_436, %dma_wait3A_437] : memref<4x128x64xbf16, #tpu.memory_space<vmem>> -> memref<1x128x64xbf16, #tpu.memory_space<vmem>>
        %dma_wait3A_439 = tpu.memref_squeeze %dma_wait3A_438 : memref<1x128x64xbf16, #tpu.memory_space<vmem>> -> memref<128x64xbf16, #tpu.memory_space<vmem>>
        %dma_wait3A_440 = arith.constant 0 : i32
        %dma_wait3A_441 = tpu.memref_slice %arg8[%run_scoped3A_272, %dma_wait3A_440] : memref<20x128xi32, #tpu.memory_space<vmem>> -> memref<1x128xi32, #tpu.memory_space<vmem>>
        %dma_wait3A_442 = tpu.memref_squeeze %dma_wait3A_441 : memref<1x128xi32, #tpu.memory_space<vmem>> -> memref<128xi32, #tpu.memory_space<vmem>>
        %dma_wait3A_443 = arith.constant 0 : i32
        %dma_wait3A_444 = arith.constant 0 : i32
        %dma_wait3A_445 = tpu.memref_slice %arg17[%dma_wait3A_443, %dma_wait3A_444] : memref<10240x64xbf16, #tpu.memory_space<vmem_shared>> -> memref<10240x64xbf16, #tpu.memory_space<vmem_shared>>
        tpu.wait_indirect_dma semaphore(%run_scoped3A_425 : memref<!tpu.dma_semaphore, #tpu.memory_space<semaphore_mem>>) src(%dma_wait3A_439 : memref<128x64xbf16, #tpu.memory_space<vmem>>) dst(%dma_wait3A_445 : memref<10240x64xbf16, #tpu.memory_space<vmem_shared>>)
        tpu.yield
      }) : () -> ()
      %add3A_273 = arith.constant 1 : i32
      %add3A_274 = arith.addi %mul3A_112, %add3A_273 : i32
      %mul3A_275 = arith.constant 160 : i32
      %mul3A_276 = arith.muli %arg1, %mul3A_275 : i32
      %mul3A_277 = arith.constant 20 : i32
      %mul3A_278 = arith.muli %add3A_274, %mul3A_277 : i32
      %add3A_279 = arith.addi %mul3A_276, %mul3A_278 : i32
      %dma_wait3A_280 = arith.constant 0 : i32
      %dma_wait3A_281 = tpu.memref_slice %arg2[%add3A_279, %dma_wait3A_280] : memref<2560x128xi32, #tpu.memory_space<hbm>> -> memref<20x128xi32, #tpu.memory_space<hbm>>
      %dma_wait3A_282 = arith.constant 0 : i32
      %dma_wait3A_283 = tpu.memref_slice %arg2[%add3A_279, %dma_wait3A_282] : memref<2560x128xi32, #tpu.memory_space<hbm>> -> memref<20x128xi32, #tpu.memory_space<hbm>>
      tpu.wait_dma2 semaphore(%arg14 : memref<!tpu.dma_semaphore, #tpu.memory_space<semaphore_mem>>) src(%dma_wait3A_283 : memref<20x128xi32, #tpu.memory_space<hbm>>) dst(%arg9 : memref<20x128xi32, #tpu.memory_space<vmem>>)
      %dma_wait3A_284 = arith.constant 0 : i32
      %dma_wait3A_285 = tpu.memref_slice %arg3[%add3A_279, %dma_wait3A_284] : memref<2560x128xi32, #tpu.memory_space<hbm>> -> memref<20x128xi32, #tpu.memory_space<hbm>>
      %dma_wait3A_286 = arith.constant 0 : i32
      %dma_wait3A_287 = tpu.memref_slice %arg3[%add3A_279, %dma_wait3A_286] : memref<2560x128xi32, #tpu.memory_space<hbm>> -> memref<20x128xi32, #tpu.memory_space<hbm>>
      tpu.wait_dma2 semaphore(%arg15 : memref<!tpu.dma_semaphore, #tpu.memory_space<semaphore_mem>>) src(%dma_wait3A_287 : memref<20x128xi32, #tpu.memory_space<hbm>>) dst(%arg10 : memref<20x128xi32, #tpu.memory_space<vmem>>)
      %lt3A = arith.constant 3 : i32
      %lt3A_288 = arith.cmpi slt, %scan3A_110, %lt3A : i32
      %convert_element_type3A_289 = arith.extui %lt3A_288 : i1 to i32
      %cond3A_290 = arith.constant 0 : i32
      %cond3A_291 = arith.cmpi ne, %convert_element_type3A_289, %cond3A_290 : i32
      scf.if %cond3A_291 {
        %add3A_425 = arith.constant 2 : i32
        %add3A_426 = arith.addi %mul3A_112, %add3A_425 : i32
        %mul3A_427 = arith.constant 160 : i32
        %mul3A_428 = arith.muli %arg1, %mul3A_427 : i32
        %mul3A_429 = arith.constant 20 : i32
        %mul3A_430 = arith.muli %add3A_426, %mul3A_429 : i32
        %add3A_431 = arith.addi %mul3A_428, %mul3A_430 : i32
        %dma_start3A_432 = arith.constant 0 : i32
        %dma_start3A_433 = tpu.memref_slice %arg2[%add3A_431, %dma_start3A_432] : memref<2560x128xi32, #tpu.memory_space<hbm>> -> memref<20x128xi32, #tpu.memory_space<hbm>>
        %dma_start3A_434 = arith.constant 0 : i32
        %dma_start3A_435 = tpu.memref_slice %arg2[%add3A_431, %dma_start3A_434] : memref<2560x128xi32, #tpu.memory_space<hbm>> -> memref<20x128xi32, #tpu.memory_space<hbm>>
        tpu.enqueue_dma source(%dma_start3A_435 : memref<20x128xi32, #tpu.memory_space<hbm>>) target(%arg7 : memref<20x128xi32, #tpu.memory_space<vmem>>) target_semaphore(%arg12 : memref<!tpu.dma_semaphore, #tpu.memory_space<semaphore_mem>>)
        %dma_start3A_436 = arith.constant 0 : i32
        %dma_start3A_437 = tpu.memref_slice %arg3[%add3A_431, %dma_start3A_436] : memref<2560x128xi32, #tpu.memory_space<hbm>> -> memref<20x128xi32, #tpu.memory_space<hbm>>
        %dma_start3A_438 = arith.constant 0 : i32
        %dma_start3A_439 = tpu.memref_slice %arg3[%add3A_431, %dma_start3A_438] : memref<2560x128xi32, #tpu.memory_space<hbm>> -> memref<20x128xi32, #tpu.memory_space<hbm>>
        tpu.enqueue_dma source(%dma_start3A_439 : memref<20x128xi32, #tpu.memory_space<hbm>>) target(%arg8 : memref<20x128xi32, #tpu.memory_space<vmem>>) target_semaphore(%arg13 : memref<!tpu.dma_semaphore, #tpu.memory_space<semaphore_mem>>)
      } else {
      }
      %dma_start3A_292 = arith.constant 0 : i32
      %dma_start3A_293 = arith.constant 0 : i32
      %dma_start3A_294 = arith.constant 0 : i32
      %dma_start3A_295 = arith.constant 0 : i32
      %dma_start3A_296 = arith.constant 0 : i32
      %dma_start3A_297 = tpu.memref_slice %arg11[%dma_start3A_293, %dma_start3A_295, %dma_start3A_296] : memref<4x128x64xbf16, #tpu.memory_space<vmem>> -> memref<1x128x64xbf16, #tpu.memory_space<vmem>>
      %dma_start3A_298 = tpu.memref_squeeze %dma_start3A_297 : memref<1x128x64xbf16, #tpu.memory_space<vmem>> -> memref<128x64xbf16, #tpu.memory_space<vmem>>
      %dma_start3A_299 = arith.constant 0 : i32
      %dma_start3A_300 = tpu.memref_slice %arg9[%dma_start3A_292, %dma_start3A_299] : memref<20x128xi32, #tpu.memory_space<vmem>> -> memref<1x128xi32, #tpu.memory_space<vmem>>
      %dma_start3A_301 = tpu.memref_squeeze %dma_start3A_300 : memref<1x128xi32, #tpu.memory_space<vmem>> -> memref<128xi32, #tpu.memory_space<vmem>>
      %dma_start3A_302 = arith.constant 0 : i32
      %dma_start3A_303 = arith.constant 0 : i32
      %dma_start3A_304 = tpu.memref_slice %arg18[%dma_start3A_302, %dma_start3A_303] : memref<10240x64xbf16, #tpu.memory_space<vmem_shared>> -> memref<10240x64xbf16, #tpu.memory_space<vmem_shared>>
      %dma_start3A_305 = tpu.memref_slice %arg16[%dma_start3A_294] : memref<4x!tpu.dma_semaphore, #tpu.memory_space<semaphore_mem>> -> memref<1x!tpu.dma_semaphore, #tpu.memory_space<semaphore_mem>>
      %dma_start3A_306 = tpu.memref_squeeze %dma_start3A_305 : memref<1x!tpu.dma_semaphore, #tpu.memory_space<semaphore_mem>> -> memref<!tpu.dma_semaphore, #tpu.memory_space<semaphore_mem>>
      tpu.enqueue_indirect_dma source(%dma_start3A_304 : memref<10240x64xbf16, #tpu.memory_space<vmem_shared>>) target(%dma_start3A_298 : memref<128x64xbf16, #tpu.memory_space<vmem>>) offsets(%dma_start3A_301 : memref<128xi32, #tpu.memory_space<vmem>>) semaphore(%dma_start3A_306 : memref<!tpu.dma_semaphore, #tpu.memory_space<semaphore_mem>>)
      %dma_start3A_307 = arith.constant 1 : i32
      %dma_start3A_308 = arith.constant 1 : i32
      %dma_start3A_309 = arith.constant 1 : i32
      %dma_start3A_310 = arith.constant 0 : i32
      %dma_start3A_311 = arith.constant 0 : i32
      %dma_start3A_312 = tpu.memref_slice %arg11[%dma_start3A_308, %dma_start3A_310, %dma_start3A_311] : memref<4x128x64xbf16, #tpu.memory_space<vmem>> -> memref<1x128x64xbf16, #tpu.memory_space<vmem>>
      %dma_start3A_313 = tpu.memref_squeeze %dma_start3A_312 : memref<1x128x64xbf16, #tpu.memory_space<vmem>> -> memref<128x64xbf16, #tpu.memory_space<vmem>>
      %dma_start3A_314 = arith.constant 0 : i32
      %dma_start3A_315 = tpu.memref_slice %arg9[%dma_start3A_307, %dma_start3A_314] : memref<20x128xi32, #tpu.memory_space<vmem>> -> memref<1x128xi32, #tpu.memory_space<vmem>>
      %dma_start3A_316 = tpu.memref_squeeze %dma_start3A_315 : memref<1x128xi32, #tpu.memory_space<vmem>> -> memref<128xi32, #tpu.memory_space<vmem>>
      %dma_start3A_317 = arith.constant 0 : i32
      %dma_start3A_318 = arith.constant 0 : i32
      %dma_start3A_319 = tpu.memref_slice %arg18[%dma_start3A_317, %dma_start3A_318] : memref<10240x64xbf16, #tpu.memory_space<vmem_shared>> -> memref<10240x64xbf16, #tpu.memory_space<vmem_shared>>
      %dma_start3A_320 = tpu.memref_slice %arg16[%dma_start3A_309] : memref<4x!tpu.dma_semaphore, #tpu.memory_space<semaphore_mem>> -> memref<1x!tpu.dma_semaphore, #tpu.memory_space<semaphore_mem>>
      %dma_start3A_321 = tpu.memref_squeeze %dma_start3A_320 : memref<1x!tpu.dma_semaphore, #tpu.memory_space<semaphore_mem>> -> memref<!tpu.dma_semaphore, #tpu.memory_space<semaphore_mem>>
      tpu.enqueue_indirect_dma source(%dma_start3A_319 : memref<10240x64xbf16, #tpu.memory_space<vmem_shared>>) target(%dma_start3A_313 : memref<128x64xbf16, #tpu.memory_space<vmem>>) offsets(%dma_start3A_316 : memref<128xi32, #tpu.memory_space<vmem>>) semaphore(%dma_start3A_321 : memref<!tpu.dma_semaphore, #tpu.memory_space<semaphore_mem>>)
      %dma_start3A_322 = arith.constant 2 : i32
      %dma_start3A_323 = arith.constant 2 : i32
      %dma_start3A_324 = arith.constant 2 : i32
      %dma_start3A_325 = arith.constant 0 : i32
      %dma_start3A_326 = arith.constant 0 : i32
      %dma_start3A_327 = tpu.memref_slice %arg11[%dma_start3A_323, %dma_start3A_325, %dma_start3A_326] : memref<4x128x64xbf16, #tpu.memory_space<vmem>> -> memref<1x128x64xbf16, #tpu.memory_space<vmem>>
      %dma_start3A_328 = tpu.memref_squeeze %dma_start3A_327 : memref<1x128x64xbf16, #tpu.memory_space<vmem>> -> memref<128x64xbf16, #tpu.memory_space<vmem>>
      %dma_start3A_329 = arith.constant 0 : i32
      %dma_start3A_330 = tpu.memref_slice %arg9[%dma_start3A_322, %dma_start3A_329] : memref<20x128xi32, #tpu.memory_space<vmem>> -> memref<1x128xi32, #tpu.memory_space<vmem>>
      %dma_start3A_331 = tpu.memref_squeeze %dma_start3A_330 : memref<1x128xi32, #tpu.memory_space<vmem>> -> memref<128xi32, #tpu.memory_space<vmem>>
      %dma_start3A_332 = arith.constant 0 : i32
      %dma_start3A_333 = arith.constant 0 : i32
      %dma_start3A_334 = tpu.memref_slice %arg18[%dma_start3A_332, %dma_start3A_333] : memref<10240x64xbf16, #tpu.memory_space<vmem_shared>> -> memref<10240x64xbf16, #tpu.memory_space<vmem_shared>>
      %dma_start3A_335 = tpu.memref_slice %arg16[%dma_start3A_324] : memref<4x!tpu.dma_semaphore, #tpu.memory_space<semaphore_mem>> -> memref<1x!tpu.dma_semaphore, #tpu.memory_space<semaphore_mem>>
      %dma_start3A_336 = tpu.memref_squeeze %dma_start3A_335 : memref<1x!tpu.dma_semaphore, #tpu.memory_space<semaphore_mem>> -> memref<!tpu.dma_semaphore, #tpu.memory_space<semaphore_mem>>
      tpu.enqueue_indirect_dma source(%dma_start3A_334 : memref<10240x64xbf16, #tpu.memory_space<vmem_shared>>) target(%dma_start3A_328 : memref<128x64xbf16, #tpu.memory_space<vmem>>) offsets(%dma_start3A_331 : memref<128xi32, #tpu.memory_space<vmem>>) semaphore(%dma_start3A_336 : memref<!tpu.dma_semaphore, #tpu.memory_space<semaphore_mem>>)
      %dma_start3A_337 = arith.constant 3 : i32
      %dma_start3A_338 = arith.constant 3 : i32
      %dma_start3A_339 = arith.constant 3 : i32
      %dma_start3A_340 = arith.constant 0 : i32
      %dma_start3A_341 = arith.constant 0 : i32
      %dma_start3A_342 = tpu.memref_slice %arg11[%dma_start3A_338, %dma_start3A_340, %dma_start3A_341] : memref<4x128x64xbf16, #tpu.memory_space<vmem>> -> memref<1x128x64xbf16, #tpu.memory_space<vmem>>
      %dma_start3A_343 = tpu.memref_squeeze %dma_start3A_342 : memref<1x128x64xbf16, #tpu.memory_space<vmem>> -> memref<128x64xbf16, #tpu.memory_space<vmem>>
      %dma_start3A_344 = arith.constant 0 : i32
      %dma_start3A_345 = tpu.memref_slice %arg9[%dma_start3A_337, %dma_start3A_344] : memref<20x128xi32, #tpu.memory_space<vmem>> -> memref<1x128xi32, #tpu.memory_space<vmem>>
      %dma_start3A_346 = tpu.memref_squeeze %dma_start3A_345 : memref<1x128xi32, #tpu.memory_space<vmem>> -> memref<128xi32, #tpu.memory_space<vmem>>
      %dma_start3A_347 = arith.constant 0 : i32
      %dma_start3A_348 = arith.constant 0 : i32
      %dma_start3A_349 = tpu.memref_slice %arg18[%dma_start3A_347, %dma_start3A_348] : memref<10240x64xbf16, #tpu.memory_space<vmem_shared>> -> memref<10240x64xbf16, #tpu.memory_space<vmem_shared>>
      %dma_start3A_350 = tpu.memref_slice %arg16[%dma_start3A_339] : memref<4x!tpu.dma_semaphore, #tpu.memory_space<semaphore_mem>> -> memref<1x!tpu.dma_semaphore, #tpu.memory_space<semaphore_mem>>
      %dma_start3A_351 = tpu.memref_squeeze %dma_start3A_350 : memref<1x!tpu.dma_semaphore, #tpu.memory_space<semaphore_mem>> -> memref<!tpu.dma_semaphore, #tpu.memory_space<semaphore_mem>>
      tpu.enqueue_indirect_dma source(%dma_start3A_349 : memref<10240x64xbf16, #tpu.memory_space<vmem_shared>>) target(%dma_start3A_343 : memref<128x64xbf16, #tpu.memory_space<vmem>>) offsets(%dma_start3A_346 : memref<128xi32, #tpu.memory_space<vmem>>) semaphore(%dma_start3A_351 : memref<!tpu.dma_semaphore, #tpu.memory_space<semaphore_mem>>)
      %scan3A_352 = arith.constant 0 : i32
      %scan3A_353 = arith.constant 4 : i32
      %scan3A_354 = arith.addi %scan3A_352, %scan3A_353 : i32
      %scan3A_355 = arith.constant 1 : i32
      scf.for %scan3A_425 = %scan3A_352 to %scan3A_354 step %scan3A_355  : i32 {
        %mul3A_426 = arith.constant 4 : i32
        %mul3A_427 = arith.muli %scan3A_425, %mul3A_426 : i32
        %add3A_428 = arith.constant 0 : i32
        %add3A_429 = arith.addi %mul3A_427, %add3A_428 : i32
        %dma_wait3A_430 = arith.constant 0 : i32
        %dma_wait3A_431 = arith.constant 0 : i32
        %dma_wait3A_432 = arith.constant 0 : i32
        %dma_wait3A_433 = arith.constant 0 : i32
        %dma_wait3A_434 = tpu.memref_slice %arg11[%dma_wait3A_430, %dma_wait3A_432, %dma_wait3A_433] : memref<4x128x64xbf16, #tpu.memory_space<vmem>> -> memref<1x128x64xbf16, #tpu.memory_space<vmem>>
        %dma_wait3A_435 = tpu.memref_squeeze %dma_wait3A_434 : memref<1x128x64xbf16, #tpu.memory_space<vmem>> -> memref<128x64xbf16, #tpu.memory_space<vmem>>
        %dma_wait3A_436 = arith.constant 0 : i32
        %dma_wait3A_437 = tpu.memref_slice %arg9[%add3A_429, %dma_wait3A_436] : memref<20x128xi32, #tpu.memory_space<vmem>> -> memref<1x128xi32, #tpu.memory_space<vmem>>
        %dma_wait3A_438 = tpu.memref_squeeze %dma_wait3A_437 : memref<1x128xi32, #tpu.memory_space<vmem>> -> memref<128xi32, #tpu.memory_space<vmem>>
        %dma_wait3A_439 = arith.constant 0 : i32
        %dma_wait3A_440 = arith.constant 0 : i32
        %dma_wait3A_441 = tpu.memref_slice %arg18[%dma_wait3A_439, %dma_wait3A_440] : memref<10240x64xbf16, #tpu.memory_space<vmem_shared>> -> memref<10240x64xbf16, #tpu.memory_space<vmem_shared>>
        %dma_wait3A_442 = tpu.memref_slice %arg16[%dma_wait3A_431] : memref<4x!tpu.dma_semaphore, #tpu.memory_space<semaphore_mem>> -> memref<1x!tpu.dma_semaphore, #tpu.memory_space<semaphore_mem>>
        %dma_wait3A_443 = tpu.memref_squeeze %dma_wait3A_442 : memref<1x!tpu.dma_semaphore, #tpu.memory_space<semaphore_mem>> -> memref<!tpu.dma_semaphore, #tpu.memory_space<semaphore_mem>>
        tpu.wait_indirect_dma semaphore(%dma_wait3A_443 : memref<!tpu.dma_semaphore, #tpu.memory_space<semaphore_mem>>) src(%dma_wait3A_441 : memref<10240x64xbf16, #tpu.memory_space<vmem_shared>>) dst(%dma_wait3A_435 : memref<128x64xbf16, #tpu.memory_space<vmem>>)
        %run_scoped3A_444 = arith.constant 0 : i32
        "tpu.region"() ({
          %run_scoped3A_566 = tpu.sem_alloc : memref<!tpu.dma_semaphore, #tpu.memory_space<semaphore_mem>>
          %dma_start3A_567 = arith.constant 0 : i32
          %dma_start3A_568 = arith.constant 0 : i32
          %dma_start3A_569 = tpu.memref_slice %arg11[%run_scoped3A_444, %dma_start3A_567, %dma_start3A_568] : memref<4x128x64xbf16, #tpu.memory_space<vmem>> -> memref<1x128x64xbf16, #tpu.memory_space<vmem>>
          %dma_start3A_570 = tpu.memref_squeeze %dma_start3A_569 : memref<1x128x64xbf16, #tpu.memory_space<vmem>> -> memref<128x64xbf16, #tpu.memory_space<vmem>>
          %dma_start3A_571 = arith.constant 0 : i32
          %dma_start3A_572 = tpu.memref_slice %arg10[%add3A_429, %dma_start3A_571] : memref<20x128xi32, #tpu.memory_space<vmem>> -> memref<1x128xi32, #tpu.memory_space<vmem>>
          %dma_start3A_573 = tpu.memref_squeeze %dma_start3A_572 : memref<1x128xi32, #tpu.memory_space<vmem>> -> memref<128xi32, #tpu.memory_space<vmem>>
          %dma_start3A_574 = arith.constant 0 : i32
          %dma_start3A_575 = arith.constant 0 : i32
          %dma_start3A_576 = tpu.memref_slice %arg17[%dma_start3A_574, %dma_start3A_575] : memref<10240x64xbf16, #tpu.memory_space<vmem_shared>> -> memref<10240x64xbf16, #tpu.memory_space<vmem_shared>>
          tpu.enqueue_indirect_dma source(%dma_start3A_570 : memref<128x64xbf16, #tpu.memory_space<vmem>>) target(%dma_start3A_576 : memref<10240x64xbf16, #tpu.memory_space<vmem_shared>>) offsets(%dma_start3A_573 : memref<128xi32, #tpu.memory_space<vmem>>) semaphore(%run_scoped3A_566 : memref<!tpu.dma_semaphore, #tpu.memory_space<semaphore_mem>>) {add = true}
          %dma_wait3A_577 = arith.constant 0 : i32
          %dma_wait3A_578 = arith.constant 0 : i32
          %dma_wait3A_579 = tpu.memref_slice %arg11[%run_scoped3A_444, %dma_wait3A_577, %dma_wait3A_578] : memref<4x128x64xbf16, #tpu.memory_space<vmem>> -> memref<1x128x64xbf16, #tpu.memory_space<vmem>>
          %dma_wait3A_580 = tpu.memref_squeeze %dma_wait3A_579 : memref<1x128x64xbf16, #tpu.memory_space<vmem>> -> memref<128x64xbf16, #tpu.memory_space<vmem>>
          %dma_wait3A_581 = arith.constant 0 : i32
          %dma_wait3A_582 = tpu.memref_slice %arg10[%add3A_429, %dma_wait3A_581] : memref<20x128xi32, #tpu.memory_space<vmem>> -> memref<1x128xi32, #tpu.memory_space<vmem>>
          %dma_wait3A_583 = tpu.memref_squeeze %dma_wait3A_582 : memref<1x128xi32, #tpu.memory_space<vmem>> -> memref<128xi32, #tpu.memory_space<vmem>>
          %dma_wait3A_584 = arith.constant 0 : i32
          %dma_wait3A_585 = arith.constant 0 : i32
          %dma_wait3A_586 = tpu.memref_slice %arg17[%dma_wait3A_584, %dma_wait3A_585] : memref<10240x64xbf16, #tpu.memory_space<vmem_shared>> -> memref<10240x64xbf16, #tpu.memory_space<vmem_shared>>
          tpu.wait_indirect_dma semaphore(%run_scoped3A_566 : memref<!tpu.dma_semaphore, #tpu.memory_space<semaphore_mem>>) src(%dma_wait3A_580 : memref<128x64xbf16, #tpu.memory_space<vmem>>) dst(%dma_wait3A_586 : memref<10240x64xbf16, #tpu.memory_space<vmem_shared>>)
          tpu.yield
        }) : () -> ()
        %add3A_445 = arith.constant 4 : i32
        %add3A_446 = arith.addi %add3A_429, %add3A_445 : i32
        %dma_start3A_447 = arith.constant 0 : i32
        %dma_start3A_448 = arith.constant 0 : i32
        %dma_start3A_449 = arith.constant 0 : i32
        %dma_start3A_450 = arith.constant 0 : i32
        %dma_start3A_451 = tpu.memref_slice %arg11[%dma_start3A_447, %dma_start3A_449, %dma_start3A_450] : memref<4x128x64xbf16, #tpu.memory_space<vmem>> -> memref<1x128x64xbf16, #tpu.memory_space<vmem>>
        %dma_start3A_452 = tpu.memref_squeeze %dma_start3A_451 : memref<1x128x64xbf16, #tpu.memory_space<vmem>> -> memref<128x64xbf16, #tpu.memory_space<vmem>>
        %dma_start3A_453 = arith.constant 0 : i32
        %dma_start3A_454 = tpu.memref_slice %arg9[%add3A_446, %dma_start3A_453] : memref<20x128xi32, #tpu.memory_space<vmem>> -> memref<1x128xi32, #tpu.memory_space<vmem>>
        %dma_start3A_455 = tpu.memref_squeeze %dma_start3A_454 : memref<1x128xi32, #tpu.memory_space<vmem>> -> memref<128xi32, #tpu.memory_space<vmem>>
        %dma_start3A_456 = arith.constant 0 : i32
        %dma_start3A_457 = arith.constant 0 : i32
        %dma_start3A_458 = tpu.memref_slice %arg18[%dma_start3A_456, %dma_start3A_457] : memref<10240x64xbf16, #tpu.memory_space<vmem_shared>> -> memref<10240x64xbf16, #tpu.memory_space<vmem_shared>>
        %dma_start3A_459 = tpu.memref_slice %arg16[%dma_start3A_448] : memref<4x!tpu.dma_semaphore, #tpu.memory_space<semaphore_mem>> -> memref<1x!tpu.dma_semaphore, #tpu.memory_space<semaphore_mem>>
        %dma_start3A_460 = tpu.memref_squeeze %dma_start3A_459 : memref<1x!tpu.dma_semaphore, #tpu.memory_space<semaphore_mem>> -> memref<!tpu.dma_semaphore, #tpu.memory_space<semaphore_mem>>
        tpu.enqueue_indirect_dma source(%dma_start3A_458 : memref<10240x64xbf16, #tpu.memory_space<vmem_shared>>) target(%dma_start3A_452 : memref<128x64xbf16, #tpu.memory_space<vmem>>) offsets(%dma_start3A_455 : memref<128xi32, #tpu.memory_space<vmem>>) semaphore(%dma_start3A_460 : memref<!tpu.dma_semaphore, #tpu.memory_space<semaphore_mem>>)
        %mul3A_461 = arith.constant 4 : i32
        %mul3A_462 = arith.muli %scan3A_425, %mul3A_461 : i32
        %add3A_463 = arith.constant 1 : i32
        %add3A_464 = arith.addi %mul3A_462, %add3A_463 : i32
        %dma_wait3A_465 = arith.constant 1 : i32
        %dma_wait3A_466 = arith.constant 1 : i32
        %dma_wait3A_467 = arith.constant 0 : i32
        %dma_wait3A_468 = arith.constant 0 : i32
        %dma_wait3A_469 = tpu.memref_slice %arg11[%dma_wait3A_465, %dma_wait3A_467, %dma_wait3A_468] : memref<4x128x64xbf16, #tpu.memory_space<vmem>> -> memref<1x128x64xbf16, #tpu.memory_space<vmem>>
        %dma_wait3A_470 = tpu.memref_squeeze %dma_wait3A_469 : memref<1x128x64xbf16, #tpu.memory_space<vmem>> -> memref<128x64xbf16, #tpu.memory_space<vmem>>
        %dma_wait3A_471 = arith.constant 0 : i32
        %dma_wait3A_472 = tpu.memref_slice %arg9[%add3A_464, %dma_wait3A_471] : memref<20x128xi32, #tpu.memory_space<vmem>> -> memref<1x128xi32, #tpu.memory_space<vmem>>
        %dma_wait3A_473 = tpu.memref_squeeze %dma_wait3A_472 : memref<1x128xi32, #tpu.memory_space<vmem>> -> memref<128xi32, #tpu.memory_space<vmem>>
        %dma_wait3A_474 = arith.constant 0 : i32
        %dma_wait3A_475 = arith.constant 0 : i32
        %dma_wait3A_476 = tpu.memref_slice %arg18[%dma_wait3A_474, %dma_wait3A_475] : memref<10240x64xbf16, #tpu.memory_space<vmem_shared>> -> memref<10240x64xbf16, #tpu.memory_space<vmem_shared>>
        %dma_wait3A_477 = tpu.memref_slice %arg16[%dma_wait3A_466] : memref<4x!tpu.dma_semaphore, #tpu.memory_space<semaphore_mem>> -> memref<1x!tpu.dma_semaphore, #tpu.memory_space<semaphore_mem>>
        %dma_wait3A_478 = tpu.memref_squeeze %dma_wait3A_477 : memref<1x!tpu.dma_semaphore, #tpu.memory_space<semaphore_mem>> -> memref<!tpu.dma_semaphore, #tpu.memory_space<semaphore_mem>>
        tpu.wait_indirect_dma semaphore(%dma_wait3A_478 : memref<!tpu.dma_semaphore, #tpu.memory_space<semaphore_mem>>) src(%dma_wait3A_476 : memref<10240x64xbf16, #tpu.memory_space<vmem_shared>>) dst(%dma_wait3A_470 : memref<128x64xbf16, #tpu.memory_space<vmem>>)
        %run_scoped3A_479 = arith.constant 1 : i32
        "tpu.region"() ({
          %run_scoped3A_566 = tpu.sem_alloc : memref<!tpu.dma_semaphore, #tpu.memory_space<semaphore_mem>>
          %dma_start3A_567 = arith.constant 0 : i32
          %dma_start3A_568 = arith.constant 0 : i32
          %dma_start3A_569 = tpu.memref_slice %arg11[%run_scoped3A_479, %dma_start3A_567, %dma_start3A_568] : memref<4x128x64xbf16, #tpu.memory_space<vmem>> -> memref<1x128x64xbf16, #tpu.memory_space<vmem>>
          %dma_start3A_570 = tpu.memref_squeeze %dma_start3A_569 : memref<1x128x64xbf16, #tpu.memory_space<vmem>> -> memref<128x64xbf16, #tpu.memory_space<vmem>>
          %dma_start3A_571 = arith.constant 0 : i32
          %dma_start3A_572 = tpu.memref_slice %arg10[%add3A_464, %dma_start3A_571] : memref<20x128xi32, #tpu.memory_space<vmem>> -> memref<1x128xi32, #tpu.memory_space<vmem>>
          %dma_start3A_573 = tpu.memref_squeeze %dma_start3A_572 : memref<1x128xi32, #tpu.memory_space<vmem>> -> memref<128xi32, #tpu.memory_space<vmem>>
          %dma_start3A_574 = arith.constant 0 : i32
          %dma_start3A_575 = arith.constant 0 : i32
          %dma_start3A_576 = tpu.memref_slice %arg17[%dma_start3A_574, %dma_start3A_575] : memref<10240x64xbf16, #tpu.memory_space<vmem_shared>> -> memref<10240x64xbf16, #tpu.memory_space<vmem_shared>>
          tpu.enqueue_indirect_dma source(%dma_start3A_570 : memref<128x64xbf16, #tpu.memory_space<vmem>>) target(%dma_start3A_576 : memref<10240x64xbf16, #tpu.memory_space<vmem_shared>>) offsets(%dma_start3A_573 : memref<128xi32, #tpu.memory_space<vmem>>) semaphore(%run_scoped3A_566 : memref<!tpu.dma_semaphore, #tpu.memory_space<semaphore_mem>>) {add = true}
          %dma_wait3A_577 = arith.constant 0 : i32
          %dma_wait3A_578 = arith.constant 0 : i32
          %dma_wait3A_579 = tpu.memref_slice %arg11[%run_scoped3A_479, %dma_wait3A_577, %dma_wait3A_578] : memref<4x128x64xbf16, #tpu.memory_space<vmem>> -> memref<1x128x64xbf16, #tpu.memory_space<vmem>>
          %dma_wait3A_580 = tpu.memref_squeeze %dma_wait3A_579 : memref<1x128x64xbf16, #tpu.memory_space<vmem>> -> memref<128x64xbf16, #tpu.memory_space<vmem>>
          %dma_wait3A_581 = arith.constant 0 : i32
          %dma_wait3A_582 = tpu.memref_slice %arg10[%add3A_464, %dma_wait3A_581] : memref<20x128xi32, #tpu.memory_space<vmem>> -> memref<1x128xi32, #tpu.memory_space<vmem>>
          %dma_wait3A_583 = tpu.memref_squeeze %dma_wait3A_582 : memref<1x128xi32, #tpu.memory_space<vmem>> -> memref<128xi32, #tpu.memory_space<vmem>>
          %dma_wait3A_584 = arith.constant 0 : i32
          %dma_wait3A_585 = arith.constant 0 : i32
          %dma_wait3A_586 = tpu.memref_slice %arg17[%dma_wait3A_584, %dma_wait3A_585] : memref<10240x64xbf16, #tpu.memory_space<vmem_shared>> -> memref<10240x64xbf16, #tpu.memory_space<vmem_shared>>
          tpu.wait_indirect_dma semaphore(%run_scoped3A_566 : memref<!tpu.dma_semaphore, #tpu.memory_space<semaphore_mem>>) src(%dma_wait3A_580 : memref<128x64xbf16, #tpu.memory_space<vmem>>) dst(%dma_wait3A_586 : memref<10240x64xbf16, #tpu.memory_space<vmem_shared>>)
          tpu.yield
        }) : () -> ()
        %add3A_480 = arith.constant 4 : i32
        %add3A_481 = arith.addi %add3A_464, %add3A_480 : i32
        %dma_start3A_482 = arith.constant 1 : i32
        %dma_start3A_483 = arith.constant 1 : i32
        %dma_start3A_484 = arith.constant 0 : i32
        %dma_start3A_485 = arith.constant 0 : i32
        %dma_start3A_486 = tpu.memref_slice %arg11[%dma_start3A_482, %dma_start3A_484, %dma_start3A_485] : memref<4x128x64xbf16, #tpu.memory_space<vmem>> -> memref<1x128x64xbf16, #tpu.memory_space<vmem>>
        %dma_start3A_487 = tpu.memref_squeeze %dma_start3A_486 : memref<1x128x64xbf16, #tpu.memory_space<vmem>> -> memref<128x64xbf16, #tpu.memory_space<vmem>>
        %dma_start3A_488 = arith.constant 0 : i32
        %dma_start3A_489 = tpu.memref_slice %arg9[%add3A_481, %dma_start3A_488] : memref<20x128xi32, #tpu.memory_space<vmem>> -> memref<1x128xi32, #tpu.memory_space<vmem>>
        %dma_start3A_490 = tpu.memref_squeeze %dma_start3A_489 : memref<1x128xi32, #tpu.memory_space<vmem>> -> memref<128xi32, #tpu.memory_space<vmem>>
        %dma_start3A_491 = arith.constant 0 : i32
        %dma_start3A_492 = arith.constant 0 : i32
        %dma_start3A_493 = tpu.memref_slice %arg18[%dma_start3A_491, %dma_start3A_492] : memref<10240x64xbf16, #tpu.memory_space<vmem_shared>> -> memref<10240x64xbf16, #tpu.memory_space<vmem_shared>>
        %dma_start3A_494 = tpu.memref_slice %arg16[%dma_start3A_483] : memref<4x!tpu.dma_semaphore, #tpu.memory_space<semaphore_mem>> -> memref<1x!tpu.dma_semaphore, #tpu.memory_space<semaphore_mem>>
        %dma_start3A_495 = tpu.memref_squeeze %dma_start3A_494 : memref<1x!tpu.dma_semaphore, #tpu.memory_space<semaphore_mem>> -> memref<!tpu.dma_semaphore, #tpu.memory_space<semaphore_mem>>
        tpu.enqueue_indirect_dma source(%dma_start3A_493 : memref<10240x64xbf16, #tpu.memory_space<vmem_shared>>) target(%dma_start3A_487 : memref<128x64xbf16, #tpu.memory_space<vmem>>) offsets(%dma_start3A_490 : memref<128xi32, #tpu.memory_space<vmem>>) semaphore(%dma_start3A_495 : memref<!tpu.dma_semaphore, #tpu.memory_space<semaphore_mem>>)
        %mul3A_496 = arith.constant 4 : i32
        %mul3A_497 = arith.muli %scan3A_425, %mul3A_496 : i32
        %add3A_498 = arith.constant 2 : i32
        %add3A_499 = arith.addi %mul3A_497, %add3A_498 : i32
        %dma_wait3A_500 = arith.constant 2 : i32
        %dma_wait3A_501 = arith.constant 2 : i32
        %dma_wait3A_502 = arith.constant 0 : i32
        %dma_wait3A_503 = arith.constant 0 : i32
        %dma_wait3A_504 = tpu.memref_slice %arg11[%dma_wait3A_500, %dma_wait3A_502, %dma_wait3A_503] : memref<4x128x64xbf16, #tpu.memory_space<vmem>> -> memref<1x128x64xbf16, #tpu.memory_space<vmem>>
        %dma_wait3A_505 = tpu.memref_squeeze %dma_wait3A_504 : memref<1x128x64xbf16, #tpu.memory_space<vmem>> -> memref<128x64xbf16, #tpu.memory_space<vmem>>
        %dma_wait3A_506 = arith.constant 0 : i32
        %dma_wait3A_507 = tpu.memref_slice %arg9[%add3A_499, %dma_wait3A_506] : memref<20x128xi32, #tpu.memory_space<vmem>> -> memref<1x128xi32, #tpu.memory_space<vmem>>
        %dma_wait3A_508 = tpu.memref_squeeze %dma_wait3A_507 : memref<1x128xi32, #tpu.memory_space<vmem>> -> memref<128xi32, #tpu.memory_space<vmem>>
        %dma_wait3A_509 = arith.constant 0 : i32
        %dma_wait3A_510 = arith.constant 0 : i32
        %dma_wait3A_511 = tpu.memref_slice %arg18[%dma_wait3A_509, %dma_wait3A_510] : memref<10240x64xbf16, #tpu.memory_space<vmem_shared>> -> memref<10240x64xbf16, #tpu.memory_space<vmem_shared>>
        %dma_wait3A_512 = tpu.memref_slice %arg16[%dma_wait3A_501] : memref<4x!tpu.dma_semaphore, #tpu.memory_space<semaphore_mem>> -> memref<1x!tpu.dma_semaphore, #tpu.memory_space<semaphore_mem>>
        %dma_wait3A_513 = tpu.memref_squeeze %dma_wait3A_512 : memref<1x!tpu.dma_semaphore, #tpu.memory_space<semaphore_mem>> -> memref<!tpu.dma_semaphore, #tpu.memory_space<semaphore_mem>>
        tpu.wait_indirect_dma semaphore(%dma_wait3A_513 : memref<!tpu.dma_semaphore, #tpu.memory_space<semaphore_mem>>) src(%dma_wait3A_511 : memref<10240x64xbf16, #tpu.memory_space<vmem_shared>>) dst(%dma_wait3A_505 : memref<128x64xbf16, #tpu.memory_space<vmem>>)
        %run_scoped3A_514 = arith.constant 2 : i32
        "tpu.region"() ({
          %run_scoped3A_566 = tpu.sem_alloc : memref<!tpu.dma_semaphore, #tpu.memory_space<semaphore_mem>>
          %dma_start3A_567 = arith.constant 0 : i32
          %dma_start3A_568 = arith.constant 0 : i32
          %dma_start3A_569 = tpu.memref_slice %arg11[%run_scoped3A_514, %dma_start3A_567, %dma_start3A_568] : memref<4x128x64xbf16, #tpu.memory_space<vmem>> -> memref<1x128x64xbf16, #tpu.memory_space<vmem>>
          %dma_start3A_570 = tpu.memref_squeeze %dma_start3A_569 : memref<1x128x64xbf16, #tpu.memory_space<vmem>> -> memref<128x64xbf16, #tpu.memory_space<vmem>>
          %dma_start3A_571 = arith.constant 0 : i32
          %dma_start3A_572 = tpu.memref_slice %arg10[%add3A_499, %dma_start3A_571] : memref<20x128xi32, #tpu.memory_space<vmem>> -> memref<1x128xi32, #tpu.memory_space<vmem>>
          %dma_start3A_573 = tpu.memref_squeeze %dma_start3A_572 : memref<1x128xi32, #tpu.memory_space<vmem>> -> memref<128xi32, #tpu.memory_space<vmem>>
          %dma_start3A_574 = arith.constant 0 : i32
          %dma_start3A_575 = arith.constant 0 : i32
          %dma_start3A_576 = tpu.memref_slice %arg17[%dma_start3A_574, %dma_start3A_575] : memref<10240x64xbf16, #tpu.memory_space<vmem_shared>> -> memref<10240x64xbf16, #tpu.memory_space<vmem_shared>>
          tpu.enqueue_indirect_dma source(%dma_start3A_570 : memref<128x64xbf16, #tpu.memory_space<vmem>>) target(%dma_start3A_576 : memref<10240x64xbf16, #tpu.memory_space<vmem_shared>>) offsets(%dma_start3A_573 : memref<128xi32, #tpu.memory_space<vmem>>) semaphore(%run_scoped3A_566 : memref<!tpu.dma_semaphore, #tpu.memory_space<semaphore_mem>>) {add = true}
          %dma_wait3A_577 = arith.constant 0 : i32
          %dma_wait3A_578 = arith.constant 0 : i32
          %dma_wait3A_579 = tpu.memref_slice %arg11[%run_scoped3A_514, %dma_wait3A_577, %dma_wait3A_578] : memref<4x128x64xbf16, #tpu.memory_space<vmem>> -> memref<1x128x64xbf16, #tpu.memory_space<vmem>>
          %dma_wait3A_580 = tpu.memref_squeeze %dma_wait3A_579 : memref<1x128x64xbf16, #tpu.memory_space<vmem>> -> memref<128x64xbf16, #tpu.memory_space<vmem>>
          %dma_wait3A_581 = arith.constant 0 : i32
          %dma_wait3A_582 = tpu.memref_slice %arg10[%add3A_499, %dma_wait3A_581] : memref<20x128xi32, #tpu.memory_space<vmem>> -> memref<1x128xi32, #tpu.memory_space<vmem>>
          %dma_wait3A_583 = tpu.memref_squeeze %dma_wait3A_582 : memref<1x128xi32, #tpu.memory_space<vmem>> -> memref<128xi32, #tpu.memory_space<vmem>>
          %dma_wait3A_584 = arith.constant 0 : i32
          %dma_wait3A_585 = arith.constant 0 : i32
          %dma_wait3A_586 = tpu.memref_slice %arg17[%dma_wait3A_584, %dma_wait3A_585] : memref<10240x64xbf16, #tpu.memory_space<vmem_shared>> -> memref<10240x64xbf16, #tpu.memory_space<vmem_shared>>
          tpu.wait_indirect_dma semaphore(%run_scoped3A_566 : memref<!tpu.dma_semaphore, #tpu.memory_space<semaphore_mem>>) src(%dma_wait3A_580 : memref<128x64xbf16, #tpu.memory_space<vmem>>) dst(%dma_wait3A_586 : memref<10240x64xbf16, #tpu.memory_space<vmem_shared>>)
          tpu.yield
        }) : () -> ()
        %add3A_515 = arith.constant 4 : i32
        %add3A_516 = arith.addi %add3A_499, %add3A_515 : i32
        %dma_start3A_517 = arith.constant 2 : i32
        %dma_start3A_518 = arith.constant 2 : i32
        %dma_start3A_519 = arith.constant 0 : i32
        %dma_start3A_520 = arith.constant 0 : i32
        %dma_start3A_521 = tpu.memref_slice %arg11[%dma_start3A_517, %dma_start3A_519, %dma_start3A_520] : memref<4x128x64xbf16, #tpu.memory_space<vmem>> -> memref<1x128x64xbf16, #tpu.memory_space<vmem>>
        %dma_start3A_522 = tpu.memref_squeeze %dma_start3A_521 : memref<1x128x64xbf16, #tpu.memory_space<vmem>> -> memref<128x64xbf16, #tpu.memory_space<vmem>>
        %dma_start3A_523 = arith.constant 0 : i32
        %dma_start3A_524 = tpu.memref_slice %arg9[%add3A_516, %dma_start3A_523] : memref<20x128xi32, #tpu.memory_space<vmem>> -> memref<1x128xi32, #tpu.memory_space<vmem>>
        %dma_start3A_525 = tpu.memref_squeeze %dma_start3A_524 : memref<1x128xi32, #tpu.memory_space<vmem>> -> memref<128xi32, #tpu.memory_space<vmem>>
        %dma_start3A_526 = arith.constant 0 : i32
        %dma_start3A_527 = arith.constant 0 : i32
        %dma_start3A_528 = tpu.memref_slice %arg18[%dma_start3A_526, %dma_start3A_527] : memref<10240x64xbf16, #tpu.memory_space<vmem_shared>> -> memref<10240x64xbf16, #tpu.memory_space<vmem_shared>>
        %dma_start3A_529 = tpu.memref_slice %arg16[%dma_start3A_518] : memref<4x!tpu.dma_semaphore, #tpu.memory_space<semaphore_mem>> -> memref<1x!tpu.dma_semaphore, #tpu.memory_space<semaphore_mem>>
        %dma_start3A_530 = tpu.memref_squeeze %dma_start3A_529 : memref<1x!tpu.dma_semaphore, #tpu.memory_space<semaphore_mem>> -> memref<!tpu.dma_semaphore, #tpu.memory_space<semaphore_mem>>
        tpu.enqueue_indirect_dma source(%dma_start3A_528 : memref<10240x64xbf16, #tpu.memory_space<vmem_shared>>) target(%dma_start3A_522 : memref<128x64xbf16, #tpu.memory_space<vmem>>) offsets(%dma_start3A_525 : memref<128xi32, #tpu.memory_space<vmem>>) semaphore(%dma_start3A_530 : memref<!tpu.dma_semaphore, #tpu.memory_space<semaphore_mem>>)
        %mul3A_531 = arith.constant 4 : i32
        %mul3A_532 = arith.muli %scan3A_425, %mul3A_531 : i32
        %add3A_533 = arith.constant 3 : i32
        %add3A_534 = arith.addi %mul3A_532, %add3A_533 : i32
        %dma_wait3A_535 = arith.constant 3 : i32
        %dma_wait3A_536 = arith.constant 3 : i32
        %dma_wait3A_537 = arith.constant 0 : i32
        %dma_wait3A_538 = arith.constant 0 : i32
        %dma_wait3A_539 = tpu.memref_slice %arg11[%dma_wait3A_535, %dma_wait3A_537, %dma_wait3A_538] : memref<4x128x64xbf16, #tpu.memory_space<vmem>> -> memref<1x128x64xbf16, #tpu.memory_space<vmem>>
        %dma_wait3A_540 = tpu.memref_squeeze %dma_wait3A_539 : memref<1x128x64xbf16, #tpu.memory_space<vmem>> -> memref<128x64xbf16, #tpu.memory_space<vmem>>
        %dma_wait3A_541 = arith.constant 0 : i32
        %dma_wait3A_542 = tpu.memref_slice %arg9[%add3A_534, %dma_wait3A_541] : memref<20x128xi32, #tpu.memory_space<vmem>> -> memref<1x128xi32, #tpu.memory_space<vmem>>
        %dma_wait3A_543 = tpu.memref_squeeze %dma_wait3A_542 : memref<1x128xi32, #tpu.memory_space<vmem>> -> memref<128xi32, #tpu.memory_space<vmem>>
        %dma_wait3A_544 = arith.constant 0 : i32
        %dma_wait3A_545 = arith.constant 0 : i32
        %dma_wait3A_546 = tpu.memref_slice %arg18[%dma_wait3A_544, %dma_wait3A_545] : memref<10240x64xbf16, #tpu.memory_space<vmem_shared>> -> memref<10240x64xbf16, #tpu.memory_space<vmem_shared>>
        %dma_wait3A_547 = tpu.memref_slice %arg16[%dma_wait3A_536] : memref<4x!tpu.dma_semaphore, #tpu.memory_space<semaphore_mem>> -> memref<1x!tpu.dma_semaphore, #tpu.memory_space<semaphore_mem>>
        %dma_wait3A_548 = tpu.memref_squeeze %dma_wait3A_547 : memref<1x!tpu.dma_semaphore, #tpu.memory_space<semaphore_mem>> -> memref<!tpu.dma_semaphore, #tpu.memory_space<semaphore_mem>>
        tpu.wait_indirect_dma semaphore(%dma_wait3A_548 : memref<!tpu.dma_semaphore, #tpu.memory_space<semaphore_mem>>) src(%dma_wait3A_546 : memref<10240x64xbf16, #tpu.memory_space<vmem_shared>>) dst(%dma_wait3A_540 : memref<128x64xbf16, #tpu.memory_space<vmem>>)
        %run_scoped3A_549 = arith.constant 3 : i32
        "tpu.region"() ({
          %run_scoped3A_566 = tpu.sem_alloc : memref<!tpu.dma_semaphore, #tpu.memory_space<semaphore_mem>>
          %dma_start3A_567 = arith.constant 0 : i32
          %dma_start3A_568 = arith.constant 0 : i32
          %dma_start3A_569 = tpu.memref_slice %arg11[%run_scoped3A_549, %dma_start3A_567, %dma_start3A_568] : memref<4x128x64xbf16, #tpu.memory_space<vmem>> -> memref<1x128x64xbf16, #tpu.memory_space<vmem>>
          %dma_start3A_570 = tpu.memref_squeeze %dma_start3A_569 : memref<1x128x64xbf16, #tpu.memory_space<vmem>> -> memref<128x64xbf16, #tpu.memory_space<vmem>>
          %dma_start3A_571 = arith.constant 0 : i32
          %dma_start3A_572 = tpu.memref_slice %arg10[%add3A_534, %dma_start3A_571] : memref<20x128xi32, #tpu.memory_space<vmem>> -> memref<1x128xi32, #tpu.memory_space<vmem>>
          %dma_start3A_573 = tpu.memref_squeeze %dma_start3A_572 : memref<1x128xi32, #tpu.memory_space<vmem>> -> memref<128xi32, #tpu.memory_space<vmem>>
          %dma_start3A_574 = arith.constant 0 : i32
          %dma_start3A_575 = arith.constant 0 : i32
          %dma_start3A_576 = tpu.memref_slice %arg17[%dma_start3A_574, %dma_start3A_575] : memref<10240x64xbf16, #tpu.memory_space<vmem_shared>> -> memref<10240x64xbf16, #tpu.memory_space<vmem_shared>>
          tpu.enqueue_indirect_dma source(%dma_start3A_570 : memref<128x64xbf16, #tpu.memory_space<vmem>>) target(%dma_start3A_576 : memref<10240x64xbf16, #tpu.memory_space<vmem_shared>>) offsets(%dma_start3A_573 : memref<128xi32, #tpu.memory_space<vmem>>) semaphore(%run_scoped3A_566 : memref<!tpu.dma_semaphore, #tpu.memory_space<semaphore_mem>>) {add = true}
          %dma_wait3A_577 = arith.constant 0 : i32
          %dma_wait3A_578 = arith.constant 0 : i32
          %dma_wait3A_579 = tpu.memref_slice %arg11[%run_scoped3A_549, %dma_wait3A_577, %dma_wait3A_578] : memref<4x128x64xbf16, #tpu.memory_space<vmem>> -> memref<1x128x64xbf16, #tpu.memory_space<vmem>>
          %dma_wait3A_580 = tpu.memref_squeeze %dma_wait3A_579 : memref<1x128x64xbf16, #tpu.memory_space<vmem>> -> memref<128x64xbf16, #tpu.memory_space<vmem>>
          %dma_wait3A_581 = arith.constant 0 : i32
          %dma_wait3A_582 = tpu.memref_slice %arg10[%add3A_534, %dma_wait3A_581] : memref<20x128xi32, #tpu.memory_space<vmem>> -> memref<1x128xi32, #tpu.memory_space<vmem>>
          %dma_wait3A_583 = tpu.memref_squeeze %dma_wait3A_582 : memref<1x128xi32, #tpu.memory_space<vmem>> -> memref<128xi32, #tpu.memory_space<vmem>>
          %dma_wait3A_584 = arith.constant 0 : i32
          %dma_wait3A_585 = arith.constant 0 : i32
          %dma_wait3A_586 = tpu.memref_slice %arg17[%dma_wait3A_584, %dma_wait3A_585] : memref<10240x64xbf16, #tpu.memory_space<vmem_shared>> -> memref<10240x64xbf16, #tpu.memory_space<vmem_shared>>
          tpu.wait_indirect_dma semaphore(%run_scoped3A_566 : memref<!tpu.dma_semaphore, #tpu.memory_space<semaphore_mem>>) src(%dma_wait3A_580 : memref<128x64xbf16, #tpu.memory_space<vmem>>) dst(%dma_wait3A_586 : memref<10240x64xbf16, #tpu.memory_space<vmem_shared>>)
          tpu.yield
        }) : () -> ()
        %add3A_550 = arith.constant 4 : i32
        %add3A_551 = arith.addi %add3A_534, %add3A_550 : i32
        %dma_start3A_552 = arith.constant 3 : i32
        %dma_start3A_553 = arith.constant 3 : i32
        %dma_start3A_554 = arith.constant 0 : i32
        %dma_start3A_555 = arith.constant 0 : i32
        %dma_start3A_556 = tpu.memref_slice %arg11[%dma_start3A_552, %dma_start3A_554, %dma_start3A_555] : memref<4x128x64xbf16, #tpu.memory_space<vmem>> -> memref<1x128x64xbf16, #tpu.memory_space<vmem>>
        %dma_start3A_557 = tpu.memref_squeeze %dma_start3A_556 : memref<1x128x64xbf16, #tpu.memory_space<vmem>> -> memref<128x64xbf16, #tpu.memory_space<vmem>>
        %dma_start3A_558 = arith.constant 0 : i32
        %dma_start3A_559 = tpu.memref_slice %arg9[%add3A_551, %dma_start3A_558] : memref<20x128xi32, #tpu.memory_space<vmem>> -> memref<1x128xi32, #tpu.memory_space<vmem>>
        %dma_start3A_560 = tpu.memref_squeeze %dma_start3A_559 : memref<1x128xi32, #tpu.memory_space<vmem>> -> memref<128xi32, #tpu.memory_space<vmem>>
        %dma_start3A_561 = arith.constant 0 : i32
        %dma_start3A_562 = arith.constant 0 : i32
        %dma_start3A_563 = tpu.memref_slice %arg18[%dma_start3A_561, %dma_start3A_562] : memref<10240x64xbf16, #tpu.memory_space<vmem_shared>> -> memref<10240x64xbf16, #tpu.memory_space<vmem_shared>>
        %dma_start3A_564 = tpu.memref_slice %arg16[%dma_start3A_553] : memref<4x!tpu.dma_semaphore, #tpu.memory_space<semaphore_mem>> -> memref<1x!tpu.dma_semaphore, #tpu.memory_space<semaphore_mem>>
        %dma_start3A_565 = tpu.memref_squeeze %dma_start3A_564 : memref<1x!tpu.dma_semaphore, #tpu.memory_space<semaphore_mem>> -> memref<!tpu.dma_semaphore, #tpu.memory_space<semaphore_mem>>
        tpu.enqueue_indirect_dma source(%dma_start3A_563 : memref<10240x64xbf16, #tpu.memory_space<vmem_shared>>) target(%dma_start3A_557 : memref<128x64xbf16, #tpu.memory_space<vmem>>) offsets(%dma_start3A_560 : memref<128xi32, #tpu.memory_space<vmem>>) semaphore(%dma_start3A_565 : memref<!tpu.dma_semaphore, #tpu.memory_space<semaphore_mem>>)
      }
      %scan3A_356 = arith.constant 4 : i32
      %dma_wait3A_357 = arith.constant 16 : i32
      %dma_wait3A_358 = arith.constant 0 : i32
      %dma_wait3A_359 = arith.constant 0 : i32
      %dma_wait3A_360 = arith.constant 0 : i32
      %dma_wait3A_361 = arith.constant 0 : i32
      %dma_wait3A_362 = tpu.memref_slice %arg11[%dma_wait3A_358, %dma_wait3A_360, %dma_wait3A_361] : memref<4x128x64xbf16, #tpu.memory_space<vmem>> -> memref<1x128x64xbf16, #tpu.memory_space<vmem>>
      %dma_wait3A_363 = tpu.memref_squeeze %dma_wait3A_362 : memref<1x128x64xbf16, #tpu.memory_space<vmem>> -> memref<128x64xbf16, #tpu.memory_space<vmem>>
      %dma_wait3A_364 = arith.constant 0 : i32
      %dma_wait3A_365 = tpu.memref_slice %arg9[%dma_wait3A_357, %dma_wait3A_364] : memref<20x128xi32, #tpu.memory_space<vmem>> -> memref<1x128xi32, #tpu.memory_space<vmem>>
      %dma_wait3A_366 = tpu.memref_squeeze %dma_wait3A_365 : memref<1x128xi32, #tpu.memory_space<vmem>> -> memref<128xi32, #tpu.memory_space<vmem>>
      %dma_wait3A_367 = arith.constant 0 : i32
      %dma_wait3A_368 = arith.constant 0 : i32
      %dma_wait3A_369 = tpu.memref_slice %arg18[%dma_wait3A_367, %dma_wait3A_368] : memref<10240x64xbf16, #tpu.memory_space<vmem_shared>> -> memref<10240x64xbf16, #tpu.memory_space<vmem_shared>>
      %dma_wait3A_370 = tpu.memref_slice %arg16[%dma_wait3A_359] : memref<4x!tpu.dma_semaphore, #tpu.memory_space<semaphore_mem>> -> memref<1x!tpu.dma_semaphore, #tpu.memory_space<semaphore_mem>>
      %dma_wait3A_371 = tpu.memref_squeeze %dma_wait3A_370 : memref<1x!tpu.dma_semaphore, #tpu.memory_space<semaphore_mem>> -> memref<!tpu.dma_semaphore, #tpu.memory_space<semaphore_mem>>
      tpu.wait_indirect_dma semaphore(%dma_wait3A_371 : memref<!tpu.dma_semaphore, #tpu.memory_space<semaphore_mem>>) src(%dma_wait3A_369 : memref<10240x64xbf16, #tpu.memory_space<vmem_shared>>) dst(%dma_wait3A_363 : memref<128x64xbf16, #tpu.memory_space<vmem>>)
      %run_scoped3A_372 = arith.constant 0 : i32
      %run_scoped3A_373 = arith.constant 16 : i32
      "tpu.region"() ({
        %run_scoped3A_425 = tpu.sem_alloc : memref<!tpu.dma_semaphore, #tpu.memory_space<semaphore_mem>>
        %dma_start3A_426 = arith.constant 0 : i32
        %dma_start3A_427 = arith.constant 0 : i32
        %dma_start3A_428 = tpu.memref_slice %arg11[%run_scoped3A_372, %dma_start3A_426, %dma_start3A_427] : memref<4x128x64xbf16, #tpu.memory_space<vmem>> -> memref<1x128x64xbf16, #tpu.memory_space<vmem>>
        %dma_start3A_429 = tpu.memref_squeeze %dma_start3A_428 : memref<1x128x64xbf16, #tpu.memory_space<vmem>> -> memref<128x64xbf16, #tpu.memory_space<vmem>>
        %dma_start3A_430 = arith.constant 0 : i32
        %dma_start3A_431 = tpu.memref_slice %arg10[%run_scoped3A_373, %dma_start3A_430] : memref<20x128xi32, #tpu.memory_space<vmem>> -> memref<1x128xi32, #tpu.memory_space<vmem>>
        %dma_start3A_432 = tpu.memref_squeeze %dma_start3A_431 : memref<1x128xi32, #tpu.memory_space<vmem>> -> memref<128xi32, #tpu.memory_space<vmem>>
        %dma_start3A_433 = arith.constant 0 : i32
        %dma_start3A_434 = arith.constant 0 : i32
        %dma_start3A_435 = tpu.memref_slice %arg17[%dma_start3A_433, %dma_start3A_434] : memref<10240x64xbf16, #tpu.memory_space<vmem_shared>> -> memref<10240x64xbf16, #tpu.memory_space<vmem_shared>>
        tpu.enqueue_indirect_dma source(%dma_start3A_429 : memref<128x64xbf16, #tpu.memory_space<vmem>>) target(%dma_start3A_435 : memref<10240x64xbf16, #tpu.memory_space<vmem_shared>>) offsets(%dma_start3A_432 : memref<128xi32, #tpu.memory_space<vmem>>) semaphore(%run_scoped3A_425 : memref<!tpu.dma_semaphore, #tpu.memory_space<semaphore_mem>>) {add = true}
        %dma_wait3A_436 = arith.constant 0 : i32
        %dma_wait3A_437 = arith.constant 0 : i32
        %dma_wait3A_438 = tpu.memref_slice %arg11[%run_scoped3A_372, %dma_wait3A_436, %dma_wait3A_437] : memref<4x128x64xbf16, #tpu.memory_space<vmem>> -> memref<1x128x64xbf16, #tpu.memory_space<vmem>>
        %dma_wait3A_439 = tpu.memref_squeeze %dma_wait3A_438 : memref<1x128x64xbf16, #tpu.memory_space<vmem>> -> memref<128x64xbf16, #tpu.memory_space<vmem>>
        %dma_wait3A_440 = arith.constant 0 : i32
        %dma_wait3A_441 = tpu.memref_slice %arg10[%run_scoped3A_373, %dma_wait3A_440] : memref<20x128xi32, #tpu.memory_space<vmem>> -> memref<1x128xi32, #tpu.memory_space<vmem>>
        %dma_wait3A_442 = tpu.memref_squeeze %dma_wait3A_441 : memref<1x128xi32, #tpu.memory_space<vmem>> -> memref<128xi32, #tpu.memory_space<vmem>>
        %dma_wait3A_443 = arith.constant 0 : i32
        %dma_wait3A_444 = arith.constant 0 : i32
        %dma_wait3A_445 = tpu.memref_slice %arg17[%dma_wait3A_443, %dma_wait3A_444] : memref<10240x64xbf16, #tpu.memory_space<vmem_shared>> -> memref<10240x64xbf16, #tpu.memory_space<vmem_shared>>
        tpu.wait_indirect_dma semaphore(%run_scoped3A_425 : memref<!tpu.dma_semaphore, #tpu.memory_space<semaphore_mem>>) src(%dma_wait3A_439 : memref<128x64xbf16, #tpu.memory_space<vmem>>) dst(%dma_wait3A_445 : memref<10240x64xbf16, #tpu.memory_space<vmem_shared>>)
        tpu.yield
      }) : () -> ()
      %dma_wait3A_374 = arith.constant 17 : i32
      %dma_wait3A_375 = arith.constant 1 : i32
      %dma_wait3A_376 = arith.constant 1 : i32
      %dma_wait3A_377 = arith.constant 0 : i32
      %dma_wait3A_378 = arith.constant 0 : i32
      %dma_wait3A_379 = tpu.memref_slice %arg11[%dma_wait3A_375, %dma_wait3A_377, %dma_wait3A_378] : memref<4x128x64xbf16, #tpu.memory_space<vmem>> -> memref<1x128x64xbf16, #tpu.memory_space<vmem>>
      %dma_wait3A_380 = tpu.memref_squeeze %dma_wait3A_379 : memref<1x128x64xbf16, #tpu.memory_space<vmem>> -> memref<128x64xbf16, #tpu.memory_space<vmem>>
      %dma_wait3A_381 = arith.constant 0 : i32
      %dma_wait3A_382 = tpu.memref_slice %arg9[%dma_wait3A_374, %dma_wait3A_381] : memref<20x128xi32, #tpu.memory_space<vmem>> -> memref<1x128xi32, #tpu.memory_space<vmem>>
      %dma_wait3A_383 = tpu.memref_squeeze %dma_wait3A_382 : memref<1x128xi32, #tpu.memory_space<vmem>> -> memref<128xi32, #tpu.memory_space<vmem>>
      %dma_wait3A_384 = arith.constant 0 : i32
      %dma_wait3A_385 = arith.constant 0 : i32
      %dma_wait3A_386 = tpu.memref_slice %arg18[%dma_wait3A_384, %dma_wait3A_385] : memref<10240x64xbf16, #tpu.memory_space<vmem_shared>> -> memref<10240x64xbf16, #tpu.memory_space<vmem_shared>>
      %dma_wait3A_387 = tpu.memref_slice %arg16[%dma_wait3A_376] : memref<4x!tpu.dma_semaphore, #tpu.memory_space<semaphore_mem>> -> memref<1x!tpu.dma_semaphore, #tpu.memory_space<semaphore_mem>>
      %dma_wait3A_388 = tpu.memref_squeeze %dma_wait3A_387 : memref<1x!tpu.dma_semaphore, #tpu.memory_space<semaphore_mem>> -> memref<!tpu.dma_semaphore, #tpu.memory_space<semaphore_mem>>
      tpu.wait_indirect_dma semaphore(%dma_wait3A_388 : memref<!tpu.dma_semaphore, #tpu.memory_space<semaphore_mem>>) src(%dma_wait3A_386 : memref<10240x64xbf16, #tpu.memory_space<vmem_shared>>) dst(%dma_wait3A_380 : memref<128x64xbf16, #tpu.memory_space<vmem>>)
      %run_scoped3A_389 = arith.constant 1 : i32
      %run_scoped3A_390 = arith.constant 17 : i32
      "tpu.region"() ({
        %run_scoped3A_425 = tpu.sem_alloc : memref<!tpu.dma_semaphore, #tpu.memory_space<semaphore_mem>>
        %dma_start3A_426 = arith.constant 0 : i32
        %dma_start3A_427 = arith.constant 0 : i32
        %dma_start3A_428 = tpu.memref_slice %arg11[%run_scoped3A_389, %dma_start3A_426, %dma_start3A_427] : memref<4x128x64xbf16, #tpu.memory_space<vmem>> -> memref<1x128x64xbf16, #tpu.memory_space<vmem>>
        %dma_start3A_429 = tpu.memref_squeeze %dma_start3A_428 : memref<1x128x64xbf16, #tpu.memory_space<vmem>> -> memref<128x64xbf16, #tpu.memory_space<vmem>>
        %dma_start3A_430 = arith.constant 0 : i32
        %dma_start3A_431 = tpu.memref_slice %arg10[%run_scoped3A_390, %dma_start3A_430] : memref<20x128xi32, #tpu.memory_space<vmem>> -> memref<1x128xi32, #tpu.memory_space<vmem>>
        %dma_start3A_432 = tpu.memref_squeeze %dma_start3A_431 : memref<1x128xi32, #tpu.memory_space<vmem>> -> memref<128xi32, #tpu.memory_space<vmem>>
        %dma_start3A_433 = arith.constant 0 : i32
        %dma_start3A_434 = arith.constant 0 : i32
        %dma_start3A_435 = tpu.memref_slice %arg17[%dma_start3A_433, %dma_start3A_434] : memref<10240x64xbf16, #tpu.memory_space<vmem_shared>> -> memref<10240x64xbf16, #tpu.memory_space<vmem_shared>>
        tpu.enqueue_indirect_dma source(%dma_start3A_429 : memref<128x64xbf16, #tpu.memory_space<vmem>>) target(%dma_start3A_435 : memref<10240x64xbf16, #tpu.memory_space<vmem_shared>>) offsets(%dma_start3A_432 : memref<128xi32, #tpu.memory_space<vmem>>) semaphore(%run_scoped3A_425 : memref<!tpu.dma_semaphore, #tpu.memory_space<semaphore_mem>>) {add = true}
        %dma_wait3A_436 = arith.constant 0 : i32
        %dma_wait3A_437 = arith.constant 0 : i32
        %dma_wait3A_438 = tpu.memref_slice %arg11[%run_scoped3A_389, %dma_wait3A_436, %dma_wait3A_437] : memref<4x128x64xbf16, #tpu.memory_space<vmem>> -> memref<1x128x64xbf16, #tpu.memory_space<vmem>>
        %dma_wait3A_439 = tpu.memref_squeeze %dma_wait3A_438 : memref<1x128x64xbf16, #tpu.memory_space<vmem>> -> memref<128x64xbf16, #tpu.memory_space<vmem>>
        %dma_wait3A_440 = arith.constant 0 : i32
        %dma_wait3A_441 = tpu.memref_slice %arg10[%run_scoped3A_390, %dma_wait3A_440] : memref<20x128xi32, #tpu.memory_space<vmem>> -> memref<1x128xi32, #tpu.memory_space<vmem>>
        %dma_wait3A_442 = tpu.memref_squeeze %dma_wait3A_441 : memref<1x128xi32, #tpu.memory_space<vmem>> -> memref<128xi32, #tpu.memory_space<vmem>>
        %dma_wait3A_443 = arith.constant 0 : i32
        %dma_wait3A_444 = arith.constant 0 : i32
        %dma_wait3A_445 = tpu.memref_slice %arg17[%dma_wait3A_443, %dma_wait3A_444] : memref<10240x64xbf16, #tpu.memory_space<vmem_shared>> -> memref<10240x64xbf16, #tpu.memory_space<vmem_shared>>
        tpu.wait_indirect_dma semaphore(%run_scoped3A_425 : memref<!tpu.dma_semaphore, #tpu.memory_space<semaphore_mem>>) src(%dma_wait3A_439 : memref<128x64xbf16, #tpu.memory_space<vmem>>) dst(%dma_wait3A_445 : memref<10240x64xbf16, #tpu.memory_space<vmem_shared>>)
        tpu.yield
      }) : () -> ()
      %dma_wait3A_391 = arith.constant 18 : i32
      %dma_wait3A_392 = arith.constant 2 : i32
      %dma_wait3A_393 = arith.constant 2 : i32
      %dma_wait3A_394 = arith.constant 0 : i32
      %dma_wait3A_395 = arith.constant 0 : i32
      %dma_wait3A_396 = tpu.memref_slice %arg11[%dma_wait3A_392, %dma_wait3A_394, %dma_wait3A_395] : memref<4x128x64xbf16, #tpu.memory_space<vmem>> -> memref<1x128x64xbf16, #tpu.memory_space<vmem>>
      %dma_wait3A_397 = tpu.memref_squeeze %dma_wait3A_396 : memref<1x128x64xbf16, #tpu.memory_space<vmem>> -> memref<128x64xbf16, #tpu.memory_space<vmem>>
      %dma_wait3A_398 = arith.constant 0 : i32
      %dma_wait3A_399 = tpu.memref_slice %arg9[%dma_wait3A_391, %dma_wait3A_398] : memref<20x128xi32, #tpu.memory_space<vmem>> -> memref<1x128xi32, #tpu.memory_space<vmem>>
      %dma_wait3A_400 = tpu.memref_squeeze %dma_wait3A_399 : memref<1x128xi32, #tpu.memory_space<vmem>> -> memref<128xi32, #tpu.memory_space<vmem>>
      %dma_wait3A_401 = arith.constant 0 : i32
      %dma_wait3A_402 = arith.constant 0 : i32
      %dma_wait3A_403 = tpu.memref_slice %arg18[%dma_wait3A_401, %dma_wait3A_402] : memref<10240x64xbf16, #tpu.memory_space<vmem_shared>> -> memref<10240x64xbf16, #tpu.memory_space<vmem_shared>>
      %dma_wait3A_404 = tpu.memref_slice %arg16[%dma_wait3A_393] : memref<4x!tpu.dma_semaphore, #tpu.memory_space<semaphore_mem>> -> memref<1x!tpu.dma_semaphore, #tpu.memory_space<semaphore_mem>>
      %dma_wait3A_405 = tpu.memref_squeeze %dma_wait3A_404 : memref<1x!tpu.dma_semaphore, #tpu.memory_space<semaphore_mem>> -> memref<!tpu.dma_semaphore, #tpu.memory_space<semaphore_mem>>
      tpu.wait_indirect_dma semaphore(%dma_wait3A_405 : memref<!tpu.dma_semaphore, #tpu.memory_space<semaphore_mem>>) src(%dma_wait3A_403 : memref<10240x64xbf16, #tpu.memory_space<vmem_shared>>) dst(%dma_wait3A_397 : memref<128x64xbf16, #tpu.memory_space<vmem>>)
      %run_scoped3A_406 = arith.constant 2 : i32
      %run_scoped3A_407 = arith.constant 18 : i32
      "tpu.region"() ({
        %run_scoped3A_425 = tpu.sem_alloc : memref<!tpu.dma_semaphore, #tpu.memory_space<semaphore_mem>>
        %dma_start3A_426 = arith.constant 0 : i32
        %dma_start3A_427 = arith.constant 0 : i32
        %dma_start3A_428 = tpu.memref_slice %arg11[%run_scoped3A_406, %dma_start3A_426, %dma_start3A_427] : memref<4x128x64xbf16, #tpu.memory_space<vmem>> -> memref<1x128x64xbf16, #tpu.memory_space<vmem>>
        %dma_start3A_429 = tpu.memref_squeeze %dma_start3A_428 : memref<1x128x64xbf16, #tpu.memory_space<vmem>> -> memref<128x64xbf16, #tpu.memory_space<vmem>>
        %dma_start3A_430 = arith.constant 0 : i32
        %dma_start3A_431 = tpu.memref_slice %arg10[%run_scoped3A_407, %dma_start3A_430] : memref<20x128xi32, #tpu.memory_space<vmem>> -> memref<1x128xi32, #tpu.memory_space<vmem>>
        %dma_start3A_432 = tpu.memref_squeeze %dma_start3A_431 : memref<1x128xi32, #tpu.memory_space<vmem>> -> memref<128xi32, #tpu.memory_space<vmem>>
        %dma_start3A_433 = arith.constant 0 : i32
        %dma_start3A_434 = arith.constant 0 : i32
        %dma_start3A_435 = tpu.memref_slice %arg17[%dma_start3A_433, %dma_start3A_434] : memref<10240x64xbf16, #tpu.memory_space<vmem_shared>> -> memref<10240x64xbf16, #tpu.memory_space<vmem_shared>>
        tpu.enqueue_indirect_dma source(%dma_start3A_429 : memref<128x64xbf16, #tpu.memory_space<vmem>>) target(%dma_start3A_435 : memref<10240x64xbf16, #tpu.memory_space<vmem_shared>>) offsets(%dma_start3A_432 : memref<128xi32, #tpu.memory_space<vmem>>) semaphore(%run_scoped3A_425 : memref<!tpu.dma_semaphore, #tpu.memory_space<semaphore_mem>>) {add = true}
        %dma_wait3A_436 = arith.constant 0 : i32
        %dma_wait3A_437 = arith.constant 0 : i32
        %dma_wait3A_438 = tpu.memref_slice %arg11[%run_scoped3A_406, %dma_wait3A_436, %dma_wait3A_437] : memref<4x128x64xbf16, #tpu.memory_space<vmem>> -> memref<1x128x64xbf16, #tpu.memory_space<vmem>>
        %dma_wait3A_439 = tpu.memref_squeeze %dma_wait3A_438 : memref<1x128x64xbf16, #tpu.memory_space<vmem>> -> memref<128x64xbf16, #tpu.memory_space<vmem>>
        %dma_wait3A_440 = arith.constant 0 : i32
        %dma_wait3A_441 = tpu.memref_slice %arg10[%run_scoped3A_407, %dma_wait3A_440] : memref<20x128xi32, #tpu.memory_space<vmem>> -> memref<1x128xi32, #tpu.memory_space<vmem>>
        %dma_wait3A_442 = tpu.memref_squeeze %dma_wait3A_441 : memref<1x128xi32, #tpu.memory_space<vmem>> -> memref<128xi32, #tpu.memory_space<vmem>>
        %dma_wait3A_443 = arith.constant 0 : i32
        %dma_wait3A_444 = arith.constant 0 : i32
        %dma_wait3A_445 = tpu.memref_slice %arg17[%dma_wait3A_443, %dma_wait3A_444] : memref<10240x64xbf16, #tpu.memory_space<vmem_shared>> -> memref<10240x64xbf16, #tpu.memory_space<vmem_shared>>
        tpu.wait_indirect_dma semaphore(%run_scoped3A_425 : memref<!tpu.dma_semaphore, #tpu.memory_space<semaphore_mem>>) src(%dma_wait3A_439 : memref<128x64xbf16, #tpu.memory_space<vmem>>) dst(%dma_wait3A_445 : memref<10240x64xbf16, #tpu.memory_space<vmem_shared>>)
        tpu.yield
      }) : () -> ()
      %dma_wait3A_408 = arith.constant 19 : i32
      %dma_wait3A_409 = arith.constant 3 : i32
      %dma_wait3A_410 = arith.constant 3 : i32
      %dma_wait3A_411 = arith.constant 0 : i32
      %dma_wait3A_412 = arith.constant 0 : i32
      %dma_wait3A_413 = tpu.memref_slice %arg11[%dma_wait3A_409, %dma_wait3A_411, %dma_wait3A_412] : memref<4x128x64xbf16, #tpu.memory_space<vmem>> -> memref<1x128x64xbf16, #tpu.memory_space<vmem>>
      %dma_wait3A_414 = tpu.memref_squeeze %dma_wait3A_413 : memref<1x128x64xbf16, #tpu.memory_space<vmem>> -> memref<128x64xbf16, #tpu.memory_space<vmem>>
      %dma_wait3A_415 = arith.constant 0 : i32
      %dma_wait3A_416 = tpu.memref_slice %arg9[%dma_wait3A_408, %dma_wait3A_415] : memref<20x128xi32, #tpu.memory_space<vmem>> -> memref<1x128xi32, #tpu.memory_space<vmem>>
      %dma_wait3A_417 = tpu.memref_squeeze %dma_wait3A_416 : memref<1x128xi32, #tpu.memory_space<vmem>> -> memref<128xi32, #tpu.memory_space<vmem>>
      %dma_wait3A_418 = arith.constant 0 : i32
      %dma_wait3A_419 = arith.constant 0 : i32
      %dma_wait3A_420 = tpu.memref_slice %arg18[%dma_wait3A_418, %dma_wait3A_419] : memref<10240x64xbf16, #tpu.memory_space<vmem_shared>> -> memref<10240x64xbf16, #tpu.memory_space<vmem_shared>>
      %dma_wait3A_421 = tpu.memref_slice %arg16[%dma_wait3A_410] : memref<4x!tpu.dma_semaphore, #tpu.memory_space<semaphore_mem>> -> memref<1x!tpu.dma_semaphore, #tpu.memory_space<semaphore_mem>>
      %dma_wait3A_422 = tpu.memref_squeeze %dma_wait3A_421 : memref<1x!tpu.dma_semaphore, #tpu.memory_space<semaphore_mem>> -> memref<!tpu.dma_semaphore, #tpu.memory_space<semaphore_mem>>
      tpu.wait_indirect_dma semaphore(%dma_wait3A_422 : memref<!tpu.dma_semaphore, #tpu.memory_space<semaphore_mem>>) src(%dma_wait3A_420 : memref<10240x64xbf16, #tpu.memory_space<vmem_shared>>) dst(%dma_wait3A_414 : memref<128x64xbf16, #tpu.memory_space<vmem>>)
      %run_scoped3A_423 = arith.constant 3 : i32
      %run_scoped3A_424 = arith.constant 19 : i32
      "tpu.region"() ({
        %run_scoped3A_425 = tpu.sem_alloc : memref<!tpu.dma_semaphore, #tpu.memory_space<semaphore_mem>>
        %dma_start3A_426 = arith.constant 0 : i32
        %dma_start3A_427 = arith.constant 0 : i32
        %dma_start3A_428 = tpu.memref_slice %arg11[%run_scoped3A_423, %dma_start3A_426, %dma_start3A_427] : memref<4x128x64xbf16, #tpu.memory_space<vmem>> -> memref<1x128x64xbf16, #tpu.memory_space<vmem>>
        %dma_start3A_429 = tpu.memref_squeeze %dma_start3A_428 : memref<1x128x64xbf16, #tpu.memory_space<vmem>> -> memref<128x64xbf16, #tpu.memory_space<vmem>>
        %dma_start3A_430 = arith.constant 0 : i32
        %dma_start3A_431 = tpu.memref_slice %arg10[%run_scoped3A_424, %dma_start3A_430] : memref<20x128xi32, #tpu.memory_space<vmem>> -> memref<1x128xi32, #tpu.memory_space<vmem>>
        %dma_start3A_432 = tpu.memref_squeeze %dma_start3A_431 : memref<1x128xi32, #tpu.memory_space<vmem>> -> memref<128xi32, #tpu.memory_space<vmem>>
        %dma_start3A_433 = arith.constant 0 : i32
        %dma_start3A_434 = arith.constant 0 : i32
        %dma_start3A_435 = tpu.memref_slice %arg17[%dma_start3A_433, %dma_start3A_434] : memref<10240x64xbf16, #tpu.memory_space<vmem_shared>> -> memref<10240x64xbf16, #tpu.memory_space<vmem_shared>>
        tpu.enqueue_indirect_dma source(%dma_start3A_429 : memref<128x64xbf16, #tpu.memory_space<vmem>>) target(%dma_start3A_435 : memref<10240x64xbf16, #tpu.memory_space<vmem_shared>>) offsets(%dma_start3A_432 : memref<128xi32, #tpu.memory_space<vmem>>) semaphore(%run_scoped3A_425 : memref<!tpu.dma_semaphore, #tpu.memory_space<semaphore_mem>>) {add = true}
        %dma_wait3A_436 = arith.constant 0 : i32
        %dma_wait3A_437 = arith.constant 0 : i32
        %dma_wait3A_438 = tpu.memref_slice %arg11[%run_scoped3A_423, %dma_wait3A_436, %dma_wait3A_437] : memref<4x128x64xbf16, #tpu.memory_space<vmem>> -> memref<1x128x64xbf16, #tpu.memory_space<vmem>>
        %dma_wait3A_439 = tpu.memref_squeeze %dma_wait3A_438 : memref<1x128x64xbf16, #tpu.memory_space<vmem>> -> memref<128x64xbf16, #tpu.memory_space<vmem>>
        %dma_wait3A_440 = arith.constant 0 : i32
        %dma_wait3A_441 = tpu.memref_slice %arg10[%run_scoped3A_424, %dma_wait3A_440] : memref<20x128xi32, #tpu.memory_space<vmem>> -> memref<1x128xi32, #tpu.memory_space<vmem>>
        %dma_wait3A_442 = tpu.memref_squeeze %dma_wait3A_441 : memref<1x128xi32, #tpu.memory_space<vmem>> -> memref<128xi32, #tpu.memory_space<vmem>>
        %dma_wait3A_443 = arith.constant 0 : i32
        %dma_wait3A_444 = arith.constant 0 : i32
        %dma_wait3A_445 = tpu.memref_slice %arg17[%dma_wait3A_443, %dma_wait3A_444] : memref<10240x64xbf16, #tpu.memory_space<vmem_shared>> -> memref<10240x64xbf16, #tpu.memory_space<vmem_shared>>
        tpu.wait_indirect_dma semaphore(%run_scoped3A_425 : memref<!tpu.dma_semaphore, #tpu.memory_space<semaphore_mem>>) src(%dma_wait3A_439 : memref<128x64xbf16, #tpu.memory_space<vmem>>) dst(%dma_wait3A_445 : memref<10240x64xbf16, #tpu.memory_space<vmem_shared>>)
        tpu.yield
      }) : () -> ()
    }
    %scan3A_48 = arith.constant 4 : i32
    %barrier3A_49 = arith.constant 0 : index
    tpu.barrier barrier_id(%barrier3A_49)
    %mul3A_50 = arith.constant 640 : i32
    %mul3A_51 = arith.muli %arg1, %mul3A_50 : i32
    %add3A_52 = arith.constant 0 : i32
    %add3A_53 = arith.addi %mul3A_51, %add3A_52 : i32
    %run_scoped3A_54 = arith.constant 0 : i32
    "tpu.region"() ({
      %run_scoped3A_110 = tpu.sem_alloc : memref<!tpu.dma_semaphore, #tpu.memory_space<semaphore_mem>>
      %dma_start3A_111 = arith.constant 0 : i32
      %dma_start3A_112 = arith.constant 0 : i32
      %dma_start3A_113 = tpu.memref_slice %arg11[%run_scoped3A_54, %dma_start3A_111, %dma_start3A_112] : memref<4x128x64xbf16, #tpu.memory_space<vmem>> -> memref<1x128x64xbf16, #tpu.memory_space<vmem>>
      %dma_start3A_114 = tpu.memref_squeeze %dma_start3A_113 : memref<1x128x64xbf16, #tpu.memory_space<vmem>> -> memref<128x64xbf16, #tpu.memory_space<vmem>>
      %dma_start3A_115 = arith.constant 0 : i32
      %dma_start3A_116 = tpu.memref_slice %arg17[%add3A_53, %dma_start3A_115] : memref<10240x64xbf16, #tpu.memory_space<vmem_shared>> -> memref<128x64xbf16, #tpu.memory_space<vmem_shared>>
      %dma_start3A_117 = arith.constant 0 : i32
      %dma_start3A_118 = arith.constant 0 : i32
      %dma_start3A_119 = tpu.memref_slice %arg11[%run_scoped3A_54, %dma_start3A_117, %dma_start3A_118] : memref<4x128x64xbf16, #tpu.memory_space<vmem>> -> memref<1x128x64xbf16, #tpu.memory_space<vmem>>
      %dma_start3A_120 = tpu.memref_squeeze %dma_start3A_119 : memref<1x128x64xbf16, #tpu.memory_space<vmem>> -> memref<128x64xbf16, #tpu.memory_space<vmem>>
      %dma_start3A_121 = arith.constant 0 : i32
      %dma_start3A_122 = tpu.memref_slice %arg17[%add3A_53, %dma_start3A_121] : memref<10240x64xbf16, #tpu.memory_space<vmem_shared>> -> memref<128x64xbf16, #tpu.memory_space<vmem_shared>>
      tpu.enqueue_dma source(%dma_start3A_122 : memref<128x64xbf16, #tpu.memory_space<vmem_shared>>) target(%dma_start3A_120 : memref<128x64xbf16, #tpu.memory_space<vmem>>) target_semaphore(%run_scoped3A_110 : memref<!tpu.dma_semaphore, #tpu.memory_space<semaphore_mem>>)
      %dma_wait3A = arith.constant 0 : i32
      %dma_wait3A_123 = arith.constant 0 : i32
      %dma_wait3A_124 = tpu.memref_slice %arg11[%run_scoped3A_54, %dma_wait3A, %dma_wait3A_123] : memref<4x128x64xbf16, #tpu.memory_space<vmem>> -> memref<1x128x64xbf16, #tpu.memory_space<vmem>>
      %dma_wait3A_125 = tpu.memref_squeeze %dma_wait3A_124 : memref<1x128x64xbf16, #tpu.memory_space<vmem>> -> memref<128x64xbf16, #tpu.memory_space<vmem>>
      %dma_wait3A_126 = arith.constant 0 : i32
      %dma_wait3A_127 = tpu.memref_slice %arg17[%add3A_53, %dma_wait3A_126] : memref<10240x64xbf16, #tpu.memory_space<vmem_shared>> -> memref<128x64xbf16, #tpu.memory_space<vmem_shared>>
      %dma_wait3A_128 = arith.constant 0 : i32
      %dma_wait3A_129 = arith.constant 0 : i32
      %dma_wait3A_130 = tpu.memref_slice %arg11[%run_scoped3A_54, %dma_wait3A_128, %dma_wait3A_129] : memref<4x128x64xbf16, #tpu.memory_space<vmem>> -> memref<1x128x64xbf16, #tpu.memory_space<vmem>>
      %dma_wait3A_131 = tpu.memref_squeeze %dma_wait3A_130 : memref<1x128x64xbf16, #tpu.memory_space<vmem>> -> memref<128x64xbf16, #tpu.memory_space<vmem>>
      %dma_wait3A_132 = arith.constant 0 : i32
      %dma_wait3A_133 = tpu.memref_slice %arg17[%add3A_53, %dma_wait3A_132] : memref<10240x64xbf16, #tpu.memory_space<vmem_shared>> -> memref<128x64xbf16, #tpu.memory_space<vmem_shared>>
      tpu.wait_dma2 semaphore(%run_scoped3A_110 : memref<!tpu.dma_semaphore, #tpu.memory_space<semaphore_mem>>) src(%dma_wait3A_133 : memref<128x64xbf16, #tpu.memory_space<vmem_shared>>) dst(%dma_wait3A_131 : memref<128x64xbf16, #tpu.memory_space<vmem>>)
      tpu.yield
    }) : () -> ()
    %run_scoped3A_55 = arith.constant 1 : i32
    "tpu.region"() ({
      %run_scoped3A_110 = tpu.sem_alloc : memref<!tpu.dma_semaphore, #tpu.memory_space<semaphore_mem>>
      %dma_start3A_111 = arith.constant 0 : i32
      %dma_start3A_112 = arith.constant 0 : i32
      %dma_start3A_113 = tpu.memref_slice %arg11[%run_scoped3A_55, %dma_start3A_111, %dma_start3A_112] : memref<4x128x64xbf16, #tpu.memory_space<vmem>> -> memref<1x128x64xbf16, #tpu.memory_space<vmem>>
      %dma_start3A_114 = tpu.memref_squeeze %dma_start3A_113 : memref<1x128x64xbf16, #tpu.memory_space<vmem>> -> memref<128x64xbf16, #tpu.memory_space<vmem>>
      %dma_start3A_115 = arith.constant 0 : i32
      %dma_start3A_116 = tpu.memref_slice %arg18[%add3A_53, %dma_start3A_115] : memref<10240x64xbf16, #tpu.memory_space<vmem_shared>> -> memref<128x64xbf16, #tpu.memory_space<vmem_shared>>
      %dma_start3A_117 = arith.constant 0 : i32
      %dma_start3A_118 = arith.constant 0 : i32
      %dma_start3A_119 = tpu.memref_slice %arg11[%run_scoped3A_55, %dma_start3A_117, %dma_start3A_118] : memref<4x128x64xbf16, #tpu.memory_space<vmem>> -> memref<1x128x64xbf16, #tpu.memory_space<vmem>>
      %dma_start3A_120 = tpu.memref_squeeze %dma_start3A_119 : memref<1x128x64xbf16, #tpu.memory_space<vmem>> -> memref<128x64xbf16, #tpu.memory_space<vmem>>
      %dma_start3A_121 = arith.constant 0 : i32
      %dma_start3A_122 = tpu.memref_slice %arg18[%add3A_53, %dma_start3A_121] : memref<10240x64xbf16, #tpu.memory_space<vmem_shared>> -> memref<128x64xbf16, #tpu.memory_space<vmem_shared>>
      tpu.enqueue_dma source(%dma_start3A_122 : memref<128x64xbf16, #tpu.memory_space<vmem_shared>>) target(%dma_start3A_120 : memref<128x64xbf16, #tpu.memory_space<vmem>>) target_semaphore(%run_scoped3A_110 : memref<!tpu.dma_semaphore, #tpu.memory_space<semaphore_mem>>)
      %dma_wait3A = arith.constant 0 : i32
      %dma_wait3A_123 = arith.constant 0 : i32
      %dma_wait3A_124 = tpu.memref_slice %arg11[%run_scoped3A_55, %dma_wait3A, %dma_wait3A_123] : memref<4x128x64xbf16, #tpu.memory_space<vmem>> -> memref<1x128x64xbf16, #tpu.memory_space<vmem>>
      %dma_wait3A_125 = tpu.memref_squeeze %dma_wait3A_124 : memref<1x128x64xbf16, #tpu.memory_space<vmem>> -> memref<128x64xbf16, #tpu.memory_space<vmem>>
      %dma_wait3A_126 = arith.constant 0 : i32
      %dma_wait3A_127 = tpu.memref_slice %arg18[%add3A_53, %dma_wait3A_126] : memref<10240x64xbf16, #tpu.memory_space<vmem_shared>> -> memref<128x64xbf16, #tpu.memory_space<vmem_shared>>
      %dma_wait3A_128 = arith.constant 0 : i32
      %dma_wait3A_129 = arith.constant 0 : i32
      %dma_wait3A_130 = tpu.memref_slice %arg11[%run_scoped3A_55, %dma_wait3A_128, %dma_wait3A_129] : memref<4x128x64xbf16, #tpu.memory_space<vmem>> -> memref<1x128x64xbf16, #tpu.memory_space<vmem>>
      %dma_wait3A_131 = tpu.memref_squeeze %dma_wait3A_130 : memref<1x128x64xbf16, #tpu.memory_space<vmem>> -> memref<128x64xbf16, #tpu.memory_space<vmem>>
      %dma_wait3A_132 = arith.constant 0 : i32
      %dma_wait3A_133 = tpu.memref_slice %arg18[%add3A_53, %dma_wait3A_132] : memref<10240x64xbf16, #tpu.memory_space<vmem_shared>> -> memref<128x64xbf16, #tpu.memory_space<vmem_shared>>
      tpu.wait_dma2 semaphore(%run_scoped3A_110 : memref<!tpu.dma_semaphore, #tpu.memory_space<semaphore_mem>>) src(%dma_wait3A_133 : memref<128x64xbf16, #tpu.memory_space<vmem_shared>>) dst(%dma_wait3A_131 : memref<128x64xbf16, #tpu.memory_space<vmem>>)
      tpu.yield
    }) : () -> ()
    %scan3A_56 = arith.constant 0 : i32
    %scan3A_57 = arith.constant 128 : i32
    %scan3A_58 = arith.addi %scan3A_56, %scan3A_57 : i32
    %scan3A_59 = arith.constant 1 : i32
    scf.for %scan3A_110 = %scan3A_56 to %scan3A_58 step %scan3A_59  : i32 {
      %get3A = arith.constant 0 : i32
      %get3A_111 = arith.index_cast %get3A : i32 to index
      %get3A_112 = arith.index_cast %scan3A_110 : i32 to index
      %get3A_113 = arith.constant 0 : index
      %get3A_114 = tpu.vector_load %arg11[%get3A_111, %get3A_112, %get3A_113] {strides = array<i32>} : memref<4x128x64xbf16, #tpu.memory_space<vmem>>, vector<32xbf16>,
      %get3A_115 = arith.constant 1 : i32
      %get3A_116 = arith.index_cast %get3A_115 : i32 to index
      %get3A_117 = arith.index_cast %scan3A_110 : i32 to index
      %get3A_118 = arith.constant 0 : index
      %get3A_119 = tpu.vector_load %arg11[%get3A_116, %get3A_117, %get3A_118] {strides = array<i32>} : memref<4x128x64xbf16, #tpu.memory_space<vmem>>, vector<32xbf16>,
      %add3A_120 = arith.addf %get3A_114, %get3A_119 : vector<32xbf16>
      %swap3A = arith.constant 0 : i32
      %swap3A_121 = arith.index_cast %swap3A : i32 to index
      %swap3A_122 = arith.index_cast %scan3A_110 : i32 to index
      %swap3A_123 = arith.constant 0 : index
      %swap3A_124 = tpu.vector_load %arg11[%swap3A_121, %swap3A_122, %swap3A_123] {strides = array<i32>} : memref<4x128x64xbf16, #tpu.memory_space<vmem>>, vector<32xbf16>,
      tpu.vector_store %arg11[%swap3A_121, %swap3A_122, %swap3A_123], %add3A_120 {strides = array<i32>} : memref<4x128x64xbf16, #tpu.memory_space<vmem>>, vector<32xbf16>,
      %get3A_125 = arith.constant 0 : i32
      %get3A_126 = arith.index_cast %get3A_125 : i32 to index
      %get3A_127 = arith.index_cast %scan3A_110 : i32 to index
      %get3A_128 = arith.constant 32 : index
      %get3A_129 = tpu.vector_load %arg11[%get3A_126, %get3A_127, %get3A_128] {strides = array<i32>} : memref<4x128x64xbf16, #tpu.memory_space<vmem>>, vector<32xbf16>,
      %get3A_130 = arith.constant 1 : i32
      %get3A_131 = arith.index_cast %get3A_130 : i32 to index
      %get3A_132 = arith.index_cast %scan3A_110 : i32 to index
      %get3A_133 = arith.constant 32 : index
      %get3A_134 = tpu.vector_load %arg11[%get3A_131, %get3A_132, %get3A_133] {strides = array<i32>} : memref<4x128x64xbf16, #tpu.memory_space<vmem>>, vector<32xbf16>,
      %add3A_135 = arith.addf %get3A_129, %get3A_134 : vector<32xbf16>
      %swap3A_136 = arith.constant 0 : i32
      %swap3A_137 = arith.index_cast %swap3A_136 : i32 to index
      %swap3A_138 = arith.index_cast %scan3A_110 : i32 to index
      %swap3A_139 = arith.constant 32 : index
      %swap3A_140 = tpu.vector_load %arg11[%swap3A_137, %swap3A_138, %swap3A_139] {strides = array<i32>} : memref<4x128x64xbf16, #tpu.memory_space<vmem>>, vector<32xbf16>,
      tpu.vector_store %arg11[%swap3A_137, %swap3A_138, %swap3A_139], %add3A_135 {strides = array<i32>} : memref<4x128x64xbf16, #tpu.memory_space<vmem>>, vector<32xbf16>,
    }
    %scan3A_60 = arith.constant 128 : i32
    %run_scoped3A_61 = arith.constant 0 : i32
    "tpu.region"() ({
      %run_scoped3A_110 = tpu.sem_alloc : memref<!tpu.dma_semaphore, #tpu.memory_space<semaphore_mem>>
      %dma_start3A_111 = arith.constant 0 : i32
      %dma_start3A_112 = arith.constant 0 : i32
      %dma_start3A_113 = tpu.memref_slice %arg11[%run_scoped3A_61, %dma_start3A_111, %dma_start3A_112] : memref<4x128x64xbf16, #tpu.memory_space<vmem>> -> memref<1x128x64xbf16, #tpu.memory_space<vmem>>
      %dma_start3A_114 = tpu.memref_squeeze %dma_start3A_113 : memref<1x128x64xbf16, #tpu.memory_space<vmem>> -> memref<128x64xbf16, #tpu.memory_space<vmem>>
      %dma_start3A_115 = arith.constant 0 : i32
      %dma_start3A_116 = tpu.memref_slice %arg6[%arg0, %add3A_53, %dma_start3A_115] : memref<2x10240x64xbf16, #tpu.memory_space<hbm>> -> memref<1x128x64xbf16, #tpu.memory_space<hbm>>
      %dma_start3A_117 = tpu.memref_squeeze %dma_start3A_116 : memref<1x128x64xbf16, #tpu.memory_space<hbm>> -> memref<128x64xbf16, #tpu.memory_space<hbm>>
      %dma_start3A_118 = arith.constant 0 : i32
      %dma_start3A_119 = tpu.memref_slice %arg6[%arg0, %add3A_53, %dma_start3A_118] : memref<2x10240x64xbf16, #tpu.memory_space<hbm>> -> memref<1x128x64xbf16, #tpu.memory_space<hbm>>
      %dma_start3A_120 = tpu.memref_squeeze %dma_start3A_119 : memref<1x128x64xbf16, #tpu.memory_space<hbm>> -> memref<128x64xbf16, #tpu.memory_space<hbm>>
      %dma_start3A_121 = arith.constant 0 : i32
      %dma_start3A_122 = arith.constant 0 : i32
      %dma_start3A_123 = tpu.memref_slice %arg11[%run_scoped3A_61, %dma_start3A_121, %dma_start3A_122] : memref<4x128x64xbf16, #tpu.memory_space<vmem>> -> memref<1x128x64xbf16, #tpu.memory_space<vmem>>
      %dma_start3A_124 = tpu.memref_squeeze %dma_start3A_123 : memref<1x128x64xbf16, #tpu.memory_space<vmem>> -> memref<128x64xbf16, #tpu.memory_space<vmem>>
      tpu.enqueue_dma source(%dma_start3A_124 : memref<128x64xbf16, #tpu.memory_space<vmem>>) target(%dma_start3A_120 : memref<128x64xbf16, #tpu.memory_space<hbm>>) target_semaphore(%run_scoped3A_110 : memref<!tpu.dma_semaphore, #tpu.memory_space<semaphore_mem>>)
      %dma_wait3A = arith.constant 0 : i32
      %dma_wait3A_125 = arith.constant 0 : i32
      %dma_wait3A_126 = tpu.memref_slice %arg11[%run_scoped3A_61, %dma_wait3A, %dma_wait3A_125] : memref<4x128x64xbf16, #tpu.memory_space<vmem>> -> memref<1x128x64xbf16, #tpu.memory_space<vmem>>
      %dma_wait3A_127 = tpu.memref_squeeze %dma_wait3A_126 : memref<1x128x64xbf16, #tpu.memory_space<vmem>> -> memref<128x64xbf16, #tpu.memory_space<vmem>>
      %dma_wait3A_128 = arith.constant 0 : i32
      %dma_wait3A_129 = tpu.memref_slice %arg6[%arg0, %add3A_53, %dma_wait3A_128] : memref<2x10240x64xbf16, #tpu.memory_space<hbm>> -> memref<1x128x64xbf16, #tpu.memory_space<hbm>>
      %dma_wait3A_130 = tpu.memref_squeeze %dma_wait3A_129 : memref<1x128x64xbf16, #tpu.memory_space<hbm>> -> memref<128x64xbf16, #tpu.memory_space<hbm>>
      %dma_wait3A_131 = arith.constant 0 : i32
      %dma_wait3A_132 = tpu.memref_slice %arg6[%arg0, %add3A_53, %dma_wait3A_131] : memref<2x10240x64xbf16, #tpu.memory_space<hbm>> -> memref<1x128x64xbf16, #tpu.memory_space<hbm>>
      %dma_wait3A_133 = tpu.memref_squeeze %dma_wait3A_132 : memref<1x128x64xbf16, #tpu.memory_space<hbm>> -> memref<128x64xbf16, #tpu.memory_space<hbm>>
      %dma_wait3A_134 = arith.constant 0 : i32
      %dma_wait3A_135 = arith.constant 0 : i32
      %dma_wait3A_136 = tpu.memref_slice %arg11[%run_scoped3A_61, %dma_wait3A_134, %dma_wait3A_135] : memref<4x128x64xbf16, #tpu.memory_space<vmem>> -> memref<1x128x64xbf16, #tpu.memory_space<vmem>>
      %dma_wait3A_137 = tpu.memref_squeeze %dma_wait3A_136 : memref<1x128x64xbf16, #tpu.memory_space<vmem>> -> memref<128x64xbf16, #tpu.memory_space<vmem>>
      tpu.wait_dma2 semaphore(%run_scoped3A_110 : memref<!tpu.dma_semaphore, #tpu.memory_space<semaphore_mem>>) src(%dma_wait3A_137 : memref<128x64xbf16, #tpu.memory_space<vmem>>) dst(%dma_wait3A_133 : memref<128x64xbf16, #tpu.memory_space<hbm>>)
      tpu.yield
    }) : () -> ()
    %mul3A_62 = arith.constant 640 : i32
    %mul3A_63 = arith.muli %arg1, %mul3A_62 : i32
    %add3A_64 = arith.constant 128 : i32
    %add3A_65 = arith.addi %mul3A_63, %add3A_64 : i32
    %run_scoped3A_66 = arith.constant 0 : i32
    "tpu.region"() ({
      %run_scoped3A_110 = tpu.sem_alloc : memref<!tpu.dma_semaphore, #tpu.memory_space<semaphore_mem>>
      %dma_start3A_111 = arith.constant 0 : i32
      %dma_start3A_112 = arith.constant 0 : i32
      %dma_start3A_113 = tpu.memref_slice %arg11[%run_scoped3A_66, %dma_start3A_111, %dma_start3A_112] : memref<4x128x64xbf16, #tpu.memory_space<vmem>> -> memref<1x128x64xbf16, #tpu.memory_space<vmem>>
      %dma_start3A_114 = tpu.memref_squeeze %dma_start3A_113 : memref<1x128x64xbf16, #tpu.memory_space<vmem>> -> memref<128x64xbf16, #tpu.memory_space<vmem>>
      %dma_start3A_115 = arith.constant 0 : i32
      %dma_start3A_116 = tpu.memref_slice %arg17[%add3A_65, %dma_start3A_115] : memref<10240x64xbf16, #tpu.memory_space<vmem_shared>> -> memref<128x64xbf16, #tpu.memory_space<vmem_shared>>
      %dma_start3A_117 = arith.constant 0 : i32
      %dma_start3A_118 = arith.constant 0 : i32
      %dma_start3A_119 = tpu.memref_slice %arg11[%run_scoped3A_66, %dma_start3A_117, %dma_start3A_118] : memref<4x128x64xbf16, #tpu.memory_space<vmem>> -> memref<1x128x64xbf16, #tpu.memory_space<vmem>>
      %dma_start3A_120 = tpu.memref_squeeze %dma_start3A_119 : memref<1x128x64xbf16, #tpu.memory_space<vmem>> -> memref<128x64xbf16, #tpu.memory_space<vmem>>
      %dma_start3A_121 = arith.constant 0 : i32
      %dma_start3A_122 = tpu.memref_slice %arg17[%add3A_65, %dma_start3A_121] : memref<10240x64xbf16, #tpu.memory_space<vmem_shared>> -> memref<128x64xbf16, #tpu.memory_space<vmem_shared>>
      tpu.enqueue_dma source(%dma_start3A_122 : memref<128x64xbf16, #tpu.memory_space<vmem_shared>>) target(%dma_start3A_120 : memref<128x64xbf16, #tpu.memory_space<vmem>>) target_semaphore(%run_scoped3A_110 : memref<!tpu.dma_semaphore, #tpu.memory_space<semaphore_mem>>)
      %dma_wait3A = arith.constant 0 : i32
      %dma_wait3A_123 = arith.constant 0 : i32
      %dma_wait3A_124 = tpu.memref_slice %arg11[%run_scoped3A_66, %dma_wait3A, %dma_wait3A_123] : memref<4x128x64xbf16, #tpu.memory_space<vmem>> -> memref<1x128x64xbf16, #tpu.memory_space<vmem>>
      %dma_wait3A_125 = tpu.memref_squeeze %dma_wait3A_124 : memref<1x128x64xbf16, #tpu.memory_space<vmem>> -> memref<128x64xbf16, #tpu.memory_space<vmem>>
      %dma_wait3A_126 = arith.constant 0 : i32
      %dma_wait3A_127 = tpu.memref_slice %arg17[%add3A_65, %dma_wait3A_126] : memref<10240x64xbf16, #tpu.memory_space<vmem_shared>> -> memref<128x64xbf16, #tpu.memory_space<vmem_shared>>
      %dma_wait3A_128 = arith.constant 0 : i32
      %dma_wait3A_129 = arith.constant 0 : i32
      %dma_wait3A_130 = tpu.memref_slice %arg11[%run_scoped3A_66, %dma_wait3A_128, %dma_wait3A_129] : memref<4x128x64xbf16, #tpu.memory_space<vmem>> -> memref<1x128x64xbf16, #tpu.memory_space<vmem>>
      %dma_wait3A_131 = tpu.memref_squeeze %dma_wait3A_130 : memref<1x128x64xbf16, #tpu.memory_space<vmem>> -> memref<128x64xbf16, #tpu.memory_space<vmem>>
      %dma_wait3A_132 = arith.constant 0 : i32
      %dma_wait3A_133 = tpu.memref_slice %arg17[%add3A_65, %dma_wait3A_132] : memref<10240x64xbf16, #tpu.memory_space<vmem_shared>> -> memref<128x64xbf16, #tpu.memory_space<vmem_shared>>
      tpu.wait_dma2 semaphore(%run_scoped3A_110 : memref<!tpu.dma_semaphore, #tpu.memory_space<semaphore_mem>>) src(%dma_wait3A_133 : memref<128x64xbf16, #tpu.memory_space<vmem_shared>>) dst(%dma_wait3A_131 : memref<128x64xbf16, #tpu.memory_space<vmem>>)
      tpu.yield
    }) : () -> ()
    %run_scoped3A_67 = arith.constant 1 : i32
    "tpu.region"() ({
      %run_scoped3A_110 = tpu.sem_alloc : memref<!tpu.dma_semaphore, #tpu.memory_space<semaphore_mem>>
      %dma_start3A_111 = arith.constant 0 : i32
      %dma_start3A_112 = arith.constant 0 : i32
      %dma_start3A_113 = tpu.memref_slice %arg11[%run_scoped3A_67, %dma_start3A_111, %dma_start3A_112] : memref<4x128x64xbf16, #tpu.memory_space<vmem>> -> memref<1x128x64xbf16, #tpu.memory_space<vmem>>
      %dma_start3A_114 = tpu.memref_squeeze %dma_start3A_113 : memref<1x128x64xbf16, #tpu.memory_space<vmem>> -> memref<128x64xbf16, #tpu.memory_space<vmem>>
      %dma_start3A_115 = arith.constant 0 : i32
      %dma_start3A_116 = tpu.memref_slice %arg18[%add3A_65, %dma_start3A_115] : memref<10240x64xbf16, #tpu.memory_space<vmem_shared>> -> memref<128x64xbf16, #tpu.memory_space<vmem_shared>>
      %dma_start3A_117 = arith.constant 0 : i32
      %dma_start3A_118 = arith.constant 0 : i32
      %dma_start3A_119 = tpu.memref_slice %arg11[%run_scoped3A_67, %dma_start3A_117, %dma_start3A_118] : memref<4x128x64xbf16, #tpu.memory_space<vmem>> -> memref<1x128x64xbf16, #tpu.memory_space<vmem>>
      %dma_start3A_120 = tpu.memref_squeeze %dma_start3A_119 : memref<1x128x64xbf16, #tpu.memory_space<vmem>> -> memref<128x64xbf16, #tpu.memory_space<vmem>>
      %dma_start3A_121 = arith.constant 0 : i32
      %dma_start3A_122 = tpu.memref_slice %arg18[%add3A_65, %dma_start3A_121] : memref<10240x64xbf16, #tpu.memory_space<vmem_shared>> -> memref<128x64xbf16, #tpu.memory_space<vmem_shared>>
      tpu.enqueue_dma source(%dma_start3A_122 : memref<128x64xbf16, #tpu.memory_space<vmem_shared>>) target(%dma_start3A_120 : memref<128x64xbf16, #tpu.memory_space<vmem>>) target_semaphore(%run_scoped3A_110 : memref<!tpu.dma_semaphore, #tpu.memory_space<semaphore_mem>>)
      %dma_wait3A = arith.constant 0 : i32
      %dma_wait3A_123 = arith.constant 0 : i32
      %dma_wait3A_124 = tpu.memref_slice %arg11[%run_scoped3A_67, %dma_wait3A, %dma_wait3A_123] : memref<4x128x64xbf16, #tpu.memory_space<vmem>> -> memref<1x128x64xbf16, #tpu.memory_space<vmem>>
      %dma_wait3A_125 = tpu.memref_squeeze %dma_wait3A_124 : memref<1x128x64xbf16, #tpu.memory_space<vmem>> -> memref<128x64xbf16, #tpu.memory_space<vmem>>
      %dma_wait3A_126 = arith.constant 0 : i32
      %dma_wait3A_127 = tpu.memref_slice %arg18[%add3A_65, %dma_wait3A_126] : memref<10240x64xbf16, #tpu.memory_space<vmem_shared>> -> memref<128x64xbf16, #tpu.memory_space<vmem_shared>>
      %dma_wait3A_128 = arith.constant 0 : i32
      %dma_wait3A_129 = arith.constant 0 : i32
      %dma_wait3A_130 = tpu.memref_slice %arg11[%run_scoped3A_67, %dma_wait3A_128, %dma_wait3A_129] : memref<4x128x64xbf16, #tpu.memory_space<vmem>> -> memref<1x128x64xbf16, #tpu.memory_space<vmem>>
      %dma_wait3A_131 = tpu.memref_squeeze %dma_wait3A_130 : memref<1x128x64xbf16, #tpu.memory_space<vmem>> -> memref<128x64xbf16, #tpu.memory_space<vmem>>
      %dma_wait3A_132 = arith.constant 0 : i32
      %dma_wait3A_133 = tpu.memref_slice %arg18[%add3A_65, %dma_wait3A_132] : memref<10240x64xbf16, #tpu.memory_space<vmem_shared>> -> memref<128x64xbf16, #tpu.memory_space<vmem_shared>>
      tpu.wait_dma2 semaphore(%run_scoped3A_110 : memref<!tpu.dma_semaphore, #tpu.memory_space<semaphore_mem>>) src(%dma_wait3A_133 : memref<128x64xbf16, #tpu.memory_space<vmem_shared>>) dst(%dma_wait3A_131 : memref<128x64xbf16, #tpu.memory_space<vmem>>)
      tpu.yield
    }) : () -> ()
    %scan3A_68 = arith.constant 0 : i32
    %scan3A_69 = arith.constant 128 : i32
    %scan3A_70 = arith.addi %scan3A_68, %scan3A_69 : i32
    %scan3A_71 = arith.constant 1 : i32
    scf.for %scan3A_110 = %scan3A_68 to %scan3A_70 step %scan3A_71  : i32 {
      %get3A = arith.constant 0 : i32
      %get3A_111 = arith.index_cast %get3A : i32 to index
      %get3A_112 = arith.index_cast %scan3A_110 : i32 to index
      %get3A_113 = arith.constant 0 : index
      %get3A_114 = tpu.vector_load %arg11[%get3A_111, %get3A_112, %get3A_113] {strides = array<i32>} : memref<4x128x64xbf16, #tpu.memory_space<vmem>>, vector<32xbf16>,
      %get3A_115 = arith.constant 1 : i32
      %get3A_116 = arith.index_cast %get3A_115 : i32 to index
      %get3A_117 = arith.index_cast %scan3A_110 : i32 to index
      %get3A_118 = arith.constant 0 : index
      %get3A_119 = tpu.vector_load %arg11[%get3A_116, %get3A_117, %get3A_118] {strides = array<i32>} : memref<4x128x64xbf16, #tpu.memory_space<vmem>>, vector<32xbf16>,
      %add3A_120 = arith.addf %get3A_114, %get3A_119 : vector<32xbf16>
      %swap3A = arith.constant 0 : i32
      %swap3A_121 = arith.index_cast %swap3A : i32 to index
      %swap3A_122 = arith.index_cast %scan3A_110 : i32 to index
      %swap3A_123 = arith.constant 0 : index
      %swap3A_124 = tpu.vector_load %arg11[%swap3A_121, %swap3A_122, %swap3A_123] {strides = array<i32>} : memref<4x128x64xbf16, #tpu.memory_space<vmem>>, vector<32xbf16>,
      tpu.vector_store %arg11[%swap3A_121, %swap3A_122, %swap3A_123], %add3A_120 {strides = array<i32>} : memref<4x128x64xbf16, #tpu.memory_space<vmem>>, vector<32xbf16>,
      %get3A_125 = arith.constant 0 : i32
      %get3A_126 = arith.index_cast %get3A_125 : i32 to index
      %get3A_127 = arith.index_cast %scan3A_110 : i32 to index
      %get3A_128 = arith.constant 32 : index
      %get3A_129 = tpu.vector_load %arg11[%get3A_126, %get3A_127, %get3A_128] {strides = array<i32>} : memref<4x128x64xbf16, #tpu.memory_space<vmem>>, vector<32xbf16>,
      %get3A_130 = arith.constant 1 : i32
      %get3A_131 = arith.index_cast %get3A_130 : i32 to index
      %get3A_132 = arith.index_cast %scan3A_110 : i32 to index
      %get3A_133 = arith.constant 32 : index
      %get3A_134 = tpu.vector_load %arg11[%get3A_131, %get3A_132, %get3A_133] {strides = array<i32>} : memref<4x128x64xbf16, #tpu.memory_space<vmem>>, vector<32xbf16>,
      %add3A_135 = arith.addf %get3A_129, %get3A_134 : vector<32xbf16>
      %swap3A_136 = arith.constant 0 : i32
      %swap3A_137 = arith.index_cast %swap3A_136 : i32 to index
      %swap3A_138 = arith.index_cast %scan3A_110 : i32 to index
      %swap3A_139 = arith.constant 32 : index
      %swap3A_140 = tpu.vector_load %arg11[%swap3A_137, %swap3A_138, %swap3A_139] {strides = array<i32>} : memref<4x128x64xbf16, #tpu.memory_space<vmem>>, vector<32xbf16>,
      tpu.vector_store %arg11[%swap3A_137, %swap3A_138, %swap3A_139], %add3A_135 {strides = array<i32>} : memref<4x128x64xbf16, #tpu.memory_space<vmem>>, vector<32xbf16>,
    }
    %scan3A_72 = arith.constant 128 : i32
    %run_scoped3A_73 = arith.constant 0 : i32
    "tpu.region"() ({
      %run_scoped3A_110 = tpu.sem_alloc : memref<!tpu.dma_semaphore, #tpu.memory_space<semaphore_mem>>
      %dma_start3A_111 = arith.constant 0 : i32
      %dma_start3A_112 = arith.constant 0 : i32
      %dma_start3A_113 = tpu.memref_slice %arg11[%run_scoped3A_73, %dma_start3A_111, %dma_start3A_112] : memref<4x128x64xbf16, #tpu.memory_space<vmem>> -> memref<1x128x64xbf16, #tpu.memory_space<vmem>>
      %dma_start3A_114 = tpu.memref_squeeze %dma_start3A_113 : memref<1x128x64xbf16, #tpu.memory_space<vmem>> -> memref<128x64xbf16, #tpu.memory_space<vmem>>
      %dma_start3A_115 = arith.constant 0 : i32
      %dma_start3A_116 = tpu.memref_slice %arg6[%arg0, %add3A_65, %dma_start3A_115] : memref<2x10240x64xbf16, #tpu.memory_space<hbm>> -> memref<1x128x64xbf16, #tpu.memory_space<hbm>>
      %dma_start3A_117 = tpu.memref_squeeze %dma_start3A_116 : memref<1x128x64xbf16, #tpu.memory_space<hbm>> -> memref<128x64xbf16, #tpu.memory_space<hbm>>
      %dma_start3A_118 = arith.constant 0 : i32
      %dma_start3A_119 = tpu.memref_slice %arg6[%arg0, %add3A_65, %dma_start3A_118] : memref<2x10240x64xbf16, #tpu.memory_space<hbm>> -> memref<1x128x64xbf16, #tpu.memory_space<hbm>>
      %dma_start3A_120 = tpu.memref_squeeze %dma_start3A_119 : memref<1x128x64xbf16, #tpu.memory_space<hbm>> -> memref<128x64xbf16, #tpu.memory_space<hbm>>
      %dma_start3A_121 = arith.constant 0 : i32
      %dma_start3A_122 = arith.constant 0 : i32
      %dma_start3A_123 = tpu.memref_slice %arg11[%run_scoped3A_73, %dma_start3A_121, %dma_start3A_122] : memref<4x128x64xbf16, #tpu.memory_space<vmem>> -> memref<1x128x64xbf16, #tpu.memory_space<vmem>>
      %dma_start3A_124 = tpu.memref_squeeze %dma_start3A_123 : memref<1x128x64xbf16, #tpu.memory_space<vmem>> -> memref<128x64xbf16, #tpu.memory_space<vmem>>
      tpu.enqueue_dma source(%dma_start3A_124 : memref<128x64xbf16, #tpu.memory_space<vmem>>) target(%dma_start3A_120 : memref<128x64xbf16, #tpu.memory_space<hbm>>) target_semaphore(%run_scoped3A_110 : memref<!tpu.dma_semaphore, #tpu.memory_space<semaphore_mem>>)
      %dma_wait3A = arith.constant 0 : i32
      %dma_wait3A_125 = arith.constant 0 : i32
      %dma_wait3A_126 = tpu.memref_slice %arg11[%run_scoped3A_73, %dma_wait3A, %dma_wait3A_125] : memref<4x128x64xbf16, #tpu.memory_space<vmem>> -> memref<1x128x64xbf16, #tpu.memory_space<vmem>>
      %dma_wait3A_127 = tpu.memref_squeeze %dma_wait3A_126 : memref<1x128x64xbf16, #tpu.memory_space<vmem>> -> memref<128x64xbf16, #tpu.memory_space<vmem>>
      %dma_wait3A_128 = arith.constant 0 : i32
      %dma_wait3A_129 = tpu.memref_slice %arg6[%arg0, %add3A_65, %dma_wait3A_128] : memref<2x10240x64xbf16, #tpu.memory_space<hbm>> -> memref<1x128x64xbf16, #tpu.memory_space<hbm>>
      %dma_wait3A_130 = tpu.memref_squeeze %dma_wait3A_129 : memref<1x128x64xbf16, #tpu.memory_space<hbm>> -> memref<128x64xbf16, #tpu.memory_space<hbm>>
      %dma_wait3A_131 = arith.constant 0 : i32
      %dma_wait3A_132 = tpu.memref_slice %arg6[%arg0, %add3A_65, %dma_wait3A_131] : memref<2x10240x64xbf16, #tpu.memory_space<hbm>> -> memref<1x128x64xbf16, #tpu.memory_space<hbm>>
      %dma_wait3A_133 = tpu.memref_squeeze %dma_wait3A_132 : memref<1x128x64xbf16, #tpu.memory_space<hbm>> -> memref<128x64xbf16, #tpu.memory_space<hbm>>
      %dma_wait3A_134 = arith.constant 0 : i32
      %dma_wait3A_135 = arith.constant 0 : i32
      %dma_wait3A_136 = tpu.memref_slice %arg11[%run_scoped3A_73, %dma_wait3A_134, %dma_wait3A_135] : memref<4x128x64xbf16, #tpu.memory_space<vmem>> -> memref<1x128x64xbf16, #tpu.memory_space<vmem>>
      %dma_wait3A_137 = tpu.memref_squeeze %dma_wait3A_136 : memref<1x128x64xbf16, #tpu.memory_space<vmem>> -> memref<128x64xbf16, #tpu.memory_space<vmem>>
      tpu.wait_dma2 semaphore(%run_scoped3A_110 : memref<!tpu.dma_semaphore, #tpu.memory_space<semaphore_mem>>) src(%dma_wait3A_137 : memref<128x64xbf16, #tpu.memory_space<vmem>>) dst(%dma_wait3A_133 : memref<128x64xbf16, #tpu.memory_space<hbm>>)
      tpu.yield
    }) : () -> ()
    %mul3A_74 = arith.constant 640 : i32
    %mul3A_75 = arith.muli %arg1, %mul3A_74 : i32
    %add3A_76 = arith.constant 256 : i32
    %add3A_77 = arith.addi %mul3A_75, %add3A_76 : i32
    %run_scoped3A_78 = arith.constant 0 : i32
    "tpu.region"() ({
      %run_scoped3A_110 = tpu.sem_alloc : memref<!tpu.dma_semaphore, #tpu.memory_space<semaphore_mem>>
      %dma_start3A_111 = arith.constant 0 : i32
      %dma_start3A_112 = arith.constant 0 : i32
      %dma_start3A_113 = tpu.memref_slice %arg11[%run_scoped3A_78, %dma_start3A_111, %dma_start3A_112] : memref<4x128x64xbf16, #tpu.memory_space<vmem>> -> memref<1x128x64xbf16, #tpu.memory_space<vmem>>
      %dma_start3A_114 = tpu.memref_squeeze %dma_start3A_113 : memref<1x128x64xbf16, #tpu.memory_space<vmem>> -> memref<128x64xbf16, #tpu.memory_space<vmem>>
      %dma_start3A_115 = arith.constant 0 : i32
      %dma_start3A_116 = tpu.memref_slice %arg17[%add3A_77, %dma_start3A_115] : memref<10240x64xbf16, #tpu.memory_space<vmem_shared>> -> memref<128x64xbf16, #tpu.memory_space<vmem_shared>>
      %dma_start3A_117 = arith.constant 0 : i32
      %dma_start3A_118 = arith.constant 0 : i32
      %dma_start3A_119 = tpu.memref_slice %arg11[%run_scoped3A_78, %dma_start3A_117, %dma_start3A_118] : memref<4x128x64xbf16, #tpu.memory_space<vmem>> -> memref<1x128x64xbf16, #tpu.memory_space<vmem>>
      %dma_start3A_120 = tpu.memref_squeeze %dma_start3A_119 : memref<1x128x64xbf16, #tpu.memory_space<vmem>> -> memref<128x64xbf16, #tpu.memory_space<vmem>>
      %dma_start3A_121 = arith.constant 0 : i32
      %dma_start3A_122 = tpu.memref_slice %arg17[%add3A_77, %dma_start3A_121] : memref<10240x64xbf16, #tpu.memory_space<vmem_shared>> -> memref<128x64xbf16, #tpu.memory_space<vmem_shared>>
      tpu.enqueue_dma source(%dma_start3A_122 : memref<128x64xbf16, #tpu.memory_space<vmem_shared>>) target(%dma_start3A_120 : memref<128x64xbf16, #tpu.memory_space<vmem>>) target_semaphore(%run_scoped3A_110 : memref<!tpu.dma_semaphore, #tpu.memory_space<semaphore_mem>>)
      %dma_wait3A = arith.constant 0 : i32
      %dma_wait3A_123 = arith.constant 0 : i32
      %dma_wait3A_124 = tpu.memref_slice %arg11[%run_scoped3A_78, %dma_wait3A, %dma_wait3A_123] : memref<4x128x64xbf16, #tpu.memory_space<vmem>> -> memref<1x128x64xbf16, #tpu.memory_space<vmem>>
      %dma_wait3A_125 = tpu.memref_squeeze %dma_wait3A_124 : memref<1x128x64xbf16, #tpu.memory_space<vmem>> -> memref<128x64xbf16, #tpu.memory_space<vmem>>
      %dma_wait3A_126 = arith.constant 0 : i32
      %dma_wait3A_127 = tpu.memref_slice %arg17[%add3A_77, %dma_wait3A_126] : memref<10240x64xbf16, #tpu.memory_space<vmem_shared>> -> memref<128x64xbf16, #tpu.memory_space<vmem_shared>>
      %dma_wait3A_128 = arith.constant 0 : i32
      %dma_wait3A_129 = arith.constant 0 : i32
      %dma_wait3A_130 = tpu.memref_slice %arg11[%run_scoped3A_78, %dma_wait3A_128, %dma_wait3A_129] : memref<4x128x64xbf16, #tpu.memory_space<vmem>> -> memref<1x128x64xbf16, #tpu.memory_space<vmem>>
      %dma_wait3A_131 = tpu.memref_squeeze %dma_wait3A_130 : memref<1x128x64xbf16, #tpu.memory_space<vmem>> -> memref<128x64xbf16, #tpu.memory_space<vmem>>
      %dma_wait3A_132 = arith.constant 0 : i32
      %dma_wait3A_133 = tpu.memref_slice %arg17[%add3A_77, %dma_wait3A_132] : memref<10240x64xbf16, #tpu.memory_space<vmem_shared>> -> memref<128x64xbf16, #tpu.memory_space<vmem_shared>>
      tpu.wait_dma2 semaphore(%run_scoped3A_110 : memref<!tpu.dma_semaphore, #tpu.memory_space<semaphore_mem>>) src(%dma_wait3A_133 : memref<128x64xbf16, #tpu.memory_space<vmem_shared>>) dst(%dma_wait3A_131 : memref<128x64xbf16, #tpu.memory_space<vmem>>)
      tpu.yield
    }) : () -> ()
    %run_scoped3A_79 = arith.constant 1 : i32
    "tpu.region"() ({
      %run_scoped3A_110 = tpu.sem_alloc : memref<!tpu.dma_semaphore, #tpu.memory_space<semaphore_mem>>
      %dma_start3A_111 = arith.constant 0 : i32
      %dma_start3A_112 = arith.constant 0 : i32
      %dma_start3A_113 = tpu.memref_slice %arg11[%run_scoped3A_79, %dma_start3A_111, %dma_start3A_112] : memref<4x128x64xbf16, #tpu.memory_space<vmem>> -> memref<1x128x64xbf16, #tpu.memory_space<vmem>>
      %dma_start3A_114 = tpu.memref_squeeze %dma_start3A_113 : memref<1x128x64xbf16, #tpu.memory_space<vmem>> -> memref<128x64xbf16, #tpu.memory_space<vmem>>
      %dma_start3A_115 = arith.constant 0 : i32
      %dma_start3A_116 = tpu.memref_slice %arg18[%add3A_77, %dma_start3A_115] : memref<10240x64xbf16, #tpu.memory_space<vmem_shared>> -> memref<128x64xbf16, #tpu.memory_space<vmem_shared>>
      %dma_start3A_117 = arith.constant 0 : i32
      %dma_start3A_118 = arith.constant 0 : i32
      %dma_start3A_119 = tpu.memref_slice %arg11[%run_scoped3A_79, %dma_start3A_117, %dma_start3A_118] : memref<4x128x64xbf16, #tpu.memory_space<vmem>> -> memref<1x128x64xbf16, #tpu.memory_space<vmem>>
      %dma_start3A_120 = tpu.memref_squeeze %dma_start3A_119 : memref<1x128x64xbf16, #tpu.memory_space<vmem>> -> memref<128x64xbf16, #tpu.memory_space<vmem>>
      %dma_start3A_121 = arith.constant 0 : i32
      %dma_start3A_122 = tpu.memref_slice %arg18[%add3A_77, %dma_start3A_121] : memref<10240x64xbf16, #tpu.memory_space<vmem_shared>> -> memref<128x64xbf16, #tpu.memory_space<vmem_shared>>
      tpu.enqueue_dma source(%dma_start3A_122 : memref<128x64xbf16, #tpu.memory_space<vmem_shared>>) target(%dma_start3A_120 : memref<128x64xbf16, #tpu.memory_space<vmem>>) target_semaphore(%run_scoped3A_110 : memref<!tpu.dma_semaphore, #tpu.memory_space<semaphore_mem>>)
      %dma_wait3A = arith.constant 0 : i32
      %dma_wait3A_123 = arith.constant 0 : i32
      %dma_wait3A_124 = tpu.memref_slice %arg11[%run_scoped3A_79, %dma_wait3A, %dma_wait3A_123] : memref<4x128x64xbf16, #tpu.memory_space<vmem>> -> memref<1x128x64xbf16, #tpu.memory_space<vmem>>
      %dma_wait3A_125 = tpu.memref_squeeze %dma_wait3A_124 : memref<1x128x64xbf16, #tpu.memory_space<vmem>> -> memref<128x64xbf16, #tpu.memory_space<vmem>>
      %dma_wait3A_126 = arith.constant 0 : i32
      %dma_wait3A_127 = tpu.memref_slice %arg18[%add3A_77, %dma_wait3A_126] : memref<10240x64xbf16, #tpu.memory_space<vmem_shared>> -> memref<128x64xbf16, #tpu.memory_space<vmem_shared>>
      %dma_wait3A_128 = arith.constant 0 : i32
      %dma_wait3A_129 = arith.constant 0 : i32
      %dma_wait3A_130 = tpu.memref_slice %arg11[%run_scoped3A_79, %dma_wait3A_128, %dma_wait3A_129] : memref<4x128x64xbf16, #tpu.memory_space<vmem>> -> memref<1x128x64xbf16, #tpu.memory_space<vmem>>
      %dma_wait3A_131 = tpu.memref_squeeze %dma_wait3A_130 : memref<1x128x64xbf16, #tpu.memory_space<vmem>> -> memref<128x64xbf16, #tpu.memory_space<vmem>>
      %dma_wait3A_132 = arith.constant 0 : i32
      %dma_wait3A_133 = tpu.memref_slice %arg18[%add3A_77, %dma_wait3A_132] : memref<10240x64xbf16, #tpu.memory_space<vmem_shared>> -> memref<128x64xbf16, #tpu.memory_space<vmem_shared>>
      tpu.wait_dma2 semaphore(%run_scoped3A_110 : memref<!tpu.dma_semaphore, #tpu.memory_space<semaphore_mem>>) src(%dma_wait3A_133 : memref<128x64xbf16, #tpu.memory_space<vmem_shared>>) dst(%dma_wait3A_131 : memref<128x64xbf16, #tpu.memory_space<vmem>>)
      tpu.yield
    }) : () -> ()
    %scan3A_80 = arith.constant 0 : i32
    %scan3A_81 = arith.constant 128 : i32
    %scan3A_82 = arith.addi %scan3A_80, %scan3A_81 : i32
    %scan3A_83 = arith.constant 1 : i32
    scf.for %scan3A_110 = %scan3A_80 to %scan3A_82 step %scan3A_83  : i32 {
      %get3A = arith.constant 0 : i32
      %get3A_111 = arith.index_cast %get3A : i32 to index
      %get3A_112 = arith.index_cast %scan3A_110 : i32 to index
      %get3A_113 = arith.constant 0 : index
      %get3A_114 = tpu.vector_load %arg11[%get3A_111, %get3A_112, %get3A_113] {strides = array<i32>} : memref<4x128x64xbf16, #tpu.memory_space<vmem>>, vector<32xbf16>,
      %get3A_115 = arith.constant 1 : i32
      %get3A_116 = arith.index_cast %get3A_115 : i32 to index
      %get3A_117 = arith.index_cast %scan3A_110 : i32 to index
      %get3A_118 = arith.constant 0 : index
      %get3A_119 = tpu.vector_load %arg11[%get3A_116, %get3A_117, %get3A_118] {strides = array<i32>} : memref<4x128x64xbf16, #tpu.memory_space<vmem>>, vector<32xbf16>,
      %add3A_120 = arith.addf %get3A_114, %get3A_119 : vector<32xbf16>
      %swap3A = arith.constant 0 : i32
      %swap3A_121 = arith.index_cast %swap3A : i32 to index
      %swap3A_122 = arith.index_cast %scan3A_110 : i32 to index
      %swap3A_123 = arith.constant 0 : index
      %swap3A_124 = tpu.vector_load %arg11[%swap3A_121, %swap3A_122, %swap3A_123] {strides = array<i32>} : memref<4x128x64xbf16, #tpu.memory_space<vmem>>, vector<32xbf16>,
      tpu.vector_store %arg11[%swap3A_121, %swap3A_122, %swap3A_123], %add3A_120 {strides = array<i32>} : memref<4x128x64xbf16, #tpu.memory_space<vmem>>, vector<32xbf16>,
      %get3A_125 = arith.constant 0 : i32
      %get3A_126 = arith.index_cast %get3A_125 : i32 to index
      %get3A_127 = arith.index_cast %scan3A_110 : i32 to index
      %get3A_128 = arith.constant 32 : index
      %get3A_129 = tpu.vector_load %arg11[%get3A_126, %get3A_127, %get3A_128] {strides = array<i32>} : memref<4x128x64xbf16, #tpu.memory_space<vmem>>, vector<32xbf16>,
      %get3A_130 = arith.constant 1 : i32
      %get3A_131 = arith.index_cast %get3A_130 : i32 to index
      %get3A_132 = arith.index_cast %scan3A_110 : i32 to index
      %get3A_133 = arith.constant 32 : index
      %get3A_134 = tpu.vector_load %arg11[%get3A_131, %get3A_132, %get3A_133] {strides = array<i32>} : memref<4x128x64xbf16, #tpu.memory_space<vmem>>, vector<32xbf16>,
      %add3A_135 = arith.addf %get3A_129, %get3A_134 : vector<32xbf16>
      %swap3A_136 = arith.constant 0 : i32
      %swap3A_137 = arith.index_cast %swap3A_136 : i32 to index
      %swap3A_138 = arith.index_cast %scan3A_110 : i32 to index
      %swap3A_139 = arith.constant 32 : index
      %swap3A_140 = tpu.vector_load %arg11[%swap3A_137, %swap3A_138, %swap3A_139] {strides = array<i32>} : memref<4x128x64xbf16, #tpu.memory_space<vmem>>, vector<32xbf16>,
      tpu.vector_store %arg11[%swap3A_137, %swap3A_138, %swap3A_139], %add3A_135 {strides = array<i32>} : memref<4x128x64xbf16, #tpu.memory_space<vmem>>, vector<32xbf16>,
    }
    %scan3A_84 = arith.constant 128 : i32
    %run_scoped3A_85 = arith.constant 0 : i32
    "tpu.region"() ({
      %run_scoped3A_110 = tpu.sem_alloc : memref<!tpu.dma_semaphore, #tpu.memory_space<semaphore_mem>>
      %dma_start3A_111 = arith.constant 0 : i32
      %dma_start3A_112 = arith.constant 0 : i32
      %dma_start3A_113 = tpu.memref_slice %arg11[%run_scoped3A_85, %dma_start3A_111, %dma_start3A_112] : memref<4x128x64xbf16, #tpu.memory_space<vmem>> -> memref<1x128x64xbf16, #tpu.memory_space<vmem>>
      %dma_start3A_114 = tpu.memref_squeeze %dma_start3A_113 : memref<1x128x64xbf16, #tpu.memory_space<vmem>> -> memref<128x64xbf16, #tpu.memory_space<vmem>>
      %dma_start3A_115 = arith.constant 0 : i32
      %dma_start3A_116 = tpu.memref_slice %arg6[%arg0, %add3A_77, %dma_start3A_115] : memref<2x10240x64xbf16, #tpu.memory_space<hbm>> -> memref<1x128x64xbf16, #tpu.memory_space<hbm>>
      %dma_start3A_117 = tpu.memref_squeeze %dma_start3A_116 : memref<1x128x64xbf16, #tpu.memory_space<hbm>> -> memref<128x64xbf16, #tpu.memory_space<hbm>>
      %dma_start3A_118 = arith.constant 0 : i32
      %dma_start3A_119 = tpu.memref_slice %arg6[%arg0, %add3A_77, %dma_start3A_118] : memref<2x10240x64xbf16, #tpu.memory_space<hbm>> -> memref<1x128x64xbf16, #tpu.memory_space<hbm>>
      %dma_start3A_120 = tpu.memref_squeeze %dma_start3A_119 : memref<1x128x64xbf16, #tpu.memory_space<hbm>> -> memref<128x64xbf16, #tpu.memory_space<hbm>>
      %dma_start3A_121 = arith.constant 0 : i32
      %dma_start3A_122 = arith.constant 0 : i32
      %dma_start3A_123 = tpu.memref_slice %arg11[%run_scoped3A_85, %dma_start3A_121, %dma_start3A_122] : memref<4x128x64xbf16, #tpu.memory_space<vmem>> -> memref<1x128x64xbf16, #tpu.memory_space<vmem>>
      %dma_start3A_124 = tpu.memref_squeeze %dma_start3A_123 : memref<1x128x64xbf16, #tpu.memory_space<vmem>> -> memref<128x64xbf16, #tpu.memory_space<vmem>>
      tpu.enqueue_dma source(%dma_start3A_124 : memref<128x64xbf16, #tpu.memory_space<vmem>>) target(%dma_start3A_120 : memref<128x64xbf16, #tpu.memory_space<hbm>>) target_semaphore(%run_scoped3A_110 : memref<!tpu.dma_semaphore, #tpu.memory_space<semaphore_mem>>)
      %dma_wait3A = arith.constant 0 : i32
      %dma_wait3A_125 = arith.constant 0 : i32
      %dma_wait3A_126 = tpu.memref_slice %arg11[%run_scoped3A_85, %dma_wait3A, %dma_wait3A_125] : memref<4x128x64xbf16, #tpu.memory_space<vmem>> -> memref<1x128x64xbf16, #tpu.memory_space<vmem>>
      %dma_wait3A_127 = tpu.memref_squeeze %dma_wait3A_126 : memref<1x128x64xbf16, #tpu.memory_space<vmem>> -> memref<128x64xbf16, #tpu.memory_space<vmem>>
      %dma_wait3A_128 = arith.constant 0 : i32
      %dma_wait3A_129 = tpu.memref_slice %arg6[%arg0, %add3A_77, %dma_wait3A_128] : memref<2x10240x64xbf16, #tpu.memory_space<hbm>> -> memref<1x128x64xbf16, #tpu.memory_space<hbm>>
      %dma_wait3A_130 = tpu.memref_squeeze %dma_wait3A_129 : memref<1x128x64xbf16, #tpu.memory_space<hbm>> -> memref<128x64xbf16, #tpu.memory_space<hbm>>
      %dma_wait3A_131 = arith.constant 0 : i32
      %dma_wait3A_132 = tpu.memref_slice %arg6[%arg0, %add3A_77, %dma_wait3A_131] : memref<2x10240x64xbf16, #tpu.memory_space<hbm>> -> memref<1x128x64xbf16, #tpu.memory_space<hbm>>
      %dma_wait3A_133 = tpu.memref_squeeze %dma_wait3A_132 : memref<1x128x64xbf16, #tpu.memory_space<hbm>> -> memref<128x64xbf16, #tpu.memory_space<hbm>>
      %dma_wait3A_134 = arith.constant 0 : i32
      %dma_wait3A_135 = arith.constant 0 : i32
      %dma_wait3A_136 = tpu.memref_slice %arg11[%run_scoped3A_85, %dma_wait3A_134, %dma_wait3A_135] : memref<4x128x64xbf16, #tpu.memory_space<vmem>> -> memref<1x128x64xbf16, #tpu.memory_space<vmem>>
      %dma_wait3A_137 = tpu.memref_squeeze %dma_wait3A_136 : memref<1x128x64xbf16, #tpu.memory_space<vmem>> -> memref<128x64xbf16, #tpu.memory_space<vmem>>
      tpu.wait_dma2 semaphore(%run_scoped3A_110 : memref<!tpu.dma_semaphore, #tpu.memory_space<semaphore_mem>>) src(%dma_wait3A_137 : memref<128x64xbf16, #tpu.memory_space<vmem>>) dst(%dma_wait3A_133 : memref<128x64xbf16, #tpu.memory_space<hbm>>)
      tpu.yield
    }) : () -> ()
    %mul3A_86 = arith.constant 640 : i32
    %mul3A_87 = arith.muli %arg1, %mul3A_86 : i32
    %add3A_88 = arith.constant 384 : i32
    %add3A_89 = arith.addi %mul3A_87, %add3A_88 : i32
    %run_scoped3A_90 = arith.constant 0 : i32
    "tpu.region"() ({
      %run_scoped3A_110 = tpu.sem_alloc : memref<!tpu.dma_semaphore, #tpu.memory_space<semaphore_mem>>
      %dma_start3A_111 = arith.constant 0 : i32
      %dma_start3A_112 = arith.constant 0 : i32
      %dma_start3A_113 = tpu.memref_slice %arg11[%run_scoped3A_90, %dma_start3A_111, %dma_start3A_112] : memref<4x128x64xbf16, #tpu.memory_space<vmem>> -> memref<1x128x64xbf16, #tpu.memory_space<vmem>>
      %dma_start3A_114 = tpu.memref_squeeze %dma_start3A_113 : memref<1x128x64xbf16, #tpu.memory_space<vmem>> -> memref<128x64xbf16, #tpu.memory_space<vmem>>
      %dma_start3A_115 = arith.constant 0 : i32
      %dma_start3A_116 = tpu.memref_slice %arg17[%add3A_89, %dma_start3A_115] : memref<10240x64xbf16, #tpu.memory_space<vmem_shared>> -> memref<128x64xbf16, #tpu.memory_space<vmem_shared>>
      %dma_start3A_117 = arith.constant 0 : i32
      %dma_start3A_118 = arith.constant 0 : i32
      %dma_start3A_119 = tpu.memref_slice %arg11[%run_scoped3A_90, %dma_start3A_117, %dma_start3A_118] : memref<4x128x64xbf16, #tpu.memory_space<vmem>> -> memref<1x128x64xbf16, #tpu.memory_space<vmem>>
      %dma_start3A_120 = tpu.memref_squeeze %dma_start3A_119 : memref<1x128x64xbf16, #tpu.memory_space<vmem>> -> memref<128x64xbf16, #tpu.memory_space<vmem>>
      %dma_start3A_121 = arith.constant 0 : i32
      %dma_start3A_122 = tpu.memref_slice %arg17[%add3A_89, %dma_start3A_121] : memref<10240x64xbf16, #tpu.memory_space<vmem_shared>> -> memref<128x64xbf16, #tpu.memory_space<vmem_shared>>
      tpu.enqueue_dma source(%dma_start3A_122 : memref<128x64xbf16, #tpu.memory_space<vmem_shared>>) target(%dma_start3A_120 : memref<128x64xbf16, #tpu.memory_space<vmem>>) target_semaphore(%run_scoped3A_110 : memref<!tpu.dma_semaphore, #tpu.memory_space<semaphore_mem>>)
      %dma_wait3A = arith.constant 0 : i32
      %dma_wait3A_123 = arith.constant 0 : i32
      %dma_wait3A_124 = tpu.memref_slice %arg11[%run_scoped3A_90, %dma_wait3A, %dma_wait3A_123] : memref<4x128x64xbf16, #tpu.memory_space<vmem>> -> memref<1x128x64xbf16, #tpu.memory_space<vmem>>
      %dma_wait3A_125 = tpu.memref_squeeze %dma_wait3A_124 : memref<1x128x64xbf16, #tpu.memory_space<vmem>> -> memref<128x64xbf16, #tpu.memory_space<vmem>>
      %dma_wait3A_126 = arith.constant 0 : i32
      %dma_wait3A_127 = tpu.memref_slice %arg17[%add3A_89, %dma_wait3A_126] : memref<10240x64xbf16, #tpu.memory_space<vmem_shared>> -> memref<128x64xbf16, #tpu.memory_space<vmem_shared>>
      %dma_wait3A_128 = arith.constant 0 : i32
      %dma_wait3A_129 = arith.constant 0 : i32
      %dma_wait3A_130 = tpu.memref_slice %arg11[%run_scoped3A_90, %dma_wait3A_128, %dma_wait3A_129] : memref<4x128x64xbf16, #tpu.memory_space<vmem>> -> memref<1x128x64xbf16, #tpu.memory_space<vmem>>
      %dma_wait3A_131 = tpu.memref_squeeze %dma_wait3A_130 : memref<1x128x64xbf16, #tpu.memory_space<vmem>> -> memref<128x64xbf16, #tpu.memory_space<vmem>>
      %dma_wait3A_132 = arith.constant 0 : i32
      %dma_wait3A_133 = tpu.memref_slice %arg17[%add3A_89, %dma_wait3A_132] : memref<10240x64xbf16, #tpu.memory_space<vmem_shared>> -> memref<128x64xbf16, #tpu.memory_space<vmem_shared>>
      tpu.wait_dma2 semaphore(%run_scoped3A_110 : memref<!tpu.dma_semaphore, #tpu.memory_space<semaphore_mem>>) src(%dma_wait3A_133 : memref<128x64xbf16, #tpu.memory_space<vmem_shared>>) dst(%dma_wait3A_131 : memref<128x64xbf16, #tpu.memory_space<vmem>>)
      tpu.yield
    }) : () -> ()
    %run_scoped3A_91 = arith.constant 1 : i32
    "tpu.region"() ({
      %run_scoped3A_110 = tpu.sem_alloc : memref<!tpu.dma_semaphore, #tpu.memory_space<semaphore_mem>>
      %dma_start3A_111 = arith.constant 0 : i32
      %dma_start3A_112 = arith.constant 0 : i32
      %dma_start3A_113 = tpu.memref_slice %arg11[%run_scoped3A_91, %dma_start3A_111, %dma_start3A_112] : memref<4x128x64xbf16, #tpu.memory_space<vmem>> -> memref<1x128x64xbf16, #tpu.memory_space<vmem>>
      %dma_start3A_114 = tpu.memref_squeeze %dma_start3A_113 : memref<1x128x64xbf16, #tpu.memory_space<vmem>> -> memref<128x64xbf16, #tpu.memory_space<vmem>>
      %dma_start3A_115 = arith.constant 0 : i32
      %dma_start3A_116 = tpu.memref_slice %arg18[%add3A_89, %dma_start3A_115] : memref<10240x64xbf16, #tpu.memory_space<vmem_shared>> -> memref<128x64xbf16, #tpu.memory_space<vmem_shared>>
      %dma_start3A_117 = arith.constant 0 : i32
      %dma_start3A_118 = arith.constant 0 : i32
      %dma_start3A_119 = tpu.memref_slice %arg11[%run_scoped3A_91, %dma_start3A_117, %dma_start3A_118] : memref<4x128x64xbf16, #tpu.memory_space<vmem>> -> memref<1x128x64xbf16, #tpu.memory_space<vmem>>
      %dma_start3A_120 = tpu.memref_squeeze %dma_start3A_119 : memref<1x128x64xbf16, #tpu.memory_space<vmem>> -> memref<128x64xbf16, #tpu.memory_space<vmem>>
      %dma_start3A_121 = arith.constant 0 : i32
      %dma_start3A_122 = tpu.memref_slice %arg18[%add3A_89, %dma_start3A_121] : memref<10240x64xbf16, #tpu.memory_space<vmem_shared>> -> memref<128x64xbf16, #tpu.memory_space<vmem_shared>>
      tpu.enqueue_dma source(%dma_start3A_122 : memref<128x64xbf16, #tpu.memory_space<vmem_shared>>) target(%dma_start3A_120 : memref<128x64xbf16, #tpu.memory_space<vmem>>) target_semaphore(%run_scoped3A_110 : memref<!tpu.dma_semaphore, #tpu.memory_space<semaphore_mem>>)
      %dma_wait3A = arith.constant 0 : i32
      %dma_wait3A_123 = arith.constant 0 : i32
      %dma_wait3A_124 = tpu.memref_slice %arg11[%run_scoped3A_91, %dma_wait3A, %dma_wait3A_123] : memref<4x128x64xbf16, #tpu.memory_space<vmem>> -> memref<1x128x64xbf16, #tpu.memory_space<vmem>>
      %dma_wait3A_125 = tpu.memref_squeeze %dma_wait3A_124 : memref<1x128x64xbf16, #tpu.memory_space<vmem>> -> memref<128x64xbf16, #tpu.memory_space<vmem>>
      %dma_wait3A_126 = arith.constant 0 : i32
      %dma_wait3A_127 = tpu.memref_slice %arg18[%add3A_89, %dma_wait3A_126] : memref<10240x64xbf16, #tpu.memory_space<vmem_shared>> -> memref<128x64xbf16, #tpu.memory_space<vmem_shared>>
      %dma_wait3A_128 = arith.constant 0 : i32
      %dma_wait3A_129 = arith.constant 0 : i32
      %dma_wait3A_130 = tpu.memref_slice %arg11[%run_scoped3A_91, %dma_wait3A_128, %dma_wait3A_129] : memref<4x128x64xbf16, #tpu.memory_space<vmem>> -> memref<1x128x64xbf16, #tpu.memory_space<vmem>>
      %dma_wait3A_131 = tpu.memref_squeeze %dma_wait3A_130 : memref<1x128x64xbf16, #tpu.memory_space<vmem>> -> memref<128x64xbf16, #tpu.memory_space<vmem>>
      %dma_wait3A_132 = arith.constant 0 : i32
      %dma_wait3A_133 = tpu.memref_slice %arg18[%add3A_89, %dma_wait3A_132] : memref<10240x64xbf16, #tpu.memory_space<vmem_shared>> -> memref<128x64xbf16, #tpu.memory_space<vmem_shared>>
      tpu.wait_dma2 semaphore(%run_scoped3A_110 : memref<!tpu.dma_semaphore, #tpu.memory_space<semaphore_mem>>) src(%dma_wait3A_133 : memref<128x64xbf16, #tpu.memory_space<vmem_shared>>) dst(%dma_wait3A_131 : memref<128x64xbf16, #tpu.memory_space<vmem>>)
      tpu.yield
    }) : () -> ()
    %scan3A_92 = arith.constant 0 : i32
    %scan3A_93 = arith.constant 128 : i32
    %scan3A_94 = arith.addi %scan3A_92, %scan3A_93 : i32
    %scan3A_95 = arith.constant 1 : i32
    scf.for %scan3A_110 = %scan3A_92 to %scan3A_94 step %scan3A_95  : i32 {
      %get3A = arith.constant 0 : i32
      %get3A_111 = arith.index_cast %get3A : i32 to index
      %get3A_112 = arith.index_cast %scan3A_110 : i32 to index
      %get3A_113 = arith.constant 0 : index
      %get3A_114 = tpu.vector_load %arg11[%get3A_111, %get3A_112, %get3A_113] {strides = array<i32>} : memref<4x128x64xbf16, #tpu.memory_space<vmem>>, vector<32xbf16>,
      %get3A_115 = arith.constant 1 : i32
      %get3A_116 = arith.index_cast %get3A_115 : i32 to index
      %get3A_117 = arith.index_cast %scan3A_110 : i32 to index
      %get3A_118 = arith.constant 0 : index
      %get3A_119 = tpu.vector_load %arg11[%get3A_116, %get3A_117, %get3A_118] {strides = array<i32>} : memref<4x128x64xbf16, #tpu.memory_space<vmem>>, vector<32xbf16>,
      %add3A_120 = arith.addf %get3A_114, %get3A_119 : vector<32xbf16>
      %swap3A = arith.constant 0 : i32
      %swap3A_121 = arith.index_cast %swap3A : i32 to index
      %swap3A_122 = arith.index_cast %scan3A_110 : i32 to index
      %swap3A_123 = arith.constant 0 : index
      %swap3A_124 = tpu.vector_load %arg11[%swap3A_121, %swap3A_122, %swap3A_123] {strides = array<i32>} : memref<4x128x64xbf16, #tpu.memory_space<vmem>>, vector<32xbf16>,
      tpu.vector_store %arg11[%swap3A_121, %swap3A_122, %swap3A_123], %add3A_120 {strides = array<i32>} : memref<4x128x64xbf16, #tpu.memory_space<vmem>>, vector<32xbf16>,
      %get3A_125 = arith.constant 0 : i32
      %get3A_126 = arith.index_cast %get3A_125 : i32 to index
      %get3A_127 = arith.index_cast %scan3A_110 : i32 to index
      %get3A_128 = arith.constant 32 : index
      %get3A_129 = tpu.vector_load %arg11[%get3A_126, %get3A_127, %get3A_128] {strides = array<i32>} : memref<4x128x64xbf16, #tpu.memory_space<vmem>>, vector<32xbf16>,
      %get3A_130 = arith.constant 1 : i32
      %get3A_131 = arith.index_cast %get3A_130 : i32 to index
      %get3A_132 = arith.index_cast %scan3A_110 : i32 to index
      %get3A_133 = arith.constant 32 : index
      %get3A_134 = tpu.vector_load %arg11[%get3A_131, %get3A_132, %get3A_133] {strides = array<i32>} : memref<4x128x64xbf16, #tpu.memory_space<vmem>>, vector<32xbf16>,
      %add3A_135 = arith.addf %get3A_129, %get3A_134 : vector<32xbf16>
      %swap3A_136 = arith.constant 0 : i32
      %swap3A_137 = arith.index_cast %swap3A_136 : i32 to index
      %swap3A_138 = arith.index_cast %scan3A_110 : i32 to index
      %swap3A_139 = arith.constant 32 : index
      %swap3A_140 = tpu.vector_load %arg11[%swap3A_137, %swap3A_138, %swap3A_139] {strides = array<i32>} : memref<4x128x64xbf16, #tpu.memory_space<vmem>>, vector<32xbf16>,
      tpu.vector_store %arg11[%swap3A_137, %swap3A_138, %swap3A_139], %add3A_135 {strides = array<i32>} : memref<4x128x64xbf16, #tpu.memory_space<vmem>>, vector<32xbf16>,
    }
    %scan3A_96 = arith.constant 128 : i32
    %run_scoped3A_97 = arith.constant 0 : i32
    "tpu.region"() ({
      %run_scoped3A_110 = tpu.sem_alloc : memref<!tpu.dma_semaphore, #tpu.memory_space<semaphore_mem>>
      %dma_start3A_111 = arith.constant 0 : i32
      %dma_start3A_112 = arith.constant 0 : i32
      %dma_start3A_113 = tpu.memref_slice %arg11[%run_scoped3A_97, %dma_start3A_111, %dma_start3A_112] : memref<4x128x64xbf16, #tpu.memory_space<vmem>> -> memref<1x128x64xbf16, #tpu.memory_space<vmem>>
      %dma_start3A_114 = tpu.memref_squeeze %dma_start3A_113 : memref<1x128x64xbf16, #tpu.memory_space<vmem>> -> memref<128x64xbf16, #tpu.memory_space<vmem>>
      %dma_start3A_115 = arith.constant 0 : i32
      %dma_start3A_116 = tpu.memref_slice %arg6[%arg0, %add3A_89, %dma_start3A_115] : memref<2x10240x64xbf16, #tpu.memory_space<hbm>> -> memref<1x128x64xbf16, #tpu.memory_space<hbm>>
      %dma_start3A_117 = tpu.memref_squeeze %dma_start3A_116 : memref<1x128x64xbf16, #tpu.memory_space<hbm>> -> memref<128x64xbf16, #tpu.memory_space<hbm>>
      %dma_start3A_118 = arith.constant 0 : i32
      %dma_start3A_119 = tpu.memref_slice %arg6[%arg0, %add3A_89, %dma_start3A_118] : memref<2x10240x64xbf16, #tpu.memory_space<hbm>> -> memref<1x128x64xbf16, #tpu.memory_space<hbm>>
      %dma_start3A_120 = tpu.memref_squeeze %dma_start3A_119 : memref<1x128x64xbf16, #tpu.memory_space<hbm>> -> memref<128x64xbf16, #tpu.memory_space<hbm>>
      %dma_start3A_121 = arith.constant 0 : i32
      %dma_start3A_122 = arith.constant 0 : i32
      %dma_start3A_123 = tpu.memref_slice %arg11[%run_scoped3A_97, %dma_start3A_121, %dma_start3A_122] : memref<4x128x64xbf16, #tpu.memory_space<vmem>> -> memref<1x128x64xbf16, #tpu.memory_space<vmem>>
      %dma_start3A_124 = tpu.memref_squeeze %dma_start3A_123 : memref<1x128x64xbf16, #tpu.memory_space<vmem>> -> memref<128x64xbf16, #tpu.memory_space<vmem>>
      tpu.enqueue_dma source(%dma_start3A_124 : memref<128x64xbf16, #tpu.memory_space<vmem>>) target(%dma_start3A_120 : memref<128x64xbf16, #tpu.memory_space<hbm>>) target_semaphore(%run_scoped3A_110 : memref<!tpu.dma_semaphore, #tpu.memory_space<semaphore_mem>>)
      %dma_wait3A = arith.constant 0 : i32
      %dma_wait3A_125 = arith.constant 0 : i32
      %dma_wait3A_126 = tpu.memref_slice %arg11[%run_scoped3A_97, %dma_wait3A, %dma_wait3A_125] : memref<4x128x64xbf16, #tpu.memory_space<vmem>> -> memref<1x128x64xbf16, #tpu.memory_space<vmem>>
      %dma_wait3A_127 = tpu.memref_squeeze %dma_wait3A_126 : memref<1x128x64xbf16, #tpu.memory_space<vmem>> -> memref<128x64xbf16, #tpu.memory_space<vmem>>
      %dma_wait3A_128 = arith.constant 0 : i32
      %dma_wait3A_129 = tpu.memref_slice %arg6[%arg0, %add3A_89, %dma_wait3A_128] : memref<2x10240x64xbf16, #tpu.memory_space<hbm>> -> memref<1x128x64xbf16, #tpu.memory_space<hbm>>
      %dma_wait3A_130 = tpu.memref_squeeze %dma_wait3A_129 : memref<1x128x64xbf16, #tpu.memory_space<hbm>> -> memref<128x64xbf16, #tpu.memory_space<hbm>>
      %dma_wait3A_131 = arith.constant 0 : i32
      %dma_wait3A_132 = tpu.memref_slice %arg6[%arg0, %add3A_89, %dma_wait3A_131] : memref<2x10240x64xbf16, #tpu.memory_space<hbm>> -> memref<1x128x64xbf16, #tpu.memory_space<hbm>>
      %dma_wait3A_133 = tpu.memref_squeeze %dma_wait3A_132 : memref<1x128x64xbf16, #tpu.memory_space<hbm>> -> memref<128x64xbf16, #tpu.memory_space<hbm>>
      %dma_wait3A_134 = arith.constant 0 : i32
      %dma_wait3A_135 = arith.constant 0 : i32
      %dma_wait3A_136 = tpu.memref_slice %arg11[%run_scoped3A_97, %dma_wait3A_134, %dma_wait3A_135] : memref<4x128x64xbf16, #tpu.memory_space<vmem>> -> memref<1x128x64xbf16, #tpu.memory_space<vmem>>
      %dma_wait3A_137 = tpu.memref_squeeze %dma_wait3A_136 : memref<1x128x64xbf16, #tpu.memory_space<vmem>> -> memref<128x64xbf16, #tpu.memory_space<vmem>>
      tpu.wait_dma2 semaphore(%run_scoped3A_110 : memref<!tpu.dma_semaphore, #tpu.memory_space<semaphore_mem>>) src(%dma_wait3A_137 : memref<128x64xbf16, #tpu.memory_space<vmem>>) dst(%dma_wait3A_133 : memref<128x64xbf16, #tpu.memory_space<hbm>>)
      tpu.yield
    }) : () -> ()
    %mul3A_98 = arith.constant 640 : i32
    %mul3A_99 = arith.muli %arg1, %mul3A_98 : i32
    %add3A_100 = arith.constant 512 : i32
    %add3A_101 = arith.addi %mul3A_99, %add3A_100 : i32
    %run_scoped3A_102 = arith.constant 0 : i32
    "tpu.region"() ({
      %run_scoped3A_110 = tpu.sem_alloc : memref<!tpu.dma_semaphore, #tpu.memory_space<semaphore_mem>>
      %dma_start3A_111 = arith.constant 0 : i32
      %dma_start3A_112 = arith.constant 0 : i32
      %dma_start3A_113 = tpu.memref_slice %arg11[%run_scoped3A_102, %dma_start3A_111, %dma_start3A_112] : memref<4x128x64xbf16, #tpu.memory_space<vmem>> -> memref<1x128x64xbf16, #tpu.memory_space<vmem>>
      %dma_start3A_114 = tpu.memref_squeeze %dma_start3A_113 : memref<1x128x64xbf16, #tpu.memory_space<vmem>> -> memref<128x64xbf16, #tpu.memory_space<vmem>>
      %dma_start3A_115 = arith.constant 0 : i32
      %dma_start3A_116 = tpu.memref_slice %arg17[%add3A_101, %dma_start3A_115] : memref<10240x64xbf16, #tpu.memory_space<vmem_shared>> -> memref<128x64xbf16, #tpu.memory_space<vmem_shared>>
      %dma_start3A_117 = arith.constant 0 : i32
      %dma_start3A_118 = arith.constant 0 : i32
      %dma_start3A_119 = tpu.memref_slice %arg11[%run_scoped3A_102, %dma_start3A_117, %dma_start3A_118] : memref<4x128x64xbf16, #tpu.memory_space<vmem>> -> memref<1x128x64xbf16, #tpu.memory_space<vmem>>
      %dma_start3A_120 = tpu.memref_squeeze %dma_start3A_119 : memref<1x128x64xbf16, #tpu.memory_space<vmem>> -> memref<128x64xbf16, #tpu.memory_space<vmem>>
      %dma_start3A_121 = arith.constant 0 : i32
      %dma_start3A_122 = tpu.memref_slice %arg17[%add3A_101, %dma_start3A_121] : memref<10240x64xbf16, #tpu.memory_space<vmem_shared>> -> memref<128x64xbf16, #tpu.memory_space<vmem_shared>>
      tpu.enqueue_dma source(%dma_start3A_122 : memref<128x64xbf16, #tpu.memory_space<vmem_shared>>) target(%dma_start3A_120 : memref<128x64xbf16, #tpu.memory_space<vmem>>) target_semaphore(%run_scoped3A_110 : memref<!tpu.dma_semaphore, #tpu.memory_space<semaphore_mem>>)
      %dma_wait3A = arith.constant 0 : i32
      %dma_wait3A_123 = arith.constant 0 : i32
      %dma_wait3A_124 = tpu.memref_slice %arg11[%run_scoped3A_102, %dma_wait3A, %dma_wait3A_123] : memref<4x128x64xbf16, #tpu.memory_space<vmem>> -> memref<1x128x64xbf16, #tpu.memory_space<vmem>>
      %dma_wait3A_125 = tpu.memref_squeeze %dma_wait3A_124 : memref<1x128x64xbf16, #tpu.memory_space<vmem>> -> memref<128x64xbf16, #tpu.memory_space<vmem>>
      %dma_wait3A_126 = arith.constant 0 : i32
      %dma_wait3A_127 = tpu.memref_slice %arg17[%add3A_101, %dma_wait3A_126] : memref<10240x64xbf16, #tpu.memory_space<vmem_shared>> -> memref<128x64xbf16, #tpu.memory_space<vmem_shared>>
      %dma_wait3A_128 = arith.constant 0 : i32
      %dma_wait3A_129 = arith.constant 0 : i32
      %dma_wait3A_130 = tpu.memref_slice %arg11[%run_scoped3A_102, %dma_wait3A_128, %dma_wait3A_129] : memref<4x128x64xbf16, #tpu.memory_space<vmem>> -> memref<1x128x64xbf16, #tpu.memory_space<vmem>>
      %dma_wait3A_131 = tpu.memref_squeeze %dma_wait3A_130 : memref<1x128x64xbf16, #tpu.memory_space<vmem>> -> memref<128x64xbf16, #tpu.memory_space<vmem>>
      %dma_wait3A_132 = arith.constant 0 : i32
      %dma_wait3A_133 = tpu.memref_slice %arg17[%add3A_101, %dma_wait3A_132] : memref<10240x64xbf16, #tpu.memory_space<vmem_shared>> -> memref<128x64xbf16, #tpu.memory_space<vmem_shared>>
      tpu.wait_dma2 semaphore(%run_scoped3A_110 : memref<!tpu.dma_semaphore, #tpu.memory_space<semaphore_mem>>) src(%dma_wait3A_133 : memref<128x64xbf16, #tpu.memory_space<vmem_shared>>) dst(%dma_wait3A_131 : memref<128x64xbf16, #tpu.memory_space<vmem>>)
      tpu.yield
    }) : () -> ()
    %run_scoped3A_103 = arith.constant 1 : i32
    "tpu.region"() ({
      %run_scoped3A_110 = tpu.sem_alloc : memref<!tpu.dma_semaphore, #tpu.memory_space<semaphore_mem>>
      %dma_start3A_111 = arith.constant 0 : i32
      %dma_start3A_112 = arith.constant 0 : i32
      %dma_start3A_113 = tpu.memref_slice %arg11[%run_scoped3A_103, %dma_start3A_111, %dma_start3A_112] : memref<4x128x64xbf16, #tpu.memory_space<vmem>> -> memref<1x128x64xbf16, #tpu.memory_space<vmem>>
      %dma_start3A_114 = tpu.memref_squeeze %dma_start3A_113 : memref<1x128x64xbf16, #tpu.memory_space<vmem>> -> memref<128x64xbf16, #tpu.memory_space<vmem>>
      %dma_start3A_115 = arith.constant 0 : i32
      %dma_start3A_116 = tpu.memref_slice %arg18[%add3A_101, %dma_start3A_115] : memref<10240x64xbf16, #tpu.memory_space<vmem_shared>> -> memref<128x64xbf16, #tpu.memory_space<vmem_shared>>
      %dma_start3A_117 = arith.constant 0 : i32
      %dma_start3A_118 = arith.constant 0 : i32
      %dma_start3A_119 = tpu.memref_slice %arg11[%run_scoped3A_103, %dma_start3A_117, %dma_start3A_118] : memref<4x128x64xbf16, #tpu.memory_space<vmem>> -> memref<1x128x64xbf16, #tpu.memory_space<vmem>>
      %dma_start3A_120 = tpu.memref_squeeze %dma_start3A_119 : memref<1x128x64xbf16, #tpu.memory_space<vmem>> -> memref<128x64xbf16, #tpu.memory_space<vmem>>
      %dma_start3A_121 = arith.constant 0 : i32
      %dma_start3A_122 = tpu.memref_slice %arg18[%add3A_101, %dma_start3A_121] : memref<10240x64xbf16, #tpu.memory_space<vmem_shared>> -> memref<128x64xbf16, #tpu.memory_space<vmem_shared>>
      tpu.enqueue_dma source(%dma_start3A_122 : memref<128x64xbf16, #tpu.memory_space<vmem_shared>>) target(%dma_start3A_120 : memref<128x64xbf16, #tpu.memory_space<vmem>>) target_semaphore(%run_scoped3A_110 : memref<!tpu.dma_semaphore, #tpu.memory_space<semaphore_mem>>)
      %dma_wait3A = arith.constant 0 : i32
      %dma_wait3A_123 = arith.constant 0 : i32
      %dma_wait3A_124 = tpu.memref_slice %arg11[%run_scoped3A_103, %dma_wait3A, %dma_wait3A_123] : memref<4x128x64xbf16, #tpu.memory_space<vmem>> -> memref<1x128x64xbf16, #tpu.memory_space<vmem>>
      %dma_wait3A_125 = tpu.memref_squeeze %dma_wait3A_124 : memref<1x128x64xbf16, #tpu.memory_space<vmem>> -> memref<128x64xbf16, #tpu.memory_space<vmem>>
      %dma_wait3A_126 = arith.constant 0 : i32
      %dma_wait3A_127 = tpu.memref_slice %arg18[%add3A_101, %dma_wait3A_126] : memref<10240x64xbf16, #tpu.memory_space<vmem_shared>> -> memref<128x64xbf16, #tpu.memory_space<vmem_shared>>
      %dma_wait3A_128 = arith.constant 0 : i32
      %dma_wait3A_129 = arith.constant 0 : i32
      %dma_wait3A_130 = tpu.memref_slice %arg11[%run_scoped3A_103, %dma_wait3A_128, %dma_wait3A_129] : memref<4x128x64xbf16, #tpu.memory_space<vmem>> -> memref<1x128x64xbf16, #tpu.memory_space<vmem>>
      %dma_wait3A_131 = tpu.memref_squeeze %dma_wait3A_130 : memref<1x128x64xbf16, #tpu.memory_space<vmem>> -> memref<128x64xbf16, #tpu.memory_space<vmem>>
      %dma_wait3A_132 = arith.constant 0 : i32
      %dma_wait3A_133 = tpu.memref_slice %arg18[%add3A_101, %dma_wait3A_132] : memref<10240x64xbf16, #tpu.memory_space<vmem_shared>> -> memref<128x64xbf16, #tpu.memory_space<vmem_shared>>
      tpu.wait_dma2 semaphore(%run_scoped3A_110 : memref<!tpu.dma_semaphore, #tpu.memory_space<semaphore_mem>>) src(%dma_wait3A_133 : memref<128x64xbf16, #tpu.memory_space<vmem_shared>>) dst(%dma_wait3A_131 : memref<128x64xbf16, #tpu.memory_space<vmem>>)
      tpu.yield
    }) : () -> ()
    %scan3A_104 = arith.constant 0 : i32
    %scan3A_105 = arith.constant 128 : i32
    %scan3A_106 = arith.addi %scan3A_104, %scan3A_105 : i32
    %scan3A_107 = arith.constant 1 : i32
    scf.for %scan3A_110 = %scan3A_104 to %scan3A_106 step %scan3A_107  : i32 {
      %get3A = arith.constant 0 : i32
      %get3A_111 = arith.index_cast %get3A : i32 to index
      %get3A_112 = arith.index_cast %scan3A_110 : i32 to index
      %get3A_113 = arith.constant 0 : index
      %get3A_114 = tpu.vector_load %arg11[%get3A_111, %get3A_112, %get3A_113] {strides = array<i32>} : memref<4x128x64xbf16, #tpu.memory_space<vmem>>, vector<32xbf16>,
      %get3A_115 = arith.constant 1 : i32
      %get3A_116 = arith.index_cast %get3A_115 : i32 to index
      %get3A_117 = arith.index_cast %scan3A_110 : i32 to index
      %get3A_118 = arith.constant 0 : index
      %get3A_119 = tpu.vector_load %arg11[%get3A_116, %get3A_117, %get3A_118] {strides = array<i32>} : memref<4x128x64xbf16, #tpu.memory_space<vmem>>, vector<32xbf16>,
      %add3A_120 = arith.addf %get3A_114, %get3A_119 : vector<32xbf16>
      %swap3A = arith.constant 0 : i32
      %swap3A_121 = arith.index_cast %swap3A : i32 to index
      %swap3A_122 = arith.index_cast %scan3A_110 : i32 to index
      %swap3A_123 = arith.constant 0 : index
      %swap3A_124 = tpu.vector_load %arg11[%swap3A_121, %swap3A_122, %swap3A_123] {strides = array<i32>} : memref<4x128x64xbf16, #tpu.memory_space<vmem>>, vector<32xbf16>,
      tpu.vector_store %arg11[%swap3A_121, %swap3A_122, %swap3A_123], %add3A_120 {strides = array<i32>} : memref<4x128x64xbf16, #tpu.memory_space<vmem>>, vector<32xbf16>,
      %get3A_125 = arith.constant 0 : i32
      %get3A_126 = arith.index_cast %get3A_125 : i32 to index
      %get3A_127 = arith.index_cast %scan3A_110 : i32 to index
      %get3A_128 = arith.constant 32 : index
      %get3A_129 = tpu.vector_load %arg11[%get3A_126, %get3A_127, %get3A_128] {strides = array<i32>} : memref<4x128x64xbf16, #tpu.memory_space<vmem>>, vector<32xbf16>,
      %get3A_130 = arith.constant 1 : i32
      %get3A_131 = arith.index_cast %get3A_130 : i32 to index
      %get3A_132 = arith.index_cast %scan3A_110 : i32 to index
      %get3A_133 = arith.constant 32 : index
      %get3A_134 = tpu.vector_load %arg11[%get3A_131, %get3A_132, %get3A_133] {strides = array<i32>} : memref<4x128x64xbf16, #tpu.memory_space<vmem>>, vector<32xbf16>,
      %add3A_135 = arith.addf %get3A_129, %get3A_134 : vector<32xbf16>
      %swap3A_136 = arith.constant 0 : i32
      %swap3A_137 = arith.index_cast %swap3A_136 : i32 to index
      %swap3A_138 = arith.index_cast %scan3A_110 : i32 to index
      %swap3A_139 = arith.constant 32 : index
      %swap3A_140 = tpu.vector_load %arg11[%swap3A_137, %swap3A_138, %swap3A_139] {strides = array<i32>} : memref<4x128x64xbf16, #tpu.memory_space<vmem>>, vector<32xbf16>,
      tpu.vector_store %arg11[%swap3A_137, %swap3A_138, %swap3A_139], %add3A_135 {strides = array<i32>} : memref<4x128x64xbf16, #tpu.memory_space<vmem>>, vector<32xbf16>,
    }
    %scan3A_108 = arith.constant 128 : i32
    %run_scoped3A_109 = arith.constant 0 : i32
    "tpu.region"() ({
      %run_scoped3A_110 = tpu.sem_alloc : memref<!tpu.dma_semaphore, #tpu.memory_space<semaphore_mem>>
      %dma_start3A_111 = arith.constant 0 : i32
      %dma_start3A_112 = arith.constant 0 : i32
      %dma_start3A_113 = tpu.memref_slice %arg11[%run_scoped3A_109, %dma_start3A_111, %dma_start3A_112] : memref<4x128x64xbf16, #tpu.memory_space<vmem>> -> memref<1x128x64xbf16, #tpu.memory_space<vmem>>
      %dma_start3A_114 = tpu.memref_squeeze %dma_start3A_113 : memref<1x128x64xbf16, #tpu.memory_space<vmem>> -> memref<128x64xbf16, #tpu.memory_space<vmem>>
      %dma_start3A_115 = arith.constant 0 : i32
      %dma_start3A_116 = tpu.memref_slice %arg6[%arg0, %add3A_101, %dma_start3A_115] : memref<2x10240x64xbf16, #tpu.memory_space<hbm>> -> memref<1x128x64xbf16, #tpu.memory_space<hbm>>
      %dma_start3A_117 = tpu.memref_squeeze %dma_start3A_116 : memref<1x128x64xbf16, #tpu.memory_space<hbm>> -> memref<128x64xbf16, #tpu.memory_space<hbm>>
      %dma_start3A_118 = arith.constant 0 : i32
      %dma_start3A_119 = tpu.memref_slice %arg6[%arg0, %add3A_101, %dma_start3A_118] : memref<2x10240x64xbf16, #tpu.memory_space<hbm>> -> memref<1x128x64xbf16, #tpu.memory_space<hbm>>
      %dma_start3A_120 = tpu.memref_squeeze %dma_start3A_119 : memref<1x128x64xbf16, #tpu.memory_space<hbm>> -> memref<128x64xbf16, #tpu.memory_space<hbm>>
      %dma_start3A_121 = arith.constant 0 : i32
      %dma_start3A_122 = arith.constant 0 : i32
      %dma_start3A_123 = tpu.memref_slice %arg11[%run_scoped3A_109, %dma_start3A_121, %dma_start3A_122] : memref<4x128x64xbf16, #tpu.memory_space<vmem>> -> memref<1x128x64xbf16, #tpu.memory_space<vmem>>
      %dma_start3A_124 = tpu.memref_squeeze %dma_start3A_123 : memref<1x128x64xbf16, #tpu.memory_space<vmem>> -> memref<128x64xbf16, #tpu.memory_space<vmem>>
      tpu.enqueue_dma source(%dma_start3A_124 : memref<128x64xbf16, #tpu.memory_space<vmem>>) target(%dma_start3A_120 : memref<128x64xbf16, #tpu.memory_space<hbm>>) target_semaphore(%run_scoped3A_110 : memref<!tpu.dma_semaphore, #tpu.memory_space<semaphore_mem>>)
      %dma_wait3A = arith.constant 0 : i32
      %dma_wait3A_125 = arith.constant 0 : i32
      %dma_wait3A_126 = tpu.memref_slice %arg11[%run_scoped3A_109, %dma_wait3A, %dma_wait3A_125] : memref<4x128x64xbf16, #tpu.memory_space<vmem>> -> memref<1x128x64xbf16, #tpu.memory_space<vmem>>
      %dma_wait3A_127 = tpu.memref_squeeze %dma_wait3A_126 : memref<1x128x64xbf16, #tpu.memory_space<vmem>> -> memref<128x64xbf16, #tpu.memory_space<vmem>>
      %dma_wait3A_128 = arith.constant 0 : i32
      %dma_wait3A_129 = tpu.memref_slice %arg6[%arg0, %add3A_101, %dma_wait3A_128] : memref<2x10240x64xbf16, #tpu.memory_space<hbm>> -> memref<1x128x64xbf16, #tpu.memory_space<hbm>>
      %dma_wait3A_130 = tpu.memref_squeeze %dma_wait3A_129 : memref<1x128x64xbf16, #tpu.memory_space<hbm>> -> memref<128x64xbf16, #tpu.memory_space<hbm>>
      %dma_wait3A_131 = arith.constant 0 : i32
      %dma_wait3A_132 = tpu.memref_slice %arg6[%arg0, %add3A_101, %dma_wait3A_131] : memref<2x10240x64xbf16, #tpu.memory_space<hbm>> -> memref<1x128x64xbf16, #tpu.memory_space<hbm>>
      %dma_wait3A_133 = tpu.memref_squeeze %dma_wait3A_132 : memref<1x128x64xbf16, #tpu.memory_space<hbm>> -> memref<128x64xbf16, #tpu.memory_space<hbm>>
      %dma_wait3A_134 = arith.constant 0 : i32
      %dma_wait3A_135 = arith.constant 0 : i32
      %dma_wait3A_136 = tpu.memref_slice %arg11[%run_scoped3A_109, %dma_wait3A_134, %dma_wait3A_135] : memref<4x128x64xbf16, #tpu.memory_space<vmem>> -> memref<1x128x64xbf16, #tpu.memory_space<vmem>>
      %dma_wait3A_137 = tpu.memref_squeeze %dma_wait3A_136 : memref<1x128x64xbf16, #tpu.memory_space<vmem>> -> memref<128x64xbf16, #tpu.memory_space<vmem>>
      tpu.wait_dma2 semaphore(%run_scoped3A_110 : memref<!tpu.dma_semaphore, #tpu.memory_space<semaphore_mem>>) src(%dma_wait3A_137 : memref<128x64xbf16, #tpu.memory_space<vmem>>) dst(%dma_wait3A_133 : memref<128x64xbf16, #tpu.memory_space<hbm>>)
      tpu.yield
    }) : () -> ()
    return
  }
}

#map = affine_map<(d0, d1) -> (0, 0)>
module attributes {stable_mosaic.version = 14 : i64} {
  func.func @_deg_body(%arg0: i32, %arg1: i32, %arg2: memref<2560x128xi32, #tpu.memory_space<hbm>>, %arg3: memref<2x10240xf32, #tpu.memory_space<hbm>>, %arg4: memref<80x128xi32, #tpu.memory_space<vmem>>, %arg5: memref<10240xf32, #tpu.memory_space<vmem>>, %arg6: memref<16x640xf32, #tpu.memory_space<vmem>>, %arg7: memref<640xf32, #tpu.memory_space<vmem>>, %arg8: memref<16x10240xf32, #tpu.memory_space<vmem_shared>>) attributes {dimension_semantics = [#tpu.dimension_semantics<core_parallel>, #tpu.dimension_semantics<subcore_parallel>], iteration_bounds = array<i64: 2, 16>, scalar_prefetch = 0 : i64, scratch_operands = 5 : i64, tpu.core_type = #tpu.core_type<sc_vector_subcore>, window_params = [{transform_indices = #map}, {transform_indices = #map}]} {
    %mul3A = arith.constant 2 : i32
    %mul3A_0 = arith.muli %arg1, %mul3A : i32
    %add3A = arith.addi %mul3A_0, %arg0 : i32
    %broadcast_in_dim3A = arith.constant 0.000000e+00 : f32
    %broadcast_in_dim3A_1 = vector.broadcast %broadcast_in_dim3A : f32 to vector<16xf32>
    %scan3A = arith.constant 0 : i32
    %scan3A_2 = arith.constant 80 : i32
    %scan3A_3 = arith.addi %scan3A, %scan3A_2 : i32
    %scan3A_4 = arith.constant 1 : i32
    scf.for %scan3A_85 = %scan3A to %scan3A_3 step %scan3A_4  : i32 {
      %mul3A_86 = arith.constant 128 : i32
      %mul3A_87 = arith.muli %scan3A_85, %mul3A_86 : i32
      %add3A_88 = arith.constant 0 : i32
      %add3A_89 = arith.addi %mul3A_87, %add3A_88 : i32
      %swap3A = arith.index_cast %add3A_89 : i32 to index
      %swap3A_90 = tpu.vector_load %arg5[%swap3A] {strides = array<i32>} : memref<10240xf32, #tpu.memory_space<vmem>>, vector<16xf32>,
      tpu.vector_store %arg5[%swap3A], %broadcast_in_dim3A_1 {strides = array<i32>} : memref<10240xf32, #tpu.memory_space<vmem>>, vector<16xf32>,
      %mul3A_91 = arith.constant 128 : i32
      %mul3A_92 = arith.muli %scan3A_85, %mul3A_91 : i32
      %add3A_93 = arith.constant 16 : i32
      %add3A_94 = arith.addi %mul3A_92, %add3A_93 : i32
      %swap3A_95 = arith.index_cast %add3A_94 : i32 to index
      %swap3A_96 = tpu.vector_load %arg5[%swap3A_95] {strides = array<i32>} : memref<10240xf32, #tpu.memory_space<vmem>>, vector<16xf32>,
      tpu.vector_store %arg5[%swap3A_95], %broadcast_in_dim3A_1 {strides = array<i32>} : memref<10240xf32, #tpu.memory_space<vmem>>, vector<16xf32>,
      %mul3A_97 = arith.constant 128 : i32
      %mul3A_98 = arith.muli %scan3A_85, %mul3A_97 : i32
      %add3A_99 = arith.constant 32 : i32
      %add3A_100 = arith.addi %mul3A_98, %add3A_99 : i32
      %swap3A_101 = arith.index_cast %add3A_100 : i32 to index
      %swap3A_102 = tpu.vector_load %arg5[%swap3A_101] {strides = array<i32>} : memref<10240xf32, #tpu.memory_space<vmem>>, vector<16xf32>,
      tpu.vector_store %arg5[%swap3A_101], %broadcast_in_dim3A_1 {strides = array<i32>} : memref<10240xf32, #tpu.memory_space<vmem>>, vector<16xf32>,
      %mul3A_103 = arith.constant 128 : i32
      %mul3A_104 = arith.muli %scan3A_85, %mul3A_103 : i32
      %add3A_105 = arith.constant 48 : i32
      %add3A_106 = arith.addi %mul3A_104, %add3A_105 : i32
      %swap3A_107 = arith.index_cast %add3A_106 : i32 to index
      %swap3A_108 = tpu.vector_load %arg5[%swap3A_107] {strides = array<i32>} : memref<10240xf32, #tpu.memory_space<vmem>>, vector<16xf32>,
      tpu.vector_store %arg5[%swap3A_107], %broadcast_in_dim3A_1 {strides = array<i32>} : memref<10240xf32, #tpu.memory_space<vmem>>, vector<16xf32>,
      %mul3A_109 = arith.constant 128 : i32
      %mul3A_110 = arith.muli %scan3A_85, %mul3A_109 : i32
      %add3A_111 = arith.constant 64 : i32
      %add3A_112 = arith.addi %mul3A_110, %add3A_111 : i32
      %swap3A_113 = arith.index_cast %add3A_112 : i32 to index
      %swap3A_114 = tpu.vector_load %arg5[%swap3A_113] {strides = array<i32>} : memref<10240xf32, #tpu.memory_space<vmem>>, vector<16xf32>,
      tpu.vector_store %arg5[%swap3A_113], %broadcast_in_dim3A_1 {strides = array<i32>} : memref<10240xf32, #tpu.memory_space<vmem>>, vector<16xf32>,
      %mul3A_115 = arith.constant 128 : i32
      %mul3A_116 = arith.muli %scan3A_85, %mul3A_115 : i32
      %add3A_117 = arith.constant 80 : i32
      %add3A_118 = arith.addi %mul3A_116, %add3A_117 : i32
      %swap3A_119 = arith.index_cast %add3A_118 : i32 to index
      %swap3A_120 = tpu.vector_load %arg5[%swap3A_119] {strides = array<i32>} : memref<10240xf32, #tpu.memory_space<vmem>>, vector<16xf32>,
      tpu.vector_store %arg5[%swap3A_119], %broadcast_in_dim3A_1 {strides = array<i32>} : memref<10240xf32, #tpu.memory_space<vmem>>, vector<16xf32>,
      %mul3A_121 = arith.constant 128 : i32
      %mul3A_122 = arith.muli %scan3A_85, %mul3A_121 : i32
      %add3A_123 = arith.constant 96 : i32
      %add3A_124 = arith.addi %mul3A_122, %add3A_123 : i32
      %swap3A_125 = arith.index_cast %add3A_124 : i32 to index
      %swap3A_126 = tpu.vector_load %arg5[%swap3A_125] {strides = array<i32>} : memref<10240xf32, #tpu.memory_space<vmem>>, vector<16xf32>,
      tpu.vector_store %arg5[%swap3A_125], %broadcast_in_dim3A_1 {strides = array<i32>} : memref<10240xf32, #tpu.memory_space<vmem>>, vector<16xf32>,
      %mul3A_127 = arith.constant 128 : i32
      %mul3A_128 = arith.muli %scan3A_85, %mul3A_127 : i32
      %add3A_129 = arith.constant 112 : i32
      %add3A_130 = arith.addi %mul3A_128, %add3A_129 : i32
      %swap3A_131 = arith.index_cast %add3A_130 : i32 to index
      %swap3A_132 = tpu.vector_load %arg5[%swap3A_131] {strides = array<i32>} : memref<10240xf32, #tpu.memory_space<vmem>>, vector<16xf32>,
      tpu.vector_store %arg5[%swap3A_131], %broadcast_in_dim3A_1 {strides = array<i32>} : memref<10240xf32, #tpu.memory_space<vmem>>, vector<16xf32>,
    }
    %scan3A_5 = arith.constant 80 : i32
    %mul3A_6 = arith.constant 80 : i32
    %mul3A_7 = arith.muli %add3A, %mul3A_6 : i32
    "tpu.region"() ({
      %run_scoped3A_85 = tpu.sem_alloc : memref<!tpu.dma_semaphore, #tpu.memory_space<semaphore_mem>>
      %dma_start3A = arith.constant 0 : i32
      %dma_start3A_86 = tpu.memref_slice %arg2[%mul3A_7, %dma_start3A] : memref<2560x128xi32, #tpu.memory_space<hbm>> -> memref<80x128xi32, #tpu.memory_space<hbm>>
      %dma_start3A_87 = arith.constant 0 : i32
      %dma_start3A_88 = tpu.memref_slice %arg2[%mul3A_7, %dma_start3A_87] : memref<2560x128xi32, #tpu.memory_space<hbm>> -> memref<80x128xi32, #tpu.memory_space<hbm>>
      tpu.enqueue_dma source(%dma_start3A_88 : memref<80x128xi32, #tpu.memory_space<hbm>>) target(%arg4 : memref<80x128xi32, #tpu.memory_space<vmem>>) target_semaphore(%run_scoped3A_85 : memref<!tpu.dma_semaphore, #tpu.memory_space<semaphore_mem>>)
      %dma_wait3A = arith.constant 0 : i32
      %dma_wait3A_89 = tpu.memref_slice %arg2[%mul3A_7, %dma_wait3A] : memref<2560x128xi32, #tpu.memory_space<hbm>> -> memref<80x128xi32, #tpu.memory_space<hbm>>
      %dma_wait3A_90 = arith.constant 0 : i32
      %dma_wait3A_91 = tpu.memref_slice %arg2[%mul3A_7, %dma_wait3A_90] : memref<2560x128xi32, #tpu.memory_space<hbm>> -> memref<80x128xi32, #tpu.memory_space<hbm>>
      tpu.wait_dma2 semaphore(%run_scoped3A_85 : memref<!tpu.dma_semaphore, #tpu.memory_space<semaphore_mem>>) src(%dma_wait3A_91 : memref<80x128xi32, #tpu.memory_space<hbm>>) dst(%arg4 : memref<80x128xi32, #tpu.memory_space<vmem>>)
      tpu.yield
    }) : () -> ()
    %broadcast_in_dim3A_8 = arith.constant 1.000000e+00 : f32
    %broadcast_in_dim3A_9 = vector.broadcast %broadcast_in_dim3A_8 : f32 to vector<16xf32>
    %scan3A_10 = arith.constant 0 : i32
    %scan3A_11 = arith.constant 80 : i32
    %scan3A_12 = arith.addi %scan3A_10, %scan3A_11 : i32
    %scan3A_13 = arith.constant 1 : i32
    scf.for %scan3A_85 = %scan3A_10 to %scan3A_12 step %scan3A_13  : i32 {
      %get3A = arith.index_cast %scan3A_85 : i32 to index
      %get3A_86 = arith.constant 0 : index
      %get3A_87 = tpu.vector_load %arg4[%get3A, %get3A_86] {strides = array<i32>} : memref<80x128xi32, #tpu.memory_space<vmem>>, vector<16xi32>,
      tpu.vector_store_idx %arg5[%get3A_87], %broadcast_in_dim3A_9 {add = true} : memref<10240xf32, #tpu.memory_space<vmem>>[vector<16xi32>], vector<16xf32>,
      %get3A_88 = arith.index_cast %scan3A_85 : i32 to index
      %get3A_89 = arith.constant 16 : index
      %get3A_90 = tpu.vector_load %arg4[%get3A_88, %get3A_89] {strides = array<i32>} : memref<80x128xi32, #tpu.memory_space<vmem>>, vector<16xi32>,
      tpu.vector_store_idx %arg5[%get3A_90], %broadcast_in_dim3A_9 {add = true} : memref<10240xf32, #tpu.memory_space<vmem>>[vector<16xi32>], vector<16xf32>,
      %get3A_91 = arith.index_cast %scan3A_85 : i32 to index
      %get3A_92 = arith.constant 32 : index
      %get3A_93 = tpu.vector_load %arg4[%get3A_91, %get3A_92] {strides = array<i32>} : memref<80x128xi32, #tpu.memory_space<vmem>>, vector<16xi32>,
      tpu.vector_store_idx %arg5[%get3A_93], %broadcast_in_dim3A_9 {add = true} : memref<10240xf32, #tpu.memory_space<vmem>>[vector<16xi32>], vector<16xf32>,
      %get3A_94 = arith.index_cast %scan3A_85 : i32 to index
      %get3A_95 = arith.constant 48 : index
      %get3A_96 = tpu.vector_load %arg4[%get3A_94, %get3A_95] {strides = array<i32>} : memref<80x128xi32, #tpu.memory_space<vmem>>, vector<16xi32>,
      tpu.vector_store_idx %arg5[%get3A_96], %broadcast_in_dim3A_9 {add = true} : memref<10240xf32, #tpu.memory_space<vmem>>[vector<16xi32>], vector<16xf32>,
      %get3A_97 = arith.index_cast %scan3A_85 : i32 to index
      %get3A_98 = arith.constant 64 : index
      %get3A_99 = tpu.vector_load %arg4[%get3A_97, %get3A_98] {strides = array<i32>} : memref<80x128xi32, #tpu.memory_space<vmem>>, vector<16xi32>,
      tpu.vector_store_idx %arg5[%get3A_99], %broadcast_in_dim3A_9 {add = true} : memref<10240xf32, #tpu.memory_space<vmem>>[vector<16xi32>], vector<16xf32>,
      %get3A_100 = arith.index_cast %scan3A_85 : i32 to index
      %get3A_101 = arith.constant 80 : index
      %get3A_102 = tpu.vector_load %arg4[%get3A_100, %get3A_101] {strides = array<i32>} : memref<80x128xi32, #tpu.memory_space<vmem>>, vector<16xi32>,
      tpu.vector_store_idx %arg5[%get3A_102], %broadcast_in_dim3A_9 {add = true} : memref<10240xf32, #tpu.memory_space<vmem>>[vector<16xi32>], vector<16xf32>,
      %get3A_103 = arith.index_cast %scan3A_85 : i32 to index
      %get3A_104 = arith.constant 96 : index
      %get3A_105 = tpu.vector_load %arg4[%get3A_103, %get3A_104] {strides = array<i32>} : memref<80x128xi32, #tpu.memory_space<vmem>>, vector<16xi32>,
      tpu.vector_store_idx %arg5[%get3A_105], %broadcast_in_dim3A_9 {add = true} : memref<10240xf32, #tpu.memory_space<vmem>>[vector<16xi32>], vector<16xf32>,
      %get3A_106 = arith.index_cast %scan3A_85 : i32 to index
      %get3A_107 = arith.constant 112 : index
      %get3A_108 = tpu.vector_load %arg4[%get3A_106, %get3A_107] {strides = array<i32>} : memref<80x128xi32, #tpu.memory_space<vmem>>, vector<16xi32>,
      tpu.vector_store_idx %arg5[%get3A_108], %broadcast_in_dim3A_9 {add = true} : memref<10240xf32, #tpu.memory_space<vmem>>[vector<16xi32>], vector<16xf32>,
    }
    %scan3A_14 = arith.constant 80 : i32
    "tpu.region"() ({
      %run_scoped3A_85 = tpu.sem_alloc : memref<!tpu.dma_semaphore, #tpu.memory_space<semaphore_mem>>
      %dma_start3A = arith.constant 0 : i32
      %dma_start3A_86 = tpu.memref_slice %arg8[%arg1, %dma_start3A] : memref<16x10240xf32, #tpu.memory_space<vmem_shared>> -> memref<1x10240xf32, #tpu.memory_space<vmem_shared>>
      %dma_start3A_87 = tpu.memref_squeeze %dma_start3A_86 : memref<1x10240xf32, #tpu.memory_space<vmem_shared>> -> memref<10240xf32, #tpu.memory_space<vmem_shared>>
      %dma_start3A_88 = arith.constant 0 : i32
      %dma_start3A_89 = tpu.memref_slice %arg8[%arg1, %dma_start3A_88] : memref<16x10240xf32, #tpu.memory_space<vmem_shared>> -> memref<1x10240xf32, #tpu.memory_space<vmem_shared>>
      %dma_start3A_90 = tpu.memref_squeeze %dma_start3A_89 : memref<1x10240xf32, #tpu.memory_space<vmem_shared>> -> memref<10240xf32, #tpu.memory_space<vmem_shared>>
      tpu.enqueue_dma source(%arg5 : memref<10240xf32, #tpu.memory_space<vmem>>) target(%dma_start3A_90 : memref<10240xf32, #tpu.memory_space<vmem_shared>>) target_semaphore(%run_scoped3A_85 : memref<!tpu.dma_semaphore, #tpu.memory_space<semaphore_mem>>)
      %dma_wait3A = arith.constant 0 : i32
      %dma_wait3A_91 = tpu.memref_slice %arg8[%arg1, %dma_wait3A] : memref<16x10240xf32, #tpu.memory_space<vmem_shared>> -> memref<1x10240xf32, #tpu.memory_space<vmem_shared>>
      %dma_wait3A_92 = tpu.memref_squeeze %dma_wait3A_91 : memref<1x10240xf32, #tpu.memory_space<vmem_shared>> -> memref<10240xf32, #tpu.memory_space<vmem_shared>>
      %dma_wait3A_93 = arith.constant 0 : i32
      %dma_wait3A_94 = tpu.memref_slice %arg8[%arg1, %dma_wait3A_93] : memref<16x10240xf32, #tpu.memory_space<vmem_shared>> -> memref<1x10240xf32, #tpu.memory_space<vmem_shared>>
      %dma_wait3A_95 = tpu.memref_squeeze %dma_wait3A_94 : memref<1x10240xf32, #tpu.memory_space<vmem_shared>> -> memref<10240xf32, #tpu.memory_space<vmem_shared>>
      tpu.wait_dma2 semaphore(%run_scoped3A_85 : memref<!tpu.dma_semaphore, #tpu.memory_space<semaphore_mem>>) src(%arg5 : memref<10240xf32, #tpu.memory_space<vmem>>) dst(%dma_wait3A_95 : memref<10240xf32, #tpu.memory_space<vmem_shared>>)
      tpu.yield
    }) : () -> ()
    %barrier3A = arith.constant 0 : index
    tpu.barrier barrier_id(%barrier3A)
    %mul3A_15 = arith.constant 640 : i32
    %mul3A_16 = arith.muli %arg1, %mul3A_15 : i32
    %run_scoped3A = arith.constant 0 : i32
    %run_scoped3A_17 = arith.constant 0 : i32
    "tpu.region"() ({
      %run_scoped3A_85 = tpu.sem_alloc : memref<!tpu.dma_semaphore, #tpu.memory_space<semaphore_mem>>
      %dma_start3A = arith.constant 0 : i32
      %dma_start3A_86 = tpu.memref_slice %arg6[%run_scoped3A_17, %dma_start3A] : memref<16x640xf32, #tpu.memory_space<vmem>> -> memref<1x640xf32, #tpu.memory_space<vmem>>
      %dma_start3A_87 = tpu.memref_squeeze %dma_start3A_86 : memref<1x640xf32, #tpu.memory_space<vmem>> -> memref<640xf32, #tpu.memory_space<vmem>>
      %dma_start3A_88 = tpu.memref_slice %arg8[%run_scoped3A, %mul3A_16] : memref<16x10240xf32, #tpu.memory_space<vmem_shared>> -> memref<1x640xf32, #tpu.memory_space<vmem_shared>>
      %dma_start3A_89 = tpu.memref_squeeze %dma_start3A_88 : memref<1x640xf32, #tpu.memory_space<vmem_shared>> -> memref<640xf32, #tpu.memory_space<vmem_shared>>
      %dma_start3A_90 = arith.constant 0 : i32
      %dma_start3A_91 = tpu.memref_slice %arg6[%run_scoped3A_17, %dma_start3A_90] : memref<16x640xf32, #tpu.memory_space<vmem>> -> memref<1x640xf32, #tpu.memory_space<vmem>>
      %dma_start3A_92 = tpu.memref_squeeze %dma_start3A_91 : memref<1x640xf32, #tpu.memory_space<vmem>> -> memref<640xf32, #tpu.memory_space<vmem>>
      %dma_start3A_93 = tpu.memref_slice %arg8[%run_scoped3A, %mul3A_16] : memref<16x10240xf32, #tpu.memory_space<vmem_shared>> -> memref<1x640xf32, #tpu.memory_space<vmem_shared>>
      %dma_start3A_94 = tpu.memref_squeeze %dma_start3A_93 : memref<1x640xf32, #tpu.memory_space<vmem_shared>> -> memref<640xf32, #tpu.memory_space<vmem_shared>>
      tpu.enqueue_dma source(%dma_start3A_94 : memref<640xf32, #tpu.memory_space<vmem_shared>>) target(%dma_start3A_92 : memref<640xf32, #tpu.memory_space<vmem>>) target_semaphore(%run_scoped3A_85 : memref<!tpu.dma_semaphore, #tpu.memory_space<semaphore_mem>>)
      %dma_wait3A = arith.constant 0 : i32
      %dma_wait3A_95 = tpu.memref_slice %arg6[%run_scoped3A_17, %dma_wait3A] : memref<16x640xf32, #tpu.memory_space<vmem>> -> memref<1x640xf32, #tpu.memory_space<vmem>>
      %dma_wait3A_96 = tpu.memref_squeeze %dma_wait3A_95 : memref<1x640xf32, #tpu.memory_space<vmem>> -> memref<640xf32, #tpu.memory_space<vmem>>
      %dma_wait3A_97 = tpu.memref_slice %arg8[%run_scoped3A, %mul3A_16] : memref<16x10240xf32, #tpu.memory_space<vmem_shared>> -> memref<1x640xf32, #tpu.memory_space<vmem_shared>>
      %dma_wait3A_98 = tpu.memref_squeeze %dma_wait3A_97 : memref<1x640xf32, #tpu.memory_space<vmem_shared>> -> memref<640xf32, #tpu.memory_space<vmem_shared>>
      %dma_wait3A_99 = arith.constant 0 : i32
      %dma_wait3A_100 = tpu.memref_slice %arg6[%run_scoped3A_17, %dma_wait3A_99] : memref<16x640xf32, #tpu.memory_space<vmem>> -> memref<1x640xf32, #tpu.memory_space<vmem>>
      %dma_wait3A_101 = tpu.memref_squeeze %dma_wait3A_100 : memref<1x640xf32, #tpu.memory_space<vmem>> -> memref<640xf32, #tpu.memory_space<vmem>>
      %dma_wait3A_102 = tpu.memref_slice %arg8[%run_scoped3A, %mul3A_16] : memref<16x10240xf32, #tpu.memory_space<vmem_shared>> -> memref<1x640xf32, #tpu.memory_space<vmem_shared>>
      %dma_wait3A_103 = tpu.memref_squeeze %dma_wait3A_102 : memref<1x640xf32, #tpu.memory_space<vmem_shared>> -> memref<640xf32, #tpu.memory_space<vmem_shared>>
      tpu.wait_dma2 semaphore(%run_scoped3A_85 : memref<!tpu.dma_semaphore, #tpu.memory_space<semaphore_mem>>) src(%dma_wait3A_103 : memref<640xf32, #tpu.memory_space<vmem_shared>>) dst(%dma_wait3A_101 : memref<640xf32, #tpu.memory_space<vmem>>)
      tpu.yield
    }) : () -> ()
    %mul3A_18 = arith.constant 640 : i32
    %mul3A_19 = arith.muli %arg1, %mul3A_18 : i32
    %run_scoped3A_20 = arith.constant 1 : i32
    %run_scoped3A_21 = arith.constant 1 : i32
    "tpu.region"() ({
      %run_scoped3A_85 = tpu.sem_alloc : memref<!tpu.dma_semaphore, #tpu.memory_space<semaphore_mem>>
      %dma_start3A = arith.constant 0 : i32
      %dma_start3A_86 = tpu.memref_slice %arg6[%run_scoped3A_21, %dma_start3A] : memref<16x640xf32, #tpu.memory_space<vmem>> -> memref<1x640xf32, #tpu.memory_space<vmem>>
      %dma_start3A_87 = tpu.memref_squeeze %dma_start3A_86 : memref<1x640xf32, #tpu.memory_space<vmem>> -> memref<640xf32, #tpu.memory_space<vmem>>
      %dma_start3A_88 = tpu.memref_slice %arg8[%run_scoped3A_20, %mul3A_19] : memref<16x10240xf32, #tpu.memory_space<vmem_shared>> -> memref<1x640xf32, #tpu.memory_space<vmem_shared>>
      %dma_start3A_89 = tpu.memref_squeeze %dma_start3A_88 : memref<1x640xf32, #tpu.memory_space<vmem_shared>> -> memref<640xf32, #tpu.memory_space<vmem_shared>>
      %dma_start3A_90 = arith.constant 0 : i32
      %dma_start3A_91 = tpu.memref_slice %arg6[%run_scoped3A_21, %dma_start3A_90] : memref<16x640xf32, #tpu.memory_space<vmem>> -> memref<1x640xf32, #tpu.memory_space<vmem>>
      %dma_start3A_92 = tpu.memref_squeeze %dma_start3A_91 : memref<1x640xf32, #tpu.memory_space<vmem>> -> memref<640xf32, #tpu.memory_space<vmem>>
      %dma_start3A_93 = tpu.memref_slice %arg8[%run_scoped3A_20, %mul3A_19] : memref<16x10240xf32, #tpu.memory_space<vmem_shared>> -> memref<1x640xf32, #tpu.memory_space<vmem_shared>>
      %dma_start3A_94 = tpu.memref_squeeze %dma_start3A_93 : memref<1x640xf32, #tpu.memory_space<vmem_shared>> -> memref<640xf32, #tpu.memory_space<vmem_shared>>
      tpu.enqueue_dma source(%dma_start3A_94 : memref<640xf32, #tpu.memory_space<vmem_shared>>) target(%dma_start3A_92 : memref<640xf32, #tpu.memory_space<vmem>>) target_semaphore(%run_scoped3A_85 : memref<!tpu.dma_semaphore, #tpu.memory_space<semaphore_mem>>)
      %dma_wait3A = arith.constant 0 : i32
      %dma_wait3A_95 = tpu.memref_slice %arg6[%run_scoped3A_21, %dma_wait3A] : memref<16x640xf32, #tpu.memory_space<vmem>> -> memref<1x640xf32, #tpu.memory_space<vmem>>
      %dma_wait3A_96 = tpu.memref_squeeze %dma_wait3A_95 : memref<1x640xf32, #tpu.memory_space<vmem>> -> memref<640xf32, #tpu.memory_space<vmem>>
      %dma_wait3A_97 = tpu.memref_slice %arg8[%run_scoped3A_20, %mul3A_19] : memref<16x10240xf32, #tpu.memory_space<vmem_shared>> -> memref<1x640xf32, #tpu.memory_space<vmem_shared>>
      %dma_wait3A_98 = tpu.memref_squeeze %dma_wait3A_97 : memref<1x640xf32, #tpu.memory_space<vmem_shared>> -> memref<640xf32, #tpu.memory_space<vmem_shared>>
      %dma_wait3A_99 = arith.constant 0 : i32
      %dma_wait3A_100 = tpu.memref_slice %arg6[%run_scoped3A_21, %dma_wait3A_99] : memref<16x640xf32, #tpu.memory_space<vmem>> -> memref<1x640xf32, #tpu.memory_space<vmem>>
      %dma_wait3A_101 = tpu.memref_squeeze %dma_wait3A_100 : memref<1x640xf32, #tpu.memory_space<vmem>> -> memref<640xf32, #tpu.memory_space<vmem>>
      %dma_wait3A_102 = tpu.memref_slice %arg8[%run_scoped3A_20, %mul3A_19] : memref<16x10240xf32, #tpu.memory_space<vmem_shared>> -> memref<1x640xf32, #tpu.memory_space<vmem_shared>>
      %dma_wait3A_103 = tpu.memref_squeeze %dma_wait3A_102 : memref<1x640xf32, #tpu.memory_space<vmem_shared>> -> memref<640xf32, #tpu.memory_space<vmem_shared>>
      tpu.wait_dma2 semaphore(%run_scoped3A_85 : memref<!tpu.dma_semaphore, #tpu.memory_space<semaphore_mem>>) src(%dma_wait3A_103 : memref<640xf32, #tpu.memory_space<vmem_shared>>) dst(%dma_wait3A_101 : memref<640xf32, #tpu.memory_space<vmem>>)
      tpu.yield
    }) : () -> ()
    %mul3A_22 = arith.constant 640 : i32
    %mul3A_23 = arith.muli %arg1, %mul3A_22 : i32
    %run_scoped3A_24 = arith.constant 2 : i32
    %run_scoped3A_25 = arith.constant 2 : i32
    "tpu.region"() ({
      %run_scoped3A_85 = tpu.sem_alloc : memref<!tpu.dma_semaphore, #tpu.memory_space<semaphore_mem>>
      %dma_start3A = arith.constant 0 : i32
      %dma_start3A_86 = tpu.memref_slice %arg6[%run_scoped3A_25, %dma_start3A] : memref<16x640xf32, #tpu.memory_space<vmem>> -> memref<1x640xf32, #tpu.memory_space<vmem>>
      %dma_start3A_87 = tpu.memref_squeeze %dma_start3A_86 : memref<1x640xf32, #tpu.memory_space<vmem>> -> memref<640xf32, #tpu.memory_space<vmem>>
      %dma_start3A_88 = tpu.memref_slice %arg8[%run_scoped3A_24, %mul3A_23] : memref<16x10240xf32, #tpu.memory_space<vmem_shared>> -> memref<1x640xf32, #tpu.memory_space<vmem_shared>>
      %dma_start3A_89 = tpu.memref_squeeze %dma_start3A_88 : memref<1x640xf32, #tpu.memory_space<vmem_shared>> -> memref<640xf32, #tpu.memory_space<vmem_shared>>
      %dma_start3A_90 = arith.constant 0 : i32
      %dma_start3A_91 = tpu.memref_slice %arg6[%run_scoped3A_25, %dma_start3A_90] : memref<16x640xf32, #tpu.memory_space<vmem>> -> memref<1x640xf32, #tpu.memory_space<vmem>>
      %dma_start3A_92 = tpu.memref_squeeze %dma_start3A_91 : memref<1x640xf32, #tpu.memory_space<vmem>> -> memref<640xf32, #tpu.memory_space<vmem>>
      %dma_start3A_93 = tpu.memref_slice %arg8[%run_scoped3A_24, %mul3A_23] : memref<16x10240xf32, #tpu.memory_space<vmem_shared>> -> memref<1x640xf32, #tpu.memory_space<vmem_shared>>
      %dma_start3A_94 = tpu.memref_squeeze %dma_start3A_93 : memref<1x640xf32, #tpu.memory_space<vmem_shared>> -> memref<640xf32, #tpu.memory_space<vmem_shared>>
      tpu.enqueue_dma source(%dma_start3A_94 : memref<640xf32, #tpu.memory_space<vmem_shared>>) target(%dma_start3A_92 : memref<640xf32, #tpu.memory_space<vmem>>) target_semaphore(%run_scoped3A_85 : memref<!tpu.dma_semaphore, #tpu.memory_space<semaphore_mem>>)
      %dma_wait3A = arith.constant 0 : i32
      %dma_wait3A_95 = tpu.memref_slice %arg6[%run_scoped3A_25, %dma_wait3A] : memref<16x640xf32, #tpu.memory_space<vmem>> -> memref<1x640xf32, #tpu.memory_space<vmem>>
      %dma_wait3A_96 = tpu.memref_squeeze %dma_wait3A_95 : memref<1x640xf32, #tpu.memory_space<vmem>> -> memref<640xf32, #tpu.memory_space<vmem>>
      %dma_wait3A_97 = tpu.memref_slice %arg8[%run_scoped3A_24, %mul3A_23] : memref<16x10240xf32, #tpu.memory_space<vmem_shared>> -> memref<1x640xf32, #tpu.memory_space<vmem_shared>>
      %dma_wait3A_98 = tpu.memref_squeeze %dma_wait3A_97 : memref<1x640xf32, #tpu.memory_space<vmem_shared>> -> memref<640xf32, #tpu.memory_space<vmem_shared>>
      %dma_wait3A_99 = arith.constant 0 : i32
      %dma_wait3A_100 = tpu.memref_slice %arg6[%run_scoped3A_25, %dma_wait3A_99] : memref<16x640xf32, #tpu.memory_space<vmem>> -> memref<1x640xf32, #tpu.memory_space<vmem>>
      %dma_wait3A_101 = tpu.memref_squeeze %dma_wait3A_100 : memref<1x640xf32, #tpu.memory_space<vmem>> -> memref<640xf32, #tpu.memory_space<vmem>>
      %dma_wait3A_102 = tpu.memref_slice %arg8[%run_scoped3A_24, %mul3A_23] : memref<16x10240xf32, #tpu.memory_space<vmem_shared>> -> memref<1x640xf32, #tpu.memory_space<vmem_shared>>
      %dma_wait3A_103 = tpu.memref_squeeze %dma_wait3A_102 : memref<1x640xf32, #tpu.memory_space<vmem_shared>> -> memref<640xf32, #tpu.memory_space<vmem_shared>>
      tpu.wait_dma2 semaphore(%run_scoped3A_85 : memref<!tpu.dma_semaphore, #tpu.memory_space<semaphore_mem>>) src(%dma_wait3A_103 : memref<640xf32, #tpu.memory_space<vmem_shared>>) dst(%dma_wait3A_101 : memref<640xf32, #tpu.memory_space<vmem>>)
      tpu.yield
    }) : () -> ()
    %mul3A_26 = arith.constant 640 : i32
    %mul3A_27 = arith.muli %arg1, %mul3A_26 : i32
    %run_scoped3A_28 = arith.constant 3 : i32
    %run_scoped3A_29 = arith.constant 3 : i32
    "tpu.region"() ({
      %run_scoped3A_85 = tpu.sem_alloc : memref<!tpu.dma_semaphore, #tpu.memory_space<semaphore_mem>>
      %dma_start3A = arith.constant 0 : i32
      %dma_start3A_86 = tpu.memref_slice %arg6[%run_scoped3A_29, %dma_start3A] : memref<16x640xf32, #tpu.memory_space<vmem>> -> memref<1x640xf32, #tpu.memory_space<vmem>>
      %dma_start3A_87 = tpu.memref_squeeze %dma_start3A_86 : memref<1x640xf32, #tpu.memory_space<vmem>> -> memref<640xf32, #tpu.memory_space<vmem>>
      %dma_start3A_88 = tpu.memref_slice %arg8[%run_scoped3A_28, %mul3A_27] : memref<16x10240xf32, #tpu.memory_space<vmem_shared>> -> memref<1x640xf32, #tpu.memory_space<vmem_shared>>
      %dma_start3A_89 = tpu.memref_squeeze %dma_start3A_88 : memref<1x640xf32, #tpu.memory_space<vmem_shared>> -> memref<640xf32, #tpu.memory_space<vmem_shared>>
      %dma_start3A_90 = arith.constant 0 : i32
      %dma_start3A_91 = tpu.memref_slice %arg6[%run_scoped3A_29, %dma_start3A_90] : memref<16x640xf32, #tpu.memory_space<vmem>> -> memref<1x640xf32, #tpu.memory_space<vmem>>
      %dma_start3A_92 = tpu.memref_squeeze %dma_start3A_91 : memref<1x640xf32, #tpu.memory_space<vmem>> -> memref<640xf32, #tpu.memory_space<vmem>>
      %dma_start3A_93 = tpu.memref_slice %arg8[%run_scoped3A_28, %mul3A_27] : memref<16x10240xf32, #tpu.memory_space<vmem_shared>> -> memref<1x640xf32, #tpu.memory_space<vmem_shared>>
      %dma_start3A_94 = tpu.memref_squeeze %dma_start3A_93 : memref<1x640xf32, #tpu.memory_space<vmem_shared>> -> memref<640xf32, #tpu.memory_space<vmem_shared>>
      tpu.enqueue_dma source(%dma_start3A_94 : memref<640xf32, #tpu.memory_space<vmem_shared>>) target(%dma_start3A_92 : memref<640xf32, #tpu.memory_space<vmem>>) target_semaphore(%run_scoped3A_85 : memref<!tpu.dma_semaphore, #tpu.memory_space<semaphore_mem>>)
      %dma_wait3A = arith.constant 0 : i32
      %dma_wait3A_95 = tpu.memref_slice %arg6[%run_scoped3A_29, %dma_wait3A] : memref<16x640xf32, #tpu.memory_space<vmem>> -> memref<1x640xf32, #tpu.memory_space<vmem>>
      %dma_wait3A_96 = tpu.memref_squeeze %dma_wait3A_95 : memref<1x640xf32, #tpu.memory_space<vmem>> -> memref<640xf32, #tpu.memory_space<vmem>>
      %dma_wait3A_97 = tpu.memref_slice %arg8[%run_scoped3A_28, %mul3A_27] : memref<16x10240xf32, #tpu.memory_space<vmem_shared>> -> memref<1x640xf32, #tpu.memory_space<vmem_shared>>
      %dma_wait3A_98 = tpu.memref_squeeze %dma_wait3A_97 : memref<1x640xf32, #tpu.memory_space<vmem_shared>> -> memref<640xf32, #tpu.memory_space<vmem_shared>>
      %dma_wait3A_99 = arith.constant 0 : i32
      %dma_wait3A_100 = tpu.memref_slice %arg6[%run_scoped3A_29, %dma_wait3A_99] : memref<16x640xf32, #tpu.memory_space<vmem>> -> memref<1x640xf32, #tpu.memory_space<vmem>>
      %dma_wait3A_101 = tpu.memref_squeeze %dma_wait3A_100 : memref<1x640xf32, #tpu.memory_space<vmem>> -> memref<640xf32, #tpu.memory_space<vmem>>
      %dma_wait3A_102 = tpu.memref_slice %arg8[%run_scoped3A_28, %mul3A_27] : memref<16x10240xf32, #tpu.memory_space<vmem_shared>> -> memref<1x640xf32, #tpu.memory_space<vmem_shared>>
      %dma_wait3A_103 = tpu.memref_squeeze %dma_wait3A_102 : memref<1x640xf32, #tpu.memory_space<vmem_shared>> -> memref<640xf32, #tpu.memory_space<vmem_shared>>
      tpu.wait_dma2 semaphore(%run_scoped3A_85 : memref<!tpu.dma_semaphore, #tpu.memory_space<semaphore_mem>>) src(%dma_wait3A_103 : memref<640xf32, #tpu.memory_space<vmem_shared>>) dst(%dma_wait3A_101 : memref<640xf32, #tpu.memory_space<vmem>>)
      tpu.yield
    }) : () -> ()
    %mul3A_30 = arith.constant 640 : i32
    %mul3A_31 = arith.muli %arg1, %mul3A_30 : i32
    %run_scoped3A_32 = arith.constant 4 : i32
    %run_scoped3A_33 = arith.constant 4 : i32
    "tpu.region"() ({
      %run_scoped3A_85 = tpu.sem_alloc : memref<!tpu.dma_semaphore, #tpu.memory_space<semaphore_mem>>
      %dma_start3A = arith.constant 0 : i32
      %dma_start3A_86 = tpu.memref_slice %arg6[%run_scoped3A_33, %dma_start3A] : memref<16x640xf32, #tpu.memory_space<vmem>> -> memref<1x640xf32, #tpu.memory_space<vmem>>
      %dma_start3A_87 = tpu.memref_squeeze %dma_start3A_86 : memref<1x640xf32, #tpu.memory_space<vmem>> -> memref<640xf32, #tpu.memory_space<vmem>>
      %dma_start3A_88 = tpu.memref_slice %arg8[%run_scoped3A_32, %mul3A_31] : memref<16x10240xf32, #tpu.memory_space<vmem_shared>> -> memref<1x640xf32, #tpu.memory_space<vmem_shared>>
      %dma_start3A_89 = tpu.memref_squeeze %dma_start3A_88 : memref<1x640xf32, #tpu.memory_space<vmem_shared>> -> memref<640xf32, #tpu.memory_space<vmem_shared>>
      %dma_start3A_90 = arith.constant 0 : i32
      %dma_start3A_91 = tpu.memref_slice %arg6[%run_scoped3A_33, %dma_start3A_90] : memref<16x640xf32, #tpu.memory_space<vmem>> -> memref<1x640xf32, #tpu.memory_space<vmem>>
      %dma_start3A_92 = tpu.memref_squeeze %dma_start3A_91 : memref<1x640xf32, #tpu.memory_space<vmem>> -> memref<640xf32, #tpu.memory_space<vmem>>
      %dma_start3A_93 = tpu.memref_slice %arg8[%run_scoped3A_32, %mul3A_31] : memref<16x10240xf32, #tpu.memory_space<vmem_shared>> -> memref<1x640xf32, #tpu.memory_space<vmem_shared>>
      %dma_start3A_94 = tpu.memref_squeeze %dma_start3A_93 : memref<1x640xf32, #tpu.memory_space<vmem_shared>> -> memref<640xf32, #tpu.memory_space<vmem_shared>>
      tpu.enqueue_dma source(%dma_start3A_94 : memref<640xf32, #tpu.memory_space<vmem_shared>>) target(%dma_start3A_92 : memref<640xf32, #tpu.memory_space<vmem>>) target_semaphore(%run_scoped3A_85 : memref<!tpu.dma_semaphore, #tpu.memory_space<semaphore_mem>>)
      %dma_wait3A = arith.constant 0 : i32
      %dma_wait3A_95 = tpu.memref_slice %arg6[%run_scoped3A_33, %dma_wait3A] : memref<16x640xf32, #tpu.memory_space<vmem>> -> memref<1x640xf32, #tpu.memory_space<vmem>>
      %dma_wait3A_96 = tpu.memref_squeeze %dma_wait3A_95 : memref<1x640xf32, #tpu.memory_space<vmem>> -> memref<640xf32, #tpu.memory_space<vmem>>
      %dma_wait3A_97 = tpu.memref_slice %arg8[%run_scoped3A_32, %mul3A_31] : memref<16x10240xf32, #tpu.memory_space<vmem_shared>> -> memref<1x640xf32, #tpu.memory_space<vmem_shared>>
      %dma_wait3A_98 = tpu.memref_squeeze %dma_wait3A_97 : memref<1x640xf32, #tpu.memory_space<vmem_shared>> -> memref<640xf32, #tpu.memory_space<vmem_shared>>
      %dma_wait3A_99 = arith.constant 0 : i32
      %dma_wait3A_100 = tpu.memref_slice %arg6[%run_scoped3A_33, %dma_wait3A_99] : memref<16x640xf32, #tpu.memory_space<vmem>> -> memref<1x640xf32, #tpu.memory_space<vmem>>
      %dma_wait3A_101 = tpu.memref_squeeze %dma_wait3A_100 : memref<1x640xf32, #tpu.memory_space<vmem>> -> memref<640xf32, #tpu.memory_space<vmem>>
      %dma_wait3A_102 = tpu.memref_slice %arg8[%run_scoped3A_32, %mul3A_31] : memref<16x10240xf32, #tpu.memory_space<vmem_shared>> -> memref<1x640xf32, #tpu.memory_space<vmem_shared>>
      %dma_wait3A_103 = tpu.memref_squeeze %dma_wait3A_102 : memref<1x640xf32, #tpu.memory_space<vmem_shared>> -> memref<640xf32, #tpu.memory_space<vmem_shared>>
      tpu.wait_dma2 semaphore(%run_scoped3A_85 : memref<!tpu.dma_semaphore, #tpu.memory_space<semaphore_mem>>) src(%dma_wait3A_103 : memref<640xf32, #tpu.memory_space<vmem_shared>>) dst(%dma_wait3A_101 : memref<640xf32, #tpu.memory_space<vmem>>)
      tpu.yield
    }) : () -> ()
    %mul3A_34 = arith.constant 640 : i32
    %mul3A_35 = arith.muli %arg1, %mul3A_34 : i32
    %run_scoped3A_36 = arith.constant 5 : i32
    %run_scoped3A_37 = arith.constant 5 : i32
    "tpu.region"() ({
      %run_scoped3A_85 = tpu.sem_alloc : memref<!tpu.dma_semaphore, #tpu.memory_space<semaphore_mem>>
      %dma_start3A = arith.constant 0 : i32
      %dma_start3A_86 = tpu.memref_slice %arg6[%run_scoped3A_37, %dma_start3A] : memref<16x640xf32, #tpu.memory_space<vmem>> -> memref<1x640xf32, #tpu.memory_space<vmem>>
      %dma_start3A_87 = tpu.memref_squeeze %dma_start3A_86 : memref<1x640xf32, #tpu.memory_space<vmem>> -> memref<640xf32, #tpu.memory_space<vmem>>
      %dma_start3A_88 = tpu.memref_slice %arg8[%run_scoped3A_36, %mul3A_35] : memref<16x10240xf32, #tpu.memory_space<vmem_shared>> -> memref<1x640xf32, #tpu.memory_space<vmem_shared>>
      %dma_start3A_89 = tpu.memref_squeeze %dma_start3A_88 : memref<1x640xf32, #tpu.memory_space<vmem_shared>> -> memref<640xf32, #tpu.memory_space<vmem_shared>>
      %dma_start3A_90 = arith.constant 0 : i32
      %dma_start3A_91 = tpu.memref_slice %arg6[%run_scoped3A_37, %dma_start3A_90] : memref<16x640xf32, #tpu.memory_space<vmem>> -> memref<1x640xf32, #tpu.memory_space<vmem>>
      %dma_start3A_92 = tpu.memref_squeeze %dma_start3A_91 : memref<1x640xf32, #tpu.memory_space<vmem>> -> memref<640xf32, #tpu.memory_space<vmem>>
      %dma_start3A_93 = tpu.memref_slice %arg8[%run_scoped3A_36, %mul3A_35] : memref<16x10240xf32, #tpu.memory_space<vmem_shared>> -> memref<1x640xf32, #tpu.memory_space<vmem_shared>>
      %dma_start3A_94 = tpu.memref_squeeze %dma_start3A_93 : memref<1x640xf32, #tpu.memory_space<vmem_shared>> -> memref<640xf32, #tpu.memory_space<vmem_shared>>
      tpu.enqueue_dma source(%dma_start3A_94 : memref<640xf32, #tpu.memory_space<vmem_shared>>) target(%dma_start3A_92 : memref<640xf32, #tpu.memory_space<vmem>>) target_semaphore(%run_scoped3A_85 : memref<!tpu.dma_semaphore, #tpu.memory_space<semaphore_mem>>)
      %dma_wait3A = arith.constant 0 : i32
      %dma_wait3A_95 = tpu.memref_slice %arg6[%run_scoped3A_37, %dma_wait3A] : memref<16x640xf32, #tpu.memory_space<vmem>> -> memref<1x640xf32, #tpu.memory_space<vmem>>
      %dma_wait3A_96 = tpu.memref_squeeze %dma_wait3A_95 : memref<1x640xf32, #tpu.memory_space<vmem>> -> memref<640xf32, #tpu.memory_space<vmem>>
      %dma_wait3A_97 = tpu.memref_slice %arg8[%run_scoped3A_36, %mul3A_35] : memref<16x10240xf32, #tpu.memory_space<vmem_shared>> -> memref<1x640xf32, #tpu.memory_space<vmem_shared>>
      %dma_wait3A_98 = tpu.memref_squeeze %dma_wait3A_97 : memref<1x640xf32, #tpu.memory_space<vmem_shared>> -> memref<640xf32, #tpu.memory_space<vmem_shared>>
      %dma_wait3A_99 = arith.constant 0 : i32
      %dma_wait3A_100 = tpu.memref_slice %arg6[%run_scoped3A_37, %dma_wait3A_99] : memref<16x640xf32, #tpu.memory_space<vmem>> -> memref<1x640xf32, #tpu.memory_space<vmem>>
      %dma_wait3A_101 = tpu.memref_squeeze %dma_wait3A_100 : memref<1x640xf32, #tpu.memory_space<vmem>> -> memref<640xf32, #tpu.memory_space<vmem>>
      %dma_wait3A_102 = tpu.memref_slice %arg8[%run_scoped3A_36, %mul3A_35] : memref<16x10240xf32, #tpu.memory_space<vmem_shared>> -> memref<1x640xf32, #tpu.memory_space<vmem_shared>>
      %dma_wait3A_103 = tpu.memref_squeeze %dma_wait3A_102 : memref<1x640xf32, #tpu.memory_space<vmem_shared>> -> memref<640xf32, #tpu.memory_space<vmem_shared>>
      tpu.wait_dma2 semaphore(%run_scoped3A_85 : memref<!tpu.dma_semaphore, #tpu.memory_space<semaphore_mem>>) src(%dma_wait3A_103 : memref<640xf32, #tpu.memory_space<vmem_shared>>) dst(%dma_wait3A_101 : memref<640xf32, #tpu.memory_space<vmem>>)
      tpu.yield
    }) : () -> ()
    %mul3A_38 = arith.constant 640 : i32
    %mul3A_39 = arith.muli %arg1, %mul3A_38 : i32
    %run_scoped3A_40 = arith.constant 6 : i32
    %run_scoped3A_41 = arith.constant 6 : i32
    "tpu.region"() ({
      %run_scoped3A_85 = tpu.sem_alloc : memref<!tpu.dma_semaphore, #tpu.memory_space<semaphore_mem>>
      %dma_start3A = arith.constant 0 : i32
      %dma_start3A_86 = tpu.memref_slice %arg6[%run_scoped3A_41, %dma_start3A] : memref<16x640xf32, #tpu.memory_space<vmem>> -> memref<1x640xf32, #tpu.memory_space<vmem>>
      %dma_start3A_87 = tpu.memref_squeeze %dma_start3A_86 : memref<1x640xf32, #tpu.memory_space<vmem>> -> memref<640xf32, #tpu.memory_space<vmem>>
      %dma_start3A_88 = tpu.memref_slice %arg8[%run_scoped3A_40, %mul3A_39] : memref<16x10240xf32, #tpu.memory_space<vmem_shared>> -> memref<1x640xf32, #tpu.memory_space<vmem_shared>>
      %dma_start3A_89 = tpu.memref_squeeze %dma_start3A_88 : memref<1x640xf32, #tpu.memory_space<vmem_shared>> -> memref<640xf32, #tpu.memory_space<vmem_shared>>
      %dma_start3A_90 = arith.constant 0 : i32
      %dma_start3A_91 = tpu.memref_slice %arg6[%run_scoped3A_41, %dma_start3A_90] : memref<16x640xf32, #tpu.memory_space<vmem>> -> memref<1x640xf32, #tpu.memory_space<vmem>>
      %dma_start3A_92 = tpu.memref_squeeze %dma_start3A_91 : memref<1x640xf32, #tpu.memory_space<vmem>> -> memref<640xf32, #tpu.memory_space<vmem>>
      %dma_start3A_93 = tpu.memref_slice %arg8[%run_scoped3A_40, %mul3A_39] : memref<16x10240xf32, #tpu.memory_space<vmem_shared>> -> memref<1x640xf32, #tpu.memory_space<vmem_shared>>
      %dma_start3A_94 = tpu.memref_squeeze %dma_start3A_93 : memref<1x640xf32, #tpu.memory_space<vmem_shared>> -> memref<640xf32, #tpu.memory_space<vmem_shared>>
      tpu.enqueue_dma source(%dma_start3A_94 : memref<640xf32, #tpu.memory_space<vmem_shared>>) target(%dma_start3A_92 : memref<640xf32, #tpu.memory_space<vmem>>) target_semaphore(%run_scoped3A_85 : memref<!tpu.dma_semaphore, #tpu.memory_space<semaphore_mem>>)
      %dma_wait3A = arith.constant 0 : i32
      %dma_wait3A_95 = tpu.memref_slice %arg6[%run_scoped3A_41, %dma_wait3A] : memref<16x640xf32, #tpu.memory_space<vmem>> -> memref<1x640xf32, #tpu.memory_space<vmem>>
      %dma_wait3A_96 = tpu.memref_squeeze %dma_wait3A_95 : memref<1x640xf32, #tpu.memory_space<vmem>> -> memref<640xf32, #tpu.memory_space<vmem>>
      %dma_wait3A_97 = tpu.memref_slice %arg8[%run_scoped3A_40, %mul3A_39] : memref<16x10240xf32, #tpu.memory_space<vmem_shared>> -> memref<1x640xf32, #tpu.memory_space<vmem_shared>>
      %dma_wait3A_98 = tpu.memref_squeeze %dma_wait3A_97 : memref<1x640xf32, #tpu.memory_space<vmem_shared>> -> memref<640xf32, #tpu.memory_space<vmem_shared>>
      %dma_wait3A_99 = arith.constant 0 : i32
      %dma_wait3A_100 = tpu.memref_slice %arg6[%run_scoped3A_41, %dma_wait3A_99] : memref<16x640xf32, #tpu.memory_space<vmem>> -> memref<1x640xf32, #tpu.memory_space<vmem>>
      %dma_wait3A_101 = tpu.memref_squeeze %dma_wait3A_100 : memref<1x640xf32, #tpu.memory_space<vmem>> -> memref<640xf32, #tpu.memory_space<vmem>>
      %dma_wait3A_102 = tpu.memref_slice %arg8[%run_scoped3A_40, %mul3A_39] : memref<16x10240xf32, #tpu.memory_space<vmem_shared>> -> memref<1x640xf32, #tpu.memory_space<vmem_shared>>
      %dma_wait3A_103 = tpu.memref_squeeze %dma_wait3A_102 : memref<1x640xf32, #tpu.memory_space<vmem_shared>> -> memref<640xf32, #tpu.memory_space<vmem_shared>>
      tpu.wait_dma2 semaphore(%run_scoped3A_85 : memref<!tpu.dma_semaphore, #tpu.memory_space<semaphore_mem>>) src(%dma_wait3A_103 : memref<640xf32, #tpu.memory_space<vmem_shared>>) dst(%dma_wait3A_101 : memref<640xf32, #tpu.memory_space<vmem>>)
      tpu.yield
    }) : () -> ()
    %mul3A_42 = arith.constant 640 : i32
    %mul3A_43 = arith.muli %arg1, %mul3A_42 : i32
    %run_scoped3A_44 = arith.constant 7 : i32
    %run_scoped3A_45 = arith.constant 7 : i32
    "tpu.region"() ({
      %run_scoped3A_85 = tpu.sem_alloc : memref<!tpu.dma_semaphore, #tpu.memory_space<semaphore_mem>>
      %dma_start3A = arith.constant 0 : i32
      %dma_start3A_86 = tpu.memref_slice %arg6[%run_scoped3A_45, %dma_start3A] : memref<16x640xf32, #tpu.memory_space<vmem>> -> memref<1x640xf32, #tpu.memory_space<vmem>>
      %dma_start3A_87 = tpu.memref_squeeze %dma_start3A_86 : memref<1x640xf32, #tpu.memory_space<vmem>> -> memref<640xf32, #tpu.memory_space<vmem>>
      %dma_start3A_88 = tpu.memref_slice %arg8[%run_scoped3A_44, %mul3A_43] : memref<16x10240xf32, #tpu.memory_space<vmem_shared>> -> memref<1x640xf32, #tpu.memory_space<vmem_shared>>
      %dma_start3A_89 = tpu.memref_squeeze %dma_start3A_88 : memref<1x640xf32, #tpu.memory_space<vmem_shared>> -> memref<640xf32, #tpu.memory_space<vmem_shared>>
      %dma_start3A_90 = arith.constant 0 : i32
      %dma_start3A_91 = tpu.memref_slice %arg6[%run_scoped3A_45, %dma_start3A_90] : memref<16x640xf32, #tpu.memory_space<vmem>> -> memref<1x640xf32, #tpu.memory_space<vmem>>
      %dma_start3A_92 = tpu.memref_squeeze %dma_start3A_91 : memref<1x640xf32, #tpu.memory_space<vmem>> -> memref<640xf32, #tpu.memory_space<vmem>>
      %dma_start3A_93 = tpu.memref_slice %arg8[%run_scoped3A_44, %mul3A_43] : memref<16x10240xf32, #tpu.memory_space<vmem_shared>> -> memref<1x640xf32, #tpu.memory_space<vmem_shared>>
      %dma_start3A_94 = tpu.memref_squeeze %dma_start3A_93 : memref<1x640xf32, #tpu.memory_space<vmem_shared>> -> memref<640xf32, #tpu.memory_space<vmem_shared>>
      tpu.enqueue_dma source(%dma_start3A_94 : memref<640xf32, #tpu.memory_space<vmem_shared>>) target(%dma_start3A_92 : memref<640xf32, #tpu.memory_space<vmem>>) target_semaphore(%run_scoped3A_85 : memref<!tpu.dma_semaphore, #tpu.memory_space<semaphore_mem>>)
      %dma_wait3A = arith.constant 0 : i32
      %dma_wait3A_95 = tpu.memref_slice %arg6[%run_scoped3A_45, %dma_wait3A] : memref<16x640xf32, #tpu.memory_space<vmem>> -> memref<1x640xf32, #tpu.memory_space<vmem>>
      %dma_wait3A_96 = tpu.memref_squeeze %dma_wait3A_95 : memref<1x640xf32, #tpu.memory_space<vmem>> -> memref<640xf32, #tpu.memory_space<vmem>>
      %dma_wait3A_97 = tpu.memref_slice %arg8[%run_scoped3A_44, %mul3A_43] : memref<16x10240xf32, #tpu.memory_space<vmem_shared>> -> memref<1x640xf32, #tpu.memory_space<vmem_shared>>
      %dma_wait3A_98 = tpu.memref_squeeze %dma_wait3A_97 : memref<1x640xf32, #tpu.memory_space<vmem_shared>> -> memref<640xf32, #tpu.memory_space<vmem_shared>>
      %dma_wait3A_99 = arith.constant 0 : i32
      %dma_wait3A_100 = tpu.memref_slice %arg6[%run_scoped3A_45, %dma_wait3A_99] : memref<16x640xf32, #tpu.memory_space<vmem>> -> memref<1x640xf32, #tpu.memory_space<vmem>>
      %dma_wait3A_101 = tpu.memref_squeeze %dma_wait3A_100 : memref<1x640xf32, #tpu.memory_space<vmem>> -> memref<640xf32, #tpu.memory_space<vmem>>
      %dma_wait3A_102 = tpu.memref_slice %arg8[%run_scoped3A_44, %mul3A_43] : memref<16x10240xf32, #tpu.memory_space<vmem_shared>> -> memref<1x640xf32, #tpu.memory_space<vmem_shared>>
      %dma_wait3A_103 = tpu.memref_squeeze %dma_wait3A_102 : memref<1x640xf32, #tpu.memory_space<vmem_shared>> -> memref<640xf32, #tpu.memory_space<vmem_shared>>
      tpu.wait_dma2 semaphore(%run_scoped3A_85 : memref<!tpu.dma_semaphore, #tpu.memory_space<semaphore_mem>>) src(%dma_wait3A_103 : memref<640xf32, #tpu.memory_space<vmem_shared>>) dst(%dma_wait3A_101 : memref<640xf32, #tpu.memory_space<vmem>>)
      tpu.yield
    }) : () -> ()
    %mul3A_46 = arith.constant 640 : i32
    %mul3A_47 = arith.muli %arg1, %mul3A_46 : i32
    %run_scoped3A_48 = arith.constant 8 : i32
    %run_scoped3A_49 = arith.constant 8 : i32
    "tpu.region"() ({
      %run_scoped3A_85 = tpu.sem_alloc : memref<!tpu.dma_semaphore, #tpu.memory_space<semaphore_mem>>
      %dma_start3A = arith.constant 0 : i32
      %dma_start3A_86 = tpu.memref_slice %arg6[%run_scoped3A_49, %dma_start3A] : memref<16x640xf32, #tpu.memory_space<vmem>> -> memref<1x640xf32, #tpu.memory_space<vmem>>
      %dma_start3A_87 = tpu.memref_squeeze %dma_start3A_86 : memref<1x640xf32, #tpu.memory_space<vmem>> -> memref<640xf32, #tpu.memory_space<vmem>>
      %dma_start3A_88 = tpu.memref_slice %arg8[%run_scoped3A_48, %mul3A_47] : memref<16x10240xf32, #tpu.memory_space<vmem_shared>> -> memref<1x640xf32, #tpu.memory_space<vmem_shared>>
      %dma_start3A_89 = tpu.memref_squeeze %dma_start3A_88 : memref<1x640xf32, #tpu.memory_space<vmem_shared>> -> memref<640xf32, #tpu.memory_space<vmem_shared>>
      %dma_start3A_90 = arith.constant 0 : i32
      %dma_start3A_91 = tpu.memref_slice %arg6[%run_scoped3A_49, %dma_start3A_90] : memref<16x640xf32, #tpu.memory_space<vmem>> -> memref<1x640xf32, #tpu.memory_space<vmem>>
      %dma_start3A_92 = tpu.memref_squeeze %dma_start3A_91 : memref<1x640xf32, #tpu.memory_space<vmem>> -> memref<640xf32, #tpu.memory_space<vmem>>
      %dma_start3A_93 = tpu.memref_slice %arg8[%run_scoped3A_48, %mul3A_47] : memref<16x10240xf32, #tpu.memory_space<vmem_shared>> -> memref<1x640xf32, #tpu.memory_space<vmem_shared>>
      %dma_start3A_94 = tpu.memref_squeeze %dma_start3A_93 : memref<1x640xf32, #tpu.memory_space<vmem_shared>> -> memref<640xf32, #tpu.memory_space<vmem_shared>>
      tpu.enqueue_dma source(%dma_start3A_94 : memref<640xf32, #tpu.memory_space<vmem_shared>>) target(%dma_start3A_92 : memref<640xf32, #tpu.memory_space<vmem>>) target_semaphore(%run_scoped3A_85 : memref<!tpu.dma_semaphore, #tpu.memory_space<semaphore_mem>>)
      %dma_wait3A = arith.constant 0 : i32
      %dma_wait3A_95 = tpu.memref_slice %arg6[%run_scoped3A_49, %dma_wait3A] : memref<16x640xf32, #tpu.memory_space<vmem>> -> memref<1x640xf32, #tpu.memory_space<vmem>>
      %dma_wait3A_96 = tpu.memref_squeeze %dma_wait3A_95 : memref<1x640xf32, #tpu.memory_space<vmem>> -> memref<640xf32, #tpu.memory_space<vmem>>
      %dma_wait3A_97 = tpu.memref_slice %arg8[%run_scoped3A_48, %mul3A_47] : memref<16x10240xf32, #tpu.memory_space<vmem_shared>> -> memref<1x640xf32, #tpu.memory_space<vmem_shared>>
      %dma_wait3A_98 = tpu.memref_squeeze %dma_wait3A_97 : memref<1x640xf32, #tpu.memory_space<vmem_shared>> -> memref<640xf32, #tpu.memory_space<vmem_shared>>
      %dma_wait3A_99 = arith.constant 0 : i32
      %dma_wait3A_100 = tpu.memref_slice %arg6[%run_scoped3A_49, %dma_wait3A_99] : memref<16x640xf32, #tpu.memory_space<vmem>> -> memref<1x640xf32, #tpu.memory_space<vmem>>
      %dma_wait3A_101 = tpu.memref_squeeze %dma_wait3A_100 : memref<1x640xf32, #tpu.memory_space<vmem>> -> memref<640xf32, #tpu.memory_space<vmem>>
      %dma_wait3A_102 = tpu.memref_slice %arg8[%run_scoped3A_48, %mul3A_47] : memref<16x10240xf32, #tpu.memory_space<vmem_shared>> -> memref<1x640xf32, #tpu.memory_space<vmem_shared>>
      %dma_wait3A_103 = tpu.memref_squeeze %dma_wait3A_102 : memref<1x640xf32, #tpu.memory_space<vmem_shared>> -> memref<640xf32, #tpu.memory_space<vmem_shared>>
      tpu.wait_dma2 semaphore(%run_scoped3A_85 : memref<!tpu.dma_semaphore, #tpu.memory_space<semaphore_mem>>) src(%dma_wait3A_103 : memref<640xf32, #tpu.memory_space<vmem_shared>>) dst(%dma_wait3A_101 : memref<640xf32, #tpu.memory_space<vmem>>)
      tpu.yield
    }) : () -> ()
    %mul3A_50 = arith.constant 640 : i32
    %mul3A_51 = arith.muli %arg1, %mul3A_50 : i32
    %run_scoped3A_52 = arith.constant 9 : i32
    %run_scoped3A_53 = arith.constant 9 : i32
    "tpu.region"() ({
      %run_scoped3A_85 = tpu.sem_alloc : memref<!tpu.dma_semaphore, #tpu.memory_space<semaphore_mem>>
      %dma_start3A = arith.constant 0 : i32
      %dma_start3A_86 = tpu.memref_slice %arg6[%run_scoped3A_53, %dma_start3A] : memref<16x640xf32, #tpu.memory_space<vmem>> -> memref<1x640xf32, #tpu.memory_space<vmem>>
      %dma_start3A_87 = tpu.memref_squeeze %dma_start3A_86 : memref<1x640xf32, #tpu.memory_space<vmem>> -> memref<640xf32, #tpu.memory_space<vmem>>
      %dma_start3A_88 = tpu.memref_slice %arg8[%run_scoped3A_52, %mul3A_51] : memref<16x10240xf32, #tpu.memory_space<vmem_shared>> -> memref<1x640xf32, #tpu.memory_space<vmem_shared>>
      %dma_start3A_89 = tpu.memref_squeeze %dma_start3A_88 : memref<1x640xf32, #tpu.memory_space<vmem_shared>> -> memref<640xf32, #tpu.memory_space<vmem_shared>>
      %dma_start3A_90 = arith.constant 0 : i32
      %dma_start3A_91 = tpu.memref_slice %arg6[%run_scoped3A_53, %dma_start3A_90] : memref<16x640xf32, #tpu.memory_space<vmem>> -> memref<1x640xf32, #tpu.memory_space<vmem>>
      %dma_start3A_92 = tpu.memref_squeeze %dma_start3A_91 : memref<1x640xf32, #tpu.memory_space<vmem>> -> memref<640xf32, #tpu.memory_space<vmem>>
      %dma_start3A_93 = tpu.memref_slice %arg8[%run_scoped3A_52, %mul3A_51] : memref<16x10240xf32, #tpu.memory_space<vmem_shared>> -> memref<1x640xf32, #tpu.memory_space<vmem_shared>>
      %dma_start3A_94 = tpu.memref_squeeze %dma_start3A_93 : memref<1x640xf32, #tpu.memory_space<vmem_shared>> -> memref<640xf32, #tpu.memory_space<vmem_shared>>
      tpu.enqueue_dma source(%dma_start3A_94 : memref<640xf32, #tpu.memory_space<vmem_shared>>) target(%dma_start3A_92 : memref<640xf32, #tpu.memory_space<vmem>>) target_semaphore(%run_scoped3A_85 : memref<!tpu.dma_semaphore, #tpu.memory_space<semaphore_mem>>)
      %dma_wait3A = arith.constant 0 : i32
      %dma_wait3A_95 = tpu.memref_slice %arg6[%run_scoped3A_53, %dma_wait3A] : memref<16x640xf32, #tpu.memory_space<vmem>> -> memref<1x640xf32, #tpu.memory_space<vmem>>
      %dma_wait3A_96 = tpu.memref_squeeze %dma_wait3A_95 : memref<1x640xf32, #tpu.memory_space<vmem>> -> memref<640xf32, #tpu.memory_space<vmem>>
      %dma_wait3A_97 = tpu.memref_slice %arg8[%run_scoped3A_52, %mul3A_51] : memref<16x10240xf32, #tpu.memory_space<vmem_shared>> -> memref<1x640xf32, #tpu.memory_space<vmem_shared>>
      %dma_wait3A_98 = tpu.memref_squeeze %dma_wait3A_97 : memref<1x640xf32, #tpu.memory_space<vmem_shared>> -> memref<640xf32, #tpu.memory_space<vmem_shared>>
      %dma_wait3A_99 = arith.constant 0 : i32
      %dma_wait3A_100 = tpu.memref_slice %arg6[%run_scoped3A_53, %dma_wait3A_99] : memref<16x640xf32, #tpu.memory_space<vmem>> -> memref<1x640xf32, #tpu.memory_space<vmem>>
      %dma_wait3A_101 = tpu.memref_squeeze %dma_wait3A_100 : memref<1x640xf32, #tpu.memory_space<vmem>> -> memref<640xf32, #tpu.memory_space<vmem>>
      %dma_wait3A_102 = tpu.memref_slice %arg8[%run_scoped3A_52, %mul3A_51] : memref<16x10240xf32, #tpu.memory_space<vmem_shared>> -> memref<1x640xf32, #tpu.memory_space<vmem_shared>>
      %dma_wait3A_103 = tpu.memref_squeeze %dma_wait3A_102 : memref<1x640xf32, #tpu.memory_space<vmem_shared>> -> memref<640xf32, #tpu.memory_space<vmem_shared>>
      tpu.wait_dma2 semaphore(%run_scoped3A_85 : memref<!tpu.dma_semaphore, #tpu.memory_space<semaphore_mem>>) src(%dma_wait3A_103 : memref<640xf32, #tpu.memory_space<vmem_shared>>) dst(%dma_wait3A_101 : memref<640xf32, #tpu.memory_space<vmem>>)
      tpu.yield
    }) : () -> ()
    %mul3A_54 = arith.constant 640 : i32
    %mul3A_55 = arith.muli %arg1, %mul3A_54 : i32
    %run_scoped3A_56 = arith.constant 10 : i32
    %run_scoped3A_57 = arith.constant 10 : i32
    "tpu.region"() ({
      %run_scoped3A_85 = tpu.sem_alloc : memref<!tpu.dma_semaphore, #tpu.memory_space<semaphore_mem>>
      %dma_start3A = arith.constant 0 : i32
      %dma_start3A_86 = tpu.memref_slice %arg6[%run_scoped3A_57, %dma_start3A] : memref<16x640xf32, #tpu.memory_space<vmem>> -> memref<1x640xf32, #tpu.memory_space<vmem>>
      %dma_start3A_87 = tpu.memref_squeeze %dma_start3A_86 : memref<1x640xf32, #tpu.memory_space<vmem>> -> memref<640xf32, #tpu.memory_space<vmem>>
      %dma_start3A_88 = tpu.memref_slice %arg8[%run_scoped3A_56, %mul3A_55] : memref<16x10240xf32, #tpu.memory_space<vmem_shared>> -> memref<1x640xf32, #tpu.memory_space<vmem_shared>>
      %dma_start3A_89 = tpu.memref_squeeze %dma_start3A_88 : memref<1x640xf32, #tpu.memory_space<vmem_shared>> -> memref<640xf32, #tpu.memory_space<vmem_shared>>
      %dma_start3A_90 = arith.constant 0 : i32
      %dma_start3A_91 = tpu.memref_slice %arg6[%run_scoped3A_57, %dma_start3A_90] : memref<16x640xf32, #tpu.memory_space<vmem>> -> memref<1x640xf32, #tpu.memory_space<vmem>>
      %dma_start3A_92 = tpu.memref_squeeze %dma_start3A_91 : memref<1x640xf32, #tpu.memory_space<vmem>> -> memref<640xf32, #tpu.memory_space<vmem>>
      %dma_start3A_93 = tpu.memref_slice %arg8[%run_scoped3A_56, %mul3A_55] : memref<16x10240xf32, #tpu.memory_space<vmem_shared>> -> memref<1x640xf32, #tpu.memory_space<vmem_shared>>
      %dma_start3A_94 = tpu.memref_squeeze %dma_start3A_93 : memref<1x640xf32, #tpu.memory_space<vmem_shared>> -> memref<640xf32, #tpu.memory_space<vmem_shared>>
      tpu.enqueue_dma source(%dma_start3A_94 : memref<640xf32, #tpu.memory_space<vmem_shared>>) target(%dma_start3A_92 : memref<640xf32, #tpu.memory_space<vmem>>) target_semaphore(%run_scoped3A_85 : memref<!tpu.dma_semaphore, #tpu.memory_space<semaphore_mem>>)
      %dma_wait3A = arith.constant 0 : i32
      %dma_wait3A_95 = tpu.memref_slice %arg6[%run_scoped3A_57, %dma_wait3A] : memref<16x640xf32, #tpu.memory_space<vmem>> -> memref<1x640xf32, #tpu.memory_space<vmem>>
      %dma_wait3A_96 = tpu.memref_squeeze %dma_wait3A_95 : memref<1x640xf32, #tpu.memory_space<vmem>> -> memref<640xf32, #tpu.memory_space<vmem>>
      %dma_wait3A_97 = tpu.memref_slice %arg8[%run_scoped3A_56, %mul3A_55] : memref<16x10240xf32, #tpu.memory_space<vmem_shared>> -> memref<1x640xf32, #tpu.memory_space<vmem_shared>>
      %dma_wait3A_98 = tpu.memref_squeeze %dma_wait3A_97 : memref<1x640xf32, #tpu.memory_space<vmem_shared>> -> memref<640xf32, #tpu.memory_space<vmem_shared>>
      %dma_wait3A_99 = arith.constant 0 : i32
      %dma_wait3A_100 = tpu.memref_slice %arg6[%run_scoped3A_57, %dma_wait3A_99] : memref<16x640xf32, #tpu.memory_space<vmem>> -> memref<1x640xf32, #tpu.memory_space<vmem>>
      %dma_wait3A_101 = tpu.memref_squeeze %dma_wait3A_100 : memref<1x640xf32, #tpu.memory_space<vmem>> -> memref<640xf32, #tpu.memory_space<vmem>>
      %dma_wait3A_102 = tpu.memref_slice %arg8[%run_scoped3A_56, %mul3A_55] : memref<16x10240xf32, #tpu.memory_space<vmem_shared>> -> memref<1x640xf32, #tpu.memory_space<vmem_shared>>
      %dma_wait3A_103 = tpu.memref_squeeze %dma_wait3A_102 : memref<1x640xf32, #tpu.memory_space<vmem_shared>> -> memref<640xf32, #tpu.memory_space<vmem_shared>>
      tpu.wait_dma2 semaphore(%run_scoped3A_85 : memref<!tpu.dma_semaphore, #tpu.memory_space<semaphore_mem>>) src(%dma_wait3A_103 : memref<640xf32, #tpu.memory_space<vmem_shared>>) dst(%dma_wait3A_101 : memref<640xf32, #tpu.memory_space<vmem>>)
      tpu.yield
    }) : () -> ()
    %mul3A_58 = arith.constant 640 : i32
    %mul3A_59 = arith.muli %arg1, %mul3A_58 : i32
    %run_scoped3A_60 = arith.constant 11 : i32
    %run_scoped3A_61 = arith.constant 11 : i32
    "tpu.region"() ({
      %run_scoped3A_85 = tpu.sem_alloc : memref<!tpu.dma_semaphore, #tpu.memory_space<semaphore_mem>>
      %dma_start3A = arith.constant 0 : i32
      %dma_start3A_86 = tpu.memref_slice %arg6[%run_scoped3A_61, %dma_start3A] : memref<16x640xf32, #tpu.memory_space<vmem>> -> memref<1x640xf32, #tpu.memory_space<vmem>>
      %dma_start3A_87 = tpu.memref_squeeze %dma_start3A_86 : memref<1x640xf32, #tpu.memory_space<vmem>> -> memref<640xf32, #tpu.memory_space<vmem>>
      %dma_start3A_88 = tpu.memref_slice %arg8[%run_scoped3A_60, %mul3A_59] : memref<16x10240xf32, #tpu.memory_space<vmem_shared>> -> memref<1x640xf32, #tpu.memory_space<vmem_shared>>
      %dma_start3A_89 = tpu.memref_squeeze %dma_start3A_88 : memref<1x640xf32, #tpu.memory_space<vmem_shared>> -> memref<640xf32, #tpu.memory_space<vmem_shared>>
      %dma_start3A_90 = arith.constant 0 : i32
      %dma_start3A_91 = tpu.memref_slice %arg6[%run_scoped3A_61, %dma_start3A_90] : memref<16x640xf32, #tpu.memory_space<vmem>> -> memref<1x640xf32, #tpu.memory_space<vmem>>
      %dma_start3A_92 = tpu.memref_squeeze %dma_start3A_91 : memref<1x640xf32, #tpu.memory_space<vmem>> -> memref<640xf32, #tpu.memory_space<vmem>>
      %dma_start3A_93 = tpu.memref_slice %arg8[%run_scoped3A_60, %mul3A_59] : memref<16x10240xf32, #tpu.memory_space<vmem_shared>> -> memref<1x640xf32, #tpu.memory_space<vmem_shared>>
      %dma_start3A_94 = tpu.memref_squeeze %dma_start3A_93 : memref<1x640xf32, #tpu.memory_space<vmem_shared>> -> memref<640xf32, #tpu.memory_space<vmem_shared>>
      tpu.enqueue_dma source(%dma_start3A_94 : memref<640xf32, #tpu.memory_space<vmem_shared>>) target(%dma_start3A_92 : memref<640xf32, #tpu.memory_space<vmem>>) target_semaphore(%run_scoped3A_85 : memref<!tpu.dma_semaphore, #tpu.memory_space<semaphore_mem>>)
      %dma_wait3A = arith.constant 0 : i32
      %dma_wait3A_95 = tpu.memref_slice %arg6[%run_scoped3A_61, %dma_wait3A] : memref<16x640xf32, #tpu.memory_space<vmem>> -> memref<1x640xf32, #tpu.memory_space<vmem>>
      %dma_wait3A_96 = tpu.memref_squeeze %dma_wait3A_95 : memref<1x640xf32, #tpu.memory_space<vmem>> -> memref<640xf32, #tpu.memory_space<vmem>>
      %dma_wait3A_97 = tpu.memref_slice %arg8[%run_scoped3A_60, %mul3A_59] : memref<16x10240xf32, #tpu.memory_space<vmem_shared>> -> memref<1x640xf32, #tpu.memory_space<vmem_shared>>
      %dma_wait3A_98 = tpu.memref_squeeze %dma_wait3A_97 : memref<1x640xf32, #tpu.memory_space<vmem_shared>> -> memref<640xf32, #tpu.memory_space<vmem_shared>>
      %dma_wait3A_99 = arith.constant 0 : i32
      %dma_wait3A_100 = tpu.memref_slice %arg6[%run_scoped3A_61, %dma_wait3A_99] : memref<16x640xf32, #tpu.memory_space<vmem>> -> memref<1x640xf32, #tpu.memory_space<vmem>>
      %dma_wait3A_101 = tpu.memref_squeeze %dma_wait3A_100 : memref<1x640xf32, #tpu.memory_space<vmem>> -> memref<640xf32, #tpu.memory_space<vmem>>
      %dma_wait3A_102 = tpu.memref_slice %arg8[%run_scoped3A_60, %mul3A_59] : memref<16x10240xf32, #tpu.memory_space<vmem_shared>> -> memref<1x640xf32, #tpu.memory_space<vmem_shared>>
      %dma_wait3A_103 = tpu.memref_squeeze %dma_wait3A_102 : memref<1x640xf32, #tpu.memory_space<vmem_shared>> -> memref<640xf32, #tpu.memory_space<vmem_shared>>
      tpu.wait_dma2 semaphore(%run_scoped3A_85 : memref<!tpu.dma_semaphore, #tpu.memory_space<semaphore_mem>>) src(%dma_wait3A_103 : memref<640xf32, #tpu.memory_space<vmem_shared>>) dst(%dma_wait3A_101 : memref<640xf32, #tpu.memory_space<vmem>>)
      tpu.yield
    }) : () -> ()
    %mul3A_62 = arith.constant 640 : i32
    %mul3A_63 = arith.muli %arg1, %mul3A_62 : i32
    %run_scoped3A_64 = arith.constant 12 : i32
    %run_scoped3A_65 = arith.constant 12 : i32
    "tpu.region"() ({
      %run_scoped3A_85 = tpu.sem_alloc : memref<!tpu.dma_semaphore, #tpu.memory_space<semaphore_mem>>
      %dma_start3A = arith.constant 0 : i32
      %dma_start3A_86 = tpu.memref_slice %arg6[%run_scoped3A_65, %dma_start3A] : memref<16x640xf32, #tpu.memory_space<vmem>> -> memref<1x640xf32, #tpu.memory_space<vmem>>
      %dma_start3A_87 = tpu.memref_squeeze %dma_start3A_86 : memref<1x640xf32, #tpu.memory_space<vmem>> -> memref<640xf32, #tpu.memory_space<vmem>>
      %dma_start3A_88 = tpu.memref_slice %arg8[%run_scoped3A_64, %mul3A_63] : memref<16x10240xf32, #tpu.memory_space<vmem_shared>> -> memref<1x640xf32, #tpu.memory_space<vmem_shared>>
      %dma_start3A_89 = tpu.memref_squeeze %dma_start3A_88 : memref<1x640xf32, #tpu.memory_space<vmem_shared>> -> memref<640xf32, #tpu.memory_space<vmem_shared>>
      %dma_start3A_90 = arith.constant 0 : i32
      %dma_start3A_91 = tpu.memref_slice %arg6[%run_scoped3A_65, %dma_start3A_90] : memref<16x640xf32, #tpu.memory_space<vmem>> -> memref<1x640xf32, #tpu.memory_space<vmem>>
      %dma_start3A_92 = tpu.memref_squeeze %dma_start3A_91 : memref<1x640xf32, #tpu.memory_space<vmem>> -> memref<640xf32, #tpu.memory_space<vmem>>
      %dma_start3A_93 = tpu.memref_slice %arg8[%run_scoped3A_64, %mul3A_63] : memref<16x10240xf32, #tpu.memory_space<vmem_shared>> -> memref<1x640xf32, #tpu.memory_space<vmem_shared>>
      %dma_start3A_94 = tpu.memref_squeeze %dma_start3A_93 : memref<1x640xf32, #tpu.memory_space<vmem_shared>> -> memref<640xf32, #tpu.memory_space<vmem_shared>>
      tpu.enqueue_dma source(%dma_start3A_94 : memref<640xf32, #tpu.memory_space<vmem_shared>>) target(%dma_start3A_92 : memref<640xf32, #tpu.memory_space<vmem>>) target_semaphore(%run_scoped3A_85 : memref<!tpu.dma_semaphore, #tpu.memory_space<semaphore_mem>>)
      %dma_wait3A = arith.constant 0 : i32
      %dma_wait3A_95 = tpu.memref_slice %arg6[%run_scoped3A_65, %dma_wait3A] : memref<16x640xf32, #tpu.memory_space<vmem>> -> memref<1x640xf32, #tpu.memory_space<vmem>>
      %dma_wait3A_96 = tpu.memref_squeeze %dma_wait3A_95 : memref<1x640xf32, #tpu.memory_space<vmem>> -> memref<640xf32, #tpu.memory_space<vmem>>
      %dma_wait3A_97 = tpu.memref_slice %arg8[%run_scoped3A_64, %mul3A_63] : memref<16x10240xf32, #tpu.memory_space<vmem_shared>> -> memref<1x640xf32, #tpu.memory_space<vmem_shared>>
      %dma_wait3A_98 = tpu.memref_squeeze %dma_wait3A_97 : memref<1x640xf32, #tpu.memory_space<vmem_shared>> -> memref<640xf32, #tpu.memory_space<vmem_shared>>
      %dma_wait3A_99 = arith.constant 0 : i32
      %dma_wait3A_100 = tpu.memref_slice %arg6[%run_scoped3A_65, %dma_wait3A_99] : memref<16x640xf32, #tpu.memory_space<vmem>> -> memref<1x640xf32, #tpu.memory_space<vmem>>
      %dma_wait3A_101 = tpu.memref_squeeze %dma_wait3A_100 : memref<1x640xf32, #tpu.memory_space<vmem>> -> memref<640xf32, #tpu.memory_space<vmem>>
      %dma_wait3A_102 = tpu.memref_slice %arg8[%run_scoped3A_64, %mul3A_63] : memref<16x10240xf32, #tpu.memory_space<vmem_shared>> -> memref<1x640xf32, #tpu.memory_space<vmem_shared>>
      %dma_wait3A_103 = tpu.memref_squeeze %dma_wait3A_102 : memref<1x640xf32, #tpu.memory_space<vmem_shared>> -> memref<640xf32, #tpu.memory_space<vmem_shared>>
      tpu.wait_dma2 semaphore(%run_scoped3A_85 : memref<!tpu.dma_semaphore, #tpu.memory_space<semaphore_mem>>) src(%dma_wait3A_103 : memref<640xf32, #tpu.memory_space<vmem_shared>>) dst(%dma_wait3A_101 : memref<640xf32, #tpu.memory_space<vmem>>)
      tpu.yield
    }) : () -> ()
    %mul3A_66 = arith.constant 640 : i32
    %mul3A_67 = arith.muli %arg1, %mul3A_66 : i32
    %run_scoped3A_68 = arith.constant 13 : i32
    %run_scoped3A_69 = arith.constant 13 : i32
    "tpu.region"() ({
      %run_scoped3A_85 = tpu.sem_alloc : memref<!tpu.dma_semaphore, #tpu.memory_space<semaphore_mem>>
      %dma_start3A = arith.constant 0 : i32
      %dma_start3A_86 = tpu.memref_slice %arg6[%run_scoped3A_69, %dma_start3A] : memref<16x640xf32, #tpu.memory_space<vmem>> -> memref<1x640xf32, #tpu.memory_space<vmem>>
      %dma_start3A_87 = tpu.memref_squeeze %dma_start3A_86 : memref<1x640xf32, #tpu.memory_space<vmem>> -> memref<640xf32, #tpu.memory_space<vmem>>
      %dma_start3A_88 = tpu.memref_slice %arg8[%run_scoped3A_68, %mul3A_67] : memref<16x10240xf32, #tpu.memory_space<vmem_shared>> -> memref<1x640xf32, #tpu.memory_space<vmem_shared>>
      %dma_start3A_89 = tpu.memref_squeeze %dma_start3A_88 : memref<1x640xf32, #tpu.memory_space<vmem_shared>> -> memref<640xf32, #tpu.memory_space<vmem_shared>>
      %dma_start3A_90 = arith.constant 0 : i32
      %dma_start3A_91 = tpu.memref_slice %arg6[%run_scoped3A_69, %dma_start3A_90] : memref<16x640xf32, #tpu.memory_space<vmem>> -> memref<1x640xf32, #tpu.memory_space<vmem>>
      %dma_start3A_92 = tpu.memref_squeeze %dma_start3A_91 : memref<1x640xf32, #tpu.memory_space<vmem>> -> memref<640xf32, #tpu.memory_space<vmem>>
      %dma_start3A_93 = tpu.memref_slice %arg8[%run_scoped3A_68, %mul3A_67] : memref<16x10240xf32, #tpu.memory_space<vmem_shared>> -> memref<1x640xf32, #tpu.memory_space<vmem_shared>>
      %dma_start3A_94 = tpu.memref_squeeze %dma_start3A_93 : memref<1x640xf32, #tpu.memory_space<vmem_shared>> -> memref<640xf32, #tpu.memory_space<vmem_shared>>
      tpu.enqueue_dma source(%dma_start3A_94 : memref<640xf32, #tpu.memory_space<vmem_shared>>) target(%dma_start3A_92 : memref<640xf32, #tpu.memory_space<vmem>>) target_semaphore(%run_scoped3A_85 : memref<!tpu.dma_semaphore, #tpu.memory_space<semaphore_mem>>)
      %dma_wait3A = arith.constant 0 : i32
      %dma_wait3A_95 = tpu.memref_slice %arg6[%run_scoped3A_69, %dma_wait3A] : memref<16x640xf32, #tpu.memory_space<vmem>> -> memref<1x640xf32, #tpu.memory_space<vmem>>
      %dma_wait3A_96 = tpu.memref_squeeze %dma_wait3A_95 : memref<1x640xf32, #tpu.memory_space<vmem>> -> memref<640xf32, #tpu.memory_space<vmem>>
      %dma_wait3A_97 = tpu.memref_slice %arg8[%run_scoped3A_68, %mul3A_67] : memref<16x10240xf32, #tpu.memory_space<vmem_shared>> -> memref<1x640xf32, #tpu.memory_space<vmem_shared>>
      %dma_wait3A_98 = tpu.memref_squeeze %dma_wait3A_97 : memref<1x640xf32, #tpu.memory_space<vmem_shared>> -> memref<640xf32, #tpu.memory_space<vmem_shared>>
      %dma_wait3A_99 = arith.constant 0 : i32
      %dma_wait3A_100 = tpu.memref_slice %arg6[%run_scoped3A_69, %dma_wait3A_99] : memref<16x640xf32, #tpu.memory_space<vmem>> -> memref<1x640xf32, #tpu.memory_space<vmem>>
      %dma_wait3A_101 = tpu.memref_squeeze %dma_wait3A_100 : memref<1x640xf32, #tpu.memory_space<vmem>> -> memref<640xf32, #tpu.memory_space<vmem>>
      %dma_wait3A_102 = tpu.memref_slice %arg8[%run_scoped3A_68, %mul3A_67] : memref<16x10240xf32, #tpu.memory_space<vmem_shared>> -> memref<1x640xf32, #tpu.memory_space<vmem_shared>>
      %dma_wait3A_103 = tpu.memref_squeeze %dma_wait3A_102 : memref<1x640xf32, #tpu.memory_space<vmem_shared>> -> memref<640xf32, #tpu.memory_space<vmem_shared>>
      tpu.wait_dma2 semaphore(%run_scoped3A_85 : memref<!tpu.dma_semaphore, #tpu.memory_space<semaphore_mem>>) src(%dma_wait3A_103 : memref<640xf32, #tpu.memory_space<vmem_shared>>) dst(%dma_wait3A_101 : memref<640xf32, #tpu.memory_space<vmem>>)
      tpu.yield
    }) : () -> ()
    %mul3A_70 = arith.constant 640 : i32
    %mul3A_71 = arith.muli %arg1, %mul3A_70 : i32
    %run_scoped3A_72 = arith.constant 14 : i32
    %run_scoped3A_73 = arith.constant 14 : i32
    "tpu.region"() ({
      %run_scoped3A_85 = tpu.sem_alloc : memref<!tpu.dma_semaphore, #tpu.memory_space<semaphore_mem>>
      %dma_start3A = arith.constant 0 : i32
      %dma_start3A_86 = tpu.memref_slice %arg6[%run_scoped3A_73, %dma_start3A] : memref<16x640xf32, #tpu.memory_space<vmem>> -> memref<1x640xf32, #tpu.memory_space<vmem>>
      %dma_start3A_87 = tpu.memref_squeeze %dma_start3A_86 : memref<1x640xf32, #tpu.memory_space<vmem>> -> memref<640xf32, #tpu.memory_space<vmem>>
      %dma_start3A_88 = tpu.memref_slice %arg8[%run_scoped3A_72, %mul3A_71] : memref<16x10240xf32, #tpu.memory_space<vmem_shared>> -> memref<1x640xf32, #tpu.memory_space<vmem_shared>>
      %dma_start3A_89 = tpu.memref_squeeze %dma_start3A_88 : memref<1x640xf32, #tpu.memory_space<vmem_shared>> -> memref<640xf32, #tpu.memory_space<vmem_shared>>
      %dma_start3A_90 = arith.constant 0 : i32
      %dma_start3A_91 = tpu.memref_slice %arg6[%run_scoped3A_73, %dma_start3A_90] : memref<16x640xf32, #tpu.memory_space<vmem>> -> memref<1x640xf32, #tpu.memory_space<vmem>>
      %dma_start3A_92 = tpu.memref_squeeze %dma_start3A_91 : memref<1x640xf32, #tpu.memory_space<vmem>> -> memref<640xf32, #tpu.memory_space<vmem>>
      %dma_start3A_93 = tpu.memref_slice %arg8[%run_scoped3A_72, %mul3A_71] : memref<16x10240xf32, #tpu.memory_space<vmem_shared>> -> memref<1x640xf32, #tpu.memory_space<vmem_shared>>
      %dma_start3A_94 = tpu.memref_squeeze %dma_start3A_93 : memref<1x640xf32, #tpu.memory_space<vmem_shared>> -> memref<640xf32, #tpu.memory_space<vmem_shared>>
      tpu.enqueue_dma source(%dma_start3A_94 : memref<640xf32, #tpu.memory_space<vmem_shared>>) target(%dma_start3A_92 : memref<640xf32, #tpu.memory_space<vmem>>) target_semaphore(%run_scoped3A_85 : memref<!tpu.dma_semaphore, #tpu.memory_space<semaphore_mem>>)
      %dma_wait3A = arith.constant 0 : i32
      %dma_wait3A_95 = tpu.memref_slice %arg6[%run_scoped3A_73, %dma_wait3A] : memref<16x640xf32, #tpu.memory_space<vmem>> -> memref<1x640xf32, #tpu.memory_space<vmem>>
      %dma_wait3A_96 = tpu.memref_squeeze %dma_wait3A_95 : memref<1x640xf32, #tpu.memory_space<vmem>> -> memref<640xf32, #tpu.memory_space<vmem>>
      %dma_wait3A_97 = tpu.memref_slice %arg8[%run_scoped3A_72, %mul3A_71] : memref<16x10240xf32, #tpu.memory_space<vmem_shared>> -> memref<1x640xf32, #tpu.memory_space<vmem_shared>>
      %dma_wait3A_98 = tpu.memref_squeeze %dma_wait3A_97 : memref<1x640xf32, #tpu.memory_space<vmem_shared>> -> memref<640xf32, #tpu.memory_space<vmem_shared>>
      %dma_wait3A_99 = arith.constant 0 : i32
      %dma_wait3A_100 = tpu.memref_slice %arg6[%run_scoped3A_73, %dma_wait3A_99] : memref<16x640xf32, #tpu.memory_space<vmem>> -> memref<1x640xf32, #tpu.memory_space<vmem>>
      %dma_wait3A_101 = tpu.memref_squeeze %dma_wait3A_100 : memref<1x640xf32, #tpu.memory_space<vmem>> -> memref<640xf32, #tpu.memory_space<vmem>>
      %dma_wait3A_102 = tpu.memref_slice %arg8[%run_scoped3A_72, %mul3A_71] : memref<16x10240xf32, #tpu.memory_space<vmem_shared>> -> memref<1x640xf32, #tpu.memory_space<vmem_shared>>
      %dma_wait3A_103 = tpu.memref_squeeze %dma_wait3A_102 : memref<1x640xf32, #tpu.memory_space<vmem_shared>> -> memref<640xf32, #tpu.memory_space<vmem_shared>>
      tpu.wait_dma2 semaphore(%run_scoped3A_85 : memref<!tpu.dma_semaphore, #tpu.memory_space<semaphore_mem>>) src(%dma_wait3A_103 : memref<640xf32, #tpu.memory_space<vmem_shared>>) dst(%dma_wait3A_101 : memref<640xf32, #tpu.memory_space<vmem>>)
      tpu.yield
    }) : () -> ()
    %mul3A_74 = arith.constant 640 : i32
    %mul3A_75 = arith.muli %arg1, %mul3A_74 : i32
    %run_scoped3A_76 = arith.constant 15 : i32
    %run_scoped3A_77 = arith.constant 15 : i32
    "tpu.region"() ({
      %run_scoped3A_85 = tpu.sem_alloc : memref<!tpu.dma_semaphore, #tpu.memory_space<semaphore_mem>>
      %dma_start3A = arith.constant 0 : i32
      %dma_start3A_86 = tpu.memref_slice %arg6[%run_scoped3A_77, %dma_start3A] : memref<16x640xf32, #tpu.memory_space<vmem>> -> memref<1x640xf32, #tpu.memory_space<vmem>>
      %dma_start3A_87 = tpu.memref_squeeze %dma_start3A_86 : memref<1x640xf32, #tpu.memory_space<vmem>> -> memref<640xf32, #tpu.memory_space<vmem>>
      %dma_start3A_88 = tpu.memref_slice %arg8[%run_scoped3A_76, %mul3A_75] : memref<16x10240xf32, #tpu.memory_space<vmem_shared>> -> memref<1x640xf32, #tpu.memory_space<vmem_shared>>
      %dma_start3A_89 = tpu.memref_squeeze %dma_start3A_88 : memref<1x640xf32, #tpu.memory_space<vmem_shared>> -> memref<640xf32, #tpu.memory_space<vmem_shared>>
      %dma_start3A_90 = arith.constant 0 : i32
      %dma_start3A_91 = tpu.memref_slice %arg6[%run_scoped3A_77, %dma_start3A_90] : memref<16x640xf32, #tpu.memory_space<vmem>> -> memref<1x640xf32, #tpu.memory_space<vmem>>
      %dma_start3A_92 = tpu.memref_squeeze %dma_start3A_91 : memref<1x640xf32, #tpu.memory_space<vmem>> -> memref<640xf32, #tpu.memory_space<vmem>>
      %dma_start3A_93 = tpu.memref_slice %arg8[%run_scoped3A_76, %mul3A_75] : memref<16x10240xf32, #tpu.memory_space<vmem_shared>> -> memref<1x640xf32, #tpu.memory_space<vmem_shared>>
      %dma_start3A_94 = tpu.memref_squeeze %dma_start3A_93 : memref<1x640xf32, #tpu.memory_space<vmem_shared>> -> memref<640xf32, #tpu.memory_space<vmem_shared>>
      tpu.enqueue_dma source(%dma_start3A_94 : memref<640xf32, #tpu.memory_space<vmem_shared>>) target(%dma_start3A_92 : memref<640xf32, #tpu.memory_space<vmem>>) target_semaphore(%run_scoped3A_85 : memref<!tpu.dma_semaphore, #tpu.memory_space<semaphore_mem>>)
      %dma_wait3A = arith.constant 0 : i32
      %dma_wait3A_95 = tpu.memref_slice %arg6[%run_scoped3A_77, %dma_wait3A] : memref<16x640xf32, #tpu.memory_space<vmem>> -> memref<1x640xf32, #tpu.memory_space<vmem>>
      %dma_wait3A_96 = tpu.memref_squeeze %dma_wait3A_95 : memref<1x640xf32, #tpu.memory_space<vmem>> -> memref<640xf32, #tpu.memory_space<vmem>>
      %dma_wait3A_97 = tpu.memref_slice %arg8[%run_scoped3A_76, %mul3A_75] : memref<16x10240xf32, #tpu.memory_space<vmem_shared>> -> memref<1x640xf32, #tpu.memory_space<vmem_shared>>
      %dma_wait3A_98 = tpu.memref_squeeze %dma_wait3A_97 : memref<1x640xf32, #tpu.memory_space<vmem_shared>> -> memref<640xf32, #tpu.memory_space<vmem_shared>>
      %dma_wait3A_99 = arith.constant 0 : i32
      %dma_wait3A_100 = tpu.memref_slice %arg6[%run_scoped3A_77, %dma_wait3A_99] : memref<16x640xf32, #tpu.memory_space<vmem>> -> memref<1x640xf32, #tpu.memory_space<vmem>>
      %dma_wait3A_101 = tpu.memref_squeeze %dma_wait3A_100 : memref<1x640xf32, #tpu.memory_space<vmem>> -> memref<640xf32, #tpu.memory_space<vmem>>
      %dma_wait3A_102 = tpu.memref_slice %arg8[%run_scoped3A_76, %mul3A_75] : memref<16x10240xf32, #tpu.memory_space<vmem_shared>> -> memref<1x640xf32, #tpu.memory_space<vmem_shared>>
      %dma_wait3A_103 = tpu.memref_squeeze %dma_wait3A_102 : memref<1x640xf32, #tpu.memory_space<vmem_shared>> -> memref<640xf32, #tpu.memory_space<vmem_shared>>
      tpu.wait_dma2 semaphore(%run_scoped3A_85 : memref<!tpu.dma_semaphore, #tpu.memory_space<semaphore_mem>>) src(%dma_wait3A_103 : memref<640xf32, #tpu.memory_space<vmem_shared>>) dst(%dma_wait3A_101 : memref<640xf32, #tpu.memory_space<vmem>>)
      tpu.yield
    }) : () -> ()
    %scan3A_78 = arith.constant 0 : i32
    %scan3A_79 = arith.constant 40 : i32
    %scan3A_80 = arith.addi %scan3A_78, %scan3A_79 : i32
    %scan3A_81 = arith.constant 1 : i32
    scf.for %scan3A_85 = %scan3A_78 to %scan3A_80 step %scan3A_81  : i32 {
      %mul3A_86 = arith.constant 16 : i32
      %mul3A_87 = arith.muli %scan3A_85, %mul3A_86 : i32
      %get3A = arith.constant 0 : i32
      %get3A_88 = arith.index_cast %get3A : i32 to index
      %get3A_89 = arith.index_cast %mul3A_87 : i32 to index
      %get3A_90 = tpu.vector_load %arg6[%get3A_88, %get3A_89] {strides = array<i32>} : memref<16x640xf32, #tpu.memory_space<vmem>>, vector<16xf32>,
      %mul3A_91 = arith.constant 16 : i32
      %mul3A_92 = arith.muli %scan3A_85, %mul3A_91 : i32
      %get3A_93 = arith.constant 1 : i32
      %get3A_94 = arith.index_cast %get3A_93 : i32 to index
      %get3A_95 = arith.index_cast %mul3A_92 : i32 to index
      %get3A_96 = tpu.vector_load %arg6[%get3A_94, %get3A_95] {strides = array<i32>} : memref<16x640xf32, #tpu.memory_space<vmem>>, vector<16xf32>,
      %add3A_97 = arith.addf %get3A_90, %get3A_96 : vector<16xf32>
      %mul3A_98 = arith.constant 16 : i32
      %mul3A_99 = arith.muli %scan3A_85, %mul3A_98 : i32
      %get3A_100 = arith.constant 2 : i32
      %get3A_101 = arith.index_cast %get3A_100 : i32 to index
      %get3A_102 = arith.index_cast %mul3A_99 : i32 to index
      %get3A_103 = tpu.vector_load %arg6[%get3A_101, %get3A_102] {strides = array<i32>} : memref<16x640xf32, #tpu.memory_space<vmem>>, vector<16xf32>,
      %add3A_104 = arith.addf %add3A_97, %get3A_103 : vector<16xf32>
      %mul3A_105 = arith.constant 16 : i32
      %mul3A_106 = arith.muli %scan3A_85, %mul3A_105 : i32
      %get3A_107 = arith.constant 3 : i32
      %get3A_108 = arith.index_cast %get3A_107 : i32 to index
      %get3A_109 = arith.index_cast %mul3A_106 : i32 to index
      %get3A_110 = tpu.vector_load %arg6[%get3A_108, %get3A_109] {strides = array<i32>} : memref<16x640xf32, #tpu.memory_space<vmem>>, vector<16xf32>,
      %add3A_111 = arith.addf %add3A_104, %get3A_110 : vector<16xf32>
      %mul3A_112 = arith.constant 16 : i32
      %mul3A_113 = arith.muli %scan3A_85, %mul3A_112 : i32
      %get3A_114 = arith.constant 4 : i32
      %get3A_115 = arith.index_cast %get3A_114 : i32 to index
      %get3A_116 = arith.index_cast %mul3A_113 : i32 to index
      %get3A_117 = tpu.vector_load %arg6[%get3A_115, %get3A_116] {strides = array<i32>} : memref<16x640xf32, #tpu.memory_space<vmem>>, vector<16xf32>,
      %add3A_118 = arith.addf %add3A_111, %get3A_117 : vector<16xf32>
      %mul3A_119 = arith.constant 16 : i32
      %mul3A_120 = arith.muli %scan3A_85, %mul3A_119 : i32
      %get3A_121 = arith.constant 5 : i32
      %get3A_122 = arith.index_cast %get3A_121 : i32 to index
      %get3A_123 = arith.index_cast %mul3A_120 : i32 to index
      %get3A_124 = tpu.vector_load %arg6[%get3A_122, %get3A_123] {strides = array<i32>} : memref<16x640xf32, #tpu.memory_space<vmem>>, vector<16xf32>,
      %add3A_125 = arith.addf %add3A_118, %get3A_124 : vector<16xf32>
      %mul3A_126 = arith.constant 16 : i32
      %mul3A_127 = arith.muli %scan3A_85, %mul3A_126 : i32
      %get3A_128 = arith.constant 6 : i32
      %get3A_129 = arith.index_cast %get3A_128 : i32 to index
      %get3A_130 = arith.index_cast %mul3A_127 : i32 to index
      %get3A_131 = tpu.vector_load %arg6[%get3A_129, %get3A_130] {strides = array<i32>} : memref<16x640xf32, #tpu.memory_space<vmem>>, vector<16xf32>,
      %add3A_132 = arith.addf %add3A_125, %get3A_131 : vector<16xf32>
      %mul3A_133 = arith.constant 16 : i32
      %mul3A_134 = arith.muli %scan3A_85, %mul3A_133 : i32
      %get3A_135 = arith.constant 7 : i32
      %get3A_136 = arith.index_cast %get3A_135 : i32 to index
      %get3A_137 = arith.index_cast %mul3A_134 : i32 to index
      %get3A_138 = tpu.vector_load %arg6[%get3A_136, %get3A_137] {strides = array<i32>} : memref<16x640xf32, #tpu.memory_space<vmem>>, vector<16xf32>,
      %add3A_139 = arith.addf %add3A_132, %get3A_138 : vector<16xf32>
      %mul3A_140 = arith.constant 16 : i32
      %mul3A_141 = arith.muli %scan3A_85, %mul3A_140 : i32
      %get3A_142 = arith.constant 8 : i32
      %get3A_143 = arith.index_cast %get3A_142 : i32 to index
      %get3A_144 = arith.index_cast %mul3A_141 : i32 to index
      %get3A_145 = tpu.vector_load %arg6[%get3A_143, %get3A_144] {strides = array<i32>} : memref<16x640xf32, #tpu.memory_space<vmem>>, vector<16xf32>,
      %add3A_146 = arith.addf %add3A_139, %get3A_145 : vector<16xf32>
      %mul3A_147 = arith.constant 16 : i32
      %mul3A_148 = arith.muli %scan3A_85, %mul3A_147 : i32
      %get3A_149 = arith.constant 9 : i32
      %get3A_150 = arith.index_cast %get3A_149 : i32 to index
      %get3A_151 = arith.index_cast %mul3A_148 : i32 to index
      %get3A_152 = tpu.vector_load %arg6[%get3A_150, %get3A_151] {strides = array<i32>} : memref<16x640xf32, #tpu.memory_space<vmem>>, vector<16xf32>,
      %add3A_153 = arith.addf %add3A_146, %get3A_152 : vector<16xf32>
      %mul3A_154 = arith.constant 16 : i32
      %mul3A_155 = arith.muli %scan3A_85, %mul3A_154 : i32
      %get3A_156 = arith.constant 10 : i32
      %get3A_157 = arith.index_cast %get3A_156 : i32 to index
      %get3A_158 = arith.index_cast %mul3A_155 : i32 to index
      %get3A_159 = tpu.vector_load %arg6[%get3A_157, %get3A_158] {strides = array<i32>} : memref<16x640xf32, #tpu.memory_space<vmem>>, vector<16xf32>,
      %add3A_160 = arith.addf %add3A_153, %get3A_159 : vector<16xf32>
      %mul3A_161 = arith.constant 16 : i32
      %mul3A_162 = arith.muli %scan3A_85, %mul3A_161 : i32
      %get3A_163 = arith.constant 11 : i32
      %get3A_164 = arith.index_cast %get3A_163 : i32 to index
      %get3A_165 = arith.index_cast %mul3A_162 : i32 to index
      %get3A_166 = tpu.vector_load %arg6[%get3A_164, %get3A_165] {strides = array<i32>} : memref<16x640xf32, #tpu.memory_space<vmem>>, vector<16xf32>,
      %add3A_167 = arith.addf %add3A_160, %get3A_166 : vector<16xf32>
      %mul3A_168 = arith.constant 16 : i32
      %mul3A_169 = arith.muli %scan3A_85, %mul3A_168 : i32
      %get3A_170 = arith.constant 12 : i32
      %get3A_171 = arith.index_cast %get3A_170 : i32 to index
      %get3A_172 = arith.index_cast %mul3A_169 : i32 to index
      %get3A_173 = tpu.vector_load %arg6[%get3A_171, %get3A_172] {strides = array<i32>} : memref<16x640xf32, #tpu.memory_space<vmem>>, vector<16xf32>,
      %add3A_174 = arith.addf %add3A_167, %get3A_173 : vector<16xf32>
      %mul3A_175 = arith.constant 16 : i32
      %mul3A_176 = arith.muli %scan3A_85, %mul3A_175 : i32
      %get3A_177 = arith.constant 13 : i32
      %get3A_178 = arith.index_cast %get3A_177 : i32 to index
      %get3A_179 = arith.index_cast %mul3A_176 : i32 to index
      %get3A_180 = tpu.vector_load %arg6[%get3A_178, %get3A_179] {strides = array<i32>} : memref<16x640xf32, #tpu.memory_space<vmem>>, vector<16xf32>,
      %add3A_181 = arith.addf %add3A_174, %get3A_180 : vector<16xf32>
      %mul3A_182 = arith.constant 16 : i32
      %mul3A_183 = arith.muli %scan3A_85, %mul3A_182 : i32
      %get3A_184 = arith.constant 14 : i32
      %get3A_185 = arith.index_cast %get3A_184 : i32 to index
      %get3A_186 = arith.index_cast %mul3A_183 : i32 to index
      %get3A_187 = tpu.vector_load %arg6[%get3A_185, %get3A_186] {strides = array<i32>} : memref<16x640xf32, #tpu.memory_space<vmem>>, vector<16xf32>,
      %add3A_188 = arith.addf %add3A_181, %get3A_187 : vector<16xf32>
      %mul3A_189 = arith.constant 16 : i32
      %mul3A_190 = arith.muli %scan3A_85, %mul3A_189 : i32
      %get3A_191 = arith.constant 15 : i32
      %get3A_192 = arith.index_cast %get3A_191 : i32 to index
      %get3A_193 = arith.index_cast %mul3A_190 : i32 to index
      %get3A_194 = tpu.vector_load %arg6[%get3A_192, %get3A_193] {strides = array<i32>} : memref<16x640xf32, #tpu.memory_space<vmem>>, vector<16xf32>,
      %add3A_195 = arith.addf %add3A_188, %get3A_194 : vector<16xf32>
      %mul3A_196 = arith.constant 16 : i32
      %mul3A_197 = arith.muli %scan3A_85, %mul3A_196 : i32
      %swap3A = arith.index_cast %mul3A_197 : i32 to index
      %swap3A_198 = tpu.vector_load %arg7[%swap3A] {strides = array<i32>} : memref<640xf32, #tpu.memory_space<vmem>>, vector<16xf32>,
      tpu.vector_store %arg7[%swap3A], %add3A_195 {strides = array<i32>} : memref<640xf32, #tpu.memory_space<vmem>>, vector<16xf32>,
    }
    %scan3A_82 = arith.constant 40 : i32
    %mul3A_83 = arith.constant 640 : i32
    %mul3A_84 = arith.muli %arg1, %mul3A_83 : i32
    "tpu.region"() ({
      %run_scoped3A_85 = tpu.sem_alloc : memref<!tpu.dma_semaphore, #tpu.memory_space<semaphore_mem>>
      %dma_start3A = tpu.memref_slice %arg3[%arg0, %mul3A_84] : memref<2x10240xf32, #tpu.memory_space<hbm>> -> memref<1x640xf32, #tpu.memory_space<hbm>>
      %dma_start3A_86 = tpu.memref_squeeze %dma_start3A : memref<1x640xf32, #tpu.memory_space<hbm>> -> memref<640xf32, #tpu.memory_space<hbm>>
      %dma_start3A_87 = tpu.memref_slice %arg3[%arg0, %mul3A_84] : memref<2x10240xf32, #tpu.memory_space<hbm>> -> memref<1x640xf32, #tpu.memory_space<hbm>>
      %dma_start3A_88 = tpu.memref_squeeze %dma_start3A_87 : memref<1x640xf32, #tpu.memory_space<hbm>> -> memref<640xf32, #tpu.memory_space<hbm>>
      tpu.enqueue_dma source(%arg7 : memref<640xf32, #tpu.memory_space<vmem>>) target(%dma_start3A_88 : memref<640xf32, #tpu.memory_space<hbm>>) target_semaphore(%run_scoped3A_85 : memref<!tpu.dma_semaphore, #tpu.memory_space<semaphore_mem>>)
      %dma_wait3A = tpu.memref_slice %arg3[%arg0, %mul3A_84] : memref<2x10240xf32, #tpu.memory_space<hbm>> -> memref<1x640xf32, #tpu.memory_space<hbm>>
      %dma_wait3A_89 = tpu.memref_squeeze %dma_wait3A : memref<1x640xf32, #tpu.memory_space<hbm>> -> memref<640xf32, #tpu.memory_space<hbm>>
      %dma_wait3A_90 = tpu.memref_slice %arg3[%arg0, %mul3A_84] : memref<2x10240xf32, #tpu.memory_space<hbm>> -> memref<1x640xf32, #tpu.memory_space<hbm>>
      %dma_wait3A_91 = tpu.memref_squeeze %dma_wait3A_90 : memref<1x640xf32, #tpu.memory_space<hbm>> -> memref<640xf32, #tpu.memory_space<hbm>>
      tpu.wait_dma2 semaphore(%run_scoped3A_85 : memref<!tpu.dma_semaphore, #tpu.memory_space<semaphore_mem>>) src(%arg7 : memref<640xf32, #tpu.memory_space<vmem>>) dst(%dma_wait3A_91 : memref<640xf32, #tpu.memory_space<hbm>>)
      tpu.yield
    }) : () -> ()
    return
  }
}

module attributes {stable_mosaic.version = 14 : i64} {
  func.func @_dense_body(%arg0: i32, %arg1: memref<1024x128xf32, #tpu.memory_space<vmem>>, %arg2: memref<1024x128xf32, #tpu.memory_space<vmem>>, %arg3: memref<128x128xf32, #tpu.memory_space<vmem>>, %arg4: memref<128x128xf32, #tpu.memory_space<vmem>>, %arg5: memref<1024x1xf32, #tpu.memory_space<vmem>>, %arg6: memref<1024x1xf32, #tpu.memory_space<vmem>>, %arg7: memref<1024x64xbf16, #tpu.memory_space<vmem>>, %arg8: memref<1024x64xbf16, #tpu.memory_space<vmem>>, %arg9: memref<1024x128xf32, #tpu.memory_space<vmem>>, %arg10: memref<1024x1xf32, #tpu.memory_space<vmem>>) attributes {dimension_semantics = [#tpu.dimension_semantics<arbitrary>], iteration_bounds = array<i64: 10>, scalar_prefetch = 0 : i64, scratch_operands = 0 : i64, tpu.core_type = #tpu.core_type<tc>, window_params = [{transform_indices = @transform_0, window_bounds = array<i64: 1024, 128>}, {transform_indices = @transform_1, window_bounds = array<i64: 1024, 128>}, {pipeline_mode = #tpu.pipeline_mode<synchronous>, transform_indices = @transform_2, window_bounds = array<i64: 128, 128>}, {pipeline_mode = #tpu.pipeline_mode<synchronous>, transform_indices = @transform_3, window_bounds = array<i64: 128, 128>}, {transform_indices = @transform_4, window_bounds = array<i64: 1024, 1>}, {transform_indices = @transform_5, window_bounds = array<i64: 1024, 1>}, {transform_indices = @transform_6, window_bounds = array<i64: 1024, 64>}, {transform_indices = @transform_7, window_bounds = array<i64: 1024, 64>}, {transform_indices = @transform_8, window_bounds = array<i64: 1024, 128>}, {transform_indices = @transform_9, window_bounds = array<i64: 1024, 1>}]} {
    %get3A = arith.constant 0 : index
    %get3A_0 = arith.constant 0 : index
    %get3A_1 = vector.load %arg5[%get3A, %get3A_0] : memref<1024x1xf32, #tpu.memory_space<vmem>>, vector<1024x1xf32>
    %get3A_2 = arith.constant 0 : index
    %get3A_3 = arith.constant 0 : index
    %get3A_4 = vector.load %arg6[%get3A_2, %get3A_3] : memref<1024x1xf32, #tpu.memory_space<vmem>>, vector<1024x1xf32>
    %add3A = arith.addf %get3A_1, %get3A_4 : vector<1024x1xf32>
    %add3A_5 = arith.constant 1.000000e+00 : f32
    %add3A_6 = vector.broadcast %add3A_5 : f32 to vector<1024x1xf32>
    %add3A_7 = arith.addf %add3A, %add3A_6 : vector<1024x1xf32>
    %rsqrt3A = math.rsqrt %add3A_7 : vector<1024x1xf32>
    %get3A_8 = arith.constant 0 : index
    %get3A_9 = arith.constant 0 : index
    %get3A_10 = vector.load %arg1[%get3A_8, %get3A_9] : memref<1024x128xf32, #tpu.memory_space<vmem>>, vector<1024x128xf32>
    %get3A_11 = arith.constant 0 : index
    %get3A_12 = arith.constant 0 : index
    %get3A_13 = vector.load %arg3[%get3A_11, %get3A_12] : memref<128x128xf32, #tpu.memory_space<vmem>>, vector<128x128xf32>
    %dot_general3A = arith.constant dense<0.000000e+00> : vector<1024x128xf32>
    %dot_general3A_14 = tpu.matmul %get3A_10, %get3A_13, %dot_general3A {dimension_numbers = #tpu.dot_dimension_numbers<[1], [1], [0], [0], [0, 0, 1, 0], [], []>, transpose_lhs_hint = false} : vector<1024x128xf32>, vector<128x128xf32>, vector<1024x128xf32> -> vector<1024x128xf32>
    %mul3A = arith.constant 1024 : i32
    %mul3A_15 = arith.muli %arg0, %mul3A : i32
    %iota3A = tpu.iota {dimensions = array<i32: 0>} : vector<1024x1xi32>
    %add3A_16 = vector.broadcast %mul3A_15 : i32 to vector<1024x1xi32>
    %add3A_17 = arith.addi %add3A_16, %iota3A : vector<1024x1xi32>
    %lt3A = arith.constant 10000 : i32
    %lt3A_18 = vector.broadcast %lt3A : i32 to vector<1024x1xi32>
    %lt3A_19 = arith.cmpi slt, %add3A_17, %lt3A_18 : vector<1024x1xi32>
    %mul3A_20 = vector.broadcast %rsqrt3A : vector<1024x1xf32> to vector<1024x128xf32>
    %mul3A_21 = arith.mulf %dot_general3A_14, %mul3A_20 : vector<1024x128xf32>
    %jit3A = arith.constant 0.000000e+00 : f32
    %broadcast_in_dim3A = vector.shape_cast %lt3A_19 : vector<1024x1xi1> to vector<1024x1xi1>
    %broadcast_in_dim3A_22 = vector.broadcast %broadcast_in_dim3A : vector<1024x1xi1> to vector<1024x128xi1>
    %broadcast_in_dim3A_23 = vector.broadcast %jit3A : f32 to vector<1024x128xf32>
    %select_n3A = arith.select %broadcast_in_dim3A_22, %mul3A_21, %broadcast_in_dim3A_23 : vector<1024x128xi1>, vector<1024x128xf32>
    %convert_element_type3A = arith.truncf %select_n3A : vector<1024x128xf32> to vector<1024x128xbf16>
    %slice3A = vector.extract_strided_slice %convert_element_type3A {offsets = [0, 0], sizes = [1024, 64], strides = [1, 1]} : vector<1024x128xbf16> to vector<1024x64xbf16>
    %swap3A = arith.constant 0 : index
    %swap3A_24 = arith.constant 0 : index
    %swap3A_25 = vector.load %arg7[%swap3A, %swap3A_24] : memref<1024x64xbf16, #tpu.memory_space<vmem>>, vector<1024x64xbf16>
    tpu.vector_store %arg7[%swap3A, %swap3A_24], %slice3A {strides = array<i32>} : memref<1024x64xbf16, #tpu.memory_space<vmem>>, vector<1024x64xbf16>,
    %slice3A_26 = vector.extract_strided_slice %convert_element_type3A {offsets = [0, 64], sizes = [1024, 64], strides = [1, 1]} : vector<1024x128xbf16> to vector<1024x64xbf16>
    %swap3A_27 = arith.constant 0 : index
    %swap3A_28 = arith.constant 0 : index
    %swap3A_29 = vector.load %arg8[%swap3A_27, %swap3A_28] : memref<1024x64xbf16, #tpu.memory_space<vmem>>, vector<1024x64xbf16>
    tpu.vector_store %arg8[%swap3A_27, %swap3A_28], %slice3A_26 {strides = array<i32>} : memref<1024x64xbf16, #tpu.memory_space<vmem>>, vector<1024x64xbf16>,
    %get3A_30 = arith.constant 0 : index
    %get3A_31 = arith.constant 0 : index
    %get3A_32 = vector.load %arg2[%get3A_30, %get3A_31] : memref<1024x128xf32, #tpu.memory_space<vmem>>, vector<1024x128xf32>
    %get3A_33 = arith.constant 0 : index
    %get3A_34 = arith.constant 0 : index
    %get3A_35 = vector.load %arg4[%get3A_33, %get3A_34] : memref<128x128xf32, #tpu.memory_space<vmem>>, vector<128x128xf32>
    %dot_general3A_36 = arith.constant dense<0.000000e+00> : vector<1024x128xf32>
    %dot_general3A_37 = tpu.matmul %get3A_32, %get3A_35, %dot_general3A_36 {dimension_numbers = #tpu.dot_dimension_numbers<[1], [1], [0], [0], [0, 0, 1, 0], [], []>, transpose_lhs_hint = false} : vector<1024x128xf32>, vector<128x128xf32>, vector<1024x128xf32> -> vector<1024x128xf32>
    %swap3A_38 = arith.constant 0 : index
    %swap3A_39 = arith.constant 0 : index
    %swap3A_40 = vector.load %arg9[%swap3A_38, %swap3A_39] : memref<1024x128xf32, #tpu.memory_space<vmem>>, vector<1024x128xf32>
    tpu.vector_store %arg9[%swap3A_38, %swap3A_39], %dot_general3A_37 {strides = array<i32>} : memref<1024x128xf32, #tpu.memory_space<vmem>>, vector<1024x128xf32>,
    %swap3A_41 = arith.constant 0 : index
    %swap3A_42 = arith.constant 0 : index
    %swap3A_43 = vector.load %arg10[%swap3A_41, %swap3A_42] : memref<1024x1xf32, #tpu.memory_space<vmem>>, vector<1024x1xf32>
    tpu.vector_store %arg10[%swap3A_41, %swap3A_42], %rsqrt3A {strides = array<i32>} : memref<1024x1xf32, #tpu.memory_space<vmem>>, vector<1024x1xf32>,
    return
  }
  func.func @transform_0(%arg0: i32) -> (i32, i32) {
    %c0_i32 = arith.constant 0 : i32
    %c0_i32_0 = arith.constant 0 : i32
    return %arg0, %c0_i32 : i32, i32
  }
  func.func @transform_1(%arg0: i32) -> (i32, i32) {
    %c0_i32 = arith.constant 0 : i32
    %c0_i32_0 = arith.constant 0 : i32
    return %arg0, %c0_i32 : i32, i32
  }
  func.func @transform_2(%arg0: i32) -> (i32, i32) {
    %c0_i32 = arith.constant 0 : i32
    %c0_i32_0 = arith.constant 0 : i32
    %c0_i32_1 = arith.constant 0 : i32
    return %c0_i32, %c0_i32_0 : i32, i32
  }
  func.func @transform_3(%arg0: i32) -> (i32, i32) {
    %c0_i32 = arith.constant 0 : i32
    %c0_i32_0 = arith.constant 0 : i32
    %c0_i32_1 = arith.constant 0 : i32
    return %c0_i32, %c0_i32_0 : i32, i32
  }
  func.func @transform_4(%arg0: i32) -> (i32, i32) {
    %c0_i32 = arith.constant 0 : i32
    %c0_i32_0 = arith.constant 0 : i32
    return %arg0, %c0_i32 : i32, i32
  }
  func.func @transform_5(%arg0: i32) -> (i32, i32) {
    %c0_i32 = arith.constant 0 : i32
    %c0_i32_0 = arith.constant 0 : i32
    return %arg0, %c0_i32 : i32, i32
  }
  func.func @transform_6(%arg0: i32) -> (i32, i32) {
    %c0_i32 = arith.constant 0 : i32
    %c0_i32_0 = arith.constant 0 : i32
    return %arg0, %c0_i32 : i32, i32
  }
  func.func @transform_7(%arg0: i32) -> (i32, i32) {
    %c0_i32 = arith.constant 0 : i32
    %c0_i32_0 = arith.constant 0 : i32
    return %arg0, %c0_i32 : i32, i32
  }
  func.func @transform_8(%arg0: i32) -> (i32, i32) {
    %c0_i32 = arith.constant 0 : i32
    %c0_i32_0 = arith.constant 0 : i32
    return %arg0, %c0_i32 : i32, i32
  }
  func.func @transform_9(%arg0: i32) -> (i32, i32) {
    %c0_i32 = arith.constant 0 : i32
    %c0_i32_0 = arith.constant 0 : i32
    return %arg0, %c0_i32 : i32, i32
  }
}

module attributes {stable_mosaic.version = 14 : i64} {
  func.func @_comb_body(%arg0: i32, %arg1: memref<1x1024x64xbf16, #tpu.memory_space<vmem>>, %arg2: memref<1x1024x64xbf16, #tpu.memory_space<vmem>>, %arg3: memref<1024x128xf32, #tpu.memory_space<vmem>>, %arg4: memref<1024x1xf32, #tpu.memory_space<vmem>>, %arg5: memref<1024x128xf32, #tpu.memory_space<vmem>>) attributes {dimension_semantics = [#tpu.dimension_semantics<arbitrary>], iteration_bounds = array<i64: 10>, scalar_prefetch = 0 : i64, scratch_operands = 0 : i64, tpu.core_type = #tpu.core_type<tc>, window_params = [{transform_indices = @transform_0, window_bounds = array<i64: 1, 1024, 64>}, {transform_indices = @transform_1, window_bounds = array<i64: 1, 1024, 64>}, {transform_indices = @transform_2, window_bounds = array<i64: 1024, 128>}, {transform_indices = @transform_3, window_bounds = array<i64: 1024, 1>}, {transform_indices = @transform_4, window_bounds = array<i64: 1024, 128>}]} {
    %get3A = arith.constant 0 : index
    %get3A_0 = arith.constant 0 : index
    %get3A_1 = vector.load %arg4[%get3A, %get3A_0] : memref<1024x1xf32, #tpu.memory_space<vmem>>, vector<1024x1xf32>
    %get3A_2 = arith.constant 0 : index
    %get3A_3 = arith.constant 0 : index
    %get3A_4 = vector.load %arg3[%get3A_2, %get3A_3] : memref<1024x128xf32, #tpu.memory_space<vmem>>, vector<1024x128xf32>
    %get3A_5 = arith.constant 0 : index
    %get3A_6 = arith.constant 0 : index
    %get3A_7 = arith.constant 0 : index
    %get3A_8 = vector.load %arg1[%get3A_5, %get3A_6, %get3A_7] : memref<1x1024x64xbf16, #tpu.memory_space<vmem>>, vector<1x1024x64xbf16>
    %get3A_9 = vector.shape_cast %get3A_8 : vector<1x1024x64xbf16> to vector<1024x64xbf16>
    %convert_element_type3A = arith.extf %get3A_9 : vector<1024x64xbf16> to vector<1024x64xf32>
    %mul3A = vector.broadcast %get3A_1 : vector<1024x1xf32> to vector<1024x64xf32>
    %mul3A_10 = arith.mulf %convert_element_type3A, %mul3A : vector<1024x64xf32>
    %slice3A = vector.extract_strided_slice %get3A_4 {offsets = [0, 0], sizes = [1024, 64], strides = [1, 1]} : vector<1024x128xf32> to vector<1024x64xf32>
    %add3A = arith.addf %mul3A_10, %slice3A : vector<1024x64xf32>
    %get3A_11 = arith.constant 0 : index
    %get3A_12 = arith.constant 0 : index
    %get3A_13 = arith.constant 0 : index
    %get3A_14 = vector.load %arg2[%get3A_11, %get3A_12, %get3A_13] : memref<1x1024x64xbf16, #tpu.memory_space<vmem>>, vector<1x1024x64xbf16>
    %get3A_15 = vector.shape_cast %get3A_14 : vector<1x1024x64xbf16> to vector<1024x64xbf16>
    %convert_element_type3A_16 = arith.extf %get3A_15 : vector<1024x64xbf16> to vector<1024x64xf32>
    %mul3A_17 = vector.broadcast %get3A_1 : vector<1024x1xf32> to vector<1024x64xf32>
    %mul3A_18 = arith.mulf %convert_element_type3A_16, %mul3A_17 : vector<1024x64xf32>
    %slice3A_19 = vector.extract_strided_slice %get3A_4 {offsets = [0, 64], sizes = [1024, 64], strides = [1, 1]} : vector<1024x128xf32> to vector<1024x64xf32>
    %add3A_20 = arith.addf %mul3A_18, %slice3A_19 : vector<1024x64xf32>
    %concatenate3A = tpu.concatenate %add3A, %add3A_20 in 1 : vector<1024x64xf32>, vector<1024x64xf32> -> vector<1024x128xf32>
    %max3A = arith.constant 0.000000e+00 : f32
    %max3A_21 = vector.broadcast %max3A : f32 to vector<1024x128xf32>
    %max3A_22 = arith.maximumf %concatenate3A, %max3A_21 : vector<1024x128xf32>
    %swap3A = arith.constant 0 : index
    %swap3A_23 = arith.constant 0 : index
    %swap3A_24 = vector.load %arg5[%swap3A, %swap3A_23] : memref<1024x128xf32, #tpu.memory_space<vmem>>, vector<1024x128xf32>
    tpu.vector_store %arg5[%swap3A, %swap3A_23], %max3A_22 {strides = array<i32>} : memref<1024x128xf32, #tpu.memory_space<vmem>>, vector<1024x128xf32>,
    return
  }
  func.func @transform_0(%arg0: i32) -> (i32, i32, i32) {
    %c0_i32 = arith.constant 0 : i32
    %c0_i32_0 = arith.constant 0 : i32
    %c0_i32_1 = arith.constant 0 : i32
    return %c0_i32, %arg0, %c0_i32_0 : i32, i32, i32
  }
  func.func @transform_1(%arg0: i32) -> (i32, i32, i32) {
    %c1_i32 = arith.constant 1 : i32
    %c0_i32 = arith.constant 0 : i32
    %c0_i32_0 = arith.constant 0 : i32
    return %c1_i32, %arg0, %c0_i32 : i32, i32, i32
  }
  func.func @transform_2(%arg0: i32) -> (i32, i32) {
    %c0_i32 = arith.constant 0 : i32
    %c0_i32_0 = arith.constant 0 : i32
    return %arg0, %c0_i32 : i32, i32
  }
  func.func @transform_3(%arg0: i32) -> (i32, i32) {
    %c0_i32 = arith.constant 0 : i32
    %c0_i32_0 = arith.constant 0 : i32
    return %arg0, %c0_i32 : i32, i32
  }
  func.func @transform_4(%arg0: i32) -> (i32, i32) {
    %c0_i32 = arith.constant 0 : i32
    %c0_i32_0 = arith.constant 0 : i32
    return %arg0, %c0_i32 : i32, i32
  }
}

</mosaic_0001>

<sc_bundles>
// kernel: kernel.6.cloned.1.call-start
scs
__scs_entry_jumppad:
0x0: {  	(pc) =	sbr.rel $0x88, $3  }
0x1: {  	(tag) =	ssettag $0x0;
	lr =	simm.s32 $0x1  }
0x2: {  	[smem:$0x3F9C] =	sst lr;
	_ =	strace $0xD0000000  }
0x3: {  	_ = 	snop  }
0x4: {  	_ = 	snop  }
0x5: {  	_ = 	snop  }
0x6: {  	_ = 	snop  }
0x7: {  	_ = 	snop  }
__scs_overlays_trampoline_lowered:
0x8: {  	[smem:$0x3FAB] =	sst s0  }
0x9: {  	[smem:$0x3FAC] =	sst s1  }
0xa: {  	[smem:$0x3FAD] =	sst s2  }
0xb: {  	[smem:$0x3FAE] =	sst s3  }
0xc: {  	[smem:$0x3FAF] =	sst s4  }
0xd: {  	[smem:$0x3FB0] =	sst s5  }
0xe: {  	[smem:$0x3FB1] =	sst s6  }
0xf: {  	[smem:$0x3FB2] =	sst s7  }
0x10: {  	[smem:$0x3FB3] =	sst s8  }
0x11: {  	[smem:$0x3FB4] =	sst s9;
	s0 =	simm.s32 @!p0 $0x0  }
0x12: {  	s1 =	sld [smem:$0x3F9A];
	s0 =	simm.s32 @p0 $0x1  }
0x13: {  	[smem:$0x3FB5] =	sst s0;
	s0 =	simm.s32 @!p1 $0x0  }
0x14: {  	s2 =	sld [smem:$0x3F99];
	s0 =	simm.s32 @p1 $0x1  }
0x15: {  	[smem:$0x3FB6] =	sst s0;
	s0 =	simm.s32 @!p2 $0x0  }
0x16: {  	s3 =	sld [smem:$0x3FDB];
	s0 =	simm.s32 @p2 $0x1  }
0x17: {  	s4 =	simm.s32 $0x1BF5;
	[smem:$0x3FB8] =	sst s0  }
0x18: {  	s0 =	sld [smem:$0x3F9B];
	_ =	swait.ge [sflag:s4], $0x0  }
0x19: {  	s7 =	sld [smem:$0x3F9C]  }
0x1a: {  	s8 =	sadd.s32 $0xFFFFE003, lr  }
0x1b: {  	s9 =	sadd.s32 $0xFFFFFEF7, lr;
	s5 =	simm.s32 $0xFFFFFFFF;
	p2 =	slt.u32 s8, $0xFFFFF086  }
0x1c: {  	p1 =	slt.u32 s9, $0xF7A;
	s5 =	simm.s32 @!p2 $0x0  }
0x1d: {  	s5 =	simm.s32 @p1 $0x1;
	p0 =	seq.s32 s7, s2  }
0x1e: {  	s7 =	smul.u32 @!p0 $0xF7A, s2;
	p2 =	seq.s32 @!p0 s5, $0x0  }
0x1f: {  	s9 =	smul.u32 $0xF7A, s1;
	s8 =	simm.s32 @!p0 $0x1BF5;
	p2 =	por !p2, p0  }
0x20: {  	[sflag:s8] =	ssyncset.s32 @!p0 $0xFFFFF086;
	s6 =	sadd.s32 @!p0 s3, s7;
	s7 =	simm.s32 @!p0 $0x108  }
0x21: {  	s3 =	sadd.s32 s3, s9;
	s6 =	sadd.s32 @!p0 $0x88, s6;
	s7 =	simm.s32 @p2 $0x1082  }
0x22: {  	[simem:s7], [sflag:s8] =	dma.local @!p0 [hbm:s6], $0xF7A  }
0x23: {  	s9 =	sor.u32 $0xD0000000, s2;
	s6 =	simm.s32 $0x108;
	_ =	swait.ge @!p0 [sflag:s8], $0x0  }
0x24: {  	s3 =	sadd.s32 $0x88, s3;
	s6 =	simm.s32 @!p1 $0x1082;
	[sflag:s4] =	ssyncset.s32 $0xFFFFF086  }
0x25: {  	[simem:s6], [sflag:s4] =	dma.local [hbm:s3], $0xF7A  }
0x26: {  	[smem:$0x3F9C] =	sst s1;
	(tag) =	ssettag s2;
	_ =	strace s9  }
0x27: {  	s1 =	sld [smem:$0x3FAC]  }
0x28: {  	s2 =	sld [smem:$0x3FAD]  }
0x29: {  	s4 =	sld [smem:$0x3FAF]  }
0x2a: {  	p0 =	seq.s32 s5, $0x0;
	s5 =	sld [smem:$0x3FB0]  }
0x2b: {  	s6 =	sld [smem:$0x3FB1]  }
0x2c: {  	s7 =	sld [smem:$0x3FB2]  }
0x2d: {  	s3 =	simm.s32 $0x108;
	s8 =	sld [smem:$0x3FB3]  }
0x2e: {  	s3 =	simm.s32 @!p0 $0x1082;
	s9 =	sld [smem:$0x3FB4]  }
0x2f: {  	lr =	sadd.s32 s0, s3;
	s0 =	sld [smem:$0x3FAB]  }
0x30: {  	s3 =	sld [smem:$0x3FAE]  }
0x31: {  	[smem:$0x3FB7] =	sst s10  }
0x32: {  	s10 =	sld [smem:$0x3FB5];
	_ =	sdelay $0x3  }
0x33: {  	p0 =	seq.s32 s10, $0x1;
	s10 =	sld [smem:$0x3FB7];
	_ =	sdelay $0x3  }
0x34: {  	[smem:$0x3FB7] =	sst s10  }
0x35: {  	s10 =	sld [smem:$0x3FB6];
	_ =	sdelay $0x3  }
0x36: {  	p1 =	seq.s32 s10, $0x1;
	s10 =	sld [smem:$0x3FB7];
	_ =	sdelay $0x3  }
0x37: {  	[smem:$0x3FB7] =	sst s10  }
0x38: {  	s10 =	sld [smem:$0x3FB8]  }
0x39: {  	_ = 	snop;
	(pc) =	sbr.ind lr, $3  }
0x3a: {  	_ = 	snop  }
0x3b: {  	_ = 	snop  }
0x3c: {  	p2 =	seq.s32 s10, $0x1;
	s10 =	sld [smem:$0x3FB7]  }
0x3d: {  	_ =	shalt  }
0x3e: {  	_ =	shalt  }
0x3f: {  	_ =	shalt  }
0x40: {  	_ =	shalt  }
0x41: {  	_ =	shalt  }
0x42: {  	_ =	shalt  }
0x43: {  	_ =	shalt  }
0x44: {  	_ =	shalt  }
0x45: {  	_ =	shalt  }
0x46: {  	_ =	shalt  }
0x47: {  	_ =	shalt  }
0x48: {  	_ =	shalt  }
0x49: {  	_ =	shalt  }
0x4a: {  	_ =	shalt  }
0x4b: {  	_ =	shalt  }
0x4c: {  	_ =	shalt  }
0x4d: {  	_ =	shalt  }
0x4e: {  	_ =	shalt  }
0x4f: {  	_ =	shalt  }
0x50: {  	_ =	shalt  }
0x51: {  	_ =	shalt  }
0x52: {  	_ =	shalt  }
0x53: {  	_ =	shalt  }
0x54: {  	_ =	shalt  }
0x55: {  	_ =	shalt  }
0x56: {  	_ =	shalt  }
0x57: {  	_ =	shalt  }
0x58: {  	_ =	shalt  }
0x59: {  	_ =	shalt  }
0x5a: {  	_ =	shalt  }
0x5b: {  	_ =	shalt  }
0x5c: {  	_ =	shalt  }
0x5d: {  	_ =	shalt  }
0x5e: {  	_ =	shalt  }
0x5f: {  	_ =	shalt  }
0x60: {  	_ =	shalt  }
0x61: {  	_ =	shalt  }
0x62: {  	_ =	shalt  }
0x63: {  	_ =	shalt  }
0x64: {  	_ =	shalt  }
0x65: {  	_ =	shalt  }
0x66: {  	_ =	shalt  }
0x67: {  	_ =	shalt  }
0x68: {  	_ =	shalt  }
0x69: {  	_ =	shalt  }
0x6a: {  	_ =	shalt  }
0x6b: {  	_ =	shalt  }
0x6c: {  	_ =	shalt  }
0x6d: {  	_ =	shalt  }
0x6e: {  	_ =	shalt  }
0x6f: {  	_ =	shalt  }
0x70: {  	_ =	shalt  }
0x71: {  	_ =	shalt  }
0x72: {  	_ =	shalt  }
0x73: {  	_ =	shalt  }
0x74: {  	_ =	shalt  }
0x75: {  	_ =	shalt  }
0x76: {  	_ =	shalt  }
0x77: {  	_ =	shalt  }
0x78: {  	_ =	shalt  }
0x79: {  	_ =	shalt  }
0x7a: {  	_ =	shalt  }
0x7b: {  	_ =	shalt  }
0x7c: {  	_ =	shalt  }
0x7d: {  	_ =	shalt  }
0x7e: {  	_ =	shalt  }
0x7f: {  	_ =	shalt  }
0x80: {  	_ =	shalt  }
0x81: {  	_ =	shalt  }
0x82: {  	_ =	shalt  }
0x83: {  	_ =	shalt  }
0x84: {  	_ =	shalt  }
0x85: {  	_ =	shalt  }
0x86: {  	_ =	shalt  }
0x87: {  	_ =	shalt  }
.Lfunc_end0:
.L_simem_size_0:
called_computation_lowered:
.L_overlay_start_0:
0x88: {  	s2 =	sld [smem:$0x3FD9]  }
0x89: {  	s3 =	sld [smem:$0x3FFE];
	_ =	sdelay $0x1  }
0x8a: {  	s1 =	srdreg.scid  }
0x8b: {  	s0 =	sand.u32 $0x1, s1  }
0x8c: {  	s17 =	sshll.u32 s0, $0xA;
	s2 =	sadd.s32 s3, s2  }
0x8d: {  	s2 =	sadd.s32 s2, s17  }
0x8e: {  	[smem:$0x3FC3] =	sst s2  }
0x8f: {  	_ = 	snop  }
0x90: {  	s2 =	sld [smem:$0x3FD0];
	(tm) =	ssettm $0x1  }
0x91: {  	s18 =	sld [smem:$0x3FFB];
	_ =	sdelay $0x3  }
0x92: {  	_ =	strace s18  }
0x93: {  	s3 =	sld [smem:$0x3FFC];
	_ =	sdelay $0x3  }
0x94: {  	_ =	strace s3  }
0x95: {  	s3 =	sld [smem:$0x3FFD];
	_ =	sdelay $0x3  }
0x96: {  	_ =	strace s3  }
0x97: {  	_ =	strace $0x8FFFFFFF  }
0x98: {  	s19 =	sld [smem:$0x3FDB];
	_ =	sdelay $0x1  }
0x99: {  	s4 =	simm.s32 $_scs_section_size  }
0x9a: {  	s5 =	simm.s32 $_size__tile_overlayer_lowered;
	s6 =	simm.s32 $_tile_overlayer_lowered  }
0x9b: {  	s22 =	simm.s32 $0x1BFF;
	s21 =	sshll.u32 s6, $0x1;
	s3 =	sadd.s32 s4, s19  }
0x9c: {  	s7 =	simm.s32 $0x0;
	s20 =	sshll.u32 s5, $0x1;
	s5 =	sadd.s32 s21, s3  }
0x9d: {  	[timem:s7], [sflag:s22] =	dma.local [hbm:s5], s20  }
0x9e: {  	_ =	swait.ge [sflag:s22], s20  }
0x9f: {  	s4 =	ssub.s32 $0x0, s20;
	[sflag:s22] =	ssyncset.done $0x0  }
0xa0: {  	[sflag:s22] =	ssyncadd.s32 s4;
	_ =	sdelay $0x1  }
0xa1: {  	s23 =	simm.s32 $0x1B8B  }
0xa2: {  	_ =	swait.ge [sflag:s23], $0x1  }
0xa3: {  	[sflag:s23] =	ssyncset.done $0x0  }
0xa4: {  	s25 =	simm.s32 $0x1B8E;
	s24 =	sld [smem:$0x3FFE];
	[sflag:s23] =	ssyncadd.s32 $0xFFFFFFFF  }
0xa5: {  	s26 =	simm.s32 $execute0_lowered;
	[smem:$0x3FD2] =	sst s25  }
0xa6: {  	s5 =	sshll.u32 s26, $0x1;
	_ =	strace $0x80000046;
	[dreg:$0x1] =	wrdreg $0xFFFFFFFF  }
0xa7: {  	s28 =	simm.s32 $_size_execute0_lowered;
	s3 =	sadd.s32 s3, s5;
	[dreg:$0x0] =	wrdreg $0x0  }
0xa8: {  	s5 =	sshll.u32 s28, $0x1;
	[dreg:$0x2] =	wrdreg s3  }
0xa9: {  	[dreg:$0x3] =	wrdreg s5  }
0xaa: {  	[dreg:$0x4] =	wrdreg $0xC0  }
0xab: {  	_ =	task [dreg:s7], $0x5FFFF  }
0xac: {  	[dreg:$0x1] =	wrdreg $0xFFFFFFFF  }
0xad: {  	[dreg:$0x0] =	wrdreg $0x60  }
0xae: {  	[dreg:$0x2] =	wrdreg s24  }
0xaf: {  	[dreg:$0x3] =	wrdreg s2  }
0xb0: {  	[dreg:$0x4] =	wrdreg $0x7A800  }
0xb1: {  	[dreg:$0x5] =	wrdreg $0x9  }
0xb2: {  	_ =	task.clear_ibuf [dreg:s7], $0x6FFFF;
	_ =	strace $0x90000046  }
0xb3: {  	s29 =	simm.s32 $0x9;
	_ =	strace $0x80000048  }
0xb4: {  	_ =	swait.ge [sflag:s29], $0x1  }
0xb5: {  	[sflag:s29] =	ssyncadd.s32 $0xFFFFFFFF  }
0xb6: {  	_ =	strace $0x90000048  }
0xb7: {  	_ =	sfence  }
0xb8: {  	s30 =	sld [smem:$0x0];
	_ =	sdelay $0x2  }
0xb9: {  	s31 =	sshll.u32 s1, $0xD;
	s1 =	sshrl.u32 s1, $0x2  }
0xba: {  	s3 =	sand.u32 $0x4000, s31;
	s1 =	sadd.s32 s1, s30  }
0xbb: {  	s0 =	sor.u32 s3, s0;
	s1 =	sshll.u32 s1, $0x11  }
0xbc: {  	s0 =	sor.u32 s1, s0  }
0xbd: {  	s0 =	sadd.s32 $0x8F2B, s0  }
0xbe: {  	[sflag:s0] =	ssyncadd.remote.s32 $0x1  }
0xbf: {  	_ =	sfence.sel $0xFFFF  }
0xc0: {  	[dreg:$0x0] =	wrdreg $0xFFFFFFFF;
	(pc) =	sbr.abs _section_cstart, $3  }
0xc1: {  	[dreg:$0x1] =	wrdreg $0xFFFFFFFF  }
0xc2: {  	_ =	task.clear_ibuf [dreg:s7], $0x2FFFF;
	_ =	strace $0x9FFFFFFF  }
0xc3: {  	(tm) =	ssettm $0x7FFFFFFF  }
tec
execute0_lowered:
.L_overlay_start_1:
0x0: {  	(tag) =	ssettag $0x1  }
0x1: {  	s0 =	srdreg.scid;
	s1 =	rddreg [dreg:$0x0]  }
0x2: {  	s6 =	stileid.u32;
	s21 =	rddreg [dreg:$0x1]  }
0x3: {  	s5 =	rddreg [dreg:$0x2];
	s4 =	simm.s32 $0x0;
	s23 =	simm.s32 $0x1  }
0x4: {  	s24 =	simm.s32 $0x2800;
	s30 =	simm.s32 $0x7080;
	s31 =	simm.s32 $0x7300  }
0x5: {  	s0 =	sand.u32 $0x1, s0;
	s2 =	sshll.u32 s6, $0x1;
	s3 =	smul.u32 $0xA000, s6  }
0x6: {  	[smem:$0x7FF] =	sst s4;
	s17 =	smul.u32 $0x280, s6;
	s2 =	sor.u32 s0, s2  }
0x7: {  	s26 =	ssub.s32 $0x2, s0;
	_ =	strace $0x80000047;
	s0 =	smul.u32 $0x2800, s0  }
0x8: {  	s2 =	smul.u32 $0x500, s2;
	s29 =	sshrl.u32 s3, $0x2;
	s3 =	sadd.s32 s17, s5  }
0x9: {  	s28 =	sshrl.u32 s26, $0x1;
	s5 =	sadd.s32 s29, s5;
	s6 =	sadd.s32 $0x2800, s3  }
0xa: {  	s7 =	sadd.s32 $0x5000, s3;
	s8 =	sadd.s32 $0x7800, s3;
	s9 =	sadd.s32 $0xA000, s3  }
0xb: {  	s10 =	sadd.s32 $0xC800, s3;
	s11 =	sadd.s32 $0xF000, s3;
	s12 =	sadd.s32 $0x11800, s3  }
0xc: {  	s13 =	sadd.s32 $0x14000, s3;
	s14 =	sadd.s32 $0x16800, s3;
	s15 =	sadd.s32 $0x19000, s3  }
0xd: {  	s16 =	sadd.s32 $0x1B800, s3;
	s0 =	sadd.s32 s17, s0;
	s17 =	sadd.s32 $0x1E000, s3  }
0xe: {  	s18 =	sadd.s32 $0x20800, s3;
	s19 =	sadd.s32 $0x23000, s3;
	s20 =	sadd.s32 $0x25800, s3  }
0xf: {  	s1 =	sadd.s32 s2, s1;
	s2 =	ssub.s32 s26, s28;
	s0 =	sshrl.u32 s0, $0x3  }
0x10: {  	s4 =	sadd.s32 $0x2000, s1;
	s21 =	sadd.s32 s21, s0;
	s22 =	smax.u32 s2, $0x1  }
0x11: {  	v0 =	vimm.f32 $0.0e+00;
	v1 =	vimm.f32 $1.000000000e+00;
	s1 =	simm.s32 $0x7580;
	s0 =	simm.s32 $0x7800;
	s2 =	simm.s32 $0x0  }
.LBB2_1:
0x12: {  	s25 =	simm.s32 $0x0;
	s26 =	simm.s32 $0x200  }
.LBB2_2:
0x13: {  	p0 =	sne.s32 s26, $0x9E00;
	[tilespmem:s25+$0x2870] =	vst v0  }
0x14: {  	[tilespmem:s25+$0x2800] =	vst v0  }
0x15: {  	[tilespmem:s25+$0x2810] =	vst v0  }
.Ltmp0:
0x16: {  	[tilespmem:s25+$0x2820] =	vst v0;
	(pc) =	sbr.rel @p0 .LBB2_2-.Ltmp0, $4  }
0x17: {  	[tilespmem:s25+$0x2830] =	vst v0  }
0x18: {  	[tilespmem:s25+$0x2840] =	vst v0  }
0x19: {  	[tilespmem:s25+$0x2850] =	vst v0  }
0x1a: {  	[tilespmem:s25+$0x2860] =	vst v0;
	s25 =	sshra.s32 s26, $0x2;
	s26 =	sadd.s32 $0x200, s26  }
0x1b: {  	[tilespmem:s25+$0x2870] =	vst v0  }
0x1c: {  	[tilespmem:s25+$0x2800] =	vst v0  }
0x1d: {  	[tilespmem:s25+$0x2810] =	vst v0  }
0x1e: {  	[tilespmem:s25+$0x2820] =	vst v0  }
0x1f: {  	[tilespmem:s25+$0x2830] =	vst v0  }
0x20: {  	[tilespmem:s25+$0x2840] =	vst v0  }
0x21: {  	[tilespmem:s25+$0x2850] =	vst v0  }
0x22: {  	[tilespmem:s25+$0x2860] =	vst v0;
	s25 =	simm.s32 $0x0  }
0x23: {  	[tilespmem:s25], [sflag:$0x1] =	stream.linear.gather [hbm4b:s4+s25], $0x2800, $0x38;
	[tilespmem:$0xA280] =	vst v63  }
0x24: {  	_ =	swait.ge [sflag:s23], $0x2800  }
0x25: {  	[sflag:s23] =	ssyncset.done $0x0  }
0x26: {  	[sflag:s23] =	ssyncadd.s32 $0xFFFFD800  }
.LBB2_4:
0x27: {  	s26 =	sshra.s32 s25, $0x2  }
0x28: {  	v2 =	vld [tilespmem:s26+$0x0];
	_ =	sdelay $0x7  }
0x29: {  	[tilespmem:v2+s24+$0x0] =	vst.idx.add.f32.msk $0xffff, v1  }
0x2a: {  	v2 =	vld [tilespmem:s26+$0x10];
	_ =	sdelay $0x7  }
0x2b: {  	[tilespmem:v2+s24+$0x0] =	vst.idx.add.f32.msk $0xffff, v1  }
0x2c: {  	v2 =	vld [tilespmem:s26+$0x20];
	_ =	sdelay $0x7  }
0x2d: {  	[tilespmem:v2+s24+$0x0] =	vst.idx.add.f32.msk $0xffff, v1  }
0x2e: {  	v2 =	vld [tilespmem:s26+$0x30];
	_ =	sdelay $0x7  }
0x2f: {  	[tilespmem:v2+s24+$0x0] =	vst.idx.add.f32.msk $0xffff, v1  }
0x30: {  	v2 =	vld [tilespmem:s26+$0x40];
	_ =	sdelay $0x7  }
0x31: {  	[tilespmem:v2+s24+$0x0] =	vst.idx.add.f32.msk $0xffff, v1  }
0x32: {  	v2 =	vld [tilespmem:s26+$0x50];
	_ =	sdelay $0x7  }
0x33: {  	[tilespmem:v2+s24+$0x0] =	vst.idx.add.f32.msk $0xffff, v1  }
0x34: {  	v2 =	vld [tilespmem:s26+$0x60];
	_ =	sdelay $0x7  }
0x35: {  	[tilespmem:v2+s24+$0x0] =	vst.idx.add.f32.msk $0xffff, v1  }
0x36: {  	v2 =	vld [tilespmem:s26+$0x70];
	_ =	sdelay $0x2  }
0x37: {  	p0 =	sne.s32 s25, $0x9E00  }
.Ltmp1:
0x38: {  	_ = 	snop;
	(pc) =	sbr.rel @p0 .LBB2_4-.Ltmp1, $2  }
0x39: {  	_ =	sdelay $0x2  }
0x3a: {  	s25 =	sadd.s32 $0x200, s25;
	[tilespmem:v2+s24+$0x0] =	vst.idx.add.f32.msk $0xffff, v1  }
0x3b: {  	[spmem:s5] =	stream.linear.scatter [tilespmem:s24], [sflag:$0x1], $0x2800, $0x38;
	[tilespmem:$0xA280] =	vst v63  }
0x3c: {  	_ =	swait.ge [sflag:s23], $0x2800  }
0x3d: {  	[sflag:s23] =	ssyncset.done $0x0  }
0x3e: {  	[sflag:s23] =	ssyncadd.s32 $0xFFFFD800  }
0x3f: {  	s25 =	simm.s32 $0x5000;
	[bflag:$0x0] =	sbarrier.arrive $0xFFFF  }
0x40: {  	[tilespmem:s25], [sflag:$0x1] =	stream.linear.gather [spmem:s3], $0x280, $0x38;
	[tilespmem:$0xA280] =	vst v63  }
0x41: {  	_ =	swait.ge [sflag:s23], $0x280  }
0x42: {  	[sflag:s23] =	ssyncset.done $0x0  }
0x43: {  	s26 =	simm.s32 $0x5280;
	[sflag:s23] =	ssyncadd.s32 $0xFFFFFD80  }
0x44: {  	[tilespmem:s26], [sflag:$0x1] =	stream.linear.gather [spmem:s6], $0x280, $0x38;
	[tilespmem:$0xA280] =	vst v63  }
0x45: {  	_ =	swait.ge [sflag:s23], $0x280  }
0x46: {  	[sflag:s23] =	ssyncset.done $0x0  }
0x47: {  	s26 =	simm.s32 $0x5500;
	[sflag:s23] =	ssyncadd.s32 $0xFFFFFD80  }
0x48: {  	[tilespmem:s26], [sflag:$0x1] =	stream.linear.gather [spmem:s7], $0x280, $0x38;
	[tilespmem:$0xA280] =	vst v63  }
0x49: {  	_ =	swait.ge [sflag:s23], $0x280  }
0x4a: {  	[sflag:s23] =	ssyncset.done $0x0  }
0x4b: {  	s26 =	simm.s32 $0x5780;
	[sflag:s23] =	ssyncadd.s32 $0xFFFFFD80  }
0x4c: {  	[tilespmem:s26], [sflag:$0x1] =	stream.linear.gather [spmem:s8], $0x280, $0x38;
	[tilespmem:$0xA280] =	vst v63  }
0x4d: {  	_ =	swait.ge [sflag:s23], $0x280  }
0x4e: {  	[sflag:s23] =	ssyncset.done $0x0  }
0x4f: {  	s26 =	simm.s32 $0x5A00;
	[sflag:s23] =	ssyncadd.s32 $0xFFFFFD80  }
0x50: {  	[tilespmem:s26], [sflag:$0x1] =	stream.linear.gather [spmem:s9], $0x280, $0x38;
	[tilespmem:$0xA280] =	vst v63  }
0x51: {  	_ =	swait.ge [sflag:s23], $0x280  }
0x52: {  	[sflag:s23] =	ssyncset.done $0x0  }
0x53: {  	s26 =	simm.s32 $0x5C80;
	[sflag:s23] =	ssyncadd.s32 $0xFFFFFD80  }
0x54: {  	[tilespmem:s26], [sflag:$0x1] =	stream.linear.gather [spmem:s10], $0x280, $0x38;
	[tilespmem:$0xA280] =	vst v63  }
0x55: {  	_ =	swait.ge [sflag:s23], $0x280  }
0x56: {  	[sflag:s23] =	ssyncset.done $0x0  }
0x57: {  	s26 =	simm.s32 $0x5F00;
	[sflag:s23] =	ssyncadd.s32 $0xFFFFFD80  }
0x58: {  	[tilespmem:s26], [sflag:$0x1] =	stream.linear.gather [spmem:s11], $0x280, $0x38;
	[tilespmem:$0xA280] =	vst v63  }
0x59: {  	_ =	swait.ge [sflag:s23], $0x280  }
0x5a: {  	[sflag:s23] =	ssyncset.done $0x0  }
0x5b: {  	s26 =	simm.s32 $0x6180;
	[sflag:s23] =	ssyncadd.s32 $0xFFFFFD80  }
0x5c: {  	[tilespmem:s26], [sflag:$0x1] =	stream.linear.gather [spmem:s12], $0x280, $0x38;
	[tilespmem:$0xA280] =	vst v63  }
0x5d: {  	_ =	swait.ge [sflag:s23], $0x280  }
0x5e: {  	[sflag:s23] =	ssyncset.done $0x0  }
0x5f: {  	s26 =	simm.s32 $0x6400;
	[sflag:s23] =	ssyncadd.s32 $0xFFFFFD80  }
0x60: {  	[tilespmem:s26], [sflag:$0x1] =	stream.linear.gather [spmem:s13], $0x280, $0x38;
	[tilespmem:$0xA280] =	vst v63  }
0x61: {  	_ =	swait.ge [sflag:s23], $0x280  }
0x62: {  	[sflag:s23] =	ssyncset.done $0x0  }
0x63: {  	s26 =	simm.s32 $0x6680;
	[sflag:s23] =	ssyncadd.s32 $0xFFFFFD80  }
0x64: {  	[tilespmem:s26], [sflag:$0x1] =	stream.linear.gather [spmem:s14], $0x280, $0x38;
	[tilespmem:$0xA280] =	vst v63  }
0x65: {  	_ =	swait.ge [sflag:s23], $0x280  }
0x66: {  	[sflag:s23] =	ssyncset.done $0x0  }
0x67: {  	s26 =	simm.s32 $0x6900;
	[sflag:s23] =	ssyncadd.s32 $0xFFFFFD80  }
0x68: {  	[tilespmem:s26], [sflag:$0x1] =	stream.linear.gather [spmem:s15], $0x280, $0x38;
	[tilespmem:$0xA280] =	vst v63  }
0x69: {  	_ =	swait.ge [sflag:s23], $0x280  }
0x6a: {  	[sflag:s23] =	ssyncset.done $0x0  }
0x6b: {  	s26 =	simm.s32 $0x6B80;
	[sflag:s23] =	ssyncadd.s32 $0xFFFFFD80  }
0x6c: {  	[tilespmem:s26], [sflag:$0x1] =	stream.linear.gather [spmem:s16], $0x280, $0x38;
	[tilespmem:$0xA280] =	vst v63  }
0x6d: {  	_ =	swait.ge [sflag:s23], $0x280  }
0x6e: {  	[sflag:s23] =	ssyncset.done $0x0  }
0x6f: {  	s26 =	simm.s32 $0x6E00;
	[sflag:s23] =	ssyncadd.s32 $0xFFFFFD80  }
0x70: {  	[tilespmem:s26], [sflag:$0x1] =	stream.linear.gather [spmem:s17], $0x280, $0x38;
	[tilespmem:$0xA280] =	vst v63  }
0x71: {  	_ =	swait.ge [sflag:s23], $0x280  }
0x72: {  	[sflag:s23] =	ssyncset.done $0x0  }
0x73: {  	[sflag:s23] =	ssyncadd.s32 $0xFFFFFD80  }
0x74: {  	[tilespmem:s30], [sflag:$0x1] =	stream.linear.gather [spmem:s18], $0x280, $0x38;
	[tilespmem:$0xA280] =	vst v63  }
0x75: {  	_ =	swait.ge [sflag:s23], $0x280  }
0x76: {  	[sflag:s23] =	ssyncset.done $0x0  }
0x77: {  	[sflag:s23] =	ssyncadd.s32 $0xFFFFFD80  }
0x78: {  	[tilespmem:s31], [sflag:$0x1] =	stream.linear.gather [spmem:s19], $0x280, $0x38;
	[tilespmem:$0xA280] =	vst v63  }
0x79: {  	_ =	swait.ge [sflag:s23], $0x280  }
0x7a: {  	[sflag:s23] =	ssyncset.done $0x0  }
0x7b: {  	[sflag:s23] =	ssyncadd.s32 $0xFFFFFD80  }
0x7c: {  	[tilespmem:s1], [sflag:$0x1] =	stream.linear.gather [spmem:s20], $0x280, $0x38;
	[tilespmem:$0xA280] =	vst v63  }
0x7d: {  	_ =	swait.ge [sflag:s23], $0x280  }
0x7e: {  	[sflag:s23] =	ssyncset.done $0x0  }
0x7f: {  	s26 =	simm.s32 $0x0;
	[sflag:s23] =	ssyncadd.s32 $0xFFFFFD80  }
0x80: {  	v2 =	vld [tilespmem:s26+$0x5000]  }
0x81: {  	v3 =	vld [tilespmem:s26+$0x5280];
	_ =	sdelay $0x1  }
0x82: {  	v4 =	vld [tilespmem:s26+$0x5500];
	_ =	sdelay $0x1  }
0x83: {  	v5 =	vld [tilespmem:s26+$0x5780]  }
0x84: {  	v2 =	vadd.f32 v3, v2  }
0x85: {  	v3 =	vld [tilespmem:s26+$0x5A00]  }
0x86: {  	v2 =	vadd.f32 v4, v2  }
0x87: {  	v4 =	vld [tilespmem:s26+$0x5C80]  }
0x88: {  	v2 =	vadd.f32 v5, v2  }
0x89: {  	v5 =	vld [tilespmem:s26+$0x5F00]  }
0x8a: {  	v2 =	vadd.f32 v3, v2  }
0x8b: {  	v3 =	vld [tilespmem:s26+$0x6180]  }
0x8c: {  	s25 =	simm.s32 $0x10;
	v6 =	vld [tilespmem:s26+$0x6400];
	v2 =	vadd.f32 v4, v2  }
0x8d: {  	v7 =	vld [tilespmem:s25+$0x5000]  }
0x8e: {  	v4 =	vld [tilespmem:s26+$0x6680];
	v2 =	vadd.f32 v5, v2  }
0x8f: {  	v5 =	vld [tilespmem:s25+$0x5280]  }
0x90: {  	v8 =	vld [tilespmem:s25+$0x5500];
	v2 =	vadd.f32 v3, v2  }
0x91: {  	v3 =	vld [tilespmem:s26+$0x6900]  }
0x92: {  	v9 =	vld [tilespmem:s25+$0x5780];
	v2 =	vadd.f32 v6, v2  }
0x93: {  	v6 =	vld [tilespmem:s26+$0x6B80]  }
0x94: {  	v5 =	vadd.f32 v5, v7;
	v7 =	vld [tilespmem:s25+$0x5A00];
	v2 =	vadd.f32 v4, v2  }
0x95: {  	v4 =	vld [tilespmem:s26+$0x6E00]  }
0x96: {  	v5 =	vadd.f32 v8, v5;
	v8 =	vld [tilespmem:s25+$0x5C80];
	v2 =	vadd.f32 v3, v2  }
0x97: {  	v3 =	vld [tilespmem:s26+$0x7080]  }
0x98: {  	v10 =	vld [tilespmem:s25+$0x5F00];
	v5 =	vadd.f32 v9, v5;
	v2 =	vadd.f32 v6, v2  }
0x99: {  	v9 =	vld [tilespmem:s26+$0x7300]  }
0x9a: {  	v6 =	vadd.f32 v7, v5;
	v5 =	vld [tilespmem:s25+$0x6180];
	v7 =	vadd.f32 v4, v2  }
0x9b: {  	v4 =	vld [tilespmem:s26+$0x7580]  }
0x9c: {  	v2 =	vld [tilespmem:s25+$0x6680];
	v8 =	vadd.f32 v8, v6;
	v11 =	vadd.f32 v3, v7  }
0x9d: {  	s28 =	simm.s32 $0x20;
	v6 =	vld [tilespmem:s25+$0x6400]  }
0x9e: {  	s29 =	simm.s32 $0xC0;
	v3 =	vld [tilespmem:s28+$0x5000];
	v7 =	vadd.f32 v10, v8;
	v8 =	vadd.f32 v9, v11  }
.LBB2_6:
0x9f: {  	p0 =	sne.s32 s29, $0x9C0;
	v9 =	vld [tilespmem:s28+$0x5280]  }
0xa0: {  	v5 =	vadd.f32 v5, v7;
	v7 =	vld [tilespmem:s25+$0x6900];
	v4 =	vadd.f32 v4, v8  }
0xa1: {  	v8 =	vld [tilespmem:s28+$0x5500]  }
0xa2: {  	v5 =	vadd.f32 v6, v5;
	v6 =	vld [tilespmem:s25+$0x6B80];
	[tilespmem:s26+$0x7800] =	vst v4;
	s26 =	smov.u32 s25;
	s25 =	smov.u32 s28  }
0xa3: {  	v4 =	vld [tilespmem:s25+$0x5780]  }
0xa4: {  	v3 =	vadd.f32 v9, v3;
	v2 =	vadd.f32 v2, v5;
	v5 =	vld [tilespmem:s26+$0x6E00]  }
0xa5: {  	v9 =	vld [tilespmem:s25+$0x5A00]  }
0xa6: {  	v3 =	vadd.f32 v8, v3;
	v2 =	vadd.f32 v7, v2;
	v7 =	vld [tilespmem:s26+$0x7080]  }
0xa7: {  	v8 =	vld [tilespmem:s25+$0x5C80]  }
0xa8: {  	v3 =	vadd.f32 v4, v3;
	v2 =	vadd.f32 v6, v2;
	v10 =	vld [tilespmem:s26+$0x7300]  }
0xa9: {  	v11 =	vld [tilespmem:s25+$0x5F00]  }
.Ltmp2:
0xaa: {  	v3 =	vadd.f32 v9, v3;
	v6 =	vadd.f32 v5, v2;
	v4 =	vld [tilespmem:s26+$0x7580];
	(pc) =	sbr.rel @p0 .LBB2_6-.Ltmp2, $4  }
0xab: {  	v5 =	vld [tilespmem:s25+$0x6180]  }
0xac: {  	v8 =	vadd.f32 v8, v3;
	v2 =	vld [tilespmem:s25+$0x6680];
	v9 =	vadd.f32 v7, v6  }
0xad: {  	s28 =	sshra.s32 s29, $0x2;
	v6 =	vld [tilespmem:s25+$0x6400]  }
0xae: {  	s29 =	sadd.s32 $0x40, s29;
	v3 =	vld [tilespmem:s28+$0x5000];
	v7 =	vadd.f32 v11, v8;
	v8 =	vadd.f32 v10, v9  }
0xaf: {  	v9 =	vld [tilespmem:s28+$0x5280]  }
0xb0: {  	v10 =	vld [tilespmem:s25+$0x6900];
	v4 =	vadd.f32 v4, v8  }
0xb1: {  	v49 =	vld [tilespmem:s28+$0x5500]  }
0xb2: {  	v11 =	vld [tilespmem:s25+$0x6B80];
	v5 =	vadd.f32 v5, v7;
	[tilespmem:s26+$0x7800] =	vst v4  }
0xb3: {  	v4 =	vld [tilespmem:s28+$0x5780]  }
0xb4: {  	v5 =	vadd.f32 v6, v5;
	v3 =	vadd.f32 v9, v3  }
0xb5: {  	v50 =	vld [tilespmem:s28+$0x5A00]  }
0xb6: {  	v51 =	vld [tilespmem:s25+$0x6E00];
	v2 =	vadd.f32 v2, v5;
	v3 =	vadd.f32 v49, v3  }
0xb7: {  	v52 =	vld [tilespmem:s28+$0x5C80]  }
0xb8: {  	v53 =	vld [tilespmem:s25+$0x7080];
	v2 =	vadd.f32 v10, v2;
	v3 =	vadd.f32 v4, v3  }
0xb9: {  	v54 =	vld [tilespmem:s28+$0x5F00]  }
0xba: {  	v55 =	vld [tilespmem:s25+$0x7300];
	v2 =	vadd.f32 v11, v2;
	v3 =	vadd.f32 v50, v3  }
0xbb: {  	v56 =	vld [tilespmem:s28+$0x6180]  }
0xbc: {  	v57 =	vld [tilespmem:s25+$0x7580];
	v2 =	vadd.f32 v51, v2;
	v3 =	vadd.f32 v52, v3  }
0xbd: {  	v58 =	vld [tilespmem:s28+$0x6400]  }
0xbe: {  	v2 =	vadd.f32 v53, v2;
	v3 =	vadd.f32 v54, v3  }
0xbf: {  	v59 =	vld [tilespmem:s28+$0x6680]  }
0xc0: {  	v2 =	vadd.f32 v55, v2;
	v3 =	vadd.f32 v56, v3  }
0xc1: {  	v60 =	vld [tilespmem:s28+$0x6900]  }
0xc2: {  	v2 =	vadd.f32 v57, v2;
	v3 =	vadd.f32 v58, v3  }
0xc3: {  	v61 =	vld [tilespmem:s28+$0x6B80]  }
0xc4: {  	[tilespmem:s25+$0x7800] =	vst v2;
	v2 =	vadd.f32 v59, v3  }
0xc5: {  	v3 =	vld [tilespmem:s28+$0x6E00]  }
0xc6: {  	v2 =	vadd.f32 v60, v2  }
0xc7: {  	v62 =	vld [tilespmem:s28+$0x7080]  }
0xc8: {  	v2 =	vadd.f32 v61, v2  }
0xc9: {  	v63 =	vld [tilespmem:s28+$0x7300]  }
0xca: {  	v2 =	vadd.f32 v3, v2  }
0xcb: {  	v3 =	vld [tilespmem:s28+$0x7580]  }
0xcc: {  	v2 =	vadd.f32 v62, v2;
	_ =	sdelay $0x1  }
0xcd: {  	v2 =	vadd.f32 v63, v2;
	_ =	sdelay $0x1  }
0xce: {  	s2 =	sadd.s32 $0x1, s2;
	v2 =	vadd.f32 v3, v2  }
0xcf: {  	p0 =	sne.s32 s2, s22  }
.Ltmp3:
0xd0: {  	s29 =	simm.s32 $0x0;
	[tilespmem:s28+$0x7800] =	vst v2;
	(pc) =	sbr.rel @p0 .LBB2_1-.Ltmp3, $4  }
0xd1: {  	[hbm4b:s21+s29] =	stream.linear.scatter [tilespmem:s0], [sflag:$0x1], $0x280, $0x38;
	[tilespmem:$0xA280] =	vst v63  }
0xd2: {  	_ =	swait.ge [sflag:s23], $0x280  }
0xd3: {  	[sflag:s23] =	ssyncset.done $0x0  }
0xd4: {  	[sflag:s23] =	ssyncadd.s32 $0xFFFFFD80  }
0xd5: {  	_ =	sfence.sel $0x180000  }
0xd6: {  	[bflag:$0x0] =	sbarrier.arrive $0xFFFF  }
0xd7: {  	_ =	strace $0x90000047  }
0xd8: {  	s0 =	stileid.u32;
	[bflag:$0x2] =	sbarrier.arrive $0xFFFF  }
0xd9: {  	p0 =	sne.s32 s0, $0x0;
	s0 =	rddreg [dreg:$0x3]  }
0xda: {  	s0 =	sadd.s32 @!p0 $0x100000, s0  }
0xdb: {  	[sflag:s0] =	ssyncadd.tile.s32 @!p0 $0x1;
	_ =	shalt  }
.Lfunc_end2:
_tile_overlayer_lowered:
.L_overlay_start_2:
0xdc: {  	(tag) =	ssettag $0x2  }
0xdd: {  	s0 =	rddreg [dreg:$0x0];
	s2 =	stileid.u32  }
0xde: {  	s1 =	rddreg [dreg:$0x1];
	p0 =	sne.s32 s2, $0x0  }
0xdf: {  	s3 =	rddreg [dreg:$0x2];
	[bflag:$0x3] =	sbarrier.arrive $0xFFFF;
	s2 =	simm.s32 @!p0 $0x1C01  }
0xe0: {  	[timem:s3], [sflag:s2] =	dma.local @!p0 [hbm:s0], s1  }
0xe1: {  	s0 =	simm.s32 @!p0 $0x1  }
0xe2: {  	_ =	swait.ge @!p0 [sflag:s0], s1  }
0xe3: {  	s1 =	ssub.s32 @!p0 $0x0, s1;
	[sflag:s0] =	ssyncset.done @!p0 $0x0  }
0xe4: {  	[sflag:s0] =	ssyncadd.s32 @!p0 s1  }
0xe5: {  	[bflag:$0x3] =	sbarrier.arrive $0xFFFF  }
0xe6: {  	_ =	shalt  }

// kernel: kernel.9.cloned.1.call-start
scs
__scs_entry_jumppad:
0x0: {  	(pc) =	sbr.rel $0x88, $3  }
0x1: {  	(tag) =	ssettag $0x0;
	lr =	simm.s32 $0x1  }
0x2: {  	[smem:$0x3F9C] =	sst lr;
	_ =	strace $0xD0000000  }
0x3: {  	_ = 	snop  }
0x4: {  	_ = 	snop  }
0x5: {  	_ = 	snop  }
0x6: {  	_ = 	snop  }
0x7: {  	_ = 	snop  }
__scs_overlays_trampoline_lowered:
0x8: {  	[smem:$0x3FAB] =	sst s0  }
0x9: {  	[smem:$0x3FAC] =	sst s1  }
0xa: {  	[smem:$0x3FAD] =	sst s2  }
0xb: {  	[smem:$0x3FAE] =	sst s3  }
0xc: {  	[smem:$0x3FAF] =	sst s4  }
0xd: {  	[smem:$0x3FB0] =	sst s5  }
0xe: {  	[smem:$0x3FB1] =	sst s6  }
0xf: {  	[smem:$0x3FB2] =	sst s7  }
0x10: {  	[smem:$0x3FB3] =	sst s8  }
0x11: {  	[smem:$0x3FB4] =	sst s9;
	s0 =	simm.s32 @!p0 $0x0  }
0x12: {  	s1 =	sld [smem:$0x3F9A];
	s0 =	simm.s32 @p0 $0x1  }
0x13: {  	[smem:$0x3FB5] =	sst s0;
	s0 =	simm.s32 @!p1 $0x0  }
0x14: {  	s2 =	sld [smem:$0x3F99];
	s0 =	simm.s32 @p1 $0x1  }
0x15: {  	[smem:$0x3FB6] =	sst s0;
	s0 =	simm.s32 @!p2 $0x0  }
0x16: {  	s3 =	sld [smem:$0x3FDB];
	s0 =	simm.s32 @p2 $0x1  }
0x17: {  	s4 =	simm.s32 $0x1BF5;
	[smem:$0x3FB8] =	sst s0  }
0x18: {  	s0 =	sld [smem:$0x3F9B];
	_ =	swait.ge [sflag:s4], $0x0  }
0x19: {  	s7 =	sld [smem:$0x3F9C]  }
0x1a: {  	s8 =	sadd.s32 $0xFFFFE003, lr  }
0x1b: {  	s9 =	sadd.s32 $0xFFFFFEF7, lr;
	s5 =	simm.s32 $0xFFFFFFFF;
	p2 =	slt.u32 s8, $0xFFFFF086  }
0x1c: {  	p1 =	slt.u32 s9, $0xF7A;
	s5 =	simm.s32 @!p2 $0x0  }
0x1d: {  	s5 =	simm.s32 @p1 $0x1;
	p0 =	seq.s32 s7, s2  }
0x1e: {  	s7 =	smul.u32 @!p0 $0xF7A, s2;
	p2 =	seq.s32 @!p0 s5, $0x0  }
0x1f: {  	s9 =	smul.u32 $0xF7A, s1;
	s8 =	simm.s32 @!p0 $0x1BF5;
	p2 =	por !p2, p0  }
0x20: {  	[sflag:s8] =	ssyncset.s32 @!p0 $0xFFFFF086;
	s6 =	sadd.s32 @!p0 s3, s7;
	s7 =	simm.s32 @!p0 $0x108  }
0x21: {  	s3 =	sadd.s32 s3, s9;
	s6 =	sadd.s32 @!p0 $0x88, s6;
	s7 =	simm.s32 @p2 $0x1082  }
0x22: {  	[simem:s7], [sflag:s8] =	dma.local @!p0 [hbm:s6], $0xF7A  }
0x23: {  	s9 =	sor.u32 $0xD0000000, s2;
	s6 =	simm.s32 $0x108;
	_ =	swait.ge @!p0 [sflag:s8], $0x0  }
0x24: {  	s3 =	sadd.s32 $0x88, s3;
	s6 =	simm.s32 @!p1 $0x1082;
	[sflag:s4] =	ssyncset.s32 $0xFFFFF086  }
0x25: {  	[simem:s6], [sflag:s4] =	dma.local [hbm:s3], $0xF7A  }
0x26: {  	[smem:$0x3F9C] =	sst s1;
	(tag) =	ssettag s2;
	_ =	strace s9  }
0x27: {  	s1 =	sld [smem:$0x3FAC]  }
0x28: {  	s2 =	sld [smem:$0x3FAD]  }
0x29: {  	s4 =	sld [smem:$0x3FAF]  }
0x2a: {  	p0 =	seq.s32 s5, $0x0;
	s5 =	sld [smem:$0x3FB0]  }
0x2b: {  	s6 =	sld [smem:$0x3FB1]  }
0x2c: {  	s7 =	sld [smem:$0x3FB2]  }
0x2d: {  	s3 =	simm.s32 $0x108;
	s8 =	sld [smem:$0x3FB3]  }
0x2e: {  	s3 =	simm.s32 @!p0 $0x1082;
	s9 =	sld [smem:$0x3FB4]  }
0x2f: {  	lr =	sadd.s32 s0, s3;
	s0 =	sld [smem:$0x3FAB]  }
0x30: {  	s3 =	sld [smem:$0x3FAE]  }
0x31: {  	[smem:$0x3FB7] =	sst s10  }
0x32: {  	s10 =	sld [smem:$0x3FB5];
	_ =	sdelay $0x3  }
0x33: {  	p0 =	seq.s32 s10, $0x1;
	s10 =	sld [smem:$0x3FB7];
	_ =	sdelay $0x3  }
0x34: {  	[smem:$0x3FB7] =	sst s10  }
0x35: {  	s10 =	sld [smem:$0x3FB6];
	_ =	sdelay $0x3  }
0x36: {  	p1 =	seq.s32 s10, $0x1;
	s10 =	sld [smem:$0x3FB7];
	_ =	sdelay $0x3  }
0x37: {  	[smem:$0x3FB7] =	sst s10  }
0x38: {  	s10 =	sld [smem:$0x3FB8]  }
0x39: {  	_ = 	snop;
	(pc) =	sbr.ind lr, $3  }
0x3a: {  	_ = 	snop  }
0x3b: {  	_ = 	snop  }
0x3c: {  	p2 =	seq.s32 s10, $0x1;
	s10 =	sld [smem:$0x3FB7]  }
0x3d: {  	_ =	shalt  }
0x3e: {  	_ =	shalt  }
0x3f: {  	_ =	shalt  }
0x40: {  	_ =	shalt  }
0x41: {  	_ =	shalt  }
0x42: {  	_ =	shalt  }
0x43: {  	_ =	shalt  }
0x44: {  	_ =	shalt  }
0x45: {  	_ =	shalt  }
0x46: {  	_ =	shalt  }
0x47: {  	_ =	shalt  }
0x48: {  	_ =	shalt  }
0x49: {  	_ =	shalt  }
0x4a: {  	_ =	shalt  }
0x4b: {  	_ =	shalt  }
0x4c: {  	_ =	shalt  }
0x4d: {  	_ =	shalt  }
0x4e: {  	_ =	shalt  }
0x4f: {  	_ =	shalt  }
0x50: {  	_ =	shalt  }
0x51: {  	_ =	shalt  }
0x52: {  	_ =	shalt  }
0x53: {  	_ =	shalt  }
0x54: {  	_ =	shalt  }
0x55: {  	_ =	shalt  }
0x56: {  	_ =	shalt  }
0x57: {  	_ =	shalt  }
0x58: {  	_ =	shalt  }
0x59: {  	_ =	shalt  }
0x5a: {  	_ =	shalt  }
0x5b: {  	_ =	shalt  }
0x5c: {  	_ =	shalt  }
0x5d: {  	_ =	shalt  }
0x5e: {  	_ =	shalt  }
0x5f: {  	_ =	shalt  }
0x60: {  	_ =	shalt  }
0x61: {  	_ =	shalt  }
0x62: {  	_ =	shalt  }
0x63: {  	_ =	shalt  }
0x64: {  	_ =	shalt  }
0x65: {  	_ =	shalt  }
0x66: {  	_ =	shalt  }
0x67: {  	_ =	shalt  }
0x68: {  	_ =	shalt  }
0x69: {  	_ =	shalt  }
0x6a: {  	_ =	shalt  }
0x6b: {  	_ =	shalt  }
0x6c: {  	_ =	shalt  }
0x6d: {  	_ =	shalt  }
0x6e: {  	_ =	shalt  }
0x6f: {  	_ =	shalt  }
0x70: {  	_ =	shalt  }
0x71: {  	_ =	shalt  }
0x72: {  	_ =	shalt  }
0x73: {  	_ =	shalt  }
0x74: {  	_ =	shalt  }
0x75: {  	_ =	shalt  }
0x76: {  	_ =	shalt  }
0x77: {  	_ =	shalt  }
0x78: {  	_ =	shalt  }
0x79: {  	_ =	shalt  }
0x7a: {  	_ =	shalt  }
0x7b: {  	_ =	shalt  }
0x7c: {  	_ =	shalt  }
0x7d: {  	_ =	shalt  }
0x7e: {  	_ =	shalt  }
0x7f: {  	_ =	shalt  }
0x80: {  	_ =	shalt  }
0x81: {  	_ =	shalt  }
0x82: {  	_ =	shalt  }
0x83: {  	_ =	shalt  }
0x84: {  	_ =	shalt  }
0x85: {  	_ =	shalt  }
0x86: {  	_ =	shalt  }
0x87: {  	_ =	shalt  }
.Lfunc_end0:
.L_simem_size_0:
called_computation.1_lowered:
.L_overlay_start_0:
0x88: {  	s2 =	sld [smem:$0x3FD9]  }
0x89: {  	s3 =	sld [smem:$0x3FFE];
	_ =	sdelay $0x1  }
0x8a: {  	s1 =	srdreg.scid  }
0x8b: {  	s0 =	sand.u32 $0x1, s1  }
0x8c: {  	s17 =	sshll.u32 s0, $0xA;
	s2 =	sadd.s32 s3, s2  }
0x8d: {  	s2 =	sadd.s32 s2, s17  }
0x8e: {  	[smem:$0x3FC3] =	sst s2  }
0x8f: {  	_ = 	snop  }
0x90: {  	s2 =	sld [smem:$0x3FD0];
	(tm) =	ssettm $0x1  }
0x91: {  	s18 =	sld [smem:$0x3FFB];
	_ =	sdelay $0x3  }
0x92: {  	_ =	strace s18  }
0x93: {  	s3 =	sld [smem:$0x3FFC];
	_ =	sdelay $0x3  }
0x94: {  	_ =	strace s3  }
0x95: {  	s3 =	sld [smem:$0x3FFD];
	_ =	sdelay $0x3  }
0x96: {  	_ =	strace s3  }
0x97: {  	_ =	strace $0x8FFFFFFF  }
0x98: {  	s19 =	sld [smem:$0x3FDB];
	_ =	sdelay $0x1  }
0x99: {  	s4 =	simm.s32 $_scs_section_size  }
0x9a: {  	s5 =	simm.s32 $_size__tile_overlayer_lowered;
	s6 =	simm.s32 $_tile_overlayer_lowered  }
0x9b: {  	s22 =	simm.s32 $0x1BFF;
	s21 =	sshll.u32 s6, $0x1;
	s3 =	sadd.s32 s4, s19  }
0x9c: {  	s7 =	simm.s32 $0x0;
	s20 =	sshll.u32 s5, $0x1;
	s5 =	sadd.s32 s21, s3  }
0x9d: {  	[timem:s7], [sflag:s22] =	dma.local [hbm:s5], s20  }
0x9e: {  	_ =	swait.ge [sflag:s22], s20  }
0x9f: {  	s4 =	ssub.s32 $0x0, s20;
	[sflag:s22] =	ssyncset.done $0x0  }
0xa0: {  	[sflag:s22] =	ssyncadd.s32 s4;
	_ =	sdelay $0x1  }
0xa1: {  	s23 =	simm.s32 $0x1B8B  }
0xa2: {  	_ =	swait.ge [sflag:s23], $0x1  }
0xa3: {  	[sflag:s23] =	ssyncset.done $0x0  }
0xa4: {  	s25 =	simm.s32 $0x1B8E;
	s24 =	sld [smem:$0x3FFE];
	[sflag:s23] =	ssyncadd.s32 $0xFFFFFFFF  }
0xa5: {  	s26 =	simm.s32 $execute0_lowered;
	[smem:$0x3FD2] =	sst s25  }
0xa6: {  	s5 =	sshll.u32 s26, $0x1;
	_ =	strace $0x80000049;
	[dreg:$0x1] =	wrdreg $0xFFFFFFFF  }
0xa7: {  	s28 =	simm.s32 $_size_execute0_lowered;
	s3 =	sadd.s32 s3, s5;
	[dreg:$0x0] =	wrdreg $0x0  }
0xa8: {  	s5 =	sshll.u32 s28, $0x1;
	[dreg:$0x2] =	wrdreg s3  }
0xa9: {  	[dreg:$0x3] =	wrdreg s5  }
0xaa: {  	[dreg:$0x4] =	wrdreg $0xC0  }
0xab: {  	_ =	task [dreg:s7], $0x5FFFF  }
0xac: {  	[dreg:$0x1] =	wrdreg $0xFFFFFFFF  }
0xad: {  	[dreg:$0x0] =	wrdreg $0x60  }
0xae: {  	[dreg:$0x2] =	wrdreg s24  }
0xaf: {  	[dreg:$0x3] =	wrdreg s2  }
0xb0: {  	[dreg:$0x4] =	wrdreg $0xB8000  }
0xb1: {  	[dreg:$0x5] =	wrdreg $0x68000  }
0xb2: {  	[dreg:$0x6] =	wrdreg $0x9  }
0xb3: {  	_ =	task.clear_ibuf [dreg:s7], $0x7FFFF;
	_ =	strace $0x90000049  }
0xb4: {  	s29 =	simm.s32 $0x9;
	_ =	strace $0x8000004B  }
0xb5: {  	_ =	swait.ge [sflag:s29], $0x1  }
0xb6: {  	[sflag:s29] =	ssyncadd.s32 $0xFFFFFFFF  }
0xb7: {  	_ =	strace $0x9000004B  }
0xb8: {  	_ =	sfence  }
0xb9: {  	s30 =	sld [smem:$0x0];
	_ =	sdelay $0x2  }
0xba: {  	s31 =	sshll.u32 s1, $0xD;
	s1 =	sshrl.u32 s1, $0x2  }
0xbb: {  	s3 =	sand.u32 $0x4000, s31;
	s1 =	sadd.s32 s1, s30  }
0xbc: {  	s0 =	sor.u32 s3, s0;
	s1 =	sshll.u32 s1, $0x11  }
0xbd: {  	s0 =	sor.u32 s1, s0  }
0xbe: {  	s0 =	sadd.s32 $0x8F2B, s0  }
0xbf: {  	[sflag:s0] =	ssyncadd.remote.s32 $0x1  }
0xc0: {  	_ =	sfence.sel $0xFFFF  }
0xc1: {  	[dreg:$0x0] =	wrdreg $0xFFFFFFFF;
	(pc) =	sbr.abs _section_cstart, $3  }
0xc2: {  	[dreg:$0x1] =	wrdreg $0xFFFFFFFF  }
0xc3: {  	_ =	task.clear_ibuf [dreg:s7], $0x2FFFF;
	_ =	strace $0x9FFFFFFF  }
0xc4: {  	(tm) =	ssettm $0x7FFFFFFF  }
0xc5: {  	_ =	shalt  }
tec
execute0_lowered:
.L_overlay_start_1:
0x0: {  	(tag) =	ssettag $0x1  }
0x1: {  	s0 =	rddreg [dreg:$0x0]  }
0x2: {  	s4 =	rddreg [dreg:$0x1]  }
0x3: {  	s1 =	rddreg [dreg:$0x2]  }
0x4: {  	s2 =	rddreg [dreg:$0x3];
	s3 =	simm.s32 $0x0  }
0x5: {  	s5 =	simm.s32 $0x100;
	[smem:$0x7FF] =	sst s3  }
0x6: {  	s22 =	simm.s32 $0x180;
	_ =	strace $0x8000004A;
	[dreg:$0x5] =	wrdreg s5  }
0x7: {  	s23 =	simm.s32 $0x200;
	[dreg:$0x6] =	wrdreg s22  }
0x8: {  	s24 =	simm.s32 $0xA80;
	[dreg:$0x7] =	wrdreg s23  }
0x9: {  	s25 =	simm.s32 $0x280;
	[dreg:$0x8] =	wrdreg s24  }
0xa: {  	s26 =	simm.s32 $0xB00;
	[dreg:$0x9] =	wrdreg s25  }
0xb: {  	s6 =	simm.s32 $0x300;
	[dreg:$0xa] =	wrdreg s26  }
0xc: {  	s7 =	simm.s32 $0xB80;
	[dreg:$0xb] =	wrdreg s6  }
0xd: {  	s8 =	simm.s32 $0x380;
	[dreg:$0xc] =	wrdreg s7  }
0xe: {  	s9 =	simm.s32 $0xC00;
	[dreg:$0xd] =	wrdreg s8  }
0xf: {  	s10 =	simm.s32 $0x400;
	[dreg:$0xe] =	wrdreg s9  }
0x10: {  	s11 =	simm.s32 $0xC80;
	[dreg:$0xf] =	wrdreg s10  }
0x11: {  	s12 =	simm.s32 $0x480;
	[dreg:$0x10] =	wrdreg s11  }
0x12: {  	s13 =	simm.s32 $0xD00;
	[dreg:$0x11] =	wrdreg s12  }
0x13: {  	s14 =	simm.s32 $0x500;
	[dreg:$0x12] =	wrdreg s13  }
0x14: {  	s15 =	simm.s32 $0xD80;
	[dreg:$0x13] =	wrdreg s14  }
0x15: {  	s16 =	simm.s32 $0x580;
	[dreg:$0x14] =	wrdreg s15  }
0x16: {  	s17 =	simm.s32 $0xE00;
	[dreg:$0x15] =	wrdreg s16  }
0x17: {  	s18 =	simm.s32 $0x600;
	[dreg:$0x16] =	wrdreg s17  }
0x18: {  	s19 =	simm.s32 $0xE80;
	[dreg:$0x17] =	wrdreg s18  }
0x19: {  	s20 =	simm.s32 $0x680;
	[dreg:$0x18] =	wrdreg s19  }
0x1a: {  	s21 =	simm.s32 $0xF00;
	[dreg:$0x19] =	wrdreg s20  }
0x1b: {  	[dreg:$0x1a] =	wrdreg s21;
	s22 =	simm.s32 $0x700  }
0x1c: {  	s23 =	simm.s32 $0xF80;
	[dreg:$0x1b] =	wrdreg s22  }
0x1d: {  	s25 =	simm.s32 $0x780;
	[dreg:$0x1c] =	wrdreg s23  }
0x1e: {  	s26 =	simm.s32 $0x1000;
	[dreg:$0x1d] =	wrdreg s25  }
0x1f: {  	s8 =	simm.s32 $0x800;
	[dreg:$0x1e] =	wrdreg s26  }
0x20: {  	s9 =	simm.s32 $0x1080;
	[dreg:$0x1f] =	wrdreg s8  }
0x21: {  	s10 =	simm.s32 $0x880;
	[smem:$0x7C0] =	sst s9  }
0x22: {  	s11 =	simm.s32 $0x1100;
	[smem:$0x7C1] =	sst s10  }
0x23: {  	s13 =	simm.s32 $0x900;
	[smem:$0x7C2] =	sst s11  }
0x24: {  	s14 =	simm.s32 $0x1180;
	[smem:$0x7C3] =	sst s13  }
0x25: {  	s28 =	simm.s32 $0x2800;
	s15 =	simm.s32 $0x980;
	[smem:$0x7C4] =	sst s14  }
0x26: {  	s29 =	simm.s32 $0x1;
	s16 =	simm.s32 $0x1200;
	[smem:$0x7C5] =	sst s15  }
0x27: {  	s30 =	simm.s32 $0x2;
	s21 =	simm.s32 $0x1300;
	[smem:$0x7C6] =	sst s16  }
0x28: {  	s31 =	simm.s32 $0x1400;
	s9 =	simm.s32 $0x1280;
	[smem:$0x7C9] =	sst s21  }
0x29: {  	s24 =	stileid.u32;
	s22 =	simm.s32 $0x1380;
	[smem:$0x7C8] =	sst s9  }
0x2a: {  	s7 =	srdreg.scid;
	s23 =	simm.s32 $0x1480;
	[smem:$0x7CA] =	sst s22  }
0x2b: {  	s17 =	sand.u32 $0x1, s7;
	s25 =	simm.s32 $0x1500;
	[smem:$0x7CB] =	sst s23  }
0x2c: {  	s18 =	smul.u32 $0xA000, s24;
	s10 =	simm.s32 $0x1580;
	[smem:$0x7CC] =	sst s25  }
0x2d: {  	s11 =	simm.s32 $0x1E80;
	s16 =	simm.s32 $0x1F00;
	[smem:$0x7CE] =	sst s10  }
0x2e: {  	s7 =	ssub.s32 $0x2, s17;
	p0 =	seq.s32 s17, $0x1;
	[smem:$0x7D0] =	sst s11  }
0x2f: {  	s9 =	simm.s32 $0x1600;
	s11 =	simm.s32 $0x1680;
	[smem:$0x7D2] =	sst s16  }
0x30: {  	s22 =	simm.s32 $0x1700;
	s23 =	simm.s32 $0x1780;
	[smem:$0x7CF] =	sst s9  }
0x31: {  	s17 =	smul.u32 $0xA0000, s17;
	s25 =	simm.s32 $0x2000;
	[smem:$0x7D1] =	sst s11  }
0x32: {  	s8 =	sshrl.u32 s7, $0x1;
	s19 =	sshrl.u32 s18, $0x1;
	[smem:$0x7D3] =	sst s22  }
0x33: {  	s13 =	sshrl.u32 s18, $0x4;
	s21 =	sadd.s32 $0x6000, s18;
	[smem:$0x7D5] =	sst s23  }
0x34: {  	s22 =	simm.s32 $0x1F80;
	s23 =	sadd.s32 $0x8000, s18;
	[smem:$0x7D6] =	sst s25  }
0x35: {  	s9 =	simm.s32 $0x1880;
	s25 =	simm.s32 $0x2100;
	[smem:$0x7D4] =	sst s22  }
0x36: {  	s12 =	ssub.s32 s7, s8;
	s20 =	sadd.s32 s19, s1;
	[smem:$0x7D9] =	sst s9  }
0x37: {  	s8 =	sadd.s32 s19, s2;
	s19 =	sadd.s32 $0x2000, s18;
	[smem:$0x7DA] =	sst s25  }
0x38: {  	s16 =	sshrl.u32 s21, $0x1;
	s7 =	simm.s32 $0x2080;
	[smem:$0x7C7] =	sst s20  }
0x39: {  	s21 =	sadd.s32 s17, s21;
	s9 =	simm.s32 $0x1980;
	[smem:$0x7D8] =	sst s7  }
0x3a: {  	s25 =	simm.s32 $0x2200;
	s22 =	simm.s32 $0x2280;
	[smem:$0x7DD] =	sst s9  }
0x3b: {  	s14 =	sshrl.u32 s19, $0x1;
	s20 =	sadd.s32 $0x4000, s18;
	[smem:$0x7DF] =	sst s25  }
0x3c: {  	s18 =	sadd.s32 s18, s17;
	s7 =	simm.s32 $0x2180;
	[smem:$0x7E2] =	sst s22  }
0x3d: {  	s19 =	sadd.s32 s17, s19;
	s9 =	simm.s32 $0x1A00;
	[smem:$0x7DC] =	sst s7  }
0x3e: {  	s22 =	sshrl.u32 s21, $0x4;
	s21 =	simm.s32 $0x2480;
	[smem:$0x7E0] =	sst s9  }
0x3f: {  	s26 =	sadd.s32 s14, s2;
	s15 =	sshrl.u32 s20, $0x1;
	[smem:$0x7ED] =	sst s21  }
0x40: {  	s20 =	sadd.s32 s17, s20;
	s9 =	simm.s32 $0x2300;
	[smem:$0x7CD] =	sst s26  }
0x41: {  	s19 =	sshrl.u32 s19, $0x4;
	s26 =	simm.s32 $0x1800;
	[smem:$0x7E5] =	sst s9  }
0x42: {  	s17 =	sadd.s32 s17, s23;
	s25 =	sadd.s32 s4, s19;
	[smem:$0x7D7] =	sst s26  }
0x43: {  	s7 =	sshrl.u32 s20, $0x4;
	s20 =	simm.s32 $0x1B00;
	[smem:$0x7E1] =	sst s25  }
0x44: {  	s23 =	sshrl.u32 s23, $0x1;
	s9 =	simm.s32 $0x1B80;
	[smem:$0x7E6] =	sst s20  }
0x45: {  	s10 =	sadd.s32 s15, s2;
	s15 =	sadd.s32 s15, s1;
	[smem:$0x7E9] =	sst s9  }
0x46: {  	s6 =	smul.u32 $0xA00, s24;
	s21 =	sadd.s32 s23, s1;
	[smem:$0x7F2] =	sst s15  }
0x47: {  	s24 =	sshll.u32 s24, $0x6;
	s26 =	simm.s32 $0x1900;
	[smem:$0x7F6] =	sst s21  }
0x48: {  	s6 =	sadd.s32 s6, s0;
	s19 =	sadd.s32 s4, s7;
	[smem:$0x7DB] =	sst s26  }
0x49: {  	s5 =	sadd.s32 $0xC000, s6;
	s25 =	simm.s32 $0x2380;
	[smem:$0x7E4] =	sst s19  }
0x4a: {  	s6 =	sadd.s32 $0x2000, s6;
	s20 =	simm.s32 $0x1C00;
	[smem:$0x7E8] =	sst s25  }
0x4b: {  	s11 =	sadd.s32 s16, s2;
	s9 =	sadd.s32 s14, s1;
	[smem:$0x7EC] =	sst s20  }
0x4c: {  	s18 =	sshrl.u32 s18, $0x4;
	s14 =	simm.s32 $0x2580;
	[smem:$0x7F0] =	sst s9  }
0x4d: {  	s17 =	sshrl.u32 s17, $0x4;
	s26 =	sadd.s32 s4, s18;
	[smem:$0x7F3] =	sst s14  }
0x4e: {  	s15 =	simm.s32 $0x5;
	s19 =	simm.s32 $0x2400;
	[smem:$0x7DE] =	sst s26  }
0x4f: {  	s21 =	simm.s32 $0x4;
	s25 =	simm.s32 $0x2500;
	[smem:$0x7EB] =	sst s19  }
0x50: {  	s18 =	simm.s32 $0x1D80;
	s20 =	simm.s32 $0x2600;
	[smem:$0x7EF] =	sst s25  }
0x51: {  	s14 =	simm.s32 $0x5800;
	s26 =	simm.s32 $0x1A80;
	[smem:$0x7F5] =	sst s18  }
0x52: {  	s19 =	sadd.s32 s16, s1;
	[smem:$0x7F7] =	sst s20;
	s25 =	simm.s32 $0x2780  }
0x53: {  	s16 =	simm.s32 $0x6;
	s18 =	simm.s32 $0x7;
	[smem:$0x7E3] =	sst s26  }
0x54: {  	s20 =	simm.s32 $0x3;
	s26 =	sadd.s32 s4, s22;
	[smem:$0x7F4] =	sst s19  }
0x55: {  	s4 =	sadd.s32 s4, s17;
	s17 =	simm.s32 $0x16000;
	[smem:$0x7FD] =	sst s25  }
0x56: {  	s22 =	simm.s32 $0x1C80;
	s25 =	simm.s32 $0xA00;
	[smem:$0x7E7] =	sst s26  }
0x57: {  	s19 =	simm.s32 $0x8;
	[smem:$0x7EA] =	sst s4;
	s17 =	simm.s32 @!p0 $0x20000  }
0x58: {  	[smem:$0x7EE] =	sst s22;
	s26 =	simm.s32 $0x1D00;
	s22 =	simm.s32 $0x2680  }
0x59: {  	s4 =	sor.u32 $0x1C09, s24;
	s0 =	sadd.s32 s17, s0;
	[smem:$0x7F1] =	sst s26  }
0x5a: {  	s17 =	sadd.s32 s23, s2;
	[smem:$0x7F9] =	sst s22;
	s23 =	simm.s32 $0x2700  }
0x5b: {  	s26 =	smax.u32 s12, $0x1;
	[smem:$0x7FC] =	sst s4;
	s4 =	simm.s32 $0x80  }
0x5c: {  	s12 =	simm.s32 $0x3800;
	s22 =	simm.s32 $0x0;
	[smem:$0x7FA] =	sst s23  }
0x5d: {  	s0 =	sadd.s32 s0, s13;
	[smem:$0x7FB] =	sst s26;
	s26 =	simm.s32 $0x9  }
0x5e: {  	v0 =	vimm.bf16 $0.0e+00;
	s13 =	simm.s32 $0x4800;
	[smem:$0x7F8] =	sst s0;
	s0 =	simm.s32 $0x1E00  }
.LBB2_1:
0x5f: {  	[tilespmem:s3], [sflag:$0x1] =	stream.linear.gather [hbm4b:s5+s3], $0xA00, $0x38;
	[tilespmem:$0x10800] =	vst v63  }
0x60: {  	s7 =	sld [smem:$0x7C7]  }
0x61: {  	s24 =	sld [smem:$0x7F8]  }
0x62: {  	s9 =	sld [smem:$0x7FC]  }
0x63: {  	[tilespmem:s25], [sflag:$0x2] =	stream.linear.gather [hbm4b:s6+s3], $0xA00, $0x38;
	[tilespmem:$0x10800] =	vst v63  }
0x64: {  	s23 =	sshrl.u32 s7, $0x3  }
0x65: {  	[spmem:s23], [sflag:s9] =	dma.local [hbm:s24], $0xA00  }
0x66: {  	_ =	swait.ge [sflag:s26], $0xA00  }
0x67: {  	[sflag:s26] =	ssyncset.done $0x0  }
0x68: {  	s23 =	simm.s32 $0x80;
	s24 =	simm.s32 $0x0;
	[sflag:s26] =	ssyncadd.s32 $0xFFFFF600  }
.LBB2_2:
0x69: {  	p0 =	sne.s32 s23, $0x3F80;
	[tilespmem:s24+$0x2800] =	vst v0;
	s7 =	smov.u32 s23;
	s23 =	sadd.s32 $0x80, s23  }
.Ltmp0:
0x6a: {  	[tilespmem:s24+$0x2810] =	vst v0;
	(pc) =	sbr.rel @p0 .LBB2_2-.Ltmp0, $2  }
0x6b: {  	_ =	sdelay $0x2  }
0x6c: {  	s24 =	sshra.s32 s7, $0x2  }
0x6d: {  	[tilespmem:s24+$0x2800] =	vst v0  }
0x6e: {  	[tilespmem:s24+$0x2810] =	vst v0  }
0x6f: {  	[spmem:s8] =	stream.linear.scatter [tilespmem:s28], [sflag:$0x9], $0x1000, $0x38;
	[tilespmem:$0x10800] =	vst v63  }
0x70: {  	_ =	swait.ge [sflag:s26], $0x1000  }
0x71: {  	s7 =	sld [smem:$0x7CD]  }
0x72: {  	[sflag:s26] =	ssyncset.done $0x0  }
0x73: {  	[sflag:s26] =	ssyncadd.s32 $0xFFFFF000  }
0x74: {  	[spmem:s7] =	stream.linear.scatter [tilespmem:s28], [sflag:$0x9], $0x1000, $0x38;
	[tilespmem:$0x10800] =	vst v63  }
0x75: {  	_ =	swait.ge [sflag:s26], $0x1000  }
0x76: {  	[sflag:s26] =	ssyncset.done $0x0  }
0x77: {  	[sflag:s26] =	ssyncadd.s32 $0xFFFFF000  }
0x78: {  	[spmem:s10] =	stream.linear.scatter [tilespmem:s28], [sflag:$0x9], $0x1000, $0x38;
	[tilespmem:$0x10800] =	vst v63  }
0x79: {  	_ =	swait.ge [sflag:s26], $0x1000  }
0x7a: {  	[sflag:s26] =	ssyncset.done $0x0  }
0x7b: {  	[sflag:s26] =	ssyncadd.s32 $0xFFFFF000  }
0x7c: {  	[spmem:s11] =	stream.linear.scatter [tilespmem:s28], [sflag:$0x9], $0x1000, $0x38;
	[tilespmem:$0x10800] =	vst v63  }
0x7d: {  	_ =	swait.ge [sflag:s26], $0x1000  }
0x7e: {  	[sflag:s26] =	ssyncset.done $0x0  }
0x7f: {  	[sflag:s26] =	ssyncadd.s32 $0xFFFFF000  }
0x80: {  	[spmem:s17] =	stream.linear.scatter [tilespmem:s28], [sflag:$0x9], $0x1000, $0x38;
	[tilespmem:$0x10800] =	vst v63  }
0x81: {  	_ =	swait.ge [sflag:s26], $0x1000  }
0x82: {  	[sflag:s26] =	ssyncset.done $0x0  }
0x83: {  	[sflag:s26] =	ssyncadd.s32 $0xFFFFF000  }
0x84: {  	[bflag:$0x0] =	sbarrier.arrive $0xFFFF  }
0x85: {  	_ =	swait.ge [sflag:s29], $0xA00  }
0x86: {  	[sflag:s29] =	ssyncset.done $0x0  }
0x87: {  	[sflag:s29] =	ssyncadd.s32 $0xFFFFF600  }
0x88: {  	_ =	swait.ge [sflag:s30], $0xA00  }
0x89: {  	s9 =	smov.u32 s8;
	s8 =	sadd.s32 $0x0, s5;
	[sflag:s30] =	ssyncset.done $0x0  }
0x8a: {  	s23 =	sadd.s32 $0x0, s6;
	s7 =	sadd.s32 $0x140, s8;
	[sflag:s30] =	ssyncadd.s32 $0xFFFFF600  }
0x8b: {  	[tilespmem:s31], [sflag:$0x3] =	stream.linear.gather [hbm4b:s7+s3], $0xA00, $0x38;
	[tilespmem:$0x10800] =	vst v63  }
0x8c: {  	s23 =	sadd.s32 $0x140, s23  }
0x8d: {  	[tilespmem:s0], [sflag:$0x4] =	stream.linear.gather [hbm4b:s23+s3], $0xA00, $0x38;
	[tilespmem:$0x10800] =	vst v63  }
0x8e: {  	_ = 	snop  }
0x8f: {  	[tilespmem:s28], [sflag:$0x5] =	stream.indirect.gather [spmem:s1], $0x20, s3, s4, $0xb8;
	[tilespmem:$0x10800] =	vst v63  }
0x90: {  	_ = 	snop  }
0x91: {  	[tilespmem:s12], [sflag:$0x6] =	stream.indirect.gather [spmem:s1], $0x20, s4, s4, $0xb8;
	[tilespmem:$0x10800] =	vst v63  }
0x92: {  	s24 =	rddreg [dreg:$0x5]  }
0x93: {  	[tilespmem:s13], [sflag:$0x7] =	stream.indirect.gather [spmem:s1], $0x20, s24, s4, $0xb8;
	[tilespmem:$0x10800] =	vst v63  }
0x94: {  	s8 =	rddreg [dreg:$0x6]  }
0x95: {  	[tilespmem:s14], [sflag:$0x8] =	stream.indirect.gather [spmem:s1], $0x20, s8, s4, $0xb8;
	[tilespmem:$0x10800] =	vst v63  }
0x96: {  	_ =	swait.ge [sflag:s15], $0x1000  }
0x97: {  	[sflag:s15] =	ssyncset.done $0x0  }
0x98: {  	[sflag:s15] =	ssyncadd.s32 $0xFFFFF000  }
0x99: {  	[spmem:s2] =	stream.indirect.scatter.add.bf16 [tilespmem:s28], [sflag:$0x9], $0x20, s25, s4, $0xb8;
	[tilespmem:$0x10800] =	vst v63  }
0x9a: {  	_ =	swait.ge [sflag:s26], $0x1000  }
0x9b: {  	[sflag:s26] =	ssyncset.done $0x0  }
0x9c: {  	s24 =	rddreg [dreg:$0x7];
	[sflag:s26] =	ssyncadd.s32 $0xFFFFF000  }
0x9d: {  	[tilespmem:s28], [sflag:$0x5] =	stream.indirect.gather [spmem:s1], $0x20, s24, s4, $0xb8;
	[tilespmem:$0x10800] =	vst v63  }
0x9e: {  	_ =	swait.ge [sflag:s16], $0x1000  }
0x9f: {  	[sflag:s16] =	ssyncset.done $0x0  }
0xa0: {  	s8 =	rddreg [dreg:$0x8];
	[sflag:s16] =	ssyncadd.s32 $0xFFFFF000  }
0xa1: {  	[spmem:s2] =	stream.indirect.scatter.add.bf16 [tilespmem:s12], [sflag:$0x9], $0x20, s8, s4, $0xb8;
	[tilespmem:$0x10800] =	vst v63  }
0xa2: {  	_ =	swait.ge [sflag:s26], $0x1000  }
0xa3: {  	[sflag:s26] =	ssyncset.done $0x0  }
0xa4: {  	s23 =	rddreg [dreg:$0x9];
	[sflag:s26] =	ssyncadd.s32 $0xFFFFF000  }
0xa5: {  	[tilespmem:s12], [sflag:$0x6] =	stream.indirect.gather [spmem:s1], $0x20, s23, s4, $0xb8;
	[tilespmem:$0x10800] =	vst v63  }
0xa6: {  	_ =	swait.ge [sflag:s18], $0x1000  }
0xa7: {  	[sflag:s18] =	ssyncset.done $0x0  }
0xa8: {  	s24 =	rddreg [dreg:$0xa];
	[sflag:s18] =	ssyncadd.s32 $0xFFFFF000  }
0xa9: {  	[spmem:s2] =	stream.indirect.scatter.add.bf16 [tilespmem:s13], [sflag:$0x9], $0x20, s24, s4, $0xb8;
	[tilespmem:$0x10800] =	vst v63  }
0xaa: {  	_ =	swait.ge [sflag:s26], $0x1000  }
0xab: {  	[sflag:s26] =	ssyncset.done $0x0  }
0xac: {  	s8 =	rddreg [dreg:$0xb];
	[sflag:s26] =	ssyncadd.s32 $0xFFFFF000  }
0xad: {  	[tilespmem:s13], [sflag:$0x7] =	stream.indirect.gather [spmem:s1], $0x20, s8, s4, $0xb8;
	[tilespmem:$0x10800] =	vst v63  }
0xae: {  	_ =	swait.ge [sflag:s19], $0x1000  }
0xaf: {  	[sflag:s19] =	ssyncset.done $0x0  }
0xb0: {  	s23 =	rddreg [dreg:$0xc];
	[sflag:s19] =	ssyncadd.s32 $0xFFFFF000  }
0xb1: {  	[spmem:s2] =	stream.indirect.scatter.add.bf16 [tilespmem:s14], [sflag:$0x9], $0x20, s23, s4, $0xb8;
	[tilespmem:$0x10800] =	vst v63  }
0xb2: {  	_ =	swait.ge [sflag:s26], $0x1000  }
0xb3: {  	[sflag:s26] =	ssyncset.done $0x0  }
0xb4: {  	s24 =	rddreg [dreg:$0xd];
	[sflag:s26] =	ssyncadd.s32 $0xFFFFF000  }
0xb5: {  	[tilespmem:s14], [sflag:$0x8] =	stream.indirect.gather [spmem:s1], $0x20, s24, s4, $0xb8;
	[tilespmem:$0x10800] =	vst v63  }
0xb6: {  	_ =	swait.ge [sflag:s15], $0x1000  }
0xb7: {  	[sflag:s15] =	ssyncset.done $0x0  }
0xb8: {  	s8 =	rddreg [dreg:$0xe];
	[sflag:s15] =	ssyncadd.s32 $0xFFFFF000  }
0xb9: {  	[spmem:s2] =	stream.indirect.scatter.add.bf16 [tilespmem:s28], [sflag:$0x9], $0x20, s8, s4, $0xb8;
	[tilespmem:$0x10800] =	vst v63  }
0xba: {  	_ =	swait.ge [sflag:s26], $0x1000  }
0xbb: {  	[sflag:s26] =	ssyncset.done $0x0  }
0xbc: {  	s23 =	rddreg [dreg:$0xf];
	[sflag:s26] =	ssyncadd.s32 $0xFFFFF000  }
0xbd: {  	[tilespmem:s28], [sflag:$0x5] =	stream.indirect.gather [spmem:s1], $0x20, s23, s4, $0xb8;
	[tilespmem:$0x10800] =	vst v63  }
0xbe: {  	_ =	swait.ge [sflag:s16], $0x1000  }
0xbf: {  	[sflag:s16] =	ssyncset.done $0x0  }
0xc0: {  	s24 =	rddreg [dreg:$0x10];
	[sflag:s16] =	ssyncadd.s32 $0xFFFFF000  }
0xc1: {  	[spmem:s2] =	stream.indirect.scatter.add.bf16 [tilespmem:s12], [sflag:$0x9], $0x20, s24, s4, $0xb8;
	[tilespmem:$0x10800] =	vst v63  }
0xc2: {  	_ =	swait.ge [sflag:s26], $0x1000  }
0xc3: {  	[sflag:s26] =	ssyncset.done $0x0  }
0xc4: {  	s8 =	rddreg [dreg:$0x11];
	[sflag:s26] =	ssyncadd.s32 $0xFFFFF000  }
0xc5: {  	[tilespmem:s12], [sflag:$0x6] =	stream.indirect.gather [spmem:s1], $0x20, s8, s4, $0xb8;
	[tilespmem:$0x10800] =	vst v63  }
0xc6: {  	_ =	swait.ge [sflag:s18], $0x1000  }
0xc7: {  	[sflag:s18] =	ssyncset.done $0x0  }
0xc8: {  	s23 =	rddreg [dreg:$0x12];
	[sflag:s18] =	ssyncadd.s32 $0xFFFFF000  }
0xc9: {  	[spmem:s2] =	stream.indirect.scatter.add.bf16 [tilespmem:s13], [sflag:$0x9], $0x20, s23, s4, $0xb8;
	[tilespmem:$0x10800] =	vst v63  }
0xca: {  	_ =	swait.ge [sflag:s26], $0x1000  }
0xcb: {  	[sflag:s26] =	ssyncset.done $0x0  }
0xcc: {  	s24 =	rddreg [dreg:$0x13];
	[sflag:s26] =	ssyncadd.s32 $0xFFFFF000  }
0xcd: {  	[tilespmem:s13], [sflag:$0x7] =	stream.indirect.gather [spmem:s1], $0x20, s24, s4, $0xb8;
	[tilespmem:$0x10800] =	vst v63  }
0xce: {  	_ =	swait.ge [sflag:s19], $0x1000  }
0xcf: {  	[sflag:s19] =	ssyncset.done $0x0  }
0xd0: {  	s8 =	rddreg [dreg:$0x14];
	[sflag:s19] =	ssyncadd.s32 $0xFFFFF000  }
0xd1: {  	[spmem:s2] =	stream.indirect.scatter.add.bf16 [tilespmem:s14], [sflag:$0x9], $0x20, s8, s4, $0xb8;
	[tilespmem:$0x10800] =	vst v63  }
0xd2: {  	_ =	swait.ge [sflag:s26], $0x1000  }
0xd3: {  	[sflag:s26] =	ssyncset.done $0x0  }
0xd4: {  	s23 =	rddreg [dreg:$0x15];
	[sflag:s26] =	ssyncadd.s32 $0xFFFFF000  }
0xd5: {  	[tilespmem:s14], [sflag:$0x8] =	stream.indirect.gather [spmem:s1], $0x20, s23, s4, $0xb8;
	[tilespmem:$0x10800] =	vst v63  }
0xd6: {  	_ =	swait.ge [sflag:s15], $0x1000  }
0xd7: {  	[sflag:s15] =	ssyncset.done $0x0  }
0xd8: {  	s24 =	rddreg [dreg:$0x16];
	[sflag:s15] =	ssyncadd.s32 $0xFFFFF000  }
0xd9: {  	[spmem:s2] =	stream.indirect.scatter.add.bf16 [tilespmem:s28], [sflag:$0x9], $0x20, s24, s4, $0xb8;
	[tilespmem:$0x10800] =	vst v63  }
0xda: {  	_ =	swait.ge [sflag:s26], $0x1000  }
0xdb: {  	[sflag:s26] =	ssyncset.done $0x0  }
0xdc: {  	s8 =	rddreg [dreg:$0x17];
	[sflag:s26] =	ssyncadd.s32 $0xFFFFF000  }
0xdd: {  	[tilespmem:s28], [sflag:$0x5] =	stream.indirect.gather [spmem:s1], $0x20, s8, s4, $0xb8;
	[tilespmem:$0x10800] =	vst v63  }
0xde: {  	_ =	swait.ge [sflag:s16], $0x1000  }
0xdf: {  	[sflag:s16] =	ssyncset.done $0x0  }
0xe0: {  	s23 =	rddreg [dreg:$0x18];
	[sflag:s16] =	ssyncadd.s32 $0xFFFFF000  }
0xe1: {  	[spmem:s2] =	stream.indirect.scatter.add.bf16 [tilespmem:s12], [sflag:$0x9], $0x20, s23, s4, $0xb8;
	[tilespmem:$0x10800] =	vst v63  }
0xe2: {  	_ =	swait.ge [sflag:s26], $0x1000  }
0xe3: {  	[sflag:s26] =	ssyncset.done $0x0  }
0xe4: {  	s24 =	rddreg [dreg:$0x19];
	[sflag:s26] =	ssyncadd.s32 $0xFFFFF000  }
0xe5: {  	[tilespmem:s12], [sflag:$0x6] =	stream.indirect.gather [spmem:s1], $0x20, s24, s4, $0xb8;
	[tilespmem:$0x10800] =	vst v63  }
0xe6: {  	_ =	swait.ge [sflag:s18], $0x1000  }
0xe7: {  	[sflag:s18] =	ssyncset.done $0x0  }
0xe8: {  	s8 =	rddreg [dreg:$0x1a];
	[sflag:s18] =	ssyncadd.s32 $0xFFFFF000  }
0xe9: {  	[spmem:s2] =	stream.indirect.scatter.add.bf16 [tilespmem:s13], [sflag:$0x9], $0x20, s8, s4, $0xb8;
	[tilespmem:$0x10800] =	vst v63  }
0xea: {  	_ =	swait.ge [sflag:s26], $0x1000  }
0xeb: {  	[sflag:s26] =	ssyncset.done $0x0  }
0xec: {  	s23 =	rddreg [dreg:$0x1b];
	[sflag:s26] =	ssyncadd.s32 $0xFFFFF000  }
0xed: {  	[tilespmem:s13], [sflag:$0x7] =	stream.indirect.gather [spmem:s1], $0x20, s23, s4, $0xb8;
	[tilespmem:$0x10800] =	vst v63  }
0xee: {  	_ =	swait.ge [sflag:s19], $0x1000  }
0xef: {  	[sflag:s19] =	ssyncset.done $0x0  }
0xf0: {  	s24 =	rddreg [dreg:$0x1c];
	[sflag:s19] =	ssyncadd.s32 $0xFFFFF000  }
0xf1: {  	[spmem:s2] =	stream.indirect.scatter.add.bf16 [tilespmem:s14], [sflag:$0x9], $0x20, s24, s4, $0xb8;
	[tilespmem:$0x10800] =	vst v63  }
0xf2: {  	_ =	swait.ge [sflag:s26], $0x1000  }
0xf3: {  	[sflag:s26] =	ssyncset.done $0x0  }
0xf4: {  	s8 =	rddreg [dreg:$0x1d];
	[sflag:s26] =	ssyncadd.s32 $0xFFFFF000  }
0xf5: {  	[tilespmem:s14], [sflag:$0x8] =	stream.indirect.gather [spmem:s1], $0x20, s8, s4, $0xb8;
	[tilespmem:$0x10800] =	vst v63  }
0xf6: {  	_ =	swait.ge [sflag:s15], $0x1000  }
0xf7: {  	[sflag:s15] =	ssyncset.done $0x0  }
0xf8: {  	s23 =	rddreg [dreg:$0x1e];
	[sflag:s15] =	ssyncadd.s32 $0xFFFFF000  }
0xf9: {  	[spmem:s2] =	stream.indirect.scatter.add.bf16 [tilespmem:s28], [sflag:$0x9], $0x20, s23, s4, $0xb8;
	[tilespmem:$0x10800] =	vst v63  }
0xfa: {  	_ =	swait.ge [sflag:s26], $0x1000  }
0xfb: {  	[sflag:s26] =	ssyncset.done $0x0  }
0xfc: {  	s24 =	rddreg [dreg:$0x1f];
	[sflag:s26] =	ssyncadd.s32 $0xFFFFF000  }
0xfd: {  	[tilespmem:s28], [sflag:$0x5] =	stream.indirect.gather [spmem:s1], $0x20, s24, s4, $0xb8;
	[tilespmem:$0x10800] =	vst v63  }
0xfe: {  	_ =	swait.ge [sflag:s16], $0x1000  }
0xff: {  	s8 =	sld [smem:$0x7C0]  }
0x100: {  	[sflag:s16] =	ssyncset.done $0x0  }
0x101: {  	[sflag:s16] =	ssyncadd.s32 $0xFFFFF000  }
0x102: {  	[spmem:s2] =	stream.indirect.scatter.add.bf16 [tilespmem:s12], [sflag:$0x9], $0x20, s8, s4, $0xb8;
	[tilespmem:$0x10800] =	vst v63  }
0x103: {  	_ =	swait.ge [sflag:s26], $0x1000  }
0x104: {  	s23 =	sld [smem:$0x7C1]  }
0x105: {  	[sflag:s26] =	ssyncset.done $0x0  }
0x106: {  	[sflag:s26] =	ssyncadd.s32 $0xFFFFF000  }
0x107: {  	[tilespmem:s12], [sflag:$0x6] =	stream.indirect.gather [spmem:s1], $0x20, s23, s4, $0xb8;
	[tilespmem:$0x10800] =	vst v63  }
0x108: {  	_ =	swait.ge [sflag:s18], $0x1000  }
0x109: {  	s24 =	sld [smem:$0x7C2]  }
0x10a: {  	[sflag:s18] =	ssyncset.done $0x0  }
0x10b: {  	[sflag:s18] =	ssyncadd.s32 $0xFFFFF000  }
0x10c: {  	[spmem:s2] =	stream.indirect.scatter.add.bf16 [tilespmem:s13], [sflag:$0x9], $0x20, s24, s4, $0xb8;
	[tilespmem:$0x10800] =	vst v63  }
0x10d: {  	_ =	swait.ge [sflag:s26], $0x1000  }
0x10e: {  	s8 =	sld [smem:$0x7C3]  }
0x10f: {  	[sflag:s26] =	ssyncset.done $0x0  }
0x110: {  	[sflag:s26] =	ssyncadd.s32 $0xFFFFF000  }
0x111: {  	[tilespmem:s13], [sflag:$0x7] =	stream.indirect.gather [spmem:s1], $0x20, s8, s4, $0xb8;
	[tilespmem:$0x10800] =	vst v63  }
0x112: {  	_ =	swait.ge [sflag:s19], $0x1000  }
0x113: {  	s23 =	sld [smem:$0x7C4]  }
0x114: {  	[sflag:s19] =	ssyncset.done $0x0  }
0x115: {  	[sflag:s19] =	ssyncadd.s32 $0xFFFFF000  }
0x116: {  	[spmem:s2] =	stream.indirect.scatter.add.bf16 [tilespmem:s14], [sflag:$0x9], $0x20, s23, s4, $0xb8;
	[tilespmem:$0x10800] =	vst v63  }
0x117: {  	_ =	swait.ge [sflag:s26], $0x1000  }
0x118: {  	s24 =	sld [smem:$0x7C5]  }
0x119: {  	[sflag:s26] =	ssyncset.done $0x0  }
0x11a: {  	[sflag:s26] =	ssyncadd.s32 $0xFFFFF000  }
0x11b: {  	[tilespmem:s14], [sflag:$0x8] =	stream.indirect.gather [spmem:s1], $0x20, s24, s4, $0xb8;
	[tilespmem:$0x10800] =	vst v63  }
0x11c: {  	_ =	swait.ge [sflag:s15], $0x1000  }
0x11d: {  	s8 =	sld [smem:$0x7C6]  }
0x11e: {  	[sflag:s15] =	ssyncset.done $0x0  }
0x11f: {  	[sflag:s15] =	ssyncadd.s32 $0xFFFFF000  }
0x120: {  	[spmem:s2] =	stream.indirect.scatter.add.bf16 [tilespmem:s28], [sflag:$0x9], $0x20, s8, s4, $0xb8;
	[tilespmem:$0x10800] =	vst v63  }
0x121: {  	_ =	swait.ge [sflag:s26], $0x1000  }
0x122: {  	[sflag:s26] =	ssyncset.done $0x0  }
0x123: {  	[sflag:s26] =	ssyncadd.s32 $0xFFFFF000  }
0x124: {  	_ =	swait.ge [sflag:s16], $0x1000  }
0x125: {  	s23 =	sld [smem:$0x7C8]  }
0x126: {  	[sflag:s16] =	ssyncset.done $0x0  }
0x127: {  	[sflag:s16] =	ssyncadd.s32 $0xFFFFF000  }
0x128: {  	[spmem:s2] =	stream.indirect.scatter.add.bf16 [tilespmem:s12], [sflag:$0x9], $0x20, s23, s4, $0xb8;
	[tilespmem:$0x10800] =	vst v63  }
0x129: {  	_ =	swait.ge [sflag:s26], $0x1000  }
0x12a: {  	[sflag:s26] =	ssyncset.done $0x0  }
0x12b: {  	[sflag:s26] =	ssyncadd.s32 $0xFFFFF000  }
0x12c: {  	_ =	swait.ge [sflag:s18], $0x1000  }
0x12d: {  	s24 =	sld [smem:$0x7C9]  }
0x12e: {  	[sflag:s18] =	ssyncset.done $0x0  }
0x12f: {  	[sflag:s18] =	ssyncadd.s32 $0xFFFFF000  }
0x130: {  	[spmem:s2] =	stream.indirect.scatter.add.bf16 [tilespmem:s13], [sflag:$0x9], $0x20, s24, s4, $0xb8;
	[tilespmem:$0x10800] =	vst v63  }
0x131: {  	_ =	swait.ge [sflag:s26], $0x1000  }
0x132: {  	[sflag:s26] =	ssyncset.done $0x0  }
0x133: {  	[sflag:s26] =	ssyncadd.s32 $0xFFFFF000  }
0x134: {  	_ =	swait.ge [sflag:s19], $0x1000  }
0x135: {  	s8 =	sld [smem:$0x7CA]  }
0x136: {  	[sflag:s19] =	ssyncset.done $0x0  }
0x137: {  	[sflag:s19] =	ssyncadd.s32 $0xFFFFF000  }
0x138: {  	[spmem:s2] =	stream.indirect.scatter.add.bf16 [tilespmem:s14], [sflag:$0x9], $0x20, s8, s4, $0xb8;
	[tilespmem:$0x10800] =	vst v63  }
0x139: {  	_ =	swait.ge [sflag:s26], $0x1000  }
0x13a: {  	[sflag:s26] =	ssyncset.done $0x0  }
0x13b: {  	[sflag:s26] =	ssyncadd.s32 $0xFFFFF000  }
0x13c: {  	_ =	swait.ge [sflag:s20], $0xA00  }
0x13d: {  	[sflag:s20] =	ssyncset.done $0x0  }
0x13e: {  	p0 =	por $0x0, $0x0;
	[sflag:s20] =	ssyncadd.s32 $0xFFFFF600  }
0x13f: {  	s7 =	sadd.s32 @!p0 $0x0, s5;
	_ =	swait.ge [sflag:s21], $0xA00  }
0x140: {  	s7 =	sadd.s32 @!p0 $0x280, s7;
	[sflag:s21] =	ssyncset.done $0x0  }
0x141: {  	s23 =	sadd.s32 @!p0 $0x0, s6;
	s24 =	simm.s32 @!p0 $0x0;
	[sflag:s21] =	ssyncadd.s32 $0xFFFFF600  }
0x142: {  	[tilespmem:s24], [sflag:$0x1] =	stream.linear.gather @!p0 [hbm4b:s7+s24], $0xA00, $0x38;
	[tilespmem:$0x10800] =	vst v63  }
0x143: {  	s7 =	sadd.s32 @!p0 $0x280, s23;
	s23 =	simm.s32 @!p0 $0xA00  }
0x144: {  	[tilespmem:s23], [sflag:$0x2] =	stream.linear.gather @!p0 [hbm4b:s7+s24], $0xA00, $0x38;
	[tilespmem:$0x10800] =	vst v63  }
0x145: {  	s23 =	sld [smem:$0x7CB]  }
0x146: {  	[tilespmem:s28], [sflag:$0x5] =	stream.indirect.gather [spmem:s1], $0x20, s31, s4, $0xb8;
	[tilespmem:$0x10800] =	vst v63  }
0x147: {  	s24 =	sld [smem:$0x7CC]  }
0x148: {  	[tilespmem:s12], [sflag:$0x6] =	stream.indirect.gather [spmem:s1], $0x20, s23, s4, $0xb8;
	[tilespmem:$0x10800] =	vst v63  }
0x149: {  	s8 =	sld [smem:$0x7CE]  }
0x14a: {  	[tilespmem:s13], [sflag:$0x7] =	stream.indirect.gather [spmem:s1], $0x20, s24, s4, $0xb8;
	[tilespmem:$0x10800] =	vst v63  }
0x14b: {  	_ = 	snop  }
0x14c: {  	[tilespmem:s14], [sflag:$0x8] =	stream.indirect.gather [spmem:s1], $0x20, s8, s4, $0xb8;
	[tilespmem:$0x10800] =	vst v63  }
0x14d: {  	_ =	swait.ge [sflag:s15], $0x1000  }
0x14e: {  	[sflag:s15] =	ssyncset.done $0x0  }
0x14f: {  	[sflag:s15] =	ssyncadd.s32 $0xFFFFF000  }
0x150: {  	[spmem:s2] =	stream.indirect.scatter.add.bf16 [tilespmem:s28], [sflag:$0x9], $0x20, s0, s4, $0xb8;
	[tilespmem:$0x10800] =	vst v63  }
0x151: {  	_ =	swait.ge [sflag:s26], $0x1000  }
0x152: {  	s23 =	sld [smem:$0x7CF]  }
0x153: {  	[sflag:s26] =	ssyncset.done $0x0  }
0x154: {  	[sflag:s26] =	ssyncadd.s32 $0xFFFFF000  }
0x155: {  	[tilespmem:s28], [sflag:$0x5] =	stream.indirect.gather [spmem:s1], $0x20, s23, s4, $0xb8;
	[tilespmem:$0x10800] =	vst v63  }
0x156: {  	_ =	swait.ge [sflag:s16], $0x1000  }
0x157: {  	s24 =	sld [smem:$0x7D0]  }
0x158: {  	[sflag:s16] =	ssyncset.done $0x0  }
0x159: {  	[sflag:s16] =	ssyncadd.s32 $0xFFFFF000  }
0x15a: {  	[spmem:s2] =	stream.indirect.scatter.add.bf16 [tilespmem:s12], [sflag:$0x9], $0x20, s24, s4, $0xb8;
	[tilespmem:$0x10800] =	vst v63  }
0x15b: {  	_ =	swait.ge [sflag:s26], $0x1000  }
0x15c: {  	s8 =	sld [smem:$0x7D1]  }
0x15d: {  	[sflag:s26] =	ssyncset.done $0x0  }
0x15e: {  	[sflag:s26] =	ssyncadd.s32 $0xFFFFF000  }
0x15f: {  	[tilespmem:s12], [sflag:$0x6] =	stream.indirect.gather [spmem:s1], $0x20, s8, s4, $0xb8;
	[tilespmem:$0x10800] =	vst v63  }
0x160: {  	_ =	swait.ge [sflag:s18], $0x1000  }
0x161: {  	s23 =	sld [smem:$0x7D2]  }
0x162: {  	[sflag:s18] =	ssyncset.done $0x0  }
0x163: {  	[sflag:s18] =	ssyncadd.s32 $0xFFFFF000  }
0x164: {  	[spmem:s2] =	stream.indirect.scatter.add.bf16 [tilespmem:s13], [sflag:$0x9], $0x20, s23, s4, $0xb8;
	[tilespmem:$0x10800] =	vst v63  }
0x165: {  	_ =	swait.ge [sflag:s26], $0x1000  }
0x166: {  	s24 =	sld [smem:$0x7D3]  }
0x167: {  	[sflag:s26] =	ssyncset.done $0x0  }
0x168: {  	[sflag:s26] =	ssyncadd.s32 $0xFFFFF000  }
0x169: {  	[tilespmem:s13], [sflag:$0x7] =	stream.indirect.gather [spmem:s1], $0x20, s24, s4, $0xb8;
	[tilespmem:$0x10800] =	vst v63  }
0x16a: {  	_ =	swait.ge [sflag:s19], $0x1000  }
0x16b: {  	s8 =	sld [smem:$0x7D4]  }
0x16c: {  	[sflag:s19] =	ssyncset.done $0x0  }
0x16d: {  	[sflag:s19] =	ssyncadd.s32 $0xFFFFF000  }
0x16e: {  	[spmem:s2] =	stream.indirect.scatter.add.bf16 [tilespmem:s14], [sflag:$0x9], $0x20, s8, s4, $0xb8;
	[tilespmem:$0x10800] =	vst v63  }
0x16f: {  	_ =	swait.ge [sflag:s26], $0x1000  }
0x170: {  	s23 =	sld [smem:$0x7D5]  }
0x171: {  	[sflag:s26] =	ssyncset.done $0x0  }
0x172: {  	[sflag:s26] =	ssyncadd.s32 $0xFFFFF000  }
0x173: {  	[tilespmem:s14], [sflag:$0x8] =	stream.indirect.gather [spmem:s1], $0x20, s23, s4, $0xb8;
	[tilespmem:$0x10800] =	vst v63  }
0x174: {  	_ =	swait.ge [sflag:s15], $0x1000  }
0x175: {  	s24 =	sld [smem:$0x7D6]  }
0x176: {  	[sflag:s15] =	ssyncset.done $0x0  }
0x177: {  	[sflag:s15] =	ssyncadd.s32 $0xFFFFF000  }
0x178: {  	[spmem:s2] =	stream.indirect.scatter.add.bf16 [tilespmem:s28], [sflag:$0x9], $0x20, s24, s4, $0xb8;
	[tilespmem:$0x10800] =	vst v63  }
0x179: {  	_ =	swait.ge [sflag:s26], $0x1000  }
0x17a: {  	s8 =	sld [smem:$0x7D7]  }
0x17b: {  	[sflag:s26] =	ssyncset.done $0x0  }
0x17c: {  	[sflag:s26] =	ssyncadd.s32 $0xFFFFF000  }
0x17d: {  	[tilespmem:s28], [sflag:$0x5] =	stream.indirect.gather [spmem:s1], $0x20, s8, s4, $0xb8;
	[tilespmem:$0x10800] =	vst v63  }
0x17e: {  	_ =	swait.ge [sflag:s16], $0x1000  }
0x17f: {  	s23 =	sld [smem:$0x7D8]  }
0x180: {  	[sflag:s16] =	ssyncset.done $0x0  }
0x181: {  	[sflag:s16] =	ssyncadd.s32 $0xFFFFF000  }
0x182: {  	[spmem:s2] =	stream.indirect.scatter.add.bf16 [tilespmem:s12], [sflag:$0x9], $0x20, s23, s4, $0xb8;
	[tilespmem:$0x10800] =	vst v63  }
0x183: {  	_ =	swait.ge [sflag:s26], $0x1000  }
0x184: {  	s24 =	sld [smem:$0x7D9]  }
0x185: {  	[sflag:s26] =	ssyncset.done $0x0  }
0x186: {  	[sflag:s26] =	ssyncadd.s32 $0xFFFFF000  }
0x187: {  	[tilespmem:s12], [sflag:$0x6] =	stream.indirect.gather [spmem:s1], $0x20, s24, s4, $0xb8;
	[tilespmem:$0x10800] =	vst v63  }
0x188: {  	_ =	swait.ge [sflag:s18], $0x1000  }
0x189: {  	s8 =	sld [smem:$0x7DA]  }
0x18a: {  	[sflag:s18] =	ssyncset.done $0x0  }
0x18b: {  	[sflag:s18] =	ssyncadd.s32 $0xFFFFF000  }
0x18c: {  	[spmem:s2] =	stream.indirect.scatter.add.bf16 [tilespmem:s13], [sflag:$0x9], $0x20, s8, s4, $0xb8;
	[tilespmem:$0x10800] =	vst v63  }
0x18d: {  	_ =	swait.ge [sflag:s26], $0x1000  }
0x18e: {  	s23 =	sld [smem:$0x7DB]  }
0x18f: {  	[sflag:s26] =	ssyncset.done $0x0  }
0x190: {  	[sflag:s26] =	ssyncadd.s32 $0xFFFFF000  }
0x191: {  	[tilespmem:s13], [sflag:$0x7] =	stream.indirect.gather [spmem:s1], $0x20, s23, s4, $0xb8;
	[tilespmem:$0x10800] =	vst v63  }
0x192: {  	_ =	swait.ge [sflag:s19], $0x1000  }
0x193: {  	s24 =	sld [smem:$0x7DC]  }
0x194: {  	[sflag:s19] =	ssyncset.done $0x0  }
0x195: {  	[sflag:s19] =	ssyncadd.s32 $0xFFFFF000  }
0x196: {  	[spmem:s2] =	stream.indirect.scatter.add.bf16 [tilespmem:s14], [sflag:$0x9], $0x20, s24, s4, $0xb8;
	[tilespmem:$0x10800] =	vst v63  }
0x197: {  	_ =	swait.ge [sflag:s26], $0x1000  }
0x198: {  	s8 =	sld [smem:$0x7DD]  }
0x199: {  	[sflag:s26] =	ssyncset.done $0x0  }
0x19a: {  	[sflag:s26] =	ssyncadd.s32 $0xFFFFF000  }
0x19b: {  	[tilespmem:s14], [sflag:$0x8] =	stream.indirect.gather [spmem:s1], $0x20, s8, s4, $0xb8;
	[tilespmem:$0x10800] =	vst v63  }
0x19c: {  	_ =	swait.ge [sflag:s15], $0x1000  }
0x19d: {  	s23 =	sld [smem:$0x7DF]  }
0x19e: {  	[sflag:s15] =	ssyncset.done $0x0  }
0x19f: {  	[sflag:s15] =	ssyncadd.s32 $0xFFFFF000  }
0x1a0: {  	[spmem:s2] =	stream.indirect.scatter.add.bf16 [tilespmem:s28], [sflag:$0x9], $0x20, s23, s4, $0xb8;
	[tilespmem:$0x10800] =	vst v63  }
0x1a1: {  	_ =	swait.ge [sflag:s26], $0x1000  }
0x1a2: {  	s24 =	sld [smem:$0x7E0]  }
0x1a3: {  	[sflag:s26] =	ssyncset.done $0x0  }
0x1a4: {  	[sflag:s26] =	ssyncadd.s32 $0xFFFFF000  }
0x1a5: {  	[tilespmem:s28], [sflag:$0x5] =	stream.indirect.gather [spmem:s1], $0x20, s24, s4, $0xb8;
	[tilespmem:$0x10800] =	vst v63  }
0x1a6: {  	_ =	swait.ge [sflag:s16], $0x1000  }
0x1a7: {  	s8 =	sld [smem:$0x7E2]  }
0x1a8: {  	[sflag:s16] =	ssyncset.done $0x0  }
0x1a9: {  	[sflag:s16] =	ssyncadd.s32 $0xFFFFF000  }
0x1aa: {  	[spmem:s2] =	stream.indirect.scatter.add.bf16 [tilespmem:s12], [sflag:$0x9], $0x20, s8, s4, $0xb8;
	[tilespmem:$0x10800] =	vst v63  }
0x1ab: {  	_ =	swait.ge [sflag:s26], $0x1000  }
0x1ac: {  	s23 =	sld [smem:$0x7E3]  }
0x1ad: {  	[sflag:s26] =	ssyncset.done $0x0  }
0x1ae: {  	[sflag:s26] =	ssyncadd.s32 $0xFFFFF000  }
0x1af: {  	[tilespmem:s12], [sflag:$0x6] =	stream.indirect.gather [spmem:s1], $0x20, s23, s4, $0xb8;
	[tilespmem:$0x10800] =	vst v63  }
0x1b0: {  	_ =	swait.ge [sflag:s18], $0x1000  }
0x1b1: {  	s24 =	sld [smem:$0x7E5]  }
0x1b2: {  	[sflag:s18] =	ssyncset.done $0x0  }
0x1b3: {  	[sflag:s18] =	ssyncadd.s32 $0xFFFFF000  }
0x1b4: {  	[spmem:s2] =	stream.indirect.scatter.add.bf16 [tilespmem:s13], [sflag:$0x9], $0x20, s24, s4, $0xb8;
	[tilespmem:$0x10800] =	vst v63  }
0x1b5: {  	_ =	swait.ge [sflag:s26], $0x1000  }
0x1b6: {  	s8 =	sld [smem:$0x7E6]  }
0x1b7: {  	[sflag:s26] =	ssyncset.done $0x0  }
0x1b8: {  	[sflag:s26] =	ssyncadd.s32 $0xFFFFF000  }
0x1b9: {  	[tilespmem:s13], [sflag:$0x7] =	stream.indirect.gather [spmem:s1], $0x20, s8, s4, $0xb8;
	[tilespmem:$0x10800] =	vst v63  }
0x1ba: {  	_ =	swait.ge [sflag:s19], $0x1000  }
0x1bb: {  	s23 =	sld [smem:$0x7E8]  }
0x1bc: {  	[sflag:s19] =	ssyncset.done $0x0  }
0x1bd: {  	[sflag:s19] =	ssyncadd.s32 $0xFFFFF000  }
0x1be: {  	[spmem:s2] =	stream.indirect.scatter.add.bf16 [tilespmem:s14], [sflag:$0x9], $0x20, s23, s4, $0xb8;
	[tilespmem:$0x10800] =	vst v63  }
0x1bf: {  	_ =	swait.ge [sflag:s26], $0x1000  }
0x1c0: {  	s24 =	sld [smem:$0x7E9]  }
0x1c1: {  	[sflag:s26] =	ssyncset.done $0x0  }
0x1c2: {  	[sflag:s26] =	ssyncadd.s32 $0xFFFFF000  }
0x1c3: {  	[tilespmem:s14], [sflag:$0x8] =	stream.indirect.gather [spmem:s1], $0x20, s24, s4, $0xb8;
	[tilespmem:$0x10800] =	vst v63  }
0x1c4: {  	_ =	swait.ge [sflag:s15], $0x1000  }
0x1c5: {  	s8 =	sld [smem:$0x7EB]  }
0x1c6: {  	[sflag:s15] =	ssyncset.done $0x0  }
0x1c7: {  	[sflag:s15] =	ssyncadd.s32 $0xFFFFF000  }
0x1c8: {  	[spmem:s2] =	stream.indirect.scatter.add.bf16 [tilespmem:s28], [sflag:$0x9], $0x20, s8, s4, $0xb8;
	[tilespmem:$0x10800] =	vst v63  }
0x1c9: {  	_ =	swait.ge [sflag:s26], $0x1000  }
0x1ca: {  	s23 =	sld [smem:$0x7EC]  }
0x1cb: {  	[sflag:s26] =	ssyncset.done $0x0  }
0x1cc: {  	[sflag:s26] =	ssyncadd.s32 $0xFFFFF000  }
0x1cd: {  	[tilespmem:s28], [sflag:$0x5] =	stream.indirect.gather [spmem:s1], $0x20, s23, s4, $0xb8;
	[tilespmem:$0x10800] =	vst v63  }
0x1ce: {  	_ =	swait.ge [sflag:s16], $0x1000  }
0x1cf: {  	s24 =	sld [smem:$0x7ED]  }
0x1d0: {  	[sflag:s16] =	ssyncset.done $0x0  }
0x1d1: {  	[sflag:s16] =	ssyncadd.s32 $0xFFFFF000  }
0x1d2: {  	[spmem:s2] =	stream.indirect.scatter.add.bf16 [tilespmem:s12], [sflag:$0x9], $0x20, s24, s4, $0xb8;
	[tilespmem:$0x10800] =	vst v63  }
0x1d3: {  	_ =	swait.ge [sflag:s26], $0x1000  }
0x1d4: {  	s8 =	sld [smem:$0x7EE]  }
0x1d5: {  	[sflag:s26] =	ssyncset.done $0x0  }
0x1d6: {  	[sflag:s26] =	ssyncadd.s32 $0xFFFFF000  }
0x1d7: {  	[tilespmem:s12], [sflag:$0x6] =	stream.indirect.gather [spmem:s1], $0x20, s8, s4, $0xb8;
	[tilespmem:$0x10800] =	vst v63  }
0x1d8: {  	_ =	swait.ge [sflag:s18], $0x1000  }
0x1d9: {  	s23 =	sld [smem:$0x7EF]  }
0x1da: {  	[sflag:s18] =	ssyncset.done $0x0  }
0x1db: {  	[sflag:s18] =	ssyncadd.s32 $0xFFFFF000  }
0x1dc: {  	[spmem:s2] =	stream.indirect.scatter.add.bf16 [tilespmem:s13], [sflag:$0x9], $0x20, s23, s4, $0xb8;
	[tilespmem:$0x10800] =	vst v63  }
0x1dd: {  	_ =	swait.ge [sflag:s26], $0x1000  }
0x1de: {  	s24 =	sld [smem:$0x7F1]  }
0x1df: {  	[sflag:s26] =	ssyncset.done $0x0  }
0x1e0: {  	[sflag:s26] =	ssyncadd.s32 $0xFFFFF000  }
0x1e1: {  	[tilespmem:s13], [sflag:$0x7] =	stream.indirect.gather [spmem:s1], $0x20, s24, s4, $0xb8;
	[tilespmem:$0x10800] =	vst v63  }
0x1e2: {  	_ =	swait.ge [sflag:s19], $0x1000  }
0x1e3: {  	s8 =	sld [smem:$0x7F3]  }
0x1e4: {  	[sflag:s19] =	ssyncset.done $0x0  }
0x1e5: {  	[sflag:s19] =	ssyncadd.s32 $0xFFFFF000  }
0x1e6: {  	[spmem:s2] =	stream.indirect.scatter.add.bf16 [tilespmem:s14], [sflag:$0x9], $0x20, s8, s4, $0xb8;
	[tilespmem:$0x10800] =	vst v63  }
0x1e7: {  	_ =	swait.ge [sflag:s26], $0x1000  }
0x1e8: {  	s23 =	sld [smem:$0x7F5]  }
0x1e9: {  	[sflag:s26] =	ssyncset.done $0x0  }
0x1ea: {  	[sflag:s26] =	ssyncadd.s32 $0xFFFFF000  }
0x1eb: {  	[tilespmem:s14], [sflag:$0x8] =	stream.indirect.gather [spmem:s1], $0x20, s23, s4, $0xb8;
	[tilespmem:$0x10800] =	vst v63  }
0x1ec: {  	_ =	swait.ge [sflag:s15], $0x1000  }
0x1ed: {  	s24 =	sld [smem:$0x7F7]  }
0x1ee: {  	[sflag:s15] =	ssyncset.done $0x0  }
0x1ef: {  	[sflag:s15] =	ssyncadd.s32 $0xFFFFF000  }
0x1f0: {  	[spmem:s2] =	stream.indirect.scatter.add.bf16 [tilespmem:s28], [sflag:$0x9], $0x20, s24, s4, $0xb8;
	[tilespmem:$0x10800] =	vst v63  }
0x1f1: {  	_ =	swait.ge [sflag:s26], $0x1000  }
0x1f2: {  	[sflag:s26] =	ssyncset.done $0x0  }
0x1f3: {  	[sflag:s26] =	ssyncadd.s32 $0xFFFFF000  }
0x1f4: {  	_ =	swait.ge [sflag:s16], $0x1000  }
0x1f5: {  	s8 =	sld [smem:$0x7F9]  }
0x1f6: {  	[sflag:s16] =	ssyncset.done $0x0  }
0x1f7: {  	[sflag:s16] =	ssyncadd.s32 $0xFFFFF000  }
0x1f8: {  	[spmem:s2] =	stream.indirect.scatter.add.bf16 [tilespmem:s12], [sflag:$0x9], $0x20, s8, s4, $0xb8;
	[tilespmem:$0x10800] =	vst v63  }
0x1f9: {  	_ =	swait.ge [sflag:s26], $0x1000  }
0x1fa: {  	[sflag:s26] =	ssyncset.done $0x0  }
0x1fb: {  	[sflag:s26] =	ssyncadd.s32 $0xFFFFF000  }
0x1fc: {  	_ =	swait.ge [sflag:s18], $0x1000  }
0x1fd: {  	s23 =	sld [smem:$0x7FA]  }
0x1fe: {  	[sflag:s18] =	ssyncset.done $0x0  }
0x1ff: {  	[sflag:s18] =	ssyncadd.s32 $0xFFFFF000  }
0x200: {  	[spmem:s2] =	stream.indirect.scatter.add.bf16 [tilespmem:s13], [sflag:$0x9], $0x20, s23, s4, $0xb8;
	[tilespmem:$0x10800] =	vst v63  }
0x201: {  	_ =	swait.ge [sflag:s26], $0x1000  }
0x202: {  	[sflag:s26] =	ssyncset.done $0x0  }
0x203: {  	[sflag:s26] =	ssyncadd.s32 $0xFFFFF000  }
0x204: {  	_ =	swait.ge [sflag:s19], $0x1000  }
0x205: {  	s24 =	sld [smem:$0x7FD]  }
0x206: {  	[sflag:s19] =	ssyncset.done $0x0  }
0x207: {  	[sflag:s19] =	ssyncadd.s32 $0xFFFFF000  }
0x208: {  	[spmem:s2] =	stream.indirect.scatter.add.bf16 [tilespmem:s14], [sflag:$0x9], $0x20, s24, s4, $0xb8;
	[tilespmem:$0x10800] =	vst v63  }
0x209: {  	_ =	swait.ge [sflag:s26], $0x1000  }
0x20a: {  	s23 =	simm.s32 $0x280;
	[sflag:s26] =	ssyncset.done $0x0  }
.LBB2_4:
0x20b: {  	[sflag:s26] =	ssyncadd.s32 $0xFFFFF000  }
0x20c: {  	_ =	swait.ge [sflag:s29], $0xA00  }
0x20d: {  	[sflag:s29] =	ssyncset.done $0x0  }
0x20e: {  	[sflag:s29] =	ssyncadd.s32 $0xFFFFF600  }
0x20f: {  	s24 =	smov.u32 s23;
	_ =	swait.ge [sflag:s30], $0xA00  }
0x210: {  	s7 =	sadd.s32 s24, s5;
	[sflag:s30] =	ssyncset.done $0x0  }
0x211: {  	s8 =	sadd.s32 s24, s6;
	s7 =	sadd.s32 $0x140, s7;
	[sflag:s30] =	ssyncadd.s32 $0xFFFFF600  }
0x212: {  	[tilespmem:s31], [sflag:$0x3] =	stream.linear.gather [hbm4b:s7+s3], $0xA00, $0x38;
	[tilespmem:$0x10800] =	vst v63  }
0x213: {  	s8 =	sadd.s32 $0x140, s8  }
0x214: {  	[tilespmem:s0], [sflag:$0x4] =	stream.linear.gather [hbm4b:s8+s3], $0xA00, $0x38;
	[tilespmem:$0x10800] =	vst v63  }
0x215: {  	_ = 	snop  }
0x216: {  	[tilespmem:s28], [sflag:$0x5] =	stream.indirect.gather [spmem:s1], $0x20, s3, s4, $0xb8;
	[tilespmem:$0x10800] =	vst v63  }
0x217: {  	_ = 	snop  }
0x218: {  	[tilespmem:s12], [sflag:$0x6] =	stream.indirect.gather [spmem:s1], $0x20, s4, s4, $0xb8;
	[tilespmem:$0x10800] =	vst v63  }
0x219: {  	s7 =	rddreg [dreg:$0x5]  }
0x21a: {  	[tilespmem:s13], [sflag:$0x7] =	stream.indirect.gather [spmem:s1], $0x20, s7, s4, $0xb8;
	[tilespmem:$0x10800] =	vst v63  }
0x21b: {  	s8 =	rddreg [dreg:$0x6]  }
0x21c: {  	[tilespmem:s14], [sflag:$0x8] =	stream.indirect.gather [spmem:s1], $0x20, s8, s4, $0xb8;
	[tilespmem:$0x10800] =	vst v63  }
0x21d: {  	_ =	swait.ge [sflag:s15], $0x1000  }
0x21e: {  	[sflag:s15] =	ssyncset.done $0x0  }
0x21f: {  	[sflag:s15] =	ssyncadd.s32 $0xFFFFF000  }
0x220: {  	[spmem:s2] =	stream.indirect.scatter.add.bf16 [tilespmem:s28], [sflag:$0x9], $0x20, s25, s4, $0xb8;
	[tilespmem:$0x10800] =	vst v63  }
0x221: {  	_ =	swait.ge [sflag:s26], $0x1000  }
0x222: {  	[sflag:s26] =	ssyncset.done $0x0  }
0x223: {  	s8 =	rddreg [dreg:$0x7];
	[sflag:s26] =	ssyncadd.s32 $0xFFFFF000  }
0x224: {  	[tilespmem:s28], [sflag:$0x5] =	stream.indirect.gather [spmem:s1], $0x20, s8, s4, $0xb8;
	[tilespmem:$0x10800] =	vst v63  }
0x225: {  	_ =	swait.ge [sflag:s16], $0x1000  }
0x226: {  	[sflag:s16] =	ssyncset.done $0x0  }
0x227: {  	s8 =	rddreg [dreg:$0x8];
	[sflag:s16] =	ssyncadd.s32 $0xFFFFF000  }
0x228: {  	[spmem:s2] =	stream.indirect.scatter.add.bf16 [tilespmem:s12], [sflag:$0x9], $0x20, s8, s4, $0xb8;
	[tilespmem:$0x10800] =	vst v63  }
0x229: {  	_ =	swait.ge [sflag:s26], $0x1000  }
0x22a: {  	[sflag:s26] =	ssyncset.done $0x0  }
0x22b: {  	s8 =	rddreg [dreg:$0x9];
	[sflag:s26] =	ssyncadd.s32 $0xFFFFF000  }
0x22c: {  	[tilespmem:s12], [sflag:$0x6] =	stream.indirect.gather [spmem:s1], $0x20, s8, s4, $0xb8;
	[tilespmem:$0x10800] =	vst v63  }
0x22d: {  	_ =	swait.ge [sflag:s18], $0x1000  }
0x22e: {  	[sflag:s18] =	ssyncset.done $0x0  }
0x22f: {  	s8 =	rddreg [dreg:$0xa];
	[sflag:s18] =	ssyncadd.s32 $0xFFFFF000  }
0x230: {  	[spmem:s2] =	stream.indirect.scatter.add.bf16 [tilespmem:s13], [sflag:$0x9], $0x20, s8, s4, $0xb8;
	[tilespmem:$0x10800] =	vst v63  }
0x231: {  	_ =	swait.ge [sflag:s26], $0x1000  }
0x232: {  	[sflag:s26] =	ssyncset.done $0x0  }
0x233: {  	s8 =	rddreg [dreg:$0xb];
	[sflag:s26] =	ssyncadd.s32 $0xFFFFF000  }
0x234: {  	[tilespmem:s13], [sflag:$0x7] =	stream.indirect.gather [spmem:s1], $0x20, s8, s4, $0xb8;
	[tilespmem:$0x10800] =	vst v63  }
0x235: {  	_ =	swait.ge [sflag:s19], $0x1000  }
0x236: {  	[sflag:s19] =	ssyncset.done $0x0  }
0x237: {  	s8 =	rddreg [dreg:$0xc];
	[sflag:s19] =	ssyncadd.s32 $0xFFFFF000  }
0x238: {  	[spmem:s2] =	stream.indirect.scatter.add.bf16 [tilespmem:s14], [sflag:$0x9], $0x20, s8, s4, $0xb8;
	[tilespmem:$0x10800] =	vst v63  }
0x239: {  	_ =	swait.ge [sflag:s26], $0x1000  }
0x23a: {  	[sflag:s26] =	ssyncset.done $0x0  }
0x23b: {  	s8 =	rddreg [dreg:$0xd];
	[sflag:s26] =	ssyncadd.s32 $0xFFFFF000  }
0x23c: {  	[tilespmem:s14], [sflag:$0x8] =	stream.indirect.gather [spmem:s1], $0x20, s8, s4, $0xb8;
	[tilespmem:$0x10800] =	vst v63  }
0x23d: {  	_ =	swait.ge [sflag:s15], $0x1000  }
0x23e: {  	[sflag:s15] =	ssyncset.done $0x0  }
0x23f: {  	s8 =	rddreg [dreg:$0xe];
	[sflag:s15] =	ssyncadd.s32 $0xFFFFF000  }
0x240: {  	[spmem:s2] =	stream.indirect.scatter.add.bf16 [tilespmem:s28], [sflag:$0x9], $0x20, s8, s4, $0xb8;
	[tilespmem:$0x10800] =	vst v63  }
0x241: {  	_ =	swait.ge [sflag:s26], $0x1000  }
0x242: {  	[sflag:s26] =	ssyncset.done $0x0  }
0x243: {  	s8 =	rddreg [dreg:$0xf];
	[sflag:s26] =	ssyncadd.s32 $0xFFFFF000  }
0x244: {  	[tilespmem:s28], [sflag:$0x5] =	stream.indirect.gather [spmem:s1], $0x20, s8, s4, $0xb8;
	[tilespmem:$0x10800] =	vst v63  }
0x245: {  	_ =	swait.ge [sflag:s16], $0x1000  }
0x246: {  	[sflag:s16] =	ssyncset.done $0x0  }
0x247: {  	s8 =	rddreg [dreg:$0x10];
	[sflag:s16] =	ssyncadd.s32 $0xFFFFF000  }
0x248: {  	[spmem:s2] =	stream.indirect.scatter.add.bf16 [tilespmem:s12], [sflag:$0x9], $0x20, s8, s4, $0xb8;
	[tilespmem:$0x10800] =	vst v63  }
0x249: {  	_ =	swait.ge [sflag:s26], $0x1000  }
0x24a: {  	[sflag:s26] =	ssyncset.done $0x0  }
0x24b: {  	s8 =	rddreg [dreg:$0x11];
	[sflag:s26] =	ssyncadd.s32 $0xFFFFF000  }
0x24c: {  	[tilespmem:s12], [sflag:$0x6] =	stream.indirect.gather [spmem:s1], $0x20, s8, s4, $0xb8;
	[tilespmem:$0x10800] =	vst v63  }
0x24d: {  	_ =	swait.ge [sflag:s18], $0x1000  }
0x24e: {  	[sflag:s18] =	ssyncset.done $0x0  }
0x24f: {  	s8 =	rddreg [dreg:$0x12];
	[sflag:s18] =	ssyncadd.s32 $0xFFFFF000  }
0x250: {  	[spmem:s2] =	stream.indirect.scatter.add.bf16 [tilespmem:s13], [sflag:$0x9], $0x20, s8, s4, $0xb8;
	[tilespmem:$0x10800] =	vst v63  }
0x251: {  	_ =	swait.ge [sflag:s26], $0x1000  }
0x252: {  	[sflag:s26] =	ssyncset.done $0x0  }
0x253: {  	s8 =	rddreg [dreg:$0x13];
	[sflag:s26] =	ssyncadd.s32 $0xFFFFF000  }
0x254: {  	[tilespmem:s13], [sflag:$0x7] =	stream.indirect.gather [spmem:s1], $0x20, s8, s4, $0xb8;
	[tilespmem:$0x10800] =	vst v63  }
0x255: {  	_ =	swait.ge [sflag:s19], $0x1000  }
0x256: {  	[sflag:s19] =	ssyncset.done $0x0  }
0x257: {  	s8 =	rddreg [dreg:$0x14];
	[sflag:s19] =	ssyncadd.s32 $0xFFFFF000  }
0x258: {  	[spmem:s2] =	stream.indirect.scatter.add.bf16 [tilespmem:s14], [sflag:$0x9], $0x20, s8, s4, $0xb8;
	[tilespmem:$0x10800] =	vst v63  }
0x259: {  	_ =	swait.ge [sflag:s26], $0x1000  }
0x25a: {  	[sflag:s26] =	ssyncset.done $0x0  }
0x25b: {  	s8 =	rddreg [dreg:$0x15];
	[sflag:s26] =	ssyncadd.s32 $0xFFFFF000  }
0x25c: {  	[tilespmem:s14], [sflag:$0x8] =	stream.indirect.gather [spmem:s1], $0x20, s8, s4, $0xb8;
	[tilespmem:$0x10800] =	vst v63  }
0x25d: {  	_ =	swait.ge [sflag:s15], $0x1000  }
0x25e: {  	[sflag:s15] =	ssyncset.done $0x0  }
0x25f: {  	s8 =	rddreg [dreg:$0x16];
	[sflag:s15] =	ssyncadd.s32 $0xFFFFF000  }
0x260: {  	[spmem:s2] =	stream.indirect.scatter.add.bf16 [tilespmem:s28], [sflag:$0x9], $0x20, s8, s4, $0xb8;
	[tilespmem:$0x10800] =	vst v63  }
0x261: {  	_ =	swait.ge [sflag:s26], $0x1000  }
0x262: {  	[sflag:s26] =	ssyncset.done $0x0  }
0x263: {  	s8 =	rddreg [dreg:$0x17];
	[sflag:s26] =	ssyncadd.s32 $0xFFFFF000  }
0x264: {  	[tilespmem:s28], [sflag:$0x5] =	stream.indirect.gather [spmem:s1], $0x20, s8, s4, $0xb8;
	[tilespmem:$0x10800] =	vst v63  }
0x265: {  	_ =	swait.ge [sflag:s16], $0x1000  }
0x266: {  	[sflag:s16] =	ssyncset.done $0x0  }
0x267: {  	s8 =	rddreg [dreg:$0x18];
	[sflag:s16] =	ssyncadd.s32 $0xFFFFF000  }
0x268: {  	[spmem:s2] =	stream.indirect.scatter.add.bf16 [tilespmem:s12], [sflag:$0x9], $0x20, s8, s4, $0xb8;
	[tilespmem:$0x10800] =	vst v63  }
0x269: {  	_ =	swait.ge [sflag:s26], $0x1000  }
0x26a: {  	[sflag:s26] =	ssyncset.done $0x0  }
0x26b: {  	s8 =	rddreg [dreg:$0x19];
	[sflag:s26] =	ssyncadd.s32 $0xFFFFF000  }
0x26c: {  	[tilespmem:s12], [sflag:$0x6] =	stream.indirect.gather [spmem:s1], $0x20, s8, s4, $0xb8;
	[tilespmem:$0x10800] =	vst v63  }
0x26d: {  	_ =	swait.ge [sflag:s18], $0x1000  }
0x26e: {  	[sflag:s18] =	ssyncset.done $0x0  }
0x26f: {  	s8 =	rddreg [dreg:$0x1a];
	[sflag:s18] =	ssyncadd.s32 $0xFFFFF000  }
0x270: {  	[spmem:s2] =	stream.indirect.scatter.add.bf16 [tilespmem:s13], [sflag:$0x9], $0x20, s8, s4, $0xb8;
	[tilespmem:$0x10800] =	vst v63  }
0x271: {  	_ =	swait.ge [sflag:s26], $0x1000  }
0x272: {  	[sflag:s26] =	ssyncset.done $0x0  }
0x273: {  	s8 =	rddreg [dreg:$0x1b];
	[sflag:s26] =	ssyncadd.s32 $0xFFFFF000  }
0x274: {  	[tilespmem:s13], [sflag:$0x7] =	stream.indirect.gather [spmem:s1], $0x20, s8, s4, $0xb8;
	[tilespmem:$0x10800] =	vst v63  }
0x275: {  	_ =	swait.ge [sflag:s19], $0x1000  }
0x276: {  	[sflag:s19] =	ssyncset.done $0x0  }
0x277: {  	s8 =	rddreg [dreg:$0x1c];
	[sflag:s19] =	ssyncadd.s32 $0xFFFFF000  }
0x278: {  	[spmem:s2] =	stream.indirect.scatter.add.bf16 [tilespmem:s14], [sflag:$0x9], $0x20, s8, s4, $0xb8;
	[tilespmem:$0x10800] =	vst v63  }
0x279: {  	_ =	swait.ge [sflag:s26], $0x1000  }
0x27a: {  	[sflag:s26] =	ssyncset.done $0x0  }
0x27b: {  	s8 =	rddreg [dreg:$0x1d];
	[sflag:s26] =	ssyncadd.s32 $0xFFFFF000  }
0x27c: {  	[tilespmem:s14], [sflag:$0x8] =	stream.indirect.gather [spmem:s1], $0x20, s8, s4, $0xb8;
	[tilespmem:$0x10800] =	vst v63  }
0x27d: {  	_ =	swait.ge [sflag:s15], $0x1000  }
0x27e: {  	[sflag:s15] =	ssyncset.done $0x0  }
0x27f: {  	s8 =	rddreg [dreg:$0x1e];
	[sflag:s15] =	ssyncadd.s32 $0xFFFFF000  }
0x280: {  	[spmem:s2] =	stream.indirect.scatter.add.bf16 [tilespmem:s28], [sflag:$0x9], $0x20, s8, s4, $0xb8;
	[tilespmem:$0x10800] =	vst v63  }
0x281: {  	_ =	swait.ge [sflag:s26], $0x1000  }
0x282: {  	[sflag:s26] =	ssyncset.done $0x0  }
0x283: {  	s8 =	rddreg [dreg:$0x1f];
	[sflag:s26] =	ssyncadd.s32 $0xFFFFF000  }
0x284: {  	[tilespmem:s28], [sflag:$0x5] =	stream.indirect.gather [spmem:s1], $0x20, s8, s4, $0xb8;
	[tilespmem:$0x10800] =	vst v63  }
0x285: {  	_ =	swait.ge [sflag:s16], $0x1000  }
0x286: {  	s8 =	sld [smem:$0x7C0]  }
0x287: {  	[sflag:s16] =	ssyncset.done $0x0  }
0x288: {  	[sflag:s16] =	ssyncadd.s32 $0xFFFFF000  }
0x289: {  	[spmem:s2] =	stream.indirect.scatter.add.bf16 [tilespmem:s12], [sflag:$0x9], $0x20, s8, s4, $0xb8;
	[tilespmem:$0x10800] =	vst v63  }
0x28a: {  	_ =	swait.ge [sflag:s26], $0x1000  }
0x28b: {  	s8 =	sld [smem:$0x7C1]  }
0x28c: {  	[sflag:s26] =	ssyncset.done $0x0  }
0x28d: {  	[sflag:s26] =	ssyncadd.s32 $0xFFFFF000  }
0x28e: {  	[tilespmem:s12], [sflag:$0x6] =	stream.indirect.gather [spmem:s1], $0x20, s8, s4, $0xb8;
	[tilespmem:$0x10800] =	vst v63  }
0x28f: {  	_ =	swait.ge [sflag:s18], $0x1000  }
0x290: {  	s8 =	sld [smem:$0x7C2]  }
0x291: {  	[sflag:s18] =	ssyncset.done $0x0  }
0x292: {  	[sflag:s18] =	ssyncadd.s32 $0xFFFFF000  }
0x293: {  	[spmem:s2] =	stream.indirect.scatter.add.bf16 [tilespmem:s13], [sflag:$0x9], $0x20, s8, s4, $0xb8;
	[tilespmem:$0x10800] =	vst v63  }
0x294: {  	_ =	swait.ge [sflag:s26], $0x1000  }
0x295: {  	s8 =	sld [smem:$0x7C3]  }
0x296: {  	[sflag:s26] =	ssyncset.done $0x0  }
0x297: {  	[sflag:s26] =	ssyncadd.s32 $0xFFFFF000  }
0x298: {  	[tilespmem:s13], [sflag:$0x7] =	stream.indirect.gather [spmem:s1], $0x20, s8, s4, $0xb8;
	[tilespmem:$0x10800] =	vst v63  }
0x299: {  	_ =	swait.ge [sflag:s19], $0x1000  }
0x29a: {  	s8 =	sld [smem:$0x7C4]  }
0x29b: {  	[sflag:s19] =	ssyncset.done $0x0  }
0x29c: {  	[sflag:s19] =	ssyncadd.s32 $0xFFFFF000  }
0x29d: {  	[spmem:s2] =	stream.indirect.scatter.add.bf16 [tilespmem:s14], [sflag:$0x9], $0x20, s8, s4, $0xb8;
	[tilespmem:$0x10800] =	vst v63  }
0x29e: {  	_ =	swait.ge [sflag:s26], $0x1000  }
0x29f: {  	s8 =	sld [smem:$0x7C5]  }
0x2a0: {  	[sflag:s26] =	ssyncset.done $0x0  }
0x2a1: {  	[sflag:s26] =	ssyncadd.s32 $0xFFFFF000  }
0x2a2: {  	[tilespmem:s14], [sflag:$0x8] =	stream.indirect.gather [spmem:s1], $0x20, s8, s4, $0xb8;
	[tilespmem:$0x10800] =	vst v63  }
0x2a3: {  	_ =	swait.ge [sflag:s15], $0x1000  }
0x2a4: {  	s8 =	sld [smem:$0x7C6]  }
0x2a5: {  	[sflag:s15] =	ssyncset.done $0x0  }
0x2a6: {  	[sflag:s15] =	ssyncadd.s32 $0xFFFFF000  }
0x2a7: {  	[spmem:s2] =	stream.indirect.scatter.add.bf16 [tilespmem:s28], [sflag:$0x9], $0x20, s8, s4, $0xb8;
	[tilespmem:$0x10800] =	vst v63  }
0x2a8: {  	_ =	swait.ge [sflag:s26], $0x1000  }
0x2a9: {  	[sflag:s26] =	ssyncset.done $0x0  }
0x2aa: {  	[sflag:s26] =	ssyncadd.s32 $0xFFFFF000  }
0x2ab: {  	_ =	swait.ge [sflag:s16], $0x1000  }
0x2ac: {  	s8 =	sld [smem:$0x7C8]  }
0x2ad: {  	[sflag:s16] =	ssyncset.done $0x0  }
0x2ae: {  	[sflag:s16] =	ssyncadd.s32 $0xFFFFF000  }
0x2af: {  	[spmem:s2] =	stream.indirect.scatter.add.bf16 [tilespmem:s12], [sflag:$0x9], $0x20, s8, s4, $0xb8;
	[tilespmem:$0x10800] =	vst v63  }
0x2b0: {  	_ =	swait.ge [sflag:s26], $0x1000  }
0x2b1: {  	[sflag:s26] =	ssyncset.done $0x0  }
0x2b2: {  	[sflag:s26] =	ssyncadd.s32 $0xFFFFF000  }
0x2b3: {  	_ =	swait.ge [sflag:s18], $0x1000  }
0x2b4: {  	s8 =	sld [smem:$0x7C9]  }
0x2b5: {  	[sflag:s18] =	ssyncset.done $0x0  }
0x2b6: {  	[sflag:s18] =	ssyncadd.s32 $0xFFFFF000  }
0x2b7: {  	[spmem:s2] =	stream.indirect.scatter.add.bf16 [tilespmem:s13], [sflag:$0x9], $0x20, s8, s4, $0xb8;
	[tilespmem:$0x10800] =	vst v63  }
0x2b8: {  	_ =	swait.ge [sflag:s26], $0x1000  }
0x2b9: {  	[sflag:s26] =	ssyncset.done $0x0  }
0x2ba: {  	[sflag:s26] =	ssyncadd.s32 $0xFFFFF000  }
0x2bb: {  	_ =	swait.ge [sflag:s19], $0x1000  }
0x2bc: {  	s8 =	sld [smem:$0x7CA]  }
0x2bd: {  	[sflag:s19] =	ssyncset.done $0x0  }
0x2be: {  	[sflag:s19] =	ssyncadd.s32 $0xFFFFF000  }
0x2bf: {  	[spmem:s2] =	stream.indirect.scatter.add.bf16 [tilespmem:s14], [sflag:$0x9], $0x20, s8, s4, $0xb8;
	[tilespmem:$0x10800] =	vst v63  }
0x2c0: {  	_ =	swait.ge [sflag:s26], $0x1000  }
0x2c1: {  	[sflag:s26] =	ssyncset.done $0x0  }
0x2c2: {  	[sflag:s26] =	ssyncadd.s32 $0xFFFFF000  }
0x2c3: {  	_ =	swait.ge [sflag:s20], $0xA00  }
0x2c4: {  	[sflag:s20] =	ssyncset.done $0x0  }
0x2c5: {  	p1 =	seq.s32 s24, $0x780;
	[sflag:s20] =	ssyncadd.s32 $0xFFFFF600  }
0x2c6: {  	s7 =	sadd.s32 @!p1 s24, s5;
	_ =	swait.ge [sflag:s21], $0xA00  }
0x2c7: {  	s7 =	sadd.s32 @!p1 $0x280, s7;
	[sflag:s21] =	ssyncset.done $0x0  }
0x2c8: {  	s8 =	sadd.s32 @!p1 s24, s6;
	s24 =	simm.s32 @!p1 $0x0;
	[sflag:s21] =	ssyncadd.s32 $0xFFFFF600  }
0x2c9: {  	[tilespmem:s24], [sflag:$0x1] =	stream.linear.gather @!p1 [hbm4b:s7+s24], $0xA00, $0x38;
	[tilespmem:$0x10800] =	vst v63  }
0x2ca: {  	s7 =	sadd.s32 @!p1 $0x280, s8;
	s8 =	simm.s32 @!p1 $0xA00  }
0x2cb: {  	[tilespmem:s8], [sflag:$0x2] =	stream.linear.gather @!p1 [hbm4b:s7+s24], $0xA00, $0x38;
	[tilespmem:$0x10800] =	vst v63  }
0x2cc: {  	s24 =	sld [smem:$0x7CB]  }
0x2cd: {  	[tilespmem:s28], [sflag:$0x5] =	stream.indirect.gather [spmem:s1], $0x20, s31, s4, $0xb8;
	[tilespmem:$0x10800] =	vst v63  }
0x2ce: {  	s8 =	sld [smem:$0x7CC]  }
0x2cf: {  	[tilespmem:s12], [sflag:$0x6] =	stream.indirect.gather [spmem:s1], $0x20, s24, s4, $0xb8;
	[tilespmem:$0x10800] =	vst v63  }
0x2d0: {  	s24 =	sld [smem:$0x7CE]  }
0x2d1: {  	[tilespmem:s13], [sflag:$0x7] =	stream.indirect.gather [spmem:s1], $0x20, s8, s4, $0xb8;
	[tilespmem:$0x10800] =	vst v63  }
0x2d2: {  	_ = 	snop  }
0x2d3: {  	[tilespmem:s14], [sflag:$0x8] =	stream.indirect.gather [spmem:s1], $0x20, s24, s4, $0xb8;
	[tilespmem:$0x10800] =	vst v63  }
0x2d4: {  	_ =	swait.ge [sflag:s15], $0x1000  }
0x2d5: {  	[sflag:s15] =	ssyncset.done $0x0  }
0x2d6: {  	[sflag:s15] =	ssyncadd.s32 $0xFFFFF000  }
0x2d7: {  	[spmem:s2] =	stream.indirect.scatter.add.bf16 [tilespmem:s28], [sflag:$0x9], $0x20, s0, s4, $0xb8;
	[tilespmem:$0x10800] =	vst v63  }
0x2d8: {  	_ =	swait.ge [sflag:s26], $0x1000  }
0x2d9: {  	s24 =	sld [smem:$0x7CF]  }
0x2da: {  	[sflag:s26] =	ssyncset.done $0x0  }
0x2db: {  	[sflag:s26] =	ssyncadd.s32 $0xFFFFF000  }
0x2dc: {  	[tilespmem:s28], [sflag:$0x5] =	stream.indirect.gather [spmem:s1], $0x20, s24, s4, $0xb8;
	[tilespmem:$0x10800] =	vst v63  }
0x2dd: {  	_ =	swait.ge [sflag:s16], $0x1000  }
0x2de: {  	s8 =	sld [smem:$0x7D0]  }
0x2df: {  	[sflag:s16] =	ssyncset.done $0x0  }
0x2e0: {  	[sflag:s16] =	ssyncadd.s32 $0xFFFFF000  }
0x2e1: {  	[spmem:s2] =	stream.indirect.scatter.add.bf16 [tilespmem:s12], [sflag:$0x9], $0x20, s8, s4, $0xb8;
	[tilespmem:$0x10800] =	vst v63  }
0x2e2: {  	_ =	swait.ge [sflag:s26], $0x1000  }
0x2e3: {  	s24 =	sld [smem:$0x7D1]  }
0x2e4: {  	[sflag:s26] =	ssyncset.done $0x0  }
0x2e5: {  	[sflag:s26] =	ssyncadd.s32 $0xFFFFF000  }
0x2e6: {  	[tilespmem:s12], [sflag:$0x6] =	stream.indirect.gather [spmem:s1], $0x20, s24, s4, $0xb8;
	[tilespmem:$0x10800] =	vst v63  }
0x2e7: {  	_ =	swait.ge [sflag:s18], $0x1000  }
0x2e8: {  	s8 =	sld [smem:$0x7D2]  }
0x2e9: {  	[sflag:s18] =	ssyncset.done $0x0  }
0x2ea: {  	[sflag:s18] =	ssyncadd.s32 $0xFFFFF000  }
0x2eb: {  	[spmem:s2] =	stream.indirect.scatter.add.bf16 [tilespmem:s13], [sflag:$0x9], $0x20, s8, s4, $0xb8;
	[tilespmem:$0x10800] =	vst v63  }
0x2ec: {  	_ =	swait.ge [sflag:s26], $0x1000  }
0x2ed: {  	s24 =	sld [smem:$0x7D3]  }
0x2ee: {  	[sflag:s26] =	ssyncset.done $0x0  }
0x2ef: {  	[sflag:s26] =	ssyncadd.s32 $0xFFFFF000  }
0x2f0: {  	[tilespmem:s13], [sflag:$0x7] =	stream.indirect.gather [spmem:s1], $0x20, s24, s4, $0xb8;
	[tilespmem:$0x10800] =	vst v63  }
0x2f1: {  	_ =	swait.ge [sflag:s19], $0x1000  }
0x2f2: {  	s8 =	sld [smem:$0x7D4]  }
0x2f3: {  	[sflag:s19] =	ssyncset.done $0x0  }
0x2f4: {  	[sflag:s19] =	ssyncadd.s32 $0xFFFFF000  }
0x2f5: {  	[spmem:s2] =	stream.indirect.scatter.add.bf16 [tilespmem:s14], [sflag:$0x9], $0x20, s8, s4, $0xb8;
	[tilespmem:$0x10800] =	vst v63  }
0x2f6: {  	_ =	swait.ge [sflag:s26], $0x1000  }
0x2f7: {  	s24 =	sld [smem:$0x7D5]  }
0x2f8: {  	[sflag:s26] =	ssyncset.done $0x0  }
0x2f9: {  	[sflag:s26] =	ssyncadd.s32 $0xFFFFF000  }
0x2fa: {  	[tilespmem:s14], [sflag:$0x8] =	stream.indirect.gather [spmem:s1], $0x20, s24, s4, $0xb8;
	[tilespmem:$0x10800] =	vst v63  }
0x2fb: {  	_ =	swait.ge [sflag:s15], $0x1000  }
0x2fc: {  	s8 =	sld [smem:$0x7D6]  }
0x2fd: {  	[sflag:s15] =	ssyncset.done $0x0  }
0x2fe: {  	[sflag:s15] =	ssyncadd.s32 $0xFFFFF000  }
0x2ff: {  	[spmem:s2] =	stream.indirect.scatter.add.bf16 [tilespmem:s28], [sflag:$0x9], $0x20, s8, s4, $0xb8;
	[tilespmem:$0x10800] =	vst v63  }
0x300: {  	_ =	swait.ge [sflag:s26], $0x1000  }
0x301: {  	s24 =	sld [smem:$0x7D7]  }
0x302: {  	[sflag:s26] =	ssyncset.done $0x0  }
0x303: {  	[sflag:s26] =	ssyncadd.s32 $0xFFFFF000  }
0x304: {  	[tilespmem:s28], [sflag:$0x5] =	stream.indirect.gather [spmem:s1], $0x20, s24, s4, $0xb8;
	[tilespmem:$0x10800] =	vst v63  }
0x305: {  	_ =	swait.ge [sflag:s16], $0x1000  }
0x306: {  	s8 =	sld [smem:$0x7D8]  }
0x307: {  	[sflag:s16] =	ssyncset.done $0x0  }
0x308: {  	[sflag:s16] =	ssyncadd.s32 $0xFFFFF000  }
0x309: {  	[spmem:s2] =	stream.indirect.scatter.add.bf16 [tilespmem:s12], [sflag:$0x9], $0x20, s8, s4, $0xb8;
	[tilespmem:$0x10800] =	vst v63  }
0x30a: {  	_ =	swait.ge [sflag:s26], $0x1000  }
0x30b: {  	s24 =	sld [smem:$0x7D9]  }
0x30c: {  	[sflag:s26] =	ssyncset.done $0x0  }
0x30d: {  	[sflag:s26] =	ssyncadd.s32 $0xFFFFF000  }
0x30e: {  	[tilespmem:s12], [sflag:$0x6] =	stream.indirect.gather [spmem:s1], $0x20, s24, s4, $0xb8;
	[tilespmem:$0x10800] =	vst v63  }
0x30f: {  	_ =	swait.ge [sflag:s18], $0x1000  }
0x310: {  	s8 =	sld [smem:$0x7DA]  }
0x311: {  	[sflag:s18] =	ssyncset.done $0x0  }
0x312: {  	[sflag:s18] =	ssyncadd.s32 $0xFFFFF000  }
0x313: {  	[spmem:s2] =	stream.indirect.scatter.add.bf16 [tilespmem:s13], [sflag:$0x9], $0x20, s8, s4, $0xb8;
	[tilespmem:$0x10800] =	vst v63  }
0x314: {  	_ =	swait.ge [sflag:s26], $0x1000  }
0x315: {  	s24 =	sld [smem:$0x7DB]  }
0x316: {  	[sflag:s26] =	ssyncset.done $0x0  }
0x317: {  	[sflag:s26] =	ssyncadd.s32 $0xFFFFF000  }
0x318: {  	[tilespmem:s13], [sflag:$0x7] =	stream.indirect.gather [spmem:s1], $0x20, s24, s4, $0xb8;
	[tilespmem:$0x10800] =	vst v63  }
0x319: {  	_ =	swait.ge [sflag:s19], $0x1000  }
0x31a: {  	s8 =	sld [smem:$0x7DC]  }
0x31b: {  	[sflag:s19] =	ssyncset.done $0x0  }
0x31c: {  	[sflag:s19] =	ssyncadd.s32 $0xFFFFF000  }
0x31d: {  	[spmem:s2] =	stream.indirect.scatter.add.bf16 [tilespmem:s14], [sflag:$0x9], $0x20, s8, s4, $0xb8;
	[tilespmem:$0x10800] =	vst v63  }
0x31e: {  	_ =	swait.ge [sflag:s26], $0x1000  }
0x31f: {  	s24 =	sld [smem:$0x7DD]  }
0x320: {  	[sflag:s26] =	ssyncset.done $0x0  }
0x321: {  	[sflag:s26] =	ssyncadd.s32 $0xFFFFF000  }
0x322: {  	[tilespmem:s14], [sflag:$0x8] =	stream.indirect.gather [spmem:s1], $0x20, s24, s4, $0xb8;
	[tilespmem:$0x10800] =	vst v63  }
0x323: {  	_ =	swait.ge [sflag:s15], $0x1000  }
0x324: {  	s8 =	sld [smem:$0x7DF]  }
0x325: {  	[sflag:s15] =	ssyncset.done $0x0  }
0x326: {  	[sflag:s15] =	ssyncadd.s32 $0xFFFFF000  }
0x327: {  	[spmem:s2] =	stream.indirect.scatter.add.bf16 [tilespmem:s28], [sflag:$0x9], $0x20, s8, s4, $0xb8;
	[tilespmem:$0x10800] =	vst v63  }
0x328: {  	_ =	swait.ge [sflag:s26], $0x1000  }
0x329: {  	s24 =	sld [smem:$0x7E0]  }
0x32a: {  	[sflag:s26] =	ssyncset.done $0x0  }
0x32b: {  	[sflag:s26] =	ssyncadd.s32 $0xFFFFF000  }
0x32c: {  	[tilespmem:s28], [sflag:$0x5] =	stream.indirect.gather [spmem:s1], $0x20, s24, s4, $0xb8;
	[tilespmem:$0x10800] =	vst v63  }
0x32d: {  	_ =	swait.ge [sflag:s16], $0x1000  }
0x32e: {  	s8 =	sld [smem:$0x7E2]  }
0x32f: {  	[sflag:s16] =	ssyncset.done $0x0  }
0x330: {  	[sflag:s16] =	ssyncadd.s32 $0xFFFFF000  }
0x331: {  	[spmem:s2] =	stream.indirect.scatter.add.bf16 [tilespmem:s12], [sflag:$0x9], $0x20, s8, s4, $0xb8;
	[tilespmem:$0x10800] =	vst v63  }
0x332: {  	_ =	swait.ge [sflag:s26], $0x1000  }
0x333: {  	s24 =	sld [smem:$0x7E3]  }
0x334: {  	[sflag:s26] =	ssyncset.done $0x0  }
0x335: {  	[sflag:s26] =	ssyncadd.s32 $0xFFFFF000  }
0x336: {  	[tilespmem:s12], [sflag:$0x6] =	stream.indirect.gather [spmem:s1], $0x20, s24, s4, $0xb8;
	[tilespmem:$0x10800] =	vst v63  }
0x337: {  	_ =	swait.ge [sflag:s18], $0x1000  }
0x338: {  	s8 =	sld [smem:$0x7E5]  }
0x339: {  	[sflag:s18] =	ssyncset.done $0x0  }
0x33a: {  	[sflag:s18] =	ssyncadd.s32 $0xFFFFF000  }
0x33b: {  	[spmem:s2] =	stream.indirect.scatter.add.bf16 [tilespmem:s13], [sflag:$0x9], $0x20, s8, s4, $0xb8;
	[tilespmem:$0x10800] =	vst v63  }
0x33c: {  	_ =	swait.ge [sflag:s26], $0x1000  }
0x33d: {  	s24 =	sld [smem:$0x7E6]  }
0x33e: {  	[sflag:s26] =	ssyncset.done $0x0  }
0x33f: {  	[sflag:s26] =	ssyncadd.s32 $0xFFFFF000  }
0x340: {  	[tilespmem:s13], [sflag:$0x7] =	stream.indirect.gather [spmem:s1], $0x20, s24, s4, $0xb8;
	[tilespmem:$0x10800] =	vst v63  }
0x341: {  	_ =	swait.ge [sflag:s19], $0x1000  }
0x342: {  	s8 =	sld [smem:$0x7E8]  }
0x343: {  	[sflag:s19] =	ssyncset.done $0x0  }
0x344: {  	[sflag:s19] =	ssyncadd.s32 $0xFFFFF000  }
0x345: {  	[spmem:s2] =	stream.indirect.scatter.add.bf16 [tilespmem:s14], [sflag:$0x9], $0x20, s8, s4, $0xb8;
	[tilespmem:$0x10800] =	vst v63  }
0x346: {  	_ =	swait.ge [sflag:s26], $0x1000  }
0x347: {  	s24 =	sld [smem:$0x7E9]  }
0x348: {  	[sflag:s26] =	ssyncset.done $0x0  }
0x349: {  	[sflag:s26] =	ssyncadd.s32 $0xFFFFF000  }
0x34a: {  	[tilespmem:s14], [sflag:$0x8] =	stream.indirect.gather [spmem:s1], $0x20, s24, s4, $0xb8;
	[tilespmem:$0x10800] =	vst v63  }
0x34b: {  	_ =	swait.ge [sflag:s15], $0x1000  }
0x34c: {  	s8 =	sld [smem:$0x7EB]  }
0x34d: {  	[sflag:s15] =	ssyncset.done $0x0  }
0x34e: {  	[sflag:s15] =	ssyncadd.s32 $0xFFFFF000  }
0x34f: {  	[spmem:s2] =	stream.indirect.scatter.add.bf16 [tilespmem:s28], [sflag:$0x9], $0x20, s8, s4, $0xb8;
	[tilespmem:$0x10800] =	vst v63  }
0x350: {  	_ =	swait.ge [sflag:s26], $0x1000  }
0x351: {  	s24 =	sld [smem:$0x7EC]  }
0x352: {  	[sflag:s26] =	ssyncset.done $0x0  }
0x353: {  	[sflag:s26] =	ssyncadd.s32 $0xFFFFF000  }
0x354: {  	[tilespmem:s28], [sflag:$0x5] =	stream.indirect.gather [spmem:s1], $0x20, s24, s4, $0xb8;
	[tilespmem:$0x10800] =	vst v63  }
0x355: {  	_ =	swait.ge [sflag:s16], $0x1000  }
0x356: {  	s8 =	sld [smem:$0x7ED]  }
0x357: {  	[sflag:s16] =	ssyncset.done $0x0  }
0x358: {  	[sflag:s16] =	ssyncadd.s32 $0xFFFFF000  }
0x359: {  	[spmem:s2] =	stream.indirect.scatter.add.bf16 [tilespmem:s12], [sflag:$0x9], $0x20, s8, s4, $0xb8;
	[tilespmem:$0x10800] =	vst v63  }
0x35a: {  	_ =	swait.ge [sflag:s26], $0x1000  }
0x35b: {  	s24 =	sld [smem:$0x7EE]  }
0x35c: {  	[sflag:s26] =	ssyncset.done $0x0  }
0x35d: {  	[sflag:s26] =	ssyncadd.s32 $0xFFFFF000  }
0x35e: {  	[tilespmem:s12], [sflag:$0x6] =	stream.indirect.gather [spmem:s1], $0x20, s24, s4, $0xb8;
	[tilespmem:$0x10800] =	vst v63  }
0x35f: {  	_ =	swait.ge [sflag:s18], $0x1000  }
0x360: {  	s8 =	sld [smem:$0x7EF]  }
0x361: {  	[sflag:s18] =	ssyncset.done $0x0  }
0x362: {  	[sflag:s18] =	ssyncadd.s32 $0xFFFFF000  }
0x363: {  	[spmem:s2] =	stream.indirect.scatter.add.bf16 [tilespmem:s13], [sflag:$0x9], $0x20, s8, s4, $0xb8;
	[tilespmem:$0x10800] =	vst v63  }
0x364: {  	_ =	swait.ge [sflag:s26], $0x1000  }
0x365: {  	s24 =	sld [smem:$0x7F1]  }
0x366: {  	[sflag:s26] =	ssyncset.done $0x0  }
0x367: {  	[sflag:s26] =	ssyncadd.s32 $0xFFFFF000  }
0x368: {  	[tilespmem:s13], [sflag:$0x7] =	stream.indirect.gather [spmem:s1], $0x20, s24, s4, $0xb8;
	[tilespmem:$0x10800] =	vst v63  }
0x369: {  	_ =	swait.ge [sflag:s19], $0x1000  }
0x36a: {  	s8 =	sld [smem:$0x7F3]  }
0x36b: {  	[sflag:s19] =	ssyncset.done $0x0  }
0x36c: {  	[sflag:s19] =	ssyncadd.s32 $0xFFFFF000  }
0x36d: {  	[spmem:s2] =	stream.indirect.scatter.add.bf16 [tilespmem:s14], [sflag:$0x9], $0x20, s8, s4, $0xb8;
	[tilespmem:$0x10800] =	vst v63  }
0x36e: {  	_ =	swait.ge [sflag:s26], $0x1000  }
0x36f: {  	s24 =	sld [smem:$0x7F5]  }
0x370: {  	[sflag:s26] =	ssyncset.done $0x0  }
0x371: {  	[sflag:s26] =	ssyncadd.s32 $0xFFFFF000  }
0x372: {  	[tilespmem:s14], [sflag:$0x8] =	stream.indirect.gather [spmem:s1], $0x20, s24, s4, $0xb8;
	[tilespmem:$0x10800] =	vst v63  }
0x373: {  	_ =	swait.ge [sflag:s15], $0x1000  }
0x374: {  	s8 =	sld [smem:$0x7F7]  }
0x375: {  	[sflag:s15] =	ssyncset.done $0x0  }
0x376: {  	[sflag:s15] =	ssyncadd.s32 $0xFFFFF000  }
0x377: {  	[spmem:s2] =	stream.indirect.scatter.add.bf16 [tilespmem:s28], [sflag:$0x9], $0x20, s8, s4, $0xb8;
	[tilespmem:$0x10800] =	vst v63  }
0x378: {  	_ =	swait.ge [sflag:s26], $0x1000  }
0x379: {  	[sflag:s26] =	ssyncset.done $0x0  }
0x37a: {  	[sflag:s26] =	ssyncadd.s32 $0xFFFFF000  }
0x37b: {  	_ =	swait.ge [sflag:s16], $0x1000  }
0x37c: {  	s24 =	sld [smem:$0x7F9]  }
0x37d: {  	[sflag:s16] =	ssyncset.done $0x0  }
0x37e: {  	[sflag:s16] =	ssyncadd.s32 $0xFFFFF000  }
0x37f: {  	[spmem:s2] =	stream.indirect.scatter.add.bf16 [tilespmem:s12], [sflag:$0x9], $0x20, s24, s4, $0xb8;
	[tilespmem:$0x10800] =	vst v63  }
0x380: {  	_ =	swait.ge [sflag:s26], $0x1000  }
0x381: {  	[sflag:s26] =	ssyncset.done $0x0  }
0x382: {  	[sflag:s26] =	ssyncadd.s32 $0xFFFFF000  }
0x383: {  	_ =	swait.ge [sflag:s18], $0x1000  }
0x384: {  	s8 =	sld [smem:$0x7FA]  }
0x385: {  	[sflag:s18] =	ssyncset.done $0x0  }
0x386: {  	[sflag:s18] =	ssyncadd.s32 $0xFFFFF000  }
0x387: {  	[spmem:s2] =	stream.indirect.scatter.add.bf16 [tilespmem:s13], [sflag:$0x9], $0x20, s8, s4, $0xb8;
	[tilespmem:$0x10800] =	vst v63  }
0x388: {  	_ =	swait.ge [sflag:s26], $0x1000  }
0x389: {  	[sflag:s26] =	ssyncset.done $0x0  }
0x38a: {  	[sflag:s26] =	ssyncadd.s32 $0xFFFFF000  }
0x38b: {  	s23 =	sadd.s32 $0x280, s23;
	_ =	swait.ge [sflag:s19], $0x1000  }
0x38c: {  	p0 =	sne.s32 s23, $0xA00;
	s24 =	sld [smem:$0x7FD]  }
.Ltmp1:
0x38d: {  	[sflag:s19] =	ssyncset.done $0x0;
	(pc) =	sbr.rel @p0 .LBB2_4-.Ltmp1, $4  }
0x38e: {  	[sflag:s19] =	ssyncadd.s32 $0xFFFFF000  }
0x38f: {  	[spmem:s2] =	stream.indirect.scatter.add.bf16 [tilespmem:s14], [sflag:$0x9], $0x20, s24, s4, $0xb8;
	[tilespmem:$0x10800] =	vst v63  }
0x390: {  	_ =	swait.ge [sflag:s26], $0x1000  }
0x391: {  	[sflag:s26] =	ssyncset.done $0x0  }
0x392: {  	[sflag:s26] =	ssyncadd.s32 $0xFFFFF000  }
0x393: {  	[bflag:$0x0] =	sbarrier.arrive $0xFFFF  }
0x394: {  	[tilespmem:s28], [sflag:$0x9] =	stream.linear.gather [spmem:s9], $0x1000, $0x38;
	[tilespmem:$0x10800] =	vst v63  }
0x395: {  	_ =	swait.ge [sflag:s26], $0x1000  }
0x396: {  	s7 =	sld [smem:$0x7C7]  }
0x397: {  	[sflag:s26] =	ssyncset.done $0x0  }
0x398: {  	[sflag:s26] =	ssyncadd.s32 $0xFFFFF000  }
0x399: {  	[tilespmem:s12], [sflag:$0x9] =	stream.linear.gather [spmem:s7], $0x1000, $0x38;
	[tilespmem:$0x10800] =	vst v63  }
0x39a: {  	_ =	swait.ge [sflag:s26], $0x1000  }
0x39b: {  	[sflag:s26] =	ssyncset.done $0x0  }
0x39c: {  	s23 =	simm.s32 $0x0;
	[sflag:s26] =	ssyncadd.s32 $0xFFFFF000  }
0x39d: {  	v1 =	vld [tilespmem:s23+$0x3800]  }
0x39e: {  	v2 =	vld [tilespmem:s23+$0x3810]  }
0x39f: {  	s8 =	smov.u32 s9;
	s24 =	simm.s32 $0x80;
	v3 =	vld [tilespmem:s23+$0x2800]  }
.LBB2_6:
0x3a0: {  	p0 =	sne.s32 s24, $0x3F80;
	v4 =	vld [tilespmem:s23+$0x2810];
	_ =	sdelay $0x2  }
.Ltmp2:
0x3a1: {  	(pc) =	sbr.rel @p0 .LBB2_6-.Ltmp2, $4  }
0x3a2: {  	s7 =	sshra.s32 s24, $0x2;
	v3 =	vadd.bf16 v1, v3  }
0x3a3: {  	v1 =	vld [tilespmem:s7+$0x3800];
	v4 =	vadd.bf16 v2, v4  }
0x3a4: {  	v2 =	vld [tilespmem:s7+$0x3810];
	[tilespmem:s23+$0x2800] =	vst v3  }
0x3a5: {  	s24 =	sadd.s32 $0x80, s24;
	v3 =	vld [tilespmem:s7+$0x2800];
	[tilespmem:s23+$0x2810] =	vst v4;
	s23 =	smov.u32 s7  }
0x3a6: {  	v4 =	vld [tilespmem:s23+$0x2810];
	_ =	sdelay $0x3  }
0x3a7: {  	v1 =	vadd.bf16 v1, v3  }
0x3a8: {  	s9 =	sld [smem:$0x7DE];
	v2 =	vadd.bf16 v2, v4  }
0x3a9: {  	[tilespmem:s23+$0x2800] =	vst v1  }
0x3aa: {  	s7 =	simm.s32 $0x0;
	[tilespmem:s23+$0x2810] =	vst v2  }
0x3ab: {  	[hbm4b:s9+s7] =	stream.linear.scatter [tilespmem:s28], [sflag:$0x9], $0x1000, $0x38;
	[tilespmem:$0x10800] =	vst v63  }
0x3ac: {  	_ =	swait.ge [sflag:s26], $0x1000  }
0x3ad: {  	s23 =	sld [smem:$0x7CD]  }
0x3ae: {  	[sflag:s26] =	ssyncset.done $0x0  }
0x3af: {  	[sflag:s26] =	ssyncadd.s32 $0xFFFFF000  }
0x3b0: {  	[tilespmem:s28], [sflag:$0x9] =	stream.linear.gather [spmem:s23], $0x1000, $0x38;
	[tilespmem:$0x10800] =	vst v63  }
0x3b1: {  	_ =	swait.ge [sflag:s26], $0x1000  }
0x3b2: {  	s24 =	sld [smem:$0x7F0]  }
0x3b3: {  	[sflag:s26] =	ssyncset.done $0x0  }
0x3b4: {  	[sflag:s26] =	ssyncadd.s32 $0xFFFFF000  }
0x3b5: {  	[tilespmem:s12], [sflag:$0x9] =	stream.linear.gather [spmem:s24], $0x1000, $0x38;
	[tilespmem:$0x10800] =	vst v63  }
0x3b6: {  	_ =	swait.ge [sflag:s26], $0x1000  }
0x3b7: {  	[sflag:s26] =	ssyncset.done $0x0  }
0x3b8: {  	s23 =	simm.s32 $0x0;
	[sflag:s26] =	ssyncadd.s32 $0xFFFFF000  }
0x3b9: {  	v1 =	vld [tilespmem:s23+$0x3800]  }
0x3ba: {  	v2 =	vld [tilespmem:s23+$0x3810]  }
0x3bb: {  	s24 =	simm.s32 $0x80;
	v3 =	vld [tilespmem:s23+$0x2800]  }
.LBB2_8:
0x3bc: {  	p0 =	sne.s32 s24, $0x3F80;
	v4 =	vld [tilespmem:s23+$0x2810];
	_ =	sdelay $0x2  }
.Ltmp3:
0x3bd: {  	(pc) =	sbr.rel @p0 .LBB2_8-.Ltmp3, $4  }
0x3be: {  	s7 =	sshra.s32 s24, $0x2;
	v3 =	vadd.bf16 v1, v3  }
0x3bf: {  	v1 =	vld [tilespmem:s7+$0x3800];
	v4 =	vadd.bf16 v2, v4  }
0x3c0: {  	v2 =	vld [tilespmem:s7+$0x3810];
	[tilespmem:s23+$0x2800] =	vst v3  }
0x3c1: {  	s24 =	sadd.s32 $0x80, s24;
	v3 =	vld [tilespmem:s7+$0x2800];
	[tilespmem:s23+$0x2810] =	vst v4;
	s23 =	smov.u32 s7  }
0x3c2: {  	v4 =	vld [tilespmem:s23+$0x2810];
	_ =	sdelay $0x3  }
0x3c3: {  	v1 =	vadd.bf16 v1, v3  }
0x3c4: {  	s9 =	sld [smem:$0x7E1];
	v2 =	vadd.bf16 v2, v4  }
0x3c5: {  	[tilespmem:s23+$0x2800] =	vst v1  }
0x3c6: {  	s7 =	simm.s32 $0x0;
	[tilespmem:s23+$0x2810] =	vst v2  }
0x3c7: {  	[hbm4b:s9+s7] =	stream.linear.scatter [tilespmem:s28], [sflag:$0x9], $0x1000, $0x38;
	[tilespmem:$0x10800] =	vst v63  }
0x3c8: {  	_ =	swait.ge [sflag:s26], $0x1000  }
0x3c9: {  	[sflag:s26] =	ssyncset.done $0x0  }
0x3ca: {  	[sflag:s26] =	ssyncadd.s32 $0xFFFFF000  }
0x3cb: {  	[tilespmem:s28], [sflag:$0x9] =	stream.linear.gather [spmem:s10], $0x1000, $0x38;
	[tilespmem:$0x10800] =	vst v63  }
0x3cc: {  	_ =	swait.ge [sflag:s26], $0x1000  }
0x3cd: {  	s24 =	sld [smem:$0x7F2]  }
0x3ce: {  	[sflag:s26] =	ssyncset.done $0x0  }
0x3cf: {  	[sflag:s26] =	ssyncadd.s32 $0xFFFFF000  }
0x3d0: {  	[tilespmem:s12], [sflag:$0x9] =	stream.linear.gather [spmem:s24], $0x1000, $0x38;
	[tilespmem:$0x10800] =	vst v63  }
0x3d1: {  	_ =	swait.ge [sflag:s26], $0x1000  }
0x3d2: {  	[sflag:s26] =	ssyncset.done $0x0  }
0x3d3: {  	s23 =	simm.s32 $0x0;
	[sflag:s26] =	ssyncadd.s32 $0xFFFFF000  }
0x3d4: {  	v1 =	vld [tilespmem:s23+$0x3800]  }
0x3d5: {  	v2 =	vld [tilespmem:s23+$0x3810]  }
0x3d6: {  	s24 =	simm.s32 $0x80;
	v3 =	vld [tilespmem:s23+$0x2800]  }
.LBB2_10:
0x3d7: {  	p0 =	sne.s32 s24, $0x3F80;
	v4 =	vld [tilespmem:s23+$0x2810];
	_ =	sdelay $0x2  }
.Ltmp4:
0x3d8: {  	(pc) =	sbr.rel @p0 .LBB2_10-.Ltmp4, $4  }
0x3d9: {  	s7 =	sshra.s32 s24, $0x2;
	v3 =	vadd.bf16 v1, v3  }
0x3da: {  	v1 =	vld [tilespmem:s7+$0x3800];
	v4 =	vadd.bf16 v2, v4  }
0x3db: {  	v2 =	vld [tilespmem:s7+$0x3810];
	[tilespmem:s23+$0x2800] =	vst v3  }
0x3dc: {  	s24 =	sadd.s32 $0x80, s24;
	v3 =	vld [tilespmem:s7+$0x2800];
	[tilespmem:s23+$0x2810] =	vst v4;
	s23 =	smov.u32 s7  }
0x3dd: {  	v4 =	vld [tilespmem:s23+$0x2810];
	_ =	sdelay $0x3  }
0x3de: {  	v1 =	vadd.bf16 v1, v3  }
0x3df: {  	s9 =	sld [smem:$0x7E4];
	v2 =	vadd.bf16 v2, v4  }
0x3e0: {  	[tilespmem:s23+$0x2800] =	vst v1  }
0x3e1: {  	s7 =	simm.s32 $0x0;
	[tilespmem:s23+$0x2810] =	vst v2  }
0x3e2: {  	[hbm4b:s9+s7] =	stream.linear.scatter [tilespmem:s28], [sflag:$0x9], $0x1000, $0x38;
	[tilespmem:$0x10800] =	vst v63  }
0x3e3: {  	_ =	swait.ge [sflag:s26], $0x1000  }
0x3e4: {  	[sflag:s26] =	ssyncset.done $0x0  }
0x3e5: {  	[sflag:s26] =	ssyncadd.s32 $0xFFFFF000  }
0x3e6: {  	[tilespmem:s28], [sflag:$0x9] =	stream.linear.gather [spmem:s11], $0x1000, $0x38;
	[tilespmem:$0x10800] =	vst v63  }
0x3e7: {  	_ =	swait.ge [sflag:s26], $0x1000  }
0x3e8: {  	s24 =	sld [smem:$0x7F4]  }
0x3e9: {  	[sflag:s26] =	ssyncset.done $0x0  }
0x3ea: {  	[sflag:s26] =	ssyncadd.s32 $0xFFFFF000  }
0x3eb: {  	[tilespmem:s12], [sflag:$0x9] =	stream.linear.gather [spmem:s24], $0x1000, $0x38;
	[tilespmem:$0x10800] =	vst v63  }
0x3ec: {  	_ =	swait.ge [sflag:s26], $0x1000  }
0x3ed: {  	[sflag:s26] =	ssyncset.done $0x0  }
0x3ee: {  	s23 =	simm.s32 $0x0;
	[sflag:s26] =	ssyncadd.s32 $0xFFFFF000  }
0x3ef: {  	v1 =	vld [tilespmem:s23+$0x3800]  }
0x3f0: {  	v2 =	vld [tilespmem:s23+$0x3810]  }
0x3f1: {  	s24 =	simm.s32 $0x80;
	v3 =	vld [tilespmem:s23+$0x2800]  }
.LBB2_12:
0x3f2: {  	p0 =	sne.s32 s24, $0x3F80;
	v4 =	vld [tilespmem:s23+$0x2810];
	_ =	sdelay $0x2  }
.Ltmp5:
0x3f3: {  	(pc) =	sbr.rel @p0 .LBB2_12-.Ltmp5, $4  }
0x3f4: {  	s7 =	sshra.s32 s24, $0x2;
	v3 =	vadd.bf16 v1, v3  }
0x3f5: {  	v1 =	vld [tilespmem:s7+$0x3800];
	v4 =	vadd.bf16 v2, v4  }
0x3f6: {  	v2 =	vld [tilespmem:s7+$0x3810];
	[tilespmem:s23+$0x2800] =	vst v3  }
0x3f7: {  	s24 =	sadd.s32 $0x80, s24;
	v3 =	vld [tilespmem:s7+$0x2800];
	[tilespmem:s23+$0x2810] =	vst v4;
	s23 =	smov.u32 s7  }
0x3f8: {  	v4 =	vld [tilespmem:s23+$0x2810];
	_ =	sdelay $0x3  }
0x3f9: {  	v1 =	vadd.bf16 v1, v3  }
0x3fa: {  	s9 =	sld [smem:$0x7E7];
	v2 =	vadd.bf16 v2, v4  }
0x3fb: {  	[tilespmem:s23+$0x2800] =	vst v1  }
0x3fc: {  	s7 =	simm.s32 $0x0;
	[tilespmem:s23+$0x2810] =	vst v2  }
0x3fd: {  	[hbm4b:s9+s7] =	stream.linear.scatter [tilespmem:s28], [sflag:$0x9], $0x1000, $0x38;
	[tilespmem:$0x10800] =	vst v63  }
0x3fe: {  	_ =	swait.ge [sflag:s26], $0x1000  }
0x3ff: {  	[sflag:s26] =	ssyncset.done $0x0  }
0x400: {  	[sflag:s26] =	ssyncadd.s32 $0xFFFFF000  }
0x401: {  	[tilespmem:s28], [sflag:$0x9] =	stream.linear.gather [spmem:s17], $0x1000, $0x38;
	[tilespmem:$0x10800] =	vst v63  }
0x402: {  	_ =	swait.ge [sflag:s26], $0x1000  }
0x403: {  	s24 =	sld [smem:$0x7F6]  }
0x404: {  	[sflag:s26] =	ssyncset.done $0x0  }
0x405: {  	[sflag:s26] =	ssyncadd.s32 $0xFFFFF000  }
0x406: {  	[tilespmem:s12], [sflag:$0x9] =	stream.linear.gather [spmem:s24], $0x1000, $0x38;
	[tilespmem:$0x10800] =	vst v63  }
0x407: {  	_ =	swait.ge [sflag:s26], $0x1000  }
0x408: {  	[sflag:s26] =	ssyncset.done $0x0  }
0x409: {  	s23 =	simm.s32 $0x0;
	[sflag:s26] =	ssyncadd.s32 $0xFFFFF000  }
0x40a: {  	v1 =	vld [tilespmem:s23+$0x3800]  }
0x40b: {  	v2 =	vld [tilespmem:s23+$0x3810]  }
0x40c: {  	s24 =	simm.s32 $0x80;
	v3 =	vld [tilespmem:s23+$0x2800]  }
.LBB2_14:
0x40d: {  	p0 =	sne.s32 s24, $0x3F80;
	v4 =	vld [tilespmem:s23+$0x2810];
	_ =	sdelay $0x2  }
.Ltmp6:
0x40e: {  	(pc) =	sbr.rel @p0 .LBB2_14-.Ltmp6, $4  }
0x40f: {  	s7 =	sshra.s32 s24, $0x2;
	v3 =	vadd.bf16 v1, v3  }
0x410: {  	v1 =	vld [tilespmem:s7+$0x3800];
	v4 =	vadd.bf16 v2, v4  }
0x411: {  	v2 =	vld [tilespmem:s7+$0x3810];
	[tilespmem:s23+$0x2800] =	vst v3  }
0x412: {  	s24 =	sadd.s32 $0x80, s24;
	v3 =	vld [tilespmem:s7+$0x2800];
	[tilespmem:s23+$0x2810] =	vst v4;
	s23 =	smov.u32 s7  }
0x413: {  	v4 =	vld [tilespmem:s23+$0x2810];
	_ =	sdelay $0x3  }
0x414: {  	v1 =	vadd.bf16 v1, v3  }
0x415: {  	s7 =	sld [smem:$0x7EA];
	v2 =	vadd.bf16 v2, v4  }
0x416: {  	[tilespmem:s23+$0x2800] =	vst v1  }
0x417: {  	[tilespmem:s23+$0x2810] =	vst v2  }
0x418: {  	[hbm4b:s7+s3] =	stream.linear.scatter [tilespmem:s28], [sflag:$0x9], $0x1000, $0x38;
	[tilespmem:$0x10800] =	vst v63  }
0x419: {  	_ =	swait.ge [sflag:s26], $0x1000  }
0x41a: {  	s24 =	sld [smem:$0x7FB];
	_ =	sdelay $0x1  }
0x41b: {  	s22 =	sadd.s32 $0x1, s22  }
0x41c: {  	p0 =	sne.s32 s22, s24  }
.Ltmp7:
0x41d: {  	_ = 	snop;
	(pc) =	sbr.rel @p0 .LBB2_1-.Ltmp7, $3  }
0x41e: {  	_ =	sdelay $0x1  }
0x41f: {  	[sflag:s26] =	ssyncset.done $0x0  }
0x420: {  	[sflag:s26] =	ssyncadd.s32 $0xFFFFF000  }
0x421: {  	_ =	sfence.sel $0x180000  }
0x422: {  	[bflag:$0x0] =	sbarrier.arrive $0xFFFF  }
0x423: {  	_ =	strace $0x9000004A  }
0x424: {  	s0 =	stileid.u32;
	[bflag:$0x2] =	sbarrier.arrive $0xFFFF  }
0x425: {  	p0 =	sne.s32 s0, $0x0;
	s0 =	rddreg [dreg:$0x4]  }
0x426: {  	s0 =	sadd.s32 @!p0 $0x100000, s0  }
0x427: {  	[sflag:s0] =	ssyncadd.tile.s32 @!p0 $0x1;
	_ =	shalt  }
.Lfunc_end2:
_tile_overlayer_lowered:
.L_overlay_start_2:
0x428: {  	(tag) =	ssettag $0x2  }
0x429: {  	s0 =	rddreg [dreg:$0x0];
	s2 =	stileid.u32  }
0x42a: {  	s1 =	rddreg [dreg:$0x1];
	p0 =	sne.s32 s2, $0x0  }
0x42b: {  	s3 =	rddreg [dreg:$0x2];
	[bflag:$0x3] =	sbarrier.arrive $0xFFFF;
	s2 =	simm.s32 @!p0 $0x1C09  }
0x42c: {  	[timem:s3], [sflag:s2] =	dma.local @!p0 [hbm:s0], s1  }
0x42d: {  	s0 =	simm.s32 @!p0 $0x9  }
0x42e: {  	_ =	swait.ge @!p0 [sflag:s0], s1  }
0x42f: {  	s1 =	ssub.s32 @!p0 $0x0, s1;
	[sflag:s0] =	ssyncset.done @!p0 $0x0  }
0x430: {  	[sflag:s0] =	ssyncadd.s32 @!p0 s1  }
0x431: {  	[bflag:$0x3] =	sbarrier.arrive $0xFFFF  }
0x432: {  	_ =	shalt  }

</sc_bundles>
